<compile_context>
chip_gen: v7x
topology: tpu7x:2x2x1
jax: 0.10.2.dev20260603
libtpu: 0.0.44.dev20260713+nightly
codegen_flags: <defaults>
</compile_context>

<pallas_src>
import dataclasses
import functools

import jax
import jax.numpy as jnp
from jax import lax
from jax.experimental import pallas as pl
from jax.experimental.pallas import tpu as pltpu
from jax.experimental.pallas import tpu_sc as plsc

B = 4096
S = 200
D = 64
L = 16
NC = 2
NS = 16
NW = NC * NS
RPW = B // NW
SPAD = ((S + L - 1) // L) * L
NG = SPAD // L
C1 = 128
C2 = S - C1
FLAT = RPW * S


def _sc_body(embed_hbm, short_hbm, weight_hbm, bias_hbm, out_hbm,
             idx_v, embed_v, rows0, rows1, rows2, rows3,
             bv0, bv1, bv2, bv3, out_v,
             sem_in, sem_g0, sem_g1, sem_g2, sem_g3):
    wid = lax.axis_index("s") * NC + lax.axis_index("c")
    row0 = wid * RPW
    base = wid * FLAT

    cp_i = pltpu.async_copy(short_hbm.at[pl.ds(base, FLAT)], idx_v, sem_in)
    cp_e = pltpu.async_copy(embed_hbm.at[pl.ds(row0, RPW)], embed_v, sem_in)
    cp_i.wait()
    cp_e.wait()

    def fire(r, rows_v, bv, sem):
        off = r * S
        pltpu.async_copy(weight_hbm.at[idx_v.at[pl.ds(off, C1)]],
                         rows_v.at[pl.ds(0, C1)], sem)
        pltpu.async_copy(weight_hbm.at[idx_v.at[pl.ds(off + C1, C2)]],
                         rows_v.at[pl.ds(C1, C2)], sem)
        pltpu.async_copy(bias_hbm.at[idx_v.at[pl.ds(off, C1)]],
                         bv.at[pl.ds(0, C1)], sem)
        pltpu.async_copy(bias_hbm.at[idx_v.at[pl.ds(off + C1, C2)]],
                         bv.at[pl.ds(C1, C2)], sem)

    def drain(r, rows_v, bv, sem):
        off = r * S
        pltpu.make_async_copy(weight_hbm.at[idx_v.at[pl.ds(off, C1)]],
                              rows_v.at[pl.ds(0, C1)], sem).wait()
        pltpu.make_async_copy(weight_hbm.at[idx_v.at[pl.ds(off + C1, C2)]],
                              rows_v.at[pl.ds(C1, C2)], sem).wait()
        pltpu.make_async_copy(bias_hbm.at[idx_v.at[pl.ds(off, C1)]],
                              bv.at[pl.ds(0, C1)], sem).wait()
        pltpu.make_async_copy(bias_hbm.at[idx_v.at[pl.ds(off + C1, C2)]],
                              bv.at[pl.ds(C1, C2)], sem).wait()

    def lane_perm(x, idx):
        return lax.gather(
            x, idx[:, None],
            dimension_numbers=lax.GatherDimensionNumbers(
                offset_dims=(), collapsed_slice_dims=(0,),
                start_index_map=(0,)),
            slice_sizes=(1,),
            mode=lax.GatherScatterMode.PROMISE_IN_BOUNDS)

    bitrev = [int(f"{i:04b}"[::-1], 2) for i in range(L)]

    def compute(r, rows_v, bv):
        e = [embed_v[r, pl.ds(k * L, L)] for k in range(D // L)]

        @pl.loop(0, NG)
        def _(g):
            s_base = g * L
            accs = []
            for j in range(L):
                s = s_base + bitrev[j]
                w0 = rows_v[s, pl.ds(0, L)]
                acc = w0 * e[0]
                for k in range(1, D // L):
                    acc = acc + rows_v[s, pl.ds(k * L, L)] * e[k]
                accs.append(acc)
            lane = lax.iota(jnp.int32, L)
            for h in (8, 4, 2, 1):
                mask = (lane & h) == 0
                xor_idx = lane ^ h
                nxt = []
                for i in range(0, len(accs), 2):
                    a, b = accs[i], accs[i + 1]
                    nxt.append(jnp.where(mask,
                                         a + lane_perm(a, xor_idx),
                                         b + lane_perm(b, xor_idx)))
                accs = nxt
            out_v[pl.ds(r * S + s_base, L)] = accs[0] + bv[pl.ds(s_base, L)]

    bufs = ((rows0, bv0, sem_g0), (rows1, bv1, sem_g1),
            (rows2, bv2, sem_g2), (rows3, bv3, sem_g3))
    for q in range(3):
        fire(q, *bufs[q])

    @pl.loop(0, RPW // 4)
    def _(p):
        for q in range(4):
            r = p * 4 + q
            drain(r, *bufs[q])
            compute(r, *bufs[q][:2])

            @pl.when(r + 3 < RPW)
            def _():
                fire(r + 3, *bufs[(q + 3) % 4])

    pltpu.sync_copy(out_v.at[pl.ds(0, FLAT)], out_hbm.at[pl.ds(base, FLAT)])


_cp = pltpu.CompilerParams()
for _field, _val in (("needs_layout_passes", False),
                     ("use_tc_tiling_on_sc", False)):
    if _field in pltpu.CompilerParams.__dataclass_fields__:
        _cp = dataclasses.replace(_cp, **{_field: _val})


@functools.partial(
    pl.kernel,
    out_type=jax.ShapeDtypeStruct((B * S,), jnp.float32),
    mesh=plsc.VectorSubcoreMesh(core_axis_name="c", subcore_axis_name="s"),
    compiler_params=_cp,
    scratch_types=[
        pltpu.VMEM((FLAT,), jnp.int32),
        pltpu.VMEM((RPW, D), jnp.float32),
        pltpu.VMEM((SPAD, D), jnp.float32),
        pltpu.VMEM((SPAD, D), jnp.float32),
        pltpu.VMEM((SPAD, D), jnp.float32),
        pltpu.VMEM((SPAD, D), jnp.float32),
        pltpu.VMEM((SPAD,), jnp.float32),
        pltpu.VMEM((SPAD,), jnp.float32),
        pltpu.VMEM((SPAD,), jnp.float32),
        pltpu.VMEM((SPAD,), jnp.float32),
        pltpu.VMEM((FLAT + 8,), jnp.float32),
        pltpu.SemaphoreType.DMA,
        pltpu.SemaphoreType.DMA,
        pltpu.SemaphoreType.DMA,
        pltpu.SemaphoreType.DMA,
        pltpu.SemaphoreType.DMA,
    ],
)
def _sc_sparse_linear(embed_hbm, short_hbm, weight_hbm, bias_hbm, out_hbm,
                      idx_v, embed_v, rows0, rows1, rows2, rows3,
                      bv0, bv1, bv2, bv3, out_v,
                      sem_in, sem_g0, sem_g1, sem_g2, sem_g3):
    _sc_body(embed_hbm, short_hbm, weight_hbm, bias_hbm, out_hbm,
             idx_v, embed_v, rows0, rows1, rows2, rows3,
             bv0, bv1, bv2, bv3, out_v,
             sem_in, sem_g0, sem_g1, sem_g2, sem_g3)


@jax.jit
def kernel(embed, shortlist, weight, bias):
    b, s = shortlist.shape
    short_flat = shortlist.astype(jnp.int32).reshape(-1)
    bias_flat = bias.reshape(-1)
    out = _sc_sparse_linear(embed, short_flat, weight, bias_flat)
    return out.reshape(b, s)

# --- scband reference (transcript-rebuilt; emitter-appended) ---
"""Pipeline reference for scband-sparse-linear-58677843198257 (READ-ONLY COPY).

The authoritative reference and input builder live on the scoring server;
editing this copy changes nothing except your own understanding.
"""

import jax, jax.numpy as jnp
import numpy as np

INPUT_SIZE = 64
OUTPUT_SIZE = 1000000
BATCH = 4096
SHORTLIST = 200


def setup_inputs(seed: int = 0) -> dict:
    key = jax.random.key(seed)
    k1, k2, k3 = jax.random.split(key, 3)
    embed = jax.random.normal(k1, (BATCH, INPUT_SIZE), dtype=jnp.float32)
    shortlist = jax.random.randint(k2, (BATCH, SHORTLIST), 0, OUTPUT_SIZE, dtype=jnp.int64)
    # xavier_uniform with gain for relu: gain = sqrt(2), bound = gain * sqrt(6/(fan_in+fan_out))
    gain = float(np.sqrt(2.0))
    bound = gain * float(np.sqrt(6.0 / (INPUT_SIZE + OUTPUT_SIZE)))
    weight = jax.random.uniform(k3, (OUTPUT_SIZE, INPUT_SIZE), dtype=jnp.float32, minval=-bound, maxval=bound)
    bias = jnp.zeros((OUTPUT_SIZE, 1), dtype=jnp.float32)
    return {"embed": embed, "shortlist": shortlist, "weight": weight, "bias": bias}


def reference(embed, shortlist, weight, bias):
    # Gather per-example shortlisted label weight rows: [B, S, d]
    short_weights = jnp.take(weight, shortlist, axis=0)
    # out = matmul(embed[:, None, :], short_weights^T) -> [B, S]
    out = jnp.einsum('bd,bsd->bs', embed, short_weights)
    # Gather shortlisted biases: [B, S, 1] -> [B, S]
    short_bias = jnp.take(bias, shortlist, axis=0)[..., 0]
    out = out + short_bias
    return out

if __name__ == "__main__":
    import jax
    _d = setup_inputs()
    print(jax.jit(kernel)(*tuple(_d.values())))

</pallas_src>

<mosaic_0001>
#map = affine_map<(d0, d1) -> (0, 0)>
#map1 = affine_map<(d0, d1) -> (0)>
module attributes {stable_mosaic.version = 14 : i64} {
  func.func @_sc_sparse_linear(%arg0: i32, %arg1: i32, %arg2: memref<4096x64xf32, #tpu.memory_space<hbm>>, %arg3: memref<819200xi32, #tpu.memory_space<hbm>>, %arg4: memref<1000000x64xf32, #tpu.memory_space<hbm>>, %arg5: memref<1000000xf32, #tpu.memory_space<hbm>>, %arg6: memref<819200xf32, #tpu.memory_space<hbm>>, %arg7: memref<25600xi32, #tpu.memory_space<vmem>>, %arg8: memref<128x64xf32, #tpu.memory_space<vmem>>, %arg9: memref<208x64xf32, #tpu.memory_space<vmem>>, %arg10: memref<208x64xf32, #tpu.memory_space<vmem>>, %arg11: memref<208x64xf32, #tpu.memory_space<vmem>>, %arg12: memref<208x64xf32, #tpu.memory_space<vmem>>, %arg13: memref<208xf32, #tpu.memory_space<vmem>>, %arg14: memref<208xf32, #tpu.memory_space<vmem>>, %arg15: memref<208xf32, #tpu.memory_space<vmem>>, %arg16: memref<208xf32, #tpu.memory_space<vmem>>, %arg17: memref<25608xf32, #tpu.memory_space<vmem>>, %arg18: memref<!tpu.dma_semaphore, #tpu.memory_space<semaphore_mem>>, %arg19: memref<!tpu.dma_semaphore, #tpu.memory_space<semaphore_mem>>, %arg20: memref<!tpu.dma_semaphore, #tpu.memory_space<semaphore_mem>>, %arg21: memref<!tpu.dma_semaphore, #tpu.memory_space<semaphore_mem>>, %arg22: memref<!tpu.dma_semaphore, #tpu.memory_space<semaphore_mem>>) attributes {dimension_semantics = [#tpu.dimension_semantics<core_parallel>, #tpu.dimension_semantics<subcore_parallel>], iteration_bounds = array<i64: 2, 16>, scalar_prefetch = 0 : i64, scratch_operands = 16 : i64, tpu.core_type = #tpu.core_type<sc_vector_subcore>, window_params = [{transform_indices = #map}, {transform_indices = #map1}, {transform_indices = #map}, {transform_indices = #map1}, {transform_indices = #map1}]} {
    %mul3A = arith.constant 2 : i32
    %mul3A_0 = arith.muli %arg1, %mul3A : i32
    %add3A = arith.addi %mul3A_0, %arg0 : i32
    %mul3A_1 = arith.constant 128 : i32
    %mul3A_2 = arith.muli %add3A, %mul3A_1 : i32
    %mul3A_3 = arith.constant 25600 : i32
    %mul3A_4 = arith.muli %add3A, %mul3A_3 : i32
    %dma_start3A = tpu.memref_slice %arg3[%mul3A_4] : memref<819200xi32, #tpu.memory_space<hbm>> -> memref<25600xi32, #tpu.memory_space<hbm>>
    %dma_start3A_5 = tpu.memref_slice %arg3[%mul3A_4] : memref<819200xi32, #tpu.memory_space<hbm>> -> memref<25600xi32, #tpu.memory_space<hbm>>
    tpu.enqueue_dma source(%dma_start3A_5 : memref<25600xi32, #tpu.memory_space<hbm>>) target(%arg7 : memref<25600xi32, #tpu.memory_space<vmem>>) target_semaphore(%arg18 : memref<!tpu.dma_semaphore, #tpu.memory_space<semaphore_mem>>)
    %dma_start3A_6 = arith.constant 0 : i32
    %dma_start3A_7 = tpu.memref_slice %arg2[%mul3A_2, %dma_start3A_6] : memref<4096x64xf32, #tpu.memory_space<hbm>> -> memref<128x64xf32, #tpu.memory_space<hbm>>
    %dma_start3A_8 = arith.constant 0 : i32
    %dma_start3A_9 = tpu.memref_slice %arg2[%mul3A_2, %dma_start3A_8] : memref<4096x64xf32, #tpu.memory_space<hbm>> -> memref<128x64xf32, #tpu.memory_space<hbm>>
    tpu.enqueue_dma source(%dma_start3A_9 : memref<128x64xf32, #tpu.memory_space<hbm>>) target(%arg8 : memref<128x64xf32, #tpu.memory_space<vmem>>) target_semaphore(%arg18 : memref<!tpu.dma_semaphore, #tpu.memory_space<semaphore_mem>>)
    %dma_wait3A = tpu.memref_slice %arg3[%mul3A_4] : memref<819200xi32, #tpu.memory_space<hbm>> -> memref<25600xi32, #tpu.memory_space<hbm>>
    %dma_wait3A_10 = tpu.memref_slice %arg3[%mul3A_4] : memref<819200xi32, #tpu.memory_space<hbm>> -> memref<25600xi32, #tpu.memory_space<hbm>>
    tpu.wait_dma2 semaphore(%arg18 : memref<!tpu.dma_semaphore, #tpu.memory_space<semaphore_mem>>) src(%dma_wait3A_10 : memref<25600xi32, #tpu.memory_space<hbm>>) dst(%arg7 : memref<25600xi32, #tpu.memory_space<vmem>>)
    %dma_wait3A_11 = arith.constant 0 : i32
    %dma_wait3A_12 = tpu.memref_slice %arg2[%mul3A_2, %dma_wait3A_11] : memref<4096x64xf32, #tpu.memory_space<hbm>> -> memref<128x64xf32, #tpu.memory_space<hbm>>
    %dma_wait3A_13 = arith.constant 0 : i32
    %dma_wait3A_14 = tpu.memref_slice %arg2[%mul3A_2, %dma_wait3A_13] : memref<4096x64xf32, #tpu.memory_space<hbm>> -> memref<128x64xf32, #tpu.memory_space<hbm>>
    tpu.wait_dma2 semaphore(%arg18 : memref<!tpu.dma_semaphore, #tpu.memory_space<semaphore_mem>>) src(%dma_wait3A_14 : memref<128x64xf32, #tpu.memory_space<hbm>>) dst(%arg8 : memref<128x64xf32, #tpu.memory_space<vmem>>)
    %dma_start3A_15 = arith.constant 0 : i32
    %dma_start3A_16 = arith.constant 0 : i32
    %dma_start3A_17 = tpu.memref_slice %arg9[%dma_start3A_15, %dma_start3A_16] : memref<208x64xf32, #tpu.memory_space<vmem>> -> memref<128x64xf32, #tpu.memory_space<vmem>>
    %dma_start3A_18 = arith.constant 0 : i32
    %dma_start3A_19 = tpu.memref_slice %arg7[%dma_start3A_18] : memref<25600xi32, #tpu.memory_space<vmem>> -> memref<128xi32, #tpu.memory_space<vmem>>
    %dma_start3A_20 = arith.constant 0 : i32
    %dma_start3A_21 = arith.constant 0 : i32
    %dma_start3A_22 = tpu.memref_slice %arg4[%dma_start3A_20, %dma_start3A_21] : memref<1000000x64xf32, #tpu.memory_space<hbm>> -> memref<1000000x64xf32, #tpu.memory_space<hbm>>
    tpu.enqueue_indirect_dma source(%dma_start3A_22 : memref<1000000x64xf32, #tpu.memory_space<hbm>>) target(%dma_start3A_17 : memref<128x64xf32, #tpu.memory_space<vmem>>) offsets(%dma_start3A_19 : memref<128xi32, #tpu.memory_space<vmem>>) semaphore(%arg19 : memref<!tpu.dma_semaphore, #tpu.memory_space<semaphore_mem>>)
    %dma_start3A_23 = arith.constant 128 : i32
    %dma_start3A_24 = arith.constant 0 : i32
    %dma_start3A_25 = tpu.memref_slice %arg9[%dma_start3A_23, %dma_start3A_24] : memref<208x64xf32, #tpu.memory_space<vmem>> -> memref<72x64xf32, #tpu.memory_space<vmem>>
    %dma_start3A_26 = arith.constant 128 : i32
    %dma_start3A_27 = tpu.memref_slice %arg7[%dma_start3A_26] : memref<25600xi32, #tpu.memory_space<vmem>> -> memref<72xi32, #tpu.memory_space<vmem>>
    %dma_start3A_28 = arith.constant 0 : i32
    %dma_start3A_29 = arith.constant 0 : i32
    %dma_start3A_30 = tpu.memref_slice %arg4[%dma_start3A_28, %dma_start3A_29] : memref<1000000x64xf32, #tpu.memory_space<hbm>> -> memref<1000000x64xf32, #tpu.memory_space<hbm>>
    tpu.enqueue_indirect_dma source(%dma_start3A_30 : memref<1000000x64xf32, #tpu.memory_space<hbm>>) target(%dma_start3A_25 : memref<72x64xf32, #tpu.memory_space<vmem>>) offsets(%dma_start3A_27 : memref<72xi32, #tpu.memory_space<vmem>>) semaphore(%arg19 : memref<!tpu.dma_semaphore, #tpu.memory_space<semaphore_mem>>)
    %dma_start3A_31 = arith.constant 0 : i32
    %dma_start3A_32 = tpu.memref_slice %arg13[%dma_start3A_31] : memref<208xf32, #tpu.memory_space<vmem>> -> memref<128xf32, #tpu.memory_space<vmem>>
    %dma_start3A_33 = arith.constant 0 : i32
    %dma_start3A_34 = tpu.memref_slice %arg7[%dma_start3A_33] : memref<25600xi32, #tpu.memory_space<vmem>> -> memref<128xi32, #tpu.memory_space<vmem>>
    %dma_start3A_35 = arith.constant 0 : i32
    %dma_start3A_36 = tpu.memref_slice %arg5[%dma_start3A_35] : memref<1000000xf32, #tpu.memory_space<hbm>> -> memref<1000000xf32, #tpu.memory_space<hbm>>
    tpu.enqueue_indirect_dma source(%dma_start3A_36 : memref<1000000xf32, #tpu.memory_space<hbm>>) target(%dma_start3A_32 : memref<128xf32, #tpu.memory_space<vmem>>) offsets(%dma_start3A_34 : memref<128xi32, #tpu.memory_space<vmem>>) semaphore(%arg19 : memref<!tpu.dma_semaphore, #tpu.memory_space<semaphore_mem>>)
    %dma_start3A_37 = arith.constant 128 : i32
    %dma_start3A_38 = tpu.memref_slice %arg13[%dma_start3A_37] : memref<208xf32, #tpu.memory_space<vmem>> -> memref<72xf32, #tpu.memory_space<vmem>>
    %dma_start3A_39 = arith.constant 128 : i32
    %dma_start3A_40 = tpu.memref_slice %arg7[%dma_start3A_39] : memref<25600xi32, #tpu.memory_space<vmem>> -> memref<72xi32, #tpu.memory_space<vmem>>
    %dma_start3A_41 = arith.constant 0 : i32
    %dma_start3A_42 = tpu.memref_slice %arg5[%dma_start3A_41] : memref<1000000xf32, #tpu.memory_space<hbm>> -> memref<1000000xf32, #tpu.memory_space<hbm>>
    tpu.enqueue_indirect_dma source(%dma_start3A_42 : memref<1000000xf32, #tpu.memory_space<hbm>>) target(%dma_start3A_38 : memref<72xf32, #tpu.memory_space<vmem>>) offsets(%dma_start3A_40 : memref<72xi32, #tpu.memory_space<vmem>>) semaphore(%arg19 : memref<!tpu.dma_semaphore, #tpu.memory_space<semaphore_mem>>)
    %dma_start3A_43 = arith.constant 0 : i32
    %dma_start3A_44 = arith.constant 0 : i32
    %dma_start3A_45 = tpu.memref_slice %arg10[%dma_start3A_43, %dma_start3A_44] : memref<208x64xf32, #tpu.memory_space<vmem>> -> memref<128x64xf32, #tpu.memory_space<vmem>>
    %dma_start3A_46 = arith.constant 200 : i32
    %dma_start3A_47 = tpu.memref_slice %arg7[%dma_start3A_46] : memref<25600xi32, #tpu.memory_space<vmem>> -> memref<128xi32, #tpu.memory_space<vmem>>
    %dma_start3A_48 = arith.constant 0 : i32
    %dma_start3A_49 = arith.constant 0 : i32
    %dma_start3A_50 = tpu.memref_slice %arg4[%dma_start3A_48, %dma_start3A_49] : memref<1000000x64xf32, #tpu.memory_space<hbm>> -> memref<1000000x64xf32, #tpu.memory_space<hbm>>
    tpu.enqueue_indirect_dma source(%dma_start3A_50 : memref<1000000x64xf32, #tpu.memory_space<hbm>>) target(%dma_start3A_45 : memref<128x64xf32, #tpu.memory_space<vmem>>) offsets(%dma_start3A_47 : memref<128xi32, #tpu.memory_space<vmem>>) semaphore(%arg20 : memref<!tpu.dma_semaphore, #tpu.memory_space<semaphore_mem>>)
    %dma_start3A_51 = arith.constant 128 : i32
    %dma_start3A_52 = arith.constant 0 : i32
    %dma_start3A_53 = tpu.memref_slice %arg10[%dma_start3A_51, %dma_start3A_52] : memref<208x64xf32, #tpu.memory_space<vmem>> -> memref<72x64xf32, #tpu.memory_space<vmem>>
    %dma_start3A_54 = arith.constant 328 : i32
    %dma_start3A_55 = tpu.memref_slice %arg7[%dma_start3A_54] : memref<25600xi32, #tpu.memory_space<vmem>> -> memref<72xi32, #tpu.memory_space<vmem>>
    %dma_start3A_56 = arith.constant 0 : i32
    %dma_start3A_57 = arith.constant 0 : i32
    %dma_start3A_58 = tpu.memref_slice %arg4[%dma_start3A_56, %dma_start3A_57] : memref<1000000x64xf32, #tpu.memory_space<hbm>> -> memref<1000000x64xf32, #tpu.memory_space<hbm>>
    tpu.enqueue_indirect_dma source(%dma_start3A_58 : memref<1000000x64xf32, #tpu.memory_space<hbm>>) target(%dma_start3A_53 : memref<72x64xf32, #tpu.memory_space<vmem>>) offsets(%dma_start3A_55 : memref<72xi32, #tpu.memory_space<vmem>>) semaphore(%arg20 : memref<!tpu.dma_semaphore, #tpu.memory_space<semaphore_mem>>)
    %dma_start3A_59 = arith.constant 0 : i32
    %dma_start3A_60 = tpu.memref_slice %arg14[%dma_start3A_59] : memref<208xf32, #tpu.memory_space<vmem>> -> memref<128xf32, #tpu.memory_space<vmem>>
    %dma_start3A_61 = arith.constant 200 : i32
    %dma_start3A_62 = tpu.memref_slice %arg7[%dma_start3A_61] : memref<25600xi32, #tpu.memory_space<vmem>> -> memref<128xi32, #tpu.memory_space<vmem>>
    %dma_start3A_63 = arith.constant 0 : i32
    %dma_start3A_64 = tpu.memref_slice %arg5[%dma_start3A_63] : memref<1000000xf32, #tpu.memory_space<hbm>> -> memref<1000000xf32, #tpu.memory_space<hbm>>
    tpu.enqueue_indirect_dma source(%dma_start3A_64 : memref<1000000xf32, #tpu.memory_space<hbm>>) target(%dma_start3A_60 : memref<128xf32, #tpu.memory_space<vmem>>) offsets(%dma_start3A_62 : memref<128xi32, #tpu.memory_space<vmem>>) semaphore(%arg20 : memref<!tpu.dma_semaphore, #tpu.memory_space<semaphore_mem>>)
    %dma_start3A_65 = arith.constant 128 : i32
    %dma_start3A_66 = tpu.memref_slice %arg14[%dma_start3A_65] : memref<208xf32, #tpu.memory_space<vmem>> -> memref<72xf32, #tpu.memory_space<vmem>>
    %dma_start3A_67 = arith.constant 328 : i32
    %dma_start3A_68 = tpu.memref_slice %arg7[%dma_start3A_67] : memref<25600xi32, #tpu.memory_space<vmem>> -> memref<72xi32, #tpu.memory_space<vmem>>
    %dma_start3A_69 = arith.constant 0 : i32
    %dma_start3A_70 = tpu.memref_slice %arg5[%dma_start3A_69] : memref<1000000xf32, #tpu.memory_space<hbm>> -> memref<1000000xf32, #tpu.memory_space<hbm>>
    tpu.enqueue_indirect_dma source(%dma_start3A_70 : memref<1000000xf32, #tpu.memory_space<hbm>>) target(%dma_start3A_66 : memref<72xf32, #tpu.memory_space<vmem>>) offsets(%dma_start3A_68 : memref<72xi32, #tpu.memory_space<vmem>>) semaphore(%arg20 : memref<!tpu.dma_semaphore, #tpu.memory_space<semaphore_mem>>)
    %dma_start3A_71 = arith.constant 0 : i32
    %dma_start3A_72 = arith.constant 0 : i32
    %dma_start3A_73 = tpu.memref_slice %arg11[%dma_start3A_71, %dma_start3A_72] : memref<208x64xf32, #tpu.memory_space<vmem>> -> memref<128x64xf32, #tpu.memory_space<vmem>>
    %dma_start3A_74 = arith.constant 400 : i32
    %dma_start3A_75 = tpu.memref_slice %arg7[%dma_start3A_74] : memref<25600xi32, #tpu.memory_space<vmem>> -> memref<128xi32, #tpu.memory_space<vmem>>
    %dma_start3A_76 = arith.constant 0 : i32
    %dma_start3A_77 = arith.constant 0 : i32
    %dma_start3A_78 = tpu.memref_slice %arg4[%dma_start3A_76, %dma_start3A_77] : memref<1000000x64xf32, #tpu.memory_space<hbm>> -> memref<1000000x64xf32, #tpu.memory_space<hbm>>
    tpu.enqueue_indirect_dma source(%dma_start3A_78 : memref<1000000x64xf32, #tpu.memory_space<hbm>>) target(%dma_start3A_73 : memref<128x64xf32, #tpu.memory_space<vmem>>) offsets(%dma_start3A_75 : memref<128xi32, #tpu.memory_space<vmem>>) semaphore(%arg21 : memref<!tpu.dma_semaphore, #tpu.memory_space<semaphore_mem>>)
    %dma_start3A_79 = arith.constant 128 : i32
    %dma_start3A_80 = arith.constant 0 : i32
    %dma_start3A_81 = tpu.memref_slice %arg11[%dma_start3A_79, %dma_start3A_80] : memref<208x64xf32, #tpu.memory_space<vmem>> -> memref<72x64xf32, #tpu.memory_space<vmem>>
    %dma_start3A_82 = arith.constant 528 : i32
    %dma_start3A_83 = tpu.memref_slice %arg7[%dma_start3A_82] : memref<25600xi32, #tpu.memory_space<vmem>> -> memref<72xi32, #tpu.memory_space<vmem>>
    %dma_start3A_84 = arith.constant 0 : i32
    %dma_start3A_85 = arith.constant 0 : i32
    %dma_start3A_86 = tpu.memref_slice %arg4[%dma_start3A_84, %dma_start3A_85] : memref<1000000x64xf32, #tpu.memory_space<hbm>> -> memref<1000000x64xf32, #tpu.memory_space<hbm>>
    tpu.enqueue_indirect_dma source(%dma_start3A_86 : memref<1000000x64xf32, #tpu.memory_space<hbm>>) target(%dma_start3A_81 : memref<72x64xf32, #tpu.memory_space<vmem>>) offsets(%dma_start3A_83 : memref<72xi32, #tpu.memory_space<vmem>>) semaphore(%arg21 : memref<!tpu.dma_semaphore, #tpu.memory_space<semaphore_mem>>)
    %dma_start3A_87 = arith.constant 0 : i32
    %dma_start3A_88 = tpu.memref_slice %arg15[%dma_start3A_87] : memref<208xf32, #tpu.memory_space<vmem>> -> memref<128xf32, #tpu.memory_space<vmem>>
    %dma_start3A_89 = arith.constant 400 : i32
    %dma_start3A_90 = tpu.memref_slice %arg7[%dma_start3A_89] : memref<25600xi32, #tpu.memory_space<vmem>> -> memref<128xi32, #tpu.memory_space<vmem>>
    %dma_start3A_91 = arith.constant 0 : i32
    %dma_start3A_92 = tpu.memref_slice %arg5[%dma_start3A_91] : memref<1000000xf32, #tpu.memory_space<hbm>> -> memref<1000000xf32, #tpu.memory_space<hbm>>
    tpu.enqueue_indirect_dma source(%dma_start3A_92 : memref<1000000xf32, #tpu.memory_space<hbm>>) target(%dma_start3A_88 : memref<128xf32, #tpu.memory_space<vmem>>) offsets(%dma_start3A_90 : memref<128xi32, #tpu.memory_space<vmem>>) semaphore(%arg21 : memref<!tpu.dma_semaphore, #tpu.memory_space<semaphore_mem>>)
    %dma_start3A_93 = arith.constant 128 : i32
    %dma_start3A_94 = tpu.memref_slice %arg15[%dma_start3A_93] : memref<208xf32, #tpu.memory_space<vmem>> -> memref<72xf32, #tpu.memory_space<vmem>>
    %dma_start3A_95 = arith.constant 528 : i32
    %dma_start3A_96 = tpu.memref_slice %arg7[%dma_start3A_95] : memref<25600xi32, #tpu.memory_space<vmem>> -> memref<72xi32, #tpu.memory_space<vmem>>
    %dma_start3A_97 = arith.constant 0 : i32
    %dma_start3A_98 = tpu.memref_slice %arg5[%dma_start3A_97] : memref<1000000xf32, #tpu.memory_space<hbm>> -> memref<1000000xf32, #tpu.memory_space<hbm>>
    tpu.enqueue_indirect_dma source(%dma_start3A_98 : memref<1000000xf32, #tpu.memory_space<hbm>>) target(%dma_start3A_94 : memref<72xf32, #tpu.memory_space<vmem>>) offsets(%dma_start3A_96 : memref<72xi32, #tpu.memory_space<vmem>>) semaphore(%arg21 : memref<!tpu.dma_semaphore, #tpu.memory_space<semaphore_mem>>)
    %scan3A = arith.constant 0 : i32
    %scan3A_99 = arith.constant 32 : i32
    %scan3A_100 = arith.addi %scan3A, %scan3A_99 : i32
    %scan3A_101 = arith.constant 1 : i32
    scf.for %scan3A_103 = %scan3A to %scan3A_100 step %scan3A_101  : i32 {
      %mul3A_104 = arith.constant 1 : i32
      %mul3A_105 = arith.muli %scan3A_103, %mul3A_104 : i32
      %add3A_106 = arith.constant 0 : i32
      %add3A_107 = arith.addi %add3A_106, %mul3A_105 : i32
      %mul3A_108 = arith.constant 4 : i32
      %mul3A_109 = arith.muli %add3A_107, %mul3A_108 : i32
      %add3A_110 = arith.constant 0 : i32
      %add3A_111 = arith.addi %mul3A_109, %add3A_110 : i32
      %mul3A_112 = arith.constant 200 : i32
      %mul3A_113 = arith.muli %add3A_111, %mul3A_112 : i32
      %dma_wait3A_114 = arith.constant 0 : i32
      %dma_wait3A_115 = arith.constant 0 : i32
      %dma_wait3A_116 = tpu.memref_slice %arg9[%dma_wait3A_114, %dma_wait3A_115] : memref<208x64xf32, #tpu.memory_space<vmem>> -> memref<128x64xf32, #tpu.memory_space<vmem>>
      %dma_wait3A_117 = tpu.memref_slice %arg7[%mul3A_113] : memref<25600xi32, #tpu.memory_space<vmem>> -> memref<128xi32, #tpu.memory_space<vmem>>
      %dma_wait3A_118 = arith.constant 0 : i32
      %dma_wait3A_119 = arith.constant 0 : i32
      %dma_wait3A_120 = tpu.memref_slice %arg4[%dma_wait3A_118, %dma_wait3A_119] : memref<1000000x64xf32, #tpu.memory_space<hbm>> -> memref<1000000x64xf32, #tpu.memory_space<hbm>>
      tpu.wait_indirect_dma semaphore(%arg19 : memref<!tpu.dma_semaphore, #tpu.memory_space<semaphore_mem>>) src(%dma_wait3A_120 : memref<1000000x64xf32, #tpu.memory_space<hbm>>) dst(%dma_wait3A_116 : memref<128x64xf32, #tpu.memory_space<vmem>>)
      %add3A_121 = arith.constant 128 : i32
      %add3A_122 = arith.addi %mul3A_113, %add3A_121 : i32
      %dma_wait3A_123 = arith.constant 128 : i32
      %dma_wait3A_124 = arith.constant 0 : i32
      %dma_wait3A_125 = tpu.memref_slice %arg9[%dma_wait3A_123, %dma_wait3A_124] : memref<208x64xf32, #tpu.memory_space<vmem>> -> memref<72x64xf32, #tpu.memory_space<vmem>>
      %dma_wait3A_126 = tpu.memref_slice %arg7[%add3A_122] : memref<25600xi32, #tpu.memory_space<vmem>> -> memref<72xi32, #tpu.memory_space<vmem>>
      %dma_wait3A_127 = arith.constant 0 : i32
      %dma_wait3A_128 = arith.constant 0 : i32
      %dma_wait3A_129 = tpu.memref_slice %arg4[%dma_wait3A_127, %dma_wait3A_128] : memref<1000000x64xf32, #tpu.memory_space<hbm>> -> memref<1000000x64xf32, #tpu.memory_space<hbm>>
      tpu.wait_indirect_dma semaphore(%arg19 : memref<!tpu.dma_semaphore, #tpu.memory_space<semaphore_mem>>) src(%dma_wait3A_129 : memref<1000000x64xf32, #tpu.memory_space<hbm>>) dst(%dma_wait3A_125 : memref<72x64xf32, #tpu.memory_space<vmem>>)
      %dma_wait3A_130 = arith.constant 0 : i32
      %dma_wait3A_131 = tpu.memref_slice %arg13[%dma_wait3A_130] : memref<208xf32, #tpu.memory_space<vmem>> -> memref<128xf32, #tpu.memory_space<vmem>>
      %dma_wait3A_132 = tpu.memref_slice %arg7[%mul3A_113] : memref<25600xi32, #tpu.memory_space<vmem>> -> memref<128xi32, #tpu.memory_space<vmem>>
      %dma_wait3A_133 = arith.constant 0 : i32
      %dma_wait3A_134 = tpu.memref_slice %arg5[%dma_wait3A_133] : memref<1000000xf32, #tpu.memory_space<hbm>> -> memref<1000000xf32, #tpu.memory_space<hbm>>
      tpu.wait_indirect_dma semaphore(%arg19 : memref<!tpu.dma_semaphore, #tpu.memory_space<semaphore_mem>>) src(%dma_wait3A_134 : memref<1000000xf32, #tpu.memory_space<hbm>>) dst(%dma_wait3A_131 : memref<128xf32, #tpu.memory_space<vmem>>)
      %add3A_135 = arith.constant 128 : i32
      %add3A_136 = arith.addi %mul3A_113, %add3A_135 : i32
      %dma_wait3A_137 = arith.constant 128 : i32
      %dma_wait3A_138 = tpu.memref_slice %arg13[%dma_wait3A_137] : memref<208xf32, #tpu.memory_space<vmem>> -> memref<72xf32, #tpu.memory_space<vmem>>
      %dma_wait3A_139 = tpu.memref_slice %arg7[%add3A_136] : memref<25600xi32, #tpu.memory_space<vmem>> -> memref<72xi32, #tpu.memory_space<vmem>>
      %dma_wait3A_140 = arith.constant 0 : i32
      %dma_wait3A_141 = tpu.memref_slice %arg5[%dma_wait3A_140] : memref<1000000xf32, #tpu.memory_space<hbm>> -> memref<1000000xf32, #tpu.memory_space<hbm>>
      tpu.wait_indirect_dma semaphore(%arg19 : memref<!tpu.dma_semaphore, #tpu.memory_space<semaphore_mem>>) src(%dma_wait3A_141 : memref<1000000xf32, #tpu.memory_space<hbm>>) dst(%dma_wait3A_138 : memref<72xf32, #tpu.memory_space<vmem>>)
      %get3A = arith.index_cast %add3A_111 : i32 to index
      %get3A_142 = arith.constant 0 : index
      %get3A_143 = tpu.vector_load %arg8[%get3A, %get3A_142] {strides = array<i32>} : memref<128x64xf32, #tpu.memory_space<vmem>>, vector<16xf32>,
      %get3A_144 = arith.index_cast %add3A_111 : i32 to index
      %get3A_145 = arith.constant 16 : index
      %get3A_146 = tpu.vector_load %arg8[%get3A_144, %get3A_145] {strides = array<i32>} : memref<128x64xf32, #tpu.memory_space<vmem>>, vector<16xf32>,
      %get3A_147 = arith.index_cast %add3A_111 : i32 to index
      %get3A_148 = arith.constant 32 : index
      %get3A_149 = tpu.vector_load %arg8[%get3A_147, %get3A_148] {strides = array<i32>} : memref<128x64xf32, #tpu.memory_space<vmem>>, vector<16xf32>,
      %get3A_150 = arith.index_cast %add3A_111 : i32 to index
      %get3A_151 = arith.constant 48 : index
      %get3A_152 = tpu.vector_load %arg8[%get3A_150, %get3A_151] {strides = array<i32>} : memref<128x64xf32, #tpu.memory_space<vmem>>, vector<16xf32>,
      %scan3A_153 = arith.constant 0 : i32
      %scan3A_154 = arith.constant 13 : i32
      %scan3A_155 = arith.addi %scan3A_153, %scan3A_154 : i32
      %scan3A_156 = arith.constant 1 : i32
      scf.for %scan3A_336 = %scan3A_153 to %scan3A_155 step %scan3A_156  : i32 {
        %mul3A_337 = arith.constant 1 : i32
        %mul3A_338 = arith.muli %scan3A_336, %mul3A_337 : i32
        %add3A_339 = arith.constant 0 : i32
        %add3A_340 = arith.addi %add3A_339, %mul3A_338 : i32
        %mul3A_341 = arith.constant 16 : i32
        %mul3A_342 = arith.muli %add3A_340, %mul3A_341 : i32
        %add3A_343 = arith.constant 0 : i32
        %add3A_344 = arith.addi %mul3A_342, %add3A_343 : i32
        %get3A_345 = arith.index_cast %add3A_344 : i32 to index
        %get3A_346 = arith.constant 0 : index
        %get3A_347 = tpu.vector_load %arg9[%get3A_345, %get3A_346] {strides = array<i32>} : memref<208x64xf32, #tpu.memory_space<vmem>>, vector<16xf32>,
        %mul3A_348 = arith.mulf %get3A_347, %get3A_143 : vector<16xf32>
        %get3A_349 = arith.index_cast %add3A_344 : i32 to index
        %get3A_350 = arith.constant 16 : index
        %get3A_351 = tpu.vector_load %arg9[%get3A_349, %get3A_350] {strides = array<i32>} : memref<208x64xf32, #tpu.memory_space<vmem>>, vector<16xf32>,
        %mul3A_352 = arith.mulf %get3A_351, %get3A_146 : vector<16xf32>
        %add3A_353 = arith.addf %mul3A_348, %mul3A_352 : vector<16xf32>
        %get3A_354 = arith.index_cast %add3A_344 : i32 to index
        %get3A_355 = arith.constant 32 : index
        %get3A_356 = tpu.vector_load %arg9[%get3A_354, %get3A_355] {strides = array<i32>} : memref<208x64xf32, #tpu.memory_space<vmem>>, vector<16xf32>,
        %mul3A_357 = arith.mulf %get3A_356, %get3A_149 : vector<16xf32>
        %add3A_358 = arith.addf %add3A_353, %mul3A_357 : vector<16xf32>
        %get3A_359 = arith.index_cast %add3A_344 : i32 to index
        %get3A_360 = arith.constant 48 : index
        %get3A_361 = tpu.vector_load %arg9[%get3A_359, %get3A_360] {strides = array<i32>} : memref<208x64xf32, #tpu.memory_space<vmem>>, vector<16xf32>,
        %mul3A_362 = arith.mulf %get3A_361, %get3A_152 : vector<16xf32>
        %add3A_363 = arith.addf %add3A_358, %mul3A_362 : vector<16xf32>
        %add3A_364 = arith.constant 8 : i32
        %add3A_365 = arith.addi %mul3A_342, %add3A_364 : i32
        %get3A_366 = arith.index_cast %add3A_365 : i32 to index
        %get3A_367 = arith.constant 0 : index
        %get3A_368 = tpu.vector_load %arg9[%get3A_366, %get3A_367] {strides = array<i32>} : memref<208x64xf32, #tpu.memory_space<vmem>>, vector<16xf32>,
        %mul3A_369 = arith.mulf %get3A_368, %get3A_143 : vector<16xf32>
        %get3A_370 = arith.index_cast %add3A_365 : i32 to index
        %get3A_371 = arith.constant 16 : index
        %get3A_372 = tpu.vector_load %arg9[%get3A_370, %get3A_371] {strides = array<i32>} : memref<208x64xf32, #tpu.memory_space<vmem>>, vector<16xf32>,
        %mul3A_373 = arith.mulf %get3A_372, %get3A_146 : vector<16xf32>
        %add3A_374 = arith.addf %mul3A_369, %mul3A_373 : vector<16xf32>
        %get3A_375 = arith.index_cast %add3A_365 : i32 to index
        %get3A_376 = arith.constant 32 : index
        %get3A_377 = tpu.vector_load %arg9[%get3A_375, %get3A_376] {strides = array<i32>} : memref<208x64xf32, #tpu.memory_space<vmem>>, vector<16xf32>,
        %mul3A_378 = arith.mulf %get3A_377, %get3A_149 : vector<16xf32>
        %add3A_379 = arith.addf %add3A_374, %mul3A_378 : vector<16xf32>
        %get3A_380 = arith.index_cast %add3A_365 : i32 to index
        %get3A_381 = arith.constant 48 : index
        %get3A_382 = tpu.vector_load %arg9[%get3A_380, %get3A_381] {strides = array<i32>} : memref<208x64xf32, #tpu.memory_space<vmem>>, vector<16xf32>,
        %mul3A_383 = arith.mulf %get3A_382, %get3A_152 : vector<16xf32>
        %add3A_384 = arith.addf %add3A_379, %mul3A_383 : vector<16xf32>
        %add3A_385 = arith.constant 4 : i32
        %add3A_386 = arith.addi %mul3A_342, %add3A_385 : i32
        %get3A_387 = arith.index_cast %add3A_386 : i32 to index
        %get3A_388 = arith.constant 0 : index
        %get3A_389 = tpu.vector_load %arg9[%get3A_387, %get3A_388] {strides = array<i32>} : memref<208x64xf32, #tpu.memory_space<vmem>>, vector<16xf32>,
        %mul3A_390 = arith.mulf %get3A_389, %get3A_143 : vector<16xf32>
        %get3A_391 = arith.index_cast %add3A_386 : i32 to index
        %get3A_392 = arith.constant 16 : index
        %get3A_393 = tpu.vector_load %arg9[%get3A_391, %get3A_392] {strides = array<i32>} : memref<208x64xf32, #tpu.memory_space<vmem>>, vector<16xf32>,
        %mul3A_394 = arith.mulf %get3A_393, %get3A_146 : vector<16xf32>
        %add3A_395 = arith.addf %mul3A_390, %mul3A_394 : vector<16xf32>
        %get3A_396 = arith.index_cast %add3A_386 : i32 to index
        %get3A_397 = arith.constant 32 : index
        %get3A_398 = tpu.vector_load %arg9[%get3A_396, %get3A_397] {strides = array<i32>} : memref<208x64xf32, #tpu.memory_space<vmem>>, vector<16xf32>,
        %mul3A_399 = arith.mulf %get3A_398, %get3A_149 : vector<16xf32>
        %add3A_400 = arith.addf %add3A_395, %mul3A_399 : vector<16xf32>
        %get3A_401 = arith.index_cast %add3A_386 : i32 to index
        %get3A_402 = arith.constant 48 : index
        %get3A_403 = tpu.vector_load %arg9[%get3A_401, %get3A_402] {strides = array<i32>} : memref<208x64xf32, #tpu.memory_space<vmem>>, vector<16xf32>,
        %mul3A_404 = arith.mulf %get3A_403, %get3A_152 : vector<16xf32>
        %add3A_405 = arith.addf %add3A_400, %mul3A_404 : vector<16xf32>
        %add3A_406 = arith.constant 12 : i32
        %add3A_407 = arith.addi %mul3A_342, %add3A_406 : i32
        %get3A_408 = arith.index_cast %add3A_407 : i32 to index
        %get3A_409 = arith.constant 0 : index
        %get3A_410 = tpu.vector_load %arg9[%get3A_408, %get3A_409] {strides = array<i32>} : memref<208x64xf32, #tpu.memory_space<vmem>>, vector<16xf32>,
        %mul3A_411 = arith.mulf %get3A_410, %get3A_143 : vector<16xf32>
        %get3A_412 = arith.index_cast %add3A_407 : i32 to index
        %get3A_413 = arith.constant 16 : index
        %get3A_414 = tpu.vector_load %arg9[%get3A_412, %get3A_413] {strides = array<i32>} : memref<208x64xf32, #tpu.memory_space<vmem>>, vector<16xf32>,
        %mul3A_415 = arith.mulf %get3A_414, %get3A_146 : vector<16xf32>
        %add3A_416 = arith.addf %mul3A_411, %mul3A_415 : vector<16xf32>
        %get3A_417 = arith.index_cast %add3A_407 : i32 to index
        %get3A_418 = arith.constant 32 : index
        %get3A_419 = tpu.vector_load %arg9[%get3A_417, %get3A_418] {strides = array<i32>} : memref<208x64xf32, #tpu.memory_space<vmem>>, vector<16xf32>,
        %mul3A_420 = arith.mulf %get3A_419, %get3A_149 : vector<16xf32>
        %add3A_421 = arith.addf %add3A_416, %mul3A_420 : vector<16xf32>
        %get3A_422 = arith.index_cast %add3A_407 : i32 to index
        %get3A_423 = arith.constant 48 : index
        %get3A_424 = tpu.vector_load %arg9[%get3A_422, %get3A_423] {strides = array<i32>} : memref<208x64xf32, #tpu.memory_space<vmem>>, vector<16xf32>,
        %mul3A_425 = arith.mulf %get3A_424, %get3A_152 : vector<16xf32>
        %add3A_426 = arith.addf %add3A_421, %mul3A_425 : vector<16xf32>
        %add3A_427 = arith.constant 2 : i32
        %add3A_428 = arith.addi %mul3A_342, %add3A_427 : i32
        %get3A_429 = arith.index_cast %add3A_428 : i32 to index
        %get3A_430 = arith.constant 0 : index
        %get3A_431 = tpu.vector_load %arg9[%get3A_429, %get3A_430] {strides = array<i32>} : memref<208x64xf32, #tpu.memory_space<vmem>>, vector<16xf32>,
        %mul3A_432 = arith.mulf %get3A_431, %get3A_143 : vector<16xf32>
        %get3A_433 = arith.index_cast %add3A_428 : i32 to index
        %get3A_434 = arith.constant 16 : index
        %get3A_435 = tpu.vector_load %arg9[%get3A_433, %get3A_434] {strides = array<i32>} : memref<208x64xf32, #tpu.memory_space<vmem>>, vector<16xf32>,
        %mul3A_436 = arith.mulf %get3A_435, %get3A_146 : vector<16xf32>
        %add3A_437 = arith.addf %mul3A_432, %mul3A_436 : vector<16xf32>
        %get3A_438 = arith.index_cast %add3A_428 : i32 to index
        %get3A_439 = arith.constant 32 : index
        %get3A_440 = tpu.vector_load %arg9[%get3A_438, %get3A_439] {strides = array<i32>} : memref<208x64xf32, #tpu.memory_space<vmem>>, vector<16xf32>,
        %mul3A_441 = arith.mulf %get3A_440, %get3A_149 : vector<16xf32>
        %add3A_442 = arith.addf %add3A_437, %mul3A_441 : vector<16xf32>
        %get3A_443 = arith.index_cast %add3A_428 : i32 to index
        %get3A_444 = arith.constant 48 : index
        %get3A_445 = tpu.vector_load %arg9[%get3A_443, %get3A_444] {strides = array<i32>} : memref<208x64xf32, #tpu.memory_space<vmem>>, vector<16xf32>,
        %mul3A_446 = arith.mulf %get3A_445, %get3A_152 : vector<16xf32>
        %add3A_447 = arith.addf %add3A_442, %mul3A_446 : vector<16xf32>
        %add3A_448 = arith.constant 10 : i32
        %add3A_449 = arith.addi %mul3A_342, %add3A_448 : i32
        %get3A_450 = arith.index_cast %add3A_449 : i32 to index
        %get3A_451 = arith.constant 0 : index
        %get3A_452 = tpu.vector_load %arg9[%get3A_450, %get3A_451] {strides = array<i32>} : memref<208x64xf32, #tpu.memory_space<vmem>>, vector<16xf32>,
        %mul3A_453 = arith.mulf %get3A_452, %get3A_143 : vector<16xf32>
        %get3A_454 = arith.index_cast %add3A_449 : i32 to index
        %get3A_455 = arith.constant 16 : index
        %get3A_456 = tpu.vector_load %arg9[%get3A_454, %get3A_455] {strides = array<i32>} : memref<208x64xf32, #tpu.memory_space<vmem>>, vector<16xf32>,
        %mul3A_457 = arith.mulf %get3A_456, %get3A_146 : vector<16xf32>
        %add3A_458 = arith.addf %mul3A_453, %mul3A_457 : vector<16xf32>
        %get3A_459 = arith.index_cast %add3A_449 : i32 to index
        %get3A_460 = arith.constant 32 : index
        %get3A_461 = tpu.vector_load %arg9[%get3A_459, %get3A_460] {strides = array<i32>} : memref<208x64xf32, #tpu.memory_space<vmem>>, vector<16xf32>,
        %mul3A_462 = arith.mulf %get3A_461, %get3A_149 : vector<16xf32>
        %add3A_463 = arith.addf %add3A_458, %mul3A_462 : vector<16xf32>
        %get3A_464 = arith.index_cast %add3A_449 : i32 to index
        %get3A_465 = arith.constant 48 : index
        %get3A_466 = tpu.vector_load %arg9[%get3A_464, %get3A_465] {strides = array<i32>} : memref<208x64xf32, #tpu.memory_space<vmem>>, vector<16xf32>,
        %mul3A_467 = arith.mulf %get3A_466, %get3A_152 : vector<16xf32>
        %add3A_468 = arith.addf %add3A_463, %mul3A_467 : vector<16xf32>
        %add3A_469 = arith.constant 6 : i32
        %add3A_470 = arith.addi %mul3A_342, %add3A_469 : i32
        %get3A_471 = arith.index_cast %add3A_470 : i32 to index
        %get3A_472 = arith.constant 0 : index
        %get3A_473 = tpu.vector_load %arg9[%get3A_471, %get3A_472] {strides = array<i32>} : memref<208x64xf32, #tpu.memory_space<vmem>>, vector<16xf32>,
        %mul3A_474 = arith.mulf %get3A_473, %get3A_143 : vector<16xf32>
        %get3A_475 = arith.index_cast %add3A_470 : i32 to index
        %get3A_476 = arith.constant 16 : index
        %get3A_477 = tpu.vector_load %arg9[%get3A_475, %get3A_476] {strides = array<i32>} : memref<208x64xf32, #tpu.memory_space<vmem>>, vector<16xf32>,
        %mul3A_478 = arith.mulf %get3A_477, %get3A_146 : vector<16xf32>
        %add3A_479 = arith.addf %mul3A_474, %mul3A_478 : vector<16xf32>
        %get3A_480 = arith.index_cast %add3A_470 : i32 to index
        %get3A_481 = arith.constant 32 : index
        %get3A_482 = tpu.vector_load %arg9[%get3A_480, %get3A_481] {strides = array<i32>} : memref<208x64xf32, #tpu.memory_space<vmem>>, vector<16xf32>,
        %mul3A_483 = arith.mulf %get3A_482, %get3A_149 : vector<16xf32>
        %add3A_484 = arith.addf %add3A_479, %mul3A_483 : vector<16xf32>
        %get3A_485 = arith.index_cast %add3A_470 : i32 to index
        %get3A_486 = arith.constant 48 : index
        %get3A_487 = tpu.vector_load %arg9[%get3A_485, %get3A_486] {strides = array<i32>} : memref<208x64xf32, #tpu.memory_space<vmem>>, vector<16xf32>,
        %mul3A_488 = arith.mulf %get3A_487, %get3A_152 : vector<16xf32>
        %add3A_489 = arith.addf %add3A_484, %mul3A_488 : vector<16xf32>
        %add3A_490 = arith.constant 14 : i32
        %add3A_491 = arith.addi %mul3A_342, %add3A_490 : i32
        %get3A_492 = arith.index_cast %add3A_491 : i32 to index
        %get3A_493 = arith.constant 0 : index
        %get3A_494 = tpu.vector_load %arg9[%get3A_492, %get3A_493] {strides = array<i32>} : memref<208x64xf32, #tpu.memory_space<vmem>>, vector<16xf32>,
        %mul3A_495 = arith.mulf %get3A_494, %get3A_143 : vector<16xf32>
        %get3A_496 = arith.index_cast %add3A_491 : i32 to index
        %get3A_497 = arith.constant 16 : index
        %get3A_498 = tpu.vector_load %arg9[%get3A_496, %get3A_497] {strides = array<i32>} : memref<208x64xf32, #tpu.memory_space<vmem>>, vector<16xf32>,
        %mul3A_499 = arith.mulf %get3A_498, %get3A_146 : vector<16xf32>
        %add3A_500 = arith.addf %mul3A_495, %mul3A_499 : vector<16xf32>
        %get3A_501 = arith.index_cast %add3A_491 : i32 to index
        %get3A_502 = arith.constant 32 : index
        %get3A_503 = tpu.vector_load %arg9[%get3A_501, %get3A_502] {strides = array<i32>} : memref<208x64xf32, #tpu.memory_space<vmem>>, vector<16xf32>,
        %mul3A_504 = arith.mulf %get3A_503, %get3A_149 : vector<16xf32>
        %add3A_505 = arith.addf %add3A_500, %mul3A_504 : vector<16xf32>
        %get3A_506 = arith.index_cast %add3A_491 : i32 to index
        %get3A_507 = arith.constant 48 : index
        %get3A_508 = tpu.vector_load %arg9[%get3A_506, %get3A_507] {strides = array<i32>} : memref<208x64xf32, #tpu.memory_space<vmem>>, vector<16xf32>,
        %mul3A_509 = arith.mulf %get3A_508, %get3A_152 : vector<16xf32>
        %add3A_510 = arith.addf %add3A_505, %mul3A_509 : vector<16xf32>
        %add3A_511 = arith.constant 1 : i32
        %add3A_512 = arith.addi %mul3A_342, %add3A_511 : i32
        %get3A_513 = arith.index_cast %add3A_512 : i32 to index
        %get3A_514 = arith.constant 0 : index
        %get3A_515 = tpu.vector_load %arg9[%get3A_513, %get3A_514] {strides = array<i32>} : memref<208x64xf32, #tpu.memory_space<vmem>>, vector<16xf32>,
        %mul3A_516 = arith.mulf %get3A_515, %get3A_143 : vector<16xf32>
        %get3A_517 = arith.index_cast %add3A_512 : i32 to index
        %get3A_518 = arith.constant 16 : index
        %get3A_519 = tpu.vector_load %arg9[%get3A_517, %get3A_518] {strides = array<i32>} : memref<208x64xf32, #tpu.memory_space<vmem>>, vector<16xf32>,
        %mul3A_520 = arith.mulf %get3A_519, %get3A_146 : vector<16xf32>
        %add3A_521 = arith.addf %mul3A_516, %mul3A_520 : vector<16xf32>
        %get3A_522 = arith.index_cast %add3A_512 : i32 to index
        %get3A_523 = arith.constant 32 : index
        %get3A_524 = tpu.vector_load %arg9[%get3A_522, %get3A_523] {strides = array<i32>} : memref<208x64xf32, #tpu.memory_space<vmem>>, vector<16xf32>,
        %mul3A_525 = arith.mulf %get3A_524, %get3A_149 : vector<16xf32>
        %add3A_526 = arith.addf %add3A_521, %mul3A_525 : vector<16xf32>
        %get3A_527 = arith.index_cast %add3A_512 : i32 to index
        %get3A_528 = arith.constant 48 : index
        %get3A_529 = tpu.vector_load %arg9[%get3A_527, %get3A_528] {strides = array<i32>} : memref<208x64xf32, #tpu.memory_space<vmem>>, vector<16xf32>,
        %mul3A_530 = arith.mulf %get3A_529, %get3A_152 : vector<16xf32>
        %add3A_531 = arith.addf %add3A_526, %mul3A_530 : vector<16xf32>
        %add3A_532 = arith.constant 9 : i32
        %add3A_533 = arith.addi %mul3A_342, %add3A_532 : i32
        %get3A_534 = arith.index_cast %add3A_533 : i32 to index
        %get3A_535 = arith.constant 0 : index
        %get3A_536 = tpu.vector_load %arg9[%get3A_534, %get3A_535] {strides = array<i32>} : memref<208x64xf32, #tpu.memory_space<vmem>>, vector<16xf32>,
        %mul3A_537 = arith.mulf %get3A_536, %get3A_143 : vector<16xf32>
        %get3A_538 = arith.index_cast %add3A_533 : i32 to index
        %get3A_539 = arith.constant 16 : index
        %get3A_540 = tpu.vector_load %arg9[%get3A_538, %get3A_539] {strides = array<i32>} : memref<208x64xf32, #tpu.memory_space<vmem>>, vector<16xf32>,
        %mul3A_541 = arith.mulf %get3A_540, %get3A_146 : vector<16xf32>
        %add3A_542 = arith.addf %mul3A_537, %mul3A_541 : vector<16xf32>
        %get3A_543 = arith.index_cast %add3A_533 : i32 to index
        %get3A_544 = arith.constant 32 : index
        %get3A_545 = tpu.vector_load %arg9[%get3A_543, %get3A_544] {strides = array<i32>} : memref<208x64xf32, #tpu.memory_space<vmem>>, vector<16xf32>,
        %mul3A_546 = arith.mulf %get3A_545, %get3A_149 : vector<16xf32>
        %add3A_547 = arith.addf %add3A_542, %mul3A_546 : vector<16xf32>
        %get3A_548 = arith.index_cast %add3A_533 : i32 to index
        %get3A_549 = arith.constant 48 : index
        %get3A_550 = tpu.vector_load %arg9[%get3A_548, %get3A_549] {strides = array<i32>} : memref<208x64xf32, #tpu.memory_space<vmem>>, vector<16xf32>,
        %mul3A_551 = arith.mulf %get3A_550, %get3A_152 : vector<16xf32>
        %add3A_552 = arith.addf %add3A_547, %mul3A_551 : vector<16xf32>
        %add3A_553 = arith.constant 5 : i32
        %add3A_554 = arith.addi %mul3A_342, %add3A_553 : i32
        %get3A_555 = arith.index_cast %add3A_554 : i32 to index
        %get3A_556 = arith.constant 0 : index
        %get3A_557 = tpu.vector_load %arg9[%get3A_555, %get3A_556] {strides = array<i32>} : memref<208x64xf32, #tpu.memory_space<vmem>>, vector<16xf32>,
        %mul3A_558 = arith.mulf %get3A_557, %get3A_143 : vector<16xf32>
        %get3A_559 = arith.index_cast %add3A_554 : i32 to index
        %get3A_560 = arith.constant 16 : index
        %get3A_561 = tpu.vector_load %arg9[%get3A_559, %get3A_560] {strides = array<i32>} : memref<208x64xf32, #tpu.memory_space<vmem>>, vector<16xf32>,
        %mul3A_562 = arith.mulf %get3A_561, %get3A_146 : vector<16xf32>
        %add3A_563 = arith.addf %mul3A_558, %mul3A_562 : vector<16xf32>
        %get3A_564 = arith.index_cast %add3A_554 : i32 to index
        %get3A_565 = arith.constant 32 : index
        %get3A_566 = tpu.vector_load %arg9[%get3A_564, %get3A_565] {strides = array<i32>} : memref<208x64xf32, #tpu.memory_space<vmem>>, vector<16xf32>,
        %mul3A_567 = arith.mulf %get3A_566, %get3A_149 : vector<16xf32>
        %add3A_568 = arith.addf %add3A_563, %mul3A_567 : vector<16xf32>
        %get3A_569 = arith.index_cast %add3A_554 : i32 to index
        %get3A_570 = arith.constant 48 : index
        %get3A_571 = tpu.vector_load %arg9[%get3A_569, %get3A_570] {strides = array<i32>} : memref<208x64xf32, #tpu.memory_space<vmem>>, vector<16xf32>,
        %mul3A_572 = arith.mulf %get3A_571, %get3A_152 : vector<16xf32>
        %add3A_573 = arith.addf %add3A_568, %mul3A_572 : vector<16xf32>
        %add3A_574 = arith.constant 13 : i32
        %add3A_575 = arith.addi %mul3A_342, %add3A_574 : i32
        %get3A_576 = arith.index_cast %add3A_575 : i32 to index
        %get3A_577 = arith.constant 0 : index
        %get3A_578 = tpu.vector_load %arg9[%get3A_576, %get3A_577] {strides = array<i32>} : memref<208x64xf32, #tpu.memory_space<vmem>>, vector<16xf32>,
        %mul3A_579 = arith.mulf %get3A_578, %get3A_143 : vector<16xf32>
        %get3A_580 = arith.index_cast %add3A_575 : i32 to index
        %get3A_581 = arith.constant 16 : index
        %get3A_582 = tpu.vector_load %arg9[%get3A_580, %get3A_581] {strides = array<i32>} : memref<208x64xf32, #tpu.memory_space<vmem>>, vector<16xf32>,
        %mul3A_583 = arith.mulf %get3A_582, %get3A_146 : vector<16xf32>
        %add3A_584 = arith.addf %mul3A_579, %mul3A_583 : vector<16xf32>
        %get3A_585 = arith.index_cast %add3A_575 : i32 to index
        %get3A_586 = arith.constant 32 : index
        %get3A_587 = tpu.vector_load %arg9[%get3A_585, %get3A_586] {strides = array<i32>} : memref<208x64xf32, #tpu.memory_space<vmem>>, vector<16xf32>,
        %mul3A_588 = arith.mulf %get3A_587, %get3A_149 : vector<16xf32>
        %add3A_589 = arith.addf %add3A_584, %mul3A_588 : vector<16xf32>
        %get3A_590 = arith.index_cast %add3A_575 : i32 to index
        %get3A_591 = arith.constant 48 : index
        %get3A_592 = tpu.vector_load %arg9[%get3A_590, %get3A_591] {strides = array<i32>} : memref<208x64xf32, #tpu.memory_space<vmem>>, vector<16xf32>,
        %mul3A_593 = arith.mulf %get3A_592, %get3A_152 : vector<16xf32>
        %add3A_594 = arith.addf %add3A_589, %mul3A_593 : vector<16xf32>
        %add3A_595 = arith.constant 3 : i32
        %add3A_596 = arith.addi %mul3A_342, %add3A_595 : i32
        %get3A_597 = arith.index_cast %add3A_596 : i32 to index
        %get3A_598 = arith.constant 0 : index
        %get3A_599 = tpu.vector_load %arg9[%get3A_597, %get3A_598] {strides = array<i32>} : memref<208x64xf32, #tpu.memory_space<vmem>>, vector<16xf32>,
        %mul3A_600 = arith.mulf %get3A_599, %get3A_143 : vector<16xf32>
        %get3A_601 = arith.index_cast %add3A_596 : i32 to index
        %get3A_602 = arith.constant 16 : index
        %get3A_603 = tpu.vector_load %arg9[%get3A_601, %get3A_602] {strides = array<i32>} : memref<208x64xf32, #tpu.memory_space<vmem>>, vector<16xf32>,
        %mul3A_604 = arith.mulf %get3A_603, %get3A_146 : vector<16xf32>
        %add3A_605 = arith.addf %mul3A_600, %mul3A_604 : vector<16xf32>
        %get3A_606 = arith.index_cast %add3A_596 : i32 to index
        %get3A_607 = arith.constant 32 : index
        %get3A_608 = tpu.vector_load %arg9[%get3A_606, %get3A_607] {strides = array<i32>} : memref<208x64xf32, #tpu.memory_space<vmem>>, vector<16xf32>,
        %mul3A_609 = arith.mulf %get3A_608, %get3A_149 : vector<16xf32>
        %add3A_610 = arith.addf %add3A_605, %mul3A_609 : vector<16xf32>
        %get3A_611 = arith.index_cast %add3A_596 : i32 to index
        %get3A_612 = arith.constant 48 : index
        %get3A_613 = tpu.vector_load %arg9[%get3A_611, %get3A_612] {strides = array<i32>} : memref<208x64xf32, #tpu.memory_space<vmem>>, vector<16xf32>,
        %mul3A_614 = arith.mulf %get3A_613, %get3A_152 : vector<16xf32>
        %add3A_615 = arith.addf %add3A_610, %mul3A_614 : vector<16xf32>
        %add3A_616 = arith.constant 11 : i32
        %add3A_617 = arith.addi %mul3A_342, %add3A_616 : i32
        %get3A_618 = arith.index_cast %add3A_617 : i32 to index
        %get3A_619 = arith.constant 0 : index
        %get3A_620 = tpu.vector_load %arg9[%get3A_618, %get3A_619] {strides = array<i32>} : memref<208x64xf32, #tpu.memory_space<vmem>>, vector<16xf32>,
        %mul3A_621 = arith.mulf %get3A_620, %get3A_143 : vector<16xf32>
        %get3A_622 = arith.index_cast %add3A_617 : i32 to index
        %get3A_623 = arith.constant 16 : index
        %get3A_624 = tpu.vector_load %arg9[%get3A_622, %get3A_623] {strides = array<i32>} : memref<208x64xf32, #tpu.memory_space<vmem>>, vector<16xf32>,
        %mul3A_625 = arith.mulf %get3A_624, %get3A_146 : vector<16xf32>
        %add3A_626 = arith.addf %mul3A_621, %mul3A_625 : vector<16xf32>
        %get3A_627 = arith.index_cast %add3A_617 : i32 to index
        %get3A_628 = arith.constant 32 : index
        %get3A_629 = tpu.vector_load %arg9[%get3A_627, %get3A_628] {strides = array<i32>} : memref<208x64xf32, #tpu.memory_space<vmem>>, vector<16xf32>,
        %mul3A_630 = arith.mulf %get3A_629, %get3A_149 : vector<16xf32>
        %add3A_631 = arith.addf %add3A_626, %mul3A_630 : vector<16xf32>
        %get3A_632 = arith.index_cast %add3A_617 : i32 to index
        %get3A_633 = arith.constant 48 : index
        %get3A_634 = tpu.vector_load %arg9[%get3A_632, %get3A_633] {strides = array<i32>} : memref<208x64xf32, #tpu.memory_space<vmem>>, vector<16xf32>,
        %mul3A_635 = arith.mulf %get3A_634, %get3A_152 : vector<16xf32>
        %add3A_636 = arith.addf %add3A_631, %mul3A_635 : vector<16xf32>
        %add3A_637 = arith.constant 7 : i32
        %add3A_638 = arith.addi %mul3A_342, %add3A_637 : i32
        %get3A_639 = arith.index_cast %add3A_638 : i32 to index
        %get3A_640 = arith.constant 0 : index
        %get3A_641 = tpu.vector_load %arg9[%get3A_639, %get3A_640] {strides = array<i32>} : memref<208x64xf32, #tpu.memory_space<vmem>>, vector<16xf32>,
        %mul3A_642 = arith.mulf %get3A_641, %get3A_143 : vector<16xf32>
        %get3A_643 = arith.index_cast %add3A_638 : i32 to index
        %get3A_644 = arith.constant 16 : index
        %get3A_645 = tpu.vector_load %arg9[%get3A_643, %get3A_644] {strides = array<i32>} : memref<208x64xf32, #tpu.memory_space<vmem>>, vector<16xf32>,
        %mul3A_646 = arith.mulf %get3A_645, %get3A_146 : vector<16xf32>
        %add3A_647 = arith.addf %mul3A_642, %mul3A_646 : vector<16xf32>
        %get3A_648 = arith.index_cast %add3A_638 : i32 to index
        %get3A_649 = arith.constant 32 : index
        %get3A_650 = tpu.vector_load %arg9[%get3A_648, %get3A_649] {strides = array<i32>} : memref<208x64xf32, #tpu.memory_space<vmem>>, vector<16xf32>,
        %mul3A_651 = arith.mulf %get3A_650, %get3A_149 : vector<16xf32>
        %add3A_652 = arith.addf %add3A_647, %mul3A_651 : vector<16xf32>
        %get3A_653 = arith.index_cast %add3A_638 : i32 to index
        %get3A_654 = arith.constant 48 : index
        %get3A_655 = tpu.vector_load %arg9[%get3A_653, %get3A_654] {strides = array<i32>} : memref<208x64xf32, #tpu.memory_space<vmem>>, vector<16xf32>,
        %mul3A_656 = arith.mulf %get3A_655, %get3A_152 : vector<16xf32>
        %add3A_657 = arith.addf %add3A_652, %mul3A_656 : vector<16xf32>
        %add3A_658 = arith.constant 15 : i32
        %add3A_659 = arith.addi %mul3A_342, %add3A_658 : i32
        %get3A_660 = arith.index_cast %add3A_659 : i32 to index
        %get3A_661 = arith.constant 0 : index
        %get3A_662 = tpu.vector_load %arg9[%get3A_660, %get3A_661] {strides = array<i32>} : memref<208x64xf32, #tpu.memory_space<vmem>>, vector<16xf32>,
        %mul3A_663 = arith.mulf %get3A_662, %get3A_143 : vector<16xf32>
        %get3A_664 = arith.index_cast %add3A_659 : i32 to index
        %get3A_665 = arith.constant 16 : index
        %get3A_666 = tpu.vector_load %arg9[%get3A_664, %get3A_665] {strides = array<i32>} : memref<208x64xf32, #tpu.memory_space<vmem>>, vector<16xf32>,
        %mul3A_667 = arith.mulf %get3A_666, %get3A_146 : vector<16xf32>
        %add3A_668 = arith.addf %mul3A_663, %mul3A_667 : vector<16xf32>
        %get3A_669 = arith.index_cast %add3A_659 : i32 to index
        %get3A_670 = arith.constant 32 : index
        %get3A_671 = tpu.vector_load %arg9[%get3A_669, %get3A_670] {strides = array<i32>} : memref<208x64xf32, #tpu.memory_space<vmem>>, vector<16xf32>,
        %mul3A_672 = arith.mulf %get3A_671, %get3A_149 : vector<16xf32>
        %add3A_673 = arith.addf %add3A_668, %mul3A_672 : vector<16xf32>
        %get3A_674 = arith.index_cast %add3A_659 : i32 to index
        %get3A_675 = arith.constant 48 : index
        %get3A_676 = tpu.vector_load %arg9[%get3A_674, %get3A_675] {strides = array<i32>} : memref<208x64xf32, #tpu.memory_space<vmem>>, vector<16xf32>,
        %mul3A_677 = arith.mulf %get3A_676, %get3A_152 : vector<16xf32>
        %add3A_678 = arith.addf %add3A_673, %mul3A_677 : vector<16xf32>
        %iota3A = tpu.iota {dimensions = array<i32: 0>} : vector<16xi32>
        %and3A = arith.constant 8 : i32
        %and3A_679 = vector.broadcast %and3A : i32 to vector<16xi32>
        %and3A_680 = arith.andi %iota3A, %and3A_679 : vector<16xi32>
        %eq3A = arith.constant 0 : i32
        %eq3A_681 = vector.broadcast %eq3A : i32 to vector<16xi32>
        %eq3A_682 = arith.cmpi eq, %and3A_680, %eq3A_681 : vector<16xi32>
        %xor3A = arith.constant 8 : i32
        %xor3A_683 = vector.broadcast %xor3A : i32 to vector<16xi32>
        %xor3A_684 = arith.xori %iota3A, %xor3A_683 : vector<16xi32>
        %broadcast_in_dim3A = vector.shape_cast %xor3A_684 : vector<16xi32> to vector<16x1xi32>
        %gather3A = vector.shape_cast %broadcast_in_dim3A : vector<16x1xi32> to vector<16xi32>
        %gather3A_685 = tpu.dynamic_gather %add3A_363[%gather3A] in [0] : vector<16xf32>, vector<16xi32> -> vector<16xf32>
        %add3A_686 = arith.addf %add3A_363, %gather3A_685 : vector<16xf32>
        %broadcast_in_dim3A_687 = vector.shape_cast %xor3A_684 : vector<16xi32> to vector<16x1xi32>
        %gather3A_688 = vector.shape_cast %broadcast_in_dim3A_687 : vector<16x1xi32> to vector<16xi32>
        %gather3A_689 = tpu.dynamic_gather %add3A_384[%gather3A_688] in [0] : vector<16xf32>, vector<16xi32> -> vector<16xf32>
        %add3A_690 = arith.addf %add3A_384, %gather3A_689 : vector<16xf32>
        %select_n3A = arith.select %eq3A_682, %add3A_686, %add3A_690 : vector<16xi1>, vector<16xf32>
        %broadcast_in_dim3A_691 = vector.shape_cast %xor3A_684 : vector<16xi32> to vector<16x1xi32>
        %gather3A_692 = vector.shape_cast %broadcast_in_dim3A_691 : vector<16x1xi32> to vector<16xi32>
        %gather3A_693 = tpu.dynamic_gather %add3A_405[%gather3A_692] in [0] : vector<16xf32>, vector<16xi32> -> vector<16xf32>
        %add3A_694 = arith.addf %add3A_405, %gather3A_693 : vector<16xf32>
        %broadcast_in_dim3A_695 = vector.shape_cast %xor3A_684 : vector<16xi32> to vector<16x1xi32>
        %gather3A_696 = vector.shape_cast %broadcast_in_dim3A_695 : vector<16x1xi32> to vector<16xi32>
        %gather3A_697 = tpu.dynamic_gather %add3A_426[%gather3A_696] in [0] : vector<16xf32>, vector<16xi32> -> vector<16xf32>
        %add3A_698 = arith.addf %add3A_426, %gather3A_697 : vector<16xf32>
        %select_n3A_699 = arith.select %eq3A_682, %add3A_694, %add3A_698 : vector<16xi1>, vector<16xf32>
        %broadcast_in_dim3A_700 = vector.shape_cast %xor3A_684 : vector<16xi32> to vector<16x1xi32>
        %gather3A_701 = vector.shape_cast %broadcast_in_dim3A_700 : vector<16x1xi32> to vector<16xi32>
        %gather3A_702 = tpu.dynamic_gather %add3A_447[%gather3A_701] in [0] : vector<16xf32>, vector<16xi32> -> vector<16xf32>
        %add3A_703 = arith.addf %add3A_447, %gather3A_702 : vector<16xf32>
        %broadcast_in_dim3A_704 = vector.shape_cast %xor3A_684 : vector<16xi32> to vector<16x1xi32>
        %gather3A_705 = vector.shape_cast %broadcast_in_dim3A_704 : vector<16x1xi32> to vector<16xi32>
        %gather3A_706 = tpu.dynamic_gather %add3A_468[%gather3A_705] in [0] : vector<16xf32>, vector<16xi32> -> vector<16xf32>
        %add3A_707 = arith.addf %add3A_468, %gather3A_706 : vector<16xf32>
        %select_n3A_708 = arith.select %eq3A_682, %add3A_703, %add3A_707 : vector<16xi1>, vector<16xf32>
        %broadcast_in_dim3A_709 = vector.shape_cast %xor3A_684 : vector<16xi32> to vector<16x1xi32>
        %gather3A_710 = vector.shape_cast %broadcast_in_dim3A_709 : vector<16x1xi32> to vector<16xi32>
        %gather3A_711 = tpu.dynamic_gather %add3A_489[%gather3A_710] in [0] : vector<16xf32>, vector<16xi32> -> vector<16xf32>
        %add3A_712 = arith.addf %add3A_489, %gather3A_711 : vector<16xf32>
        %broadcast_in_dim3A_713 = vector.shape_cast %xor3A_684 : vector<16xi32> to vector<16x1xi32>
        %gather3A_714 = vector.shape_cast %broadcast_in_dim3A_713 : vector<16x1xi32> to vector<16xi32>
        %gather3A_715 = tpu.dynamic_gather %add3A_510[%gather3A_714] in [0] : vector<16xf32>, vector<16xi32> -> vector<16xf32>
        %add3A_716 = arith.addf %add3A_510, %gather3A_715 : vector<16xf32>
        %select_n3A_717 = arith.select %eq3A_682, %add3A_712, %add3A_716 : vector<16xi1>, vector<16xf32>
        %broadcast_in_dim3A_718 = vector.shape_cast %xor3A_684 : vector<16xi32> to vector<16x1xi32>
        %gather3A_719 = vector.shape_cast %broadcast_in_dim3A_718 : vector<16x1xi32> to vector<16xi32>
        %gather3A_720 = tpu.dynamic_gather %add3A_531[%gather3A_719] in [0] : vector<16xf32>, vector<16xi32> -> vector<16xf32>
        %add3A_721 = arith.addf %add3A_531, %gather3A_720 : vector<16xf32>
        %broadcast_in_dim3A_722 = vector.shape_cast %xor3A_684 : vector<16xi32> to vector<16x1xi32>
        %gather3A_723 = vector.shape_cast %broadcast_in_dim3A_722 : vector<16x1xi32> to vector<16xi32>
        %gather3A_724 = tpu.dynamic_gather %add3A_552[%gather3A_723] in [0] : vector<16xf32>, vector<16xi32> -> vector<16xf32>
        %add3A_725 = arith.addf %add3A_552, %gather3A_724 : vector<16xf32>
        %select_n3A_726 = arith.select %eq3A_682, %add3A_721, %add3A_725 : vector<16xi1>, vector<16xf32>
        %broadcast_in_dim3A_727 = vector.shape_cast %xor3A_684 : vector<16xi32> to vector<16x1xi32>
        %gather3A_728 = vector.shape_cast %broadcast_in_dim3A_727 : vector<16x1xi32> to vector<16xi32>
        %gather3A_729 = tpu.dynamic_gather %add3A_573[%gather3A_728] in [0] : vector<16xf32>, vector<16xi32> -> vector<16xf32>
        %add3A_730 = arith.addf %add3A_573, %gather3A_729 : vector<16xf32>
        %broadcast_in_dim3A_731 = vector.shape_cast %xor3A_684 : vector<16xi32> to vector<16x1xi32>
        %gather3A_732 = vector.shape_cast %broadcast_in_dim3A_731 : vector<16x1xi32> to vector<16xi32>
        %gather3A_733 = tpu.dynamic_gather %add3A_594[%gather3A_732] in [0] : vector<16xf32>, vector<16xi32> -> vector<16xf32>
        %add3A_734 = arith.addf %add3A_594, %gather3A_733 : vector<16xf32>
        %select_n3A_735 = arith.select %eq3A_682, %add3A_730, %add3A_734 : vector<16xi1>, vector<16xf32>
        %broadcast_in_dim3A_736 = vector.shape_cast %xor3A_684 : vector<16xi32> to vector<16x1xi32>
        %gather3A_737 = vector.shape_cast %broadcast_in_dim3A_736 : vector<16x1xi32> to vector<16xi32>
        %gather3A_738 = tpu.dynamic_gather %add3A_615[%gather3A_737] in [0] : vector<16xf32>, vector<16xi32> -> vector<16xf32>
        %add3A_739 = arith.addf %add3A_615, %gather3A_738 : vector<16xf32>
        %broadcast_in_dim3A_740 = vector.shape_cast %xor3A_684 : vector<16xi32> to vector<16x1xi32>
        %gather3A_741 = vector.shape_cast %broadcast_in_dim3A_740 : vector<16x1xi32> to vector<16xi32>
        %gather3A_742 = tpu.dynamic_gather %add3A_636[%gather3A_741] in [0] : vector<16xf32>, vector<16xi32> -> vector<16xf32>
        %add3A_743 = arith.addf %add3A_636, %gather3A_742 : vector<16xf32>
        %select_n3A_744 = arith.select %eq3A_682, %add3A_739, %add3A_743 : vector<16xi1>, vector<16xf32>
        %broadcast_in_dim3A_745 = vector.shape_cast %xor3A_684 : vector<16xi32> to vector<16x1xi32>
        %gather3A_746 = vector.shape_cast %broadcast_in_dim3A_745 : vector<16x1xi32> to vector<16xi32>
        %gather3A_747 = tpu.dynamic_gather %add3A_657[%gather3A_746] in [0] : vector<16xf32>, vector<16xi32> -> vector<16xf32>
        %add3A_748 = arith.addf %add3A_657, %gather3A_747 : vector<16xf32>
        %broadcast_in_dim3A_749 = vector.shape_cast %xor3A_684 : vector<16xi32> to vector<16x1xi32>
        %gather3A_750 = vector.shape_cast %broadcast_in_dim3A_749 : vector<16x1xi32> to vector<16xi32>
        %gather3A_751 = tpu.dynamic_gather %add3A_678[%gather3A_750] in [0] : vector<16xf32>, vector<16xi32> -> vector<16xf32>
        %add3A_752 = arith.addf %add3A_678, %gather3A_751 : vector<16xf32>
        %select_n3A_753 = arith.select %eq3A_682, %add3A_748, %add3A_752 : vector<16xi1>, vector<16xf32>
        %and3A_754 = arith.constant 4 : i32
        %and3A_755 = vector.broadcast %and3A_754 : i32 to vector<16xi32>
        %and3A_756 = arith.andi %iota3A, %and3A_755 : vector<16xi32>
        %eq3A_757 = arith.constant 0 : i32
        %eq3A_758 = vector.broadcast %eq3A_757 : i32 to vector<16xi32>
        %eq3A_759 = arith.cmpi eq, %and3A_756, %eq3A_758 : vector<16xi32>
        %xor3A_760 = arith.constant 4 : i32
        %xor3A_761 = vector.broadcast %xor3A_760 : i32 to vector<16xi32>
        %xor3A_762 = arith.xori %iota3A, %xor3A_761 : vector<16xi32>
        %broadcast_in_dim3A_763 = vector.shape_cast %xor3A_762 : vector<16xi32> to vector<16x1xi32>
        %gather3A_764 = vector.shape_cast %broadcast_in_dim3A_763 : vector<16x1xi32> to vector<16xi32>
        %gather3A_765 = tpu.dynamic_gather %select_n3A[%gather3A_764] in [0] : vector<16xf32>, vector<16xi32> -> vector<16xf32>
        %add3A_766 = arith.addf %select_n3A, %gather3A_765 : vector<16xf32>
        %broadcast_in_dim3A_767 = vector.shape_cast %xor3A_762 : vector<16xi32> to vector<16x1xi32>
        %gather3A_768 = vector.shape_cast %broadcast_in_dim3A_767 : vector<16x1xi32> to vector<16xi32>
        %gather3A_769 = tpu.dynamic_gather %select_n3A_699[%gather3A_768] in [0] : vector<16xf32>, vector<16xi32> -> vector<16xf32>
        %add3A_770 = arith.addf %select_n3A_699, %gather3A_769 : vector<16xf32>
        %select_n3A_771 = arith.select %eq3A_759, %add3A_766, %add3A_770 : vector<16xi1>, vector<16xf32>
        %broadcast_in_dim3A_772 = vector.shape_cast %xor3A_762 : vector<16xi32> to vector<16x1xi32>
        %gather3A_773 = vector.shape_cast %broadcast_in_dim3A_772 : vector<16x1xi32> to vector<16xi32>
        %gather3A_774 = tpu.dynamic_gather %select_n3A_708[%gather3A_773] in [0] : vector<16xf32>, vector<16xi32> -> vector<16xf32>
        %add3A_775 = arith.addf %select_n3A_708, %gather3A_774 : vector<16xf32>
        %broadcast_in_dim3A_776 = vector.shape_cast %xor3A_762 : vector<16xi32> to vector<16x1xi32>
        %gather3A_777 = vector.shape_cast %broadcast_in_dim3A_776 : vector<16x1xi32> to vector<16xi32>
        %gather3A_778 = tpu.dynamic_gather %select_n3A_717[%gather3A_777] in [0] : vector<16xf32>, vector<16xi32> -> vector<16xf32>
        %add3A_779 = arith.addf %select_n3A_717, %gather3A_778 : vector<16xf32>
        %select_n3A_780 = arith.select %eq3A_759, %add3A_775, %add3A_779 : vector<16xi1>, vector<16xf32>
        %broadcast_in_dim3A_781 = vector.shape_cast %xor3A_762 : vector<16xi32> to vector<16x1xi32>
        %gather3A_782 = vector.shape_cast %broadcast_in_dim3A_781 : vector<16x1xi32> to vector<16xi32>
        %gather3A_783 = tpu.dynamic_gather %select_n3A_726[%gather3A_782] in [0] : vector<16xf32>, vector<16xi32> -> vector<16xf32>
        %add3A_784 = arith.addf %select_n3A_726, %gather3A_783 : vector<16xf32>
        %broadcast_in_dim3A_785 = vector.shape_cast %xor3A_762 : vector<16xi32> to vector<16x1xi32>
        %gather3A_786 = vector.shape_cast %broadcast_in_dim3A_785 : vector<16x1xi32> to vector<16xi32>
        %gather3A_787 = tpu.dynamic_gather %select_n3A_735[%gather3A_786] in [0] : vector<16xf32>, vector<16xi32> -> vector<16xf32>
        %add3A_788 = arith.addf %select_n3A_735, %gather3A_787 : vector<16xf32>
        %select_n3A_789 = arith.select %eq3A_759, %add3A_784, %add3A_788 : vector<16xi1>, vector<16xf32>
        %broadcast_in_dim3A_790 = vector.shape_cast %xor3A_762 : vector<16xi32> to vector<16x1xi32>
        %gather3A_791 = vector.shape_cast %broadcast_in_dim3A_790 : vector<16x1xi32> to vector<16xi32>
        %gather3A_792 = tpu.dynamic_gather %select_n3A_744[%gather3A_791] in [0] : vector<16xf32>, vector<16xi32> -> vector<16xf32>
        %add3A_793 = arith.addf %select_n3A_744, %gather3A_792 : vector<16xf32>
        %broadcast_in_dim3A_794 = vector.shape_cast %xor3A_762 : vector<16xi32> to vector<16x1xi32>
        %gather3A_795 = vector.shape_cast %broadcast_in_dim3A_794 : vector<16x1xi32> to vector<16xi32>
        %gather3A_796 = tpu.dynamic_gather %select_n3A_753[%gather3A_795] in [0] : vector<16xf32>, vector<16xi32> -> vector<16xf32>
        %add3A_797 = arith.addf %select_n3A_753, %gather3A_796 : vector<16xf32>
        %select_n3A_798 = arith.select %eq3A_759, %add3A_793, %add3A_797 : vector<16xi1>, vector<16xf32>
        %and3A_799 = arith.constant 2 : i32
        %and3A_800 = vector.broadcast %and3A_799 : i32 to vector<16xi32>
        %and3A_801 = arith.andi %iota3A, %and3A_800 : vector<16xi32>
        %eq3A_802 = arith.constant 0 : i32
        %eq3A_803 = vector.broadcast %eq3A_802 : i32 to vector<16xi32>
        %eq3A_804 = arith.cmpi eq, %and3A_801, %eq3A_803 : vector<16xi32>
        %xor3A_805 = arith.constant 2 : i32
        %xor3A_806 = vector.broadcast %xor3A_805 : i32 to vector<16xi32>
        %xor3A_807 = arith.xori %iota3A, %xor3A_806 : vector<16xi32>
        %broadcast_in_dim3A_808 = vector.shape_cast %xor3A_807 : vector<16xi32> to vector<16x1xi32>
        %gather3A_809 = vector.shape_cast %broadcast_in_dim3A_808 : vector<16x1xi32> to vector<16xi32>
        %gather3A_810 = tpu.dynamic_gather %select_n3A_771[%gather3A_809] in [0] : vector<16xf32>, vector<16xi32> -> vector<16xf32>
        %add3A_811 = arith.addf %select_n3A_771, %gather3A_810 : vector<16xf32>
        %broadcast_in_dim3A_812 = vector.shape_cast %xor3A_807 : vector<16xi32> to vector<16x1xi32>
        %gather3A_813 = vector.shape_cast %broadcast_in_dim3A_812 : vector<16x1xi32> to vector<16xi32>
        %gather3A_814 = tpu.dynamic_gather %select_n3A_780[%gather3A_813] in [0] : vector<16xf32>, vector<16xi32> -> vector<16xf32>
        %add3A_815 = arith.addf %select_n3A_780, %gather3A_814 : vector<16xf32>
        %select_n3A_816 = arith.select %eq3A_804, %add3A_811, %add3A_815 : vector<16xi1>, vector<16xf32>
        %broadcast_in_dim3A_817 = vector.shape_cast %xor3A_807 : vector<16xi32> to vector<16x1xi32>
        %gather3A_818 = vector.shape_cast %broadcast_in_dim3A_817 : vector<16x1xi32> to vector<16xi32>
        %gather3A_819 = tpu.dynamic_gather %select_n3A_789[%gather3A_818] in [0] : vector<16xf32>, vector<16xi32> -> vector<16xf32>
        %add3A_820 = arith.addf %select_n3A_789, %gather3A_819 : vector<16xf32>
        %broadcast_in_dim3A_821 = vector.shape_cast %xor3A_807 : vector<16xi32> to vector<16x1xi32>
        %gather3A_822 = vector.shape_cast %broadcast_in_dim3A_821 : vector<16x1xi32> to vector<16xi32>
        %gather3A_823 = tpu.dynamic_gather %select_n3A_798[%gather3A_822] in [0] : vector<16xf32>, vector<16xi32> -> vector<16xf32>
        %add3A_824 = arith.addf %select_n3A_798, %gather3A_823 : vector<16xf32>
        %select_n3A_825 = arith.select %eq3A_804, %add3A_820, %add3A_824 : vector<16xi1>, vector<16xf32>
        %and3A_826 = arith.constant 1 : i32
        %and3A_827 = vector.broadcast %and3A_826 : i32 to vector<16xi32>
        %and3A_828 = arith.andi %iota3A, %and3A_827 : vector<16xi32>
        %eq3A_829 = arith.constant 0 : i32
        %eq3A_830 = vector.broadcast %eq3A_829 : i32 to vector<16xi32>
        %eq3A_831 = arith.cmpi eq, %and3A_828, %eq3A_830 : vector<16xi32>
        %xor3A_832 = arith.constant 1 : i32
        %xor3A_833 = vector.broadcast %xor3A_832 : i32 to vector<16xi32>
        %xor3A_834 = arith.xori %iota3A, %xor3A_833 : vector<16xi32>
        %broadcast_in_dim3A_835 = vector.shape_cast %xor3A_834 : vector<16xi32> to vector<16x1xi32>
        %gather3A_836 = vector.shape_cast %broadcast_in_dim3A_835 : vector<16x1xi32> to vector<16xi32>
        %gather3A_837 = tpu.dynamic_gather %select_n3A_816[%gather3A_836] in [0] : vector<16xf32>, vector<16xi32> -> vector<16xf32>
        %add3A_838 = arith.addf %select_n3A_816, %gather3A_837 : vector<16xf32>
        %broadcast_in_dim3A_839 = vector.shape_cast %xor3A_834 : vector<16xi32> to vector<16x1xi32>
        %gather3A_840 = vector.shape_cast %broadcast_in_dim3A_839 : vector<16x1xi32> to vector<16xi32>
        %gather3A_841 = tpu.dynamic_gather %select_n3A_825[%gather3A_840] in [0] : vector<16xf32>, vector<16xi32> -> vector<16xf32>
        %add3A_842 = arith.addf %select_n3A_825, %gather3A_841 : vector<16xf32>
        %select_n3A_843 = arith.select %eq3A_831, %add3A_838, %add3A_842 : vector<16xi1>, vector<16xf32>
        %get3A_844 = arith.index_cast %mul3A_342 : i32 to index
        %get3A_845 = tpu.vector_load %arg13[%get3A_844] {strides = array<i32>} : memref<208xf32, #tpu.memory_space<vmem>>, vector<16xf32>,
        %add3A_846 = arith.addf %select_n3A_843, %get3A_845 : vector<16xf32>
        %mul3A_847 = arith.constant 200 : i32
        %mul3A_848 = arith.muli %add3A_111, %mul3A_847 : i32
        %add3A_849 = arith.addi %mul3A_848, %mul3A_342 : i32
        %swap3A = arith.index_cast %add3A_849 : i32 to index
        %swap3A_850 = tpu.vector_load %arg17[%swap3A] {strides = array<i32>} : memref<25608xf32, #tpu.memory_space<vmem>>, vector<16xf32>,
        tpu.vector_store %arg17[%swap3A], %add3A_846 {strides = array<i32>} : memref<25608xf32, #tpu.memory_space<vmem>>, vector<16xf32>,
      }
      %scan3A_157 = arith.constant 13 : i32
      %add3A_158 = arith.constant 3 : i32
      %add3A_159 = arith.addi %add3A_111, %add3A_158 : i32
      %lt3A = arith.constant 128 : i32
      %lt3A_160 = arith.cmpi slt, %add3A_159, %lt3A : i32
      %convert_element_type3A = arith.extui %lt3A_160 : i1 to i32
      %cond3A = arith.constant 0 : i32
      %cond3A_161 = arith.cmpi ne, %convert_element_type3A, %cond3A : i32
      scf.if %cond3A_161 {
        %add3A_336 = arith.constant 3 : i32
        %add3A_337 = arith.addi %add3A_111, %add3A_336 : i32
        %mul3A_338 = arith.constant 200 : i32
        %mul3A_339 = arith.muli %add3A_337, %mul3A_338 : i32
        %dma_start3A_340 = arith.constant 0 : i32
        %dma_start3A_341 = arith.constant 0 : i32
        %dma_start3A_342 = tpu.memref_slice %arg12[%dma_start3A_340, %dma_start3A_341] : memref<208x64xf32, #tpu.memory_space<vmem>> -> memref<128x64xf32, #tpu.memory_space<vmem>>
        %dma_start3A_343 = tpu.memref_slice %arg7[%mul3A_339] : memref<25600xi32, #tpu.memory_space<vmem>> -> memref<128xi32, #tpu.memory_space<vmem>>
        %dma_start3A_344 = arith.constant 0 : i32
        %dma_start3A_345 = arith.constant 0 : i32
        %dma_start3A_346 = tpu.memref_slice %arg4[%dma_start3A_344, %dma_start3A_345] : memref<1000000x64xf32, #tpu.memory_space<hbm>> -> memref<1000000x64xf32, #tpu.memory_space<hbm>>
        tpu.enqueue_indirect_dma source(%dma_start3A_346 : memref<1000000x64xf32, #tpu.memory_space<hbm>>) target(%dma_start3A_342 : memref<128x64xf32, #tpu.memory_space<vmem>>) offsets(%dma_start3A_343 : memref<128xi32, #tpu.memory_space<vmem>>) semaphore(%arg22 : memref<!tpu.dma_semaphore, #tpu.memory_space<semaphore_mem>>)
        %add3A_347 = arith.constant 128 : i32
        %add3A_348 = arith.addi %mul3A_339, %add3A_347 : i32
        %dma_start3A_349 = arith.constant 128 : i32
        %dma_start3A_350 = arith.constant 0 : i32
        %dma_start3A_351 = tpu.memref_slice %arg12[%dma_start3A_349, %dma_start3A_350] : memref<208x64xf32, #tpu.memory_space<vmem>> -> memref<72x64xf32, #tpu.memory_space<vmem>>
        %dma_start3A_352 = tpu.memref_slice %arg7[%add3A_348] : memref<25600xi32, #tpu.memory_space<vmem>> -> memref<72xi32, #tpu.memory_space<vmem>>
        %dma_start3A_353 = arith.constant 0 : i32
        %dma_start3A_354 = arith.constant 0 : i32
        %dma_start3A_355 = tpu.memref_slice %arg4[%dma_start3A_353, %dma_start3A_354] : memref<1000000x64xf32, #tpu.memory_space<hbm>> -> memref<1000000x64xf32, #tpu.memory_space<hbm>>
        tpu.enqueue_indirect_dma source(%dma_start3A_355 : memref<1000000x64xf32, #tpu.memory_space<hbm>>) target(%dma_start3A_351 : memref<72x64xf32, #tpu.memory_space<vmem>>) offsets(%dma_start3A_352 : memref<72xi32, #tpu.memory_space<vmem>>) semaphore(%arg22 : memref<!tpu.dma_semaphore, #tpu.memory_space<semaphore_mem>>)
        %dma_start3A_356 = arith.constant 0 : i32
        %dma_start3A_357 = tpu.memref_slice %arg16[%dma_start3A_356] : memref<208xf32, #tpu.memory_space<vmem>> -> memref<128xf32, #tpu.memory_space<vmem>>
        %dma_start3A_358 = tpu.memref_slice %arg7[%mul3A_339] : memref<25600xi32, #tpu.memory_space<vmem>> -> memref<128xi32, #tpu.memory_space<vmem>>
        %dma_start3A_359 = arith.constant 0 : i32
        %dma_start3A_360 = tpu.memref_slice %arg5[%dma_start3A_359] : memref<1000000xf32, #tpu.memory_space<hbm>> -> memref<1000000xf32, #tpu.memory_space<hbm>>
        tpu.enqueue_indirect_dma source(%dma_start3A_360 : memref<1000000xf32, #tpu.memory_space<hbm>>) target(%dma_start3A_357 : memref<128xf32, #tpu.memory_space<vmem>>) offsets(%dma_start3A_358 : memref<128xi32, #tpu.memory_space<vmem>>) semaphore(%arg22 : memref<!tpu.dma_semaphore, #tpu.memory_space<semaphore_mem>>)
        %add3A_361 = arith.constant 128 : i32
        %add3A_362 = arith.addi %mul3A_339, %add3A_361 : i32
        %dma_start3A_363 = arith.constant 128 : i32
        %dma_start3A_364 = tpu.memref_slice %arg16[%dma_start3A_363] : memref<208xf32, #tpu.memory_space<vmem>> -> memref<72xf32, #tpu.memory_space<vmem>>
        %dma_start3A_365 = tpu.memref_slice %arg7[%add3A_362] : memref<25600xi32, #tpu.memory_space<vmem>> -> memref<72xi32, #tpu.memory_space<vmem>>
        %dma_start3A_366 = arith.constant 0 : i32
        %dma_start3A_367 = tpu.memref_slice %arg5[%dma_start3A_366] : memref<1000000xf32, #tpu.memory_space<hbm>> -> memref<1000000xf32, #tpu.memory_space<hbm>>
        tpu.enqueue_indirect_dma source(%dma_start3A_367 : memref<1000000xf32, #tpu.memory_space<hbm>>) target(%dma_start3A_364 : memref<72xf32, #tpu.memory_space<vmem>>) offsets(%dma_start3A_365 : memref<72xi32, #tpu.memory_space<vmem>>) semaphore(%arg22 : memref<!tpu.dma_semaphore, #tpu.memory_space<semaphore_mem>>)
      } else {
      }
      %mul3A_162 = arith.constant 4 : i32
      %mul3A_163 = arith.muli %add3A_107, %mul3A_162 : i32
      %add3A_164 = arith.constant 1 : i32
      %add3A_165 = arith.addi %mul3A_163, %add3A_164 : i32
      %mul3A_166 = arith.constant 200 : i32
      %mul3A_167 = arith.muli %add3A_165, %mul3A_166 : i32
      %dma_wait3A_168 = arith.constant 0 : i32
      %dma_wait3A_169 = arith.constant 0 : i32
      %dma_wait3A_170 = tpu.memref_slice %arg10[%dma_wait3A_168, %dma_wait3A_169] : memref<208x64xf32, #tpu.memory_space<vmem>> -> memref<128x64xf32, #tpu.memory_space<vmem>>
      %dma_wait3A_171 = tpu.memref_slice %arg7[%mul3A_167] : memref<25600xi32, #tpu.memory_space<vmem>> -> memref<128xi32, #tpu.memory_space<vmem>>
      %dma_wait3A_172 = arith.constant 0 : i32
      %dma_wait3A_173 = arith.constant 0 : i32
      %dma_wait3A_174 = tpu.memref_slice %arg4[%dma_wait3A_172, %dma_wait3A_173] : memref<1000000x64xf32, #tpu.memory_space<hbm>> -> memref<1000000x64xf32, #tpu.memory_space<hbm>>
      tpu.wait_indirect_dma semaphore(%arg20 : memref<!tpu.dma_semaphore, #tpu.memory_space<semaphore_mem>>) src(%dma_wait3A_174 : memref<1000000x64xf32, #tpu.memory_space<hbm>>) dst(%dma_wait3A_170 : memref<128x64xf32, #tpu.memory_space<vmem>>)
      %add3A_175 = arith.constant 128 : i32
      %add3A_176 = arith.addi %mul3A_167, %add3A_175 : i32
      %dma_wait3A_177 = arith.constant 128 : i32
      %dma_wait3A_178 = arith.constant 0 : i32
      %dma_wait3A_179 = tpu.memref_slice %arg10[%dma_wait3A_177, %dma_wait3A_178] : memref<208x64xf32, #tpu.memory_space<vmem>> -> memref<72x64xf32, #tpu.memory_space<vmem>>
      %dma_wait3A_180 = tpu.memref_slice %arg7[%add3A_176] : memref<25600xi32, #tpu.memory_space<vmem>> -> memref<72xi32, #tpu.memory_space<vmem>>
      %dma_wait3A_181 = arith.constant 0 : i32
      %dma_wait3A_182 = arith.constant 0 : i32
      %dma_wait3A_183 = tpu.memref_slice %arg4[%dma_wait3A_181, %dma_wait3A_182] : memref<1000000x64xf32, #tpu.memory_space<hbm>> -> memref<1000000x64xf32, #tpu.memory_space<hbm>>
      tpu.wait_indirect_dma semaphore(%arg20 : memref<!tpu.dma_semaphore, #tpu.memory_space<semaphore_mem>>) src(%dma_wait3A_183 : memref<1000000x64xf32, #tpu.memory_space<hbm>>) dst(%dma_wait3A_179 : memref<72x64xf32, #tpu.memory_space<vmem>>)
      %dma_wait3A_184 = arith.constant 0 : i32
      %dma_wait3A_185 = tpu.memref_slice %arg14[%dma_wait3A_184] : memref<208xf32, #tpu.memory_space<vmem>> -> memref<128xf32, #tpu.memory_space<vmem>>
      %dma_wait3A_186 = tpu.memref_slice %arg7[%mul3A_167] : memref<25600xi32, #tpu.memory_space<vmem>> -> memref<128xi32, #tpu.memory_space<vmem>>
      %dma_wait3A_187 = arith.constant 0 : i32
      %dma_wait3A_188 = tpu.memref_slice %arg5[%dma_wait3A_187] : memref<1000000xf32, #tpu.memory_space<hbm>> -> memref<1000000xf32, #tpu.memory_space<hbm>>
      tpu.wait_indirect_dma semaphore(%arg20 : memref<!tpu.dma_semaphore, #tpu.memory_space<semaphore_mem>>) src(%dma_wait3A_188 : memref<1000000xf32, #tpu.memory_space<hbm>>) dst(%dma_wait3A_185 : memref<128xf32, #tpu.memory_space<vmem>>)
      %add3A_189 = arith.constant 128 : i32
      %add3A_190 = arith.addi %mul3A_167, %add3A_189 : i32
      %dma_wait3A_191 = arith.constant 128 : i32
      %dma_wait3A_192 = tpu.memref_slice %arg14[%dma_wait3A_191] : memref<208xf32, #tpu.memory_space<vmem>> -> memref<72xf32, #tpu.memory_space<vmem>>
      %dma_wait3A_193 = tpu.memref_slice %arg7[%add3A_190] : memref<25600xi32, #tpu.memory_space<vmem>> -> memref<72xi32, #tpu.memory_space<vmem>>
      %dma_wait3A_194 = arith.constant 0 : i32
      %dma_wait3A_195 = tpu.memref_slice %arg5[%dma_wait3A_194] : memref<1000000xf32, #tpu.memory_space<hbm>> -> memref<1000000xf32, #tpu.memory_space<hbm>>
      tpu.wait_indirect_dma semaphore(%arg20 : memref<!tpu.dma_semaphore, #tpu.memory_space<semaphore_mem>>) src(%dma_wait3A_195 : memref<1000000xf32, #tpu.memory_space<hbm>>) dst(%dma_wait3A_192 : memref<72xf32, #tpu.memory_space<vmem>>)
      %get3A_196 = arith.index_cast %add3A_165 : i32 to index
      %get3A_197 = arith.constant 0 : index
      %get3A_198 = tpu.vector_load %arg8[%get3A_196, %get3A_197] {strides = array<i32>} : memref<128x64xf32, #tpu.memory_space<vmem>>, vector<16xf32>,
      %get3A_199 = arith.index_cast %add3A_165 : i32 to index
      %get3A_200 = arith.constant 16 : index
      %get3A_201 = tpu.vector_load %arg8[%get3A_199, %get3A_200] {strides = array<i32>} : memref<128x64xf32, #tpu.memory_space<vmem>>, vector<16xf32>,
      %get3A_202 = arith.index_cast %add3A_165 : i32 to index
      %get3A_203 = arith.constant 32 : index
      %get3A_204 = tpu.vector_load %arg8[%get3A_202, %get3A_203] {strides = array<i32>} : memref<128x64xf32, #tpu.memory_space<vmem>>, vector<16xf32>,
      %get3A_205 = arith.index_cast %add3A_165 : i32 to index
      %get3A_206 = arith.constant 48 : index
      %get3A_207 = tpu.vector_load %arg8[%get3A_205, %get3A_206] {strides = array<i32>} : memref<128x64xf32, #tpu.memory_space<vmem>>, vector<16xf32>,
      %scan3A_208 = arith.constant 0 : i32
      %scan3A_209 = arith.constant 13 : i32
      %scan3A_210 = arith.addi %scan3A_208, %scan3A_209 : i32
      %scan3A_211 = arith.constant 1 : i32
      scf.for %scan3A_336 = %scan3A_208 to %scan3A_210 step %scan3A_211  : i32 {
        %mul3A_337 = arith.constant 1 : i32
        %mul3A_338 = arith.muli %scan3A_336, %mul3A_337 : i32
        %add3A_339 = arith.constant 0 : i32
        %add3A_340 = arith.addi %add3A_339, %mul3A_338 : i32
        %mul3A_341 = arith.constant 16 : i32
        %mul3A_342 = arith.muli %add3A_340, %mul3A_341 : i32
        %add3A_343 = arith.constant 0 : i32
        %add3A_344 = arith.addi %mul3A_342, %add3A_343 : i32
        %get3A_345 = arith.index_cast %add3A_344 : i32 to index
        %get3A_346 = arith.constant 0 : index
        %get3A_347 = tpu.vector_load %arg10[%get3A_345, %get3A_346] {strides = array<i32>} : memref<208x64xf32, #tpu.memory_space<vmem>>, vector<16xf32>,
        %mul3A_348 = arith.mulf %get3A_347, %get3A_198 : vector<16xf32>
        %get3A_349 = arith.index_cast %add3A_344 : i32 to index
        %get3A_350 = arith.constant 16 : index
        %get3A_351 = tpu.vector_load %arg10[%get3A_349, %get3A_350] {strides = array<i32>} : memref<208x64xf32, #tpu.memory_space<vmem>>, vector<16xf32>,
        %mul3A_352 = arith.mulf %get3A_351, %get3A_201 : vector<16xf32>
        %add3A_353 = arith.addf %mul3A_348, %mul3A_352 : vector<16xf32>
        %get3A_354 = arith.index_cast %add3A_344 : i32 to index
        %get3A_355 = arith.constant 32 : index
        %get3A_356 = tpu.vector_load %arg10[%get3A_354, %get3A_355] {strides = array<i32>} : memref<208x64xf32, #tpu.memory_space<vmem>>, vector<16xf32>,
        %mul3A_357 = arith.mulf %get3A_356, %get3A_204 : vector<16xf32>
        %add3A_358 = arith.addf %add3A_353, %mul3A_357 : vector<16xf32>
        %get3A_359 = arith.index_cast %add3A_344 : i32 to index
        %get3A_360 = arith.constant 48 : index
        %get3A_361 = tpu.vector_load %arg10[%get3A_359, %get3A_360] {strides = array<i32>} : memref<208x64xf32, #tpu.memory_space<vmem>>, vector<16xf32>,
        %mul3A_362 = arith.mulf %get3A_361, %get3A_207 : vector<16xf32>
        %add3A_363 = arith.addf %add3A_358, %mul3A_362 : vector<16xf32>
        %add3A_364 = arith.constant 8 : i32
        %add3A_365 = arith.addi %mul3A_342, %add3A_364 : i32
        %get3A_366 = arith.index_cast %add3A_365 : i32 to index
        %get3A_367 = arith.constant 0 : index
        %get3A_368 = tpu.vector_load %arg10[%get3A_366, %get3A_367] {strides = array<i32>} : memref<208x64xf32, #tpu.memory_space<vmem>>, vector<16xf32>,
        %mul3A_369 = arith.mulf %get3A_368, %get3A_198 : vector<16xf32>
        %get3A_370 = arith.index_cast %add3A_365 : i32 to index
        %get3A_371 = arith.constant 16 : index
        %get3A_372 = tpu.vector_load %arg10[%get3A_370, %get3A_371] {strides = array<i32>} : memref<208x64xf32, #tpu.memory_space<vmem>>, vector<16xf32>,
        %mul3A_373 = arith.mulf %get3A_372, %get3A_201 : vector<16xf32>
        %add3A_374 = arith.addf %mul3A_369, %mul3A_373 : vector<16xf32>
        %get3A_375 = arith.index_cast %add3A_365 : i32 to index
        %get3A_376 = arith.constant 32 : index
        %get3A_377 = tpu.vector_load %arg10[%get3A_375, %get3A_376] {strides = array<i32>} : memref<208x64xf32, #tpu.memory_space<vmem>>, vector<16xf32>,
        %mul3A_378 = arith.mulf %get3A_377, %get3A_204 : vector<16xf32>
        %add3A_379 = arith.addf %add3A_374, %mul3A_378 : vector<16xf32>
        %get3A_380 = arith.index_cast %add3A_365 : i32 to index
        %get3A_381 = arith.constant 48 : index
        %get3A_382 = tpu.vector_load %arg10[%get3A_380, %get3A_381] {strides = array<i32>} : memref<208x64xf32, #tpu.memory_space<vmem>>, vector<16xf32>,
        %mul3A_383 = arith.mulf %get3A_382, %get3A_207 : vector<16xf32>
        %add3A_384 = arith.addf %add3A_379, %mul3A_383 : vector<16xf32>
        %add3A_385 = arith.constant 4 : i32
        %add3A_386 = arith.addi %mul3A_342, %add3A_385 : i32
        %get3A_387 = arith.index_cast %add3A_386 : i32 to index
        %get3A_388 = arith.constant 0 : index
        %get3A_389 = tpu.vector_load %arg10[%get3A_387, %get3A_388] {strides = array<i32>} : memref<208x64xf32, #tpu.memory_space<vmem>>, vector<16xf32>,
        %mul3A_390 = arith.mulf %get3A_389, %get3A_198 : vector<16xf32>
        %get3A_391 = arith.index_cast %add3A_386 : i32 to index
        %get3A_392 = arith.constant 16 : index
        %get3A_393 = tpu.vector_load %arg10[%get3A_391, %get3A_392] {strides = array<i32>} : memref<208x64xf32, #tpu.memory_space<vmem>>, vector<16xf32>,
        %mul3A_394 = arith.mulf %get3A_393, %get3A_201 : vector<16xf32>
        %add3A_395 = arith.addf %mul3A_390, %mul3A_394 : vector<16xf32>
        %get3A_396 = arith.index_cast %add3A_386 : i32 to index
        %get3A_397 = arith.constant 32 : index
        %get3A_398 = tpu.vector_load %arg10[%get3A_396, %get3A_397] {strides = array<i32>} : memref<208x64xf32, #tpu.memory_space<vmem>>, vector<16xf32>,
        %mul3A_399 = arith.mulf %get3A_398, %get3A_204 : vector<16xf32>
        %add3A_400 = arith.addf %add3A_395, %mul3A_399 : vector<16xf32>
        %get3A_401 = arith.index_cast %add3A_386 : i32 to index
        %get3A_402 = arith.constant 48 : index
        %get3A_403 = tpu.vector_load %arg10[%get3A_401, %get3A_402] {strides = array<i32>} : memref<208x64xf32, #tpu.memory_space<vmem>>, vector<16xf32>,
        %mul3A_404 = arith.mulf %get3A_403, %get3A_207 : vector<16xf32>
        %add3A_405 = arith.addf %add3A_400, %mul3A_404 : vector<16xf32>
        %add3A_406 = arith.constant 12 : i32
        %add3A_407 = arith.addi %mul3A_342, %add3A_406 : i32
        %get3A_408 = arith.index_cast %add3A_407 : i32 to index
        %get3A_409 = arith.constant 0 : index
        %get3A_410 = tpu.vector_load %arg10[%get3A_408, %get3A_409] {strides = array<i32>} : memref<208x64xf32, #tpu.memory_space<vmem>>, vector<16xf32>,
        %mul3A_411 = arith.mulf %get3A_410, %get3A_198 : vector<16xf32>
        %get3A_412 = arith.index_cast %add3A_407 : i32 to index
        %get3A_413 = arith.constant 16 : index
        %get3A_414 = tpu.vector_load %arg10[%get3A_412, %get3A_413] {strides = array<i32>} : memref<208x64xf32, #tpu.memory_space<vmem>>, vector<16xf32>,
        %mul3A_415 = arith.mulf %get3A_414, %get3A_201 : vector<16xf32>
        %add3A_416 = arith.addf %mul3A_411, %mul3A_415 : vector<16xf32>
        %get3A_417 = arith.index_cast %add3A_407 : i32 to index
        %get3A_418 = arith.constant 32 : index
        %get3A_419 = tpu.vector_load %arg10[%get3A_417, %get3A_418] {strides = array<i32>} : memref<208x64xf32, #tpu.memory_space<vmem>>, vector<16xf32>,
        %mul3A_420 = arith.mulf %get3A_419, %get3A_204 : vector<16xf32>
        %add3A_421 = arith.addf %add3A_416, %mul3A_420 : vector<16xf32>
        %get3A_422 = arith.index_cast %add3A_407 : i32 to index
        %get3A_423 = arith.constant 48 : index
        %get3A_424 = tpu.vector_load %arg10[%get3A_422, %get3A_423] {strides = array<i32>} : memref<208x64xf32, #tpu.memory_space<vmem>>, vector<16xf32>,
        %mul3A_425 = arith.mulf %get3A_424, %get3A_207 : vector<16xf32>
        %add3A_426 = arith.addf %add3A_421, %mul3A_425 : vector<16xf32>
        %add3A_427 = arith.constant 2 : i32
        %add3A_428 = arith.addi %mul3A_342, %add3A_427 : i32
        %get3A_429 = arith.index_cast %add3A_428 : i32 to index
        %get3A_430 = arith.constant 0 : index
        %get3A_431 = tpu.vector_load %arg10[%get3A_429, %get3A_430] {strides = array<i32>} : memref<208x64xf32, #tpu.memory_space<vmem>>, vector<16xf32>,
        %mul3A_432 = arith.mulf %get3A_431, %get3A_198 : vector<16xf32>
        %get3A_433 = arith.index_cast %add3A_428 : i32 to index
        %get3A_434 = arith.constant 16 : index
        %get3A_435 = tpu.vector_load %arg10[%get3A_433, %get3A_434] {strides = array<i32>} : memref<208x64xf32, #tpu.memory_space<vmem>>, vector<16xf32>,
        %mul3A_436 = arith.mulf %get3A_435, %get3A_201 : vector<16xf32>
        %add3A_437 = arith.addf %mul3A_432, %mul3A_436 : vector<16xf32>
        %get3A_438 = arith.index_cast %add3A_428 : i32 to index
        %get3A_439 = arith.constant 32 : index
        %get3A_440 = tpu.vector_load %arg10[%get3A_438, %get3A_439] {strides = array<i32>} : memref<208x64xf32, #tpu.memory_space<vmem>>, vector<16xf32>,
        %mul3A_441 = arith.mulf %get3A_440, %get3A_204 : vector<16xf32>
        %add3A_442 = arith.addf %add3A_437, %mul3A_441 : vector<16xf32>
        %get3A_443 = arith.index_cast %add3A_428 : i32 to index
        %get3A_444 = arith.constant 48 : index
        %get3A_445 = tpu.vector_load %arg10[%get3A_443, %get3A_444] {strides = array<i32>} : memref<208x64xf32, #tpu.memory_space<vmem>>, vector<16xf32>,
        %mul3A_446 = arith.mulf %get3A_445, %get3A_207 : vector<16xf32>
        %add3A_447 = arith.addf %add3A_442, %mul3A_446 : vector<16xf32>
        %add3A_448 = arith.constant 10 : i32
        %add3A_449 = arith.addi %mul3A_342, %add3A_448 : i32
        %get3A_450 = arith.index_cast %add3A_449 : i32 to index
        %get3A_451 = arith.constant 0 : index
        %get3A_452 = tpu.vector_load %arg10[%get3A_450, %get3A_451] {strides = array<i32>} : memref<208x64xf32, #tpu.memory_space<vmem>>, vector<16xf32>,
        %mul3A_453 = arith.mulf %get3A_452, %get3A_198 : vector<16xf32>
        %get3A_454 = arith.index_cast %add3A_449 : i32 to index
        %get3A_455 = arith.constant 16 : index
        %get3A_456 = tpu.vector_load %arg10[%get3A_454, %get3A_455] {strides = array<i32>} : memref<208x64xf32, #tpu.memory_space<vmem>>, vector<16xf32>,
        %mul3A_457 = arith.mulf %get3A_456, %get3A_201 : vector<16xf32>
        %add3A_458 = arith.addf %mul3A_453, %mul3A_457 : vector<16xf32>
        %get3A_459 = arith.index_cast %add3A_449 : i32 to index
        %get3A_460 = arith.constant 32 : index
        %get3A_461 = tpu.vector_load %arg10[%get3A_459, %get3A_460] {strides = array<i32>} : memref<208x64xf32, #tpu.memory_space<vmem>>, vector<16xf32>,
        %mul3A_462 = arith.mulf %get3A_461, %get3A_204 : vector<16xf32>
        %add3A_463 = arith.addf %add3A_458, %mul3A_462 : vector<16xf32>
        %get3A_464 = arith.index_cast %add3A_449 : i32 to index
        %get3A_465 = arith.constant 48 : index
        %get3A_466 = tpu.vector_load %arg10[%get3A_464, %get3A_465] {strides = array<i32>} : memref<208x64xf32, #tpu.memory_space<vmem>>, vector<16xf32>,
        %mul3A_467 = arith.mulf %get3A_466, %get3A_207 : vector<16xf32>
        %add3A_468 = arith.addf %add3A_463, %mul3A_467 : vector<16xf32>
        %add3A_469 = arith.constant 6 : i32
        %add3A_470 = arith.addi %mul3A_342, %add3A_469 : i32
        %get3A_471 = arith.index_cast %add3A_470 : i32 to index
        %get3A_472 = arith.constant 0 : index
        %get3A_473 = tpu.vector_load %arg10[%get3A_471, %get3A_472] {strides = array<i32>} : memref<208x64xf32, #tpu.memory_space<vmem>>, vector<16xf32>,
        %mul3A_474 = arith.mulf %get3A_473, %get3A_198 : vector<16xf32>
        %get3A_475 = arith.index_cast %add3A_470 : i32 to index
        %get3A_476 = arith.constant 16 : index
        %get3A_477 = tpu.vector_load %arg10[%get3A_475, %get3A_476] {strides = array<i32>} : memref<208x64xf32, #tpu.memory_space<vmem>>, vector<16xf32>,
        %mul3A_478 = arith.mulf %get3A_477, %get3A_201 : vector<16xf32>
        %add3A_479 = arith.addf %mul3A_474, %mul3A_478 : vector<16xf32>
        %get3A_480 = arith.index_cast %add3A_470 : i32 to index
        %get3A_481 = arith.constant 32 : index
        %get3A_482 = tpu.vector_load %arg10[%get3A_480, %get3A_481] {strides = array<i32>} : memref<208x64xf32, #tpu.memory_space<vmem>>, vector<16xf32>,
        %mul3A_483 = arith.mulf %get3A_482, %get3A_204 : vector<16xf32>
        %add3A_484 = arith.addf %add3A_479, %mul3A_483 : vector<16xf32>
        %get3A_485 = arith.index_cast %add3A_470 : i32 to index
        %get3A_486 = arith.constant 48 : index
        %get3A_487 = tpu.vector_load %arg10[%get3A_485, %get3A_486] {strides = array<i32>} : memref<208x64xf32, #tpu.memory_space<vmem>>, vector<16xf32>,
        %mul3A_488 = arith.mulf %get3A_487, %get3A_207 : vector<16xf32>
        %add3A_489 = arith.addf %add3A_484, %mul3A_488 : vector<16xf32>
        %add3A_490 = arith.constant 14 : i32
        %add3A_491 = arith.addi %mul3A_342, %add3A_490 : i32
        %get3A_492 = arith.index_cast %add3A_491 : i32 to index
        %get3A_493 = arith.constant 0 : index
        %get3A_494 = tpu.vector_load %arg10[%get3A_492, %get3A_493] {strides = array<i32>} : memref<208x64xf32, #tpu.memory_space<vmem>>, vector<16xf32>,
        %mul3A_495 = arith.mulf %get3A_494, %get3A_198 : vector<16xf32>
        %get3A_496 = arith.index_cast %add3A_491 : i32 to index
        %get3A_497 = arith.constant 16 : index
        %get3A_498 = tpu.vector_load %arg10[%get3A_496, %get3A_497] {strides = array<i32>} : memref<208x64xf32, #tpu.memory_space<vmem>>, vector<16xf32>,
        %mul3A_499 = arith.mulf %get3A_498, %get3A_201 : vector<16xf32>
        %add3A_500 = arith.addf %mul3A_495, %mul3A_499 : vector<16xf32>
        %get3A_501 = arith.index_cast %add3A_491 : i32 to index
        %get3A_502 = arith.constant 32 : index
        %get3A_503 = tpu.vector_load %arg10[%get3A_501, %get3A_502] {strides = array<i32>} : memref<208x64xf32, #tpu.memory_space<vmem>>, vector<16xf32>,
        %mul3A_504 = arith.mulf %get3A_503, %get3A_204 : vector<16xf32>
        %add3A_505 = arith.addf %add3A_500, %mul3A_504 : vector<16xf32>
        %get3A_506 = arith.index_cast %add3A_491 : i32 to index
        %get3A_507 = arith.constant 48 : index
        %get3A_508 = tpu.vector_load %arg10[%get3A_506, %get3A_507] {strides = array<i32>} : memref<208x64xf32, #tpu.memory_space<vmem>>, vector<16xf32>,
        %mul3A_509 = arith.mulf %get3A_508, %get3A_207 : vector<16xf32>
        %add3A_510 = arith.addf %add3A_505, %mul3A_509 : vector<16xf32>
        %add3A_511 = arith.constant 1 : i32
        %add3A_512 = arith.addi %mul3A_342, %add3A_511 : i32
        %get3A_513 = arith.index_cast %add3A_512 : i32 to index
        %get3A_514 = arith.constant 0 : index
        %get3A_515 = tpu.vector_load %arg10[%get3A_513, %get3A_514] {strides = array<i32>} : memref<208x64xf32, #tpu.memory_space<vmem>>, vector<16xf32>,
        %mul3A_516 = arith.mulf %get3A_515, %get3A_198 : vector<16xf32>
        %get3A_517 = arith.index_cast %add3A_512 : i32 to index
        %get3A_518 = arith.constant 16 : index
        %get3A_519 = tpu.vector_load %arg10[%get3A_517, %get3A_518] {strides = array<i32>} : memref<208x64xf32, #tpu.memory_space<vmem>>, vector<16xf32>,
        %mul3A_520 = arith.mulf %get3A_519, %get3A_201 : vector<16xf32>
        %add3A_521 = arith.addf %mul3A_516, %mul3A_520 : vector<16xf32>
        %get3A_522 = arith.index_cast %add3A_512 : i32 to index
        %get3A_523 = arith.constant 32 : index
        %get3A_524 = tpu.vector_load %arg10[%get3A_522, %get3A_523] {strides = array<i32>} : memref<208x64xf32, #tpu.memory_space<vmem>>, vector<16xf32>,
        %mul3A_525 = arith.mulf %get3A_524, %get3A_204 : vector<16xf32>
        %add3A_526 = arith.addf %add3A_521, %mul3A_525 : vector<16xf32>
        %get3A_527 = arith.index_cast %add3A_512 : i32 to index
        %get3A_528 = arith.constant 48 : index
        %get3A_529 = tpu.vector_load %arg10[%get3A_527, %get3A_528] {strides = array<i32>} : memref<208x64xf32, #tpu.memory_space<vmem>>, vector<16xf32>,
        %mul3A_530 = arith.mulf %get3A_529, %get3A_207 : vector<16xf32>
        %add3A_531 = arith.addf %add3A_526, %mul3A_530 : vector<16xf32>
        %add3A_532 = arith.constant 9 : i32
        %add3A_533 = arith.addi %mul3A_342, %add3A_532 : i32
        %get3A_534 = arith.index_cast %add3A_533 : i32 to index
        %get3A_535 = arith.constant 0 : index
        %get3A_536 = tpu.vector_load %arg10[%get3A_534, %get3A_535] {strides = array<i32>} : memref<208x64xf32, #tpu.memory_space<vmem>>, vector<16xf32>,
        %mul3A_537 = arith.mulf %get3A_536, %get3A_198 : vector<16xf32>
        %get3A_538 = arith.index_cast %add3A_533 : i32 to index
        %get3A_539 = arith.constant 16 : index
        %get3A_540 = tpu.vector_load %arg10[%get3A_538, %get3A_539] {strides = array<i32>} : memref<208x64xf32, #tpu.memory_space<vmem>>, vector<16xf32>,
        %mul3A_541 = arith.mulf %get3A_540, %get3A_201 : vector<16xf32>
        %add3A_542 = arith.addf %mul3A_537, %mul3A_541 : vector<16xf32>
        %get3A_543 = arith.index_cast %add3A_533 : i32 to index
        %get3A_544 = arith.constant 32 : index
        %get3A_545 = tpu.vector_load %arg10[%get3A_543, %get3A_544] {strides = array<i32>} : memref<208x64xf32, #tpu.memory_space<vmem>>, vector<16xf32>,
        %mul3A_546 = arith.mulf %get3A_545, %get3A_204 : vector<16xf32>
        %add3A_547 = arith.addf %add3A_542, %mul3A_546 : vector<16xf32>
        %get3A_548 = arith.index_cast %add3A_533 : i32 to index
        %get3A_549 = arith.constant 48 : index
        %get3A_550 = tpu.vector_load %arg10[%get3A_548, %get3A_549] {strides = array<i32>} : memref<208x64xf32, #tpu.memory_space<vmem>>, vector<16xf32>,
        %mul3A_551 = arith.mulf %get3A_550, %get3A_207 : vector<16xf32>
        %add3A_552 = arith.addf %add3A_547, %mul3A_551 : vector<16xf32>
        %add3A_553 = arith.constant 5 : i32
        %add3A_554 = arith.addi %mul3A_342, %add3A_553 : i32
        %get3A_555 = arith.index_cast %add3A_554 : i32 to index
        %get3A_556 = arith.constant 0 : index
        %get3A_557 = tpu.vector_load %arg10[%get3A_555, %get3A_556] {strides = array<i32>} : memref<208x64xf32, #tpu.memory_space<vmem>>, vector<16xf32>,
        %mul3A_558 = arith.mulf %get3A_557, %get3A_198 : vector<16xf32>
        %get3A_559 = arith.index_cast %add3A_554 : i32 to index
        %get3A_560 = arith.constant 16 : index
        %get3A_561 = tpu.vector_load %arg10[%get3A_559, %get3A_560] {strides = array<i32>} : memref<208x64xf32, #tpu.memory_space<vmem>>, vector<16xf32>,
        %mul3A_562 = arith.mulf %get3A_561, %get3A_201 : vector<16xf32>
        %add3A_563 = arith.addf %mul3A_558, %mul3A_562 : vector<16xf32>
        %get3A_564 = arith.index_cast %add3A_554 : i32 to index
        %get3A_565 = arith.constant 32 : index
        %get3A_566 = tpu.vector_load %arg10[%get3A_564, %get3A_565] {strides = array<i32>} : memref<208x64xf32, #tpu.memory_space<vmem>>, vector<16xf32>,
        %mul3A_567 = arith.mulf %get3A_566, %get3A_204 : vector<16xf32>
        %add3A_568 = arith.addf %add3A_563, %mul3A_567 : vector<16xf32>
        %get3A_569 = arith.index_cast %add3A_554 : i32 to index
        %get3A_570 = arith.constant 48 : index
        %get3A_571 = tpu.vector_load %arg10[%get3A_569, %get3A_570] {strides = array<i32>} : memref<208x64xf32, #tpu.memory_space<vmem>>, vector<16xf32>,
        %mul3A_572 = arith.mulf %get3A_571, %get3A_207 : vector<16xf32>
        %add3A_573 = arith.addf %add3A_568, %mul3A_572 : vector<16xf32>
        %add3A_574 = arith.constant 13 : i32
        %add3A_575 = arith.addi %mul3A_342, %add3A_574 : i32
        %get3A_576 = arith.index_cast %add3A_575 : i32 to index
        %get3A_577 = arith.constant 0 : index
        %get3A_578 = tpu.vector_load %arg10[%get3A_576, %get3A_577] {strides = array<i32>} : memref<208x64xf32, #tpu.memory_space<vmem>>, vector<16xf32>,
        %mul3A_579 = arith.mulf %get3A_578, %get3A_198 : vector<16xf32>
        %get3A_580 = arith.index_cast %add3A_575 : i32 to index
        %get3A_581 = arith.constant 16 : index
        %get3A_582 = tpu.vector_load %arg10[%get3A_580, %get3A_581] {strides = array<i32>} : memref<208x64xf32, #tpu.memory_space<vmem>>, vector<16xf32>,
        %mul3A_583 = arith.mulf %get3A_582, %get3A_201 : vector<16xf32>
        %add3A_584 = arith.addf %mul3A_579, %mul3A_583 : vector<16xf32>
        %get3A_585 = arith.index_cast %add3A_575 : i32 to index
        %get3A_586 = arith.constant 32 : index
        %get3A_587 = tpu.vector_load %arg10[%get3A_585, %get3A_586] {strides = array<i32>} : memref<208x64xf32, #tpu.memory_space<vmem>>, vector<16xf32>,
        %mul3A_588 = arith.mulf %get3A_587, %get3A_204 : vector<16xf32>
        %add3A_589 = arith.addf %add3A_584, %mul3A_588 : vector<16xf32>
        %get3A_590 = arith.index_cast %add3A_575 : i32 to index
        %get3A_591 = arith.constant 48 : index
        %get3A_592 = tpu.vector_load %arg10[%get3A_590, %get3A_591] {strides = array<i32>} : memref<208x64xf32, #tpu.memory_space<vmem>>, vector<16xf32>,
        %mul3A_593 = arith.mulf %get3A_592, %get3A_207 : vector<16xf32>
        %add3A_594 = arith.addf %add3A_589, %mul3A_593 : vector<16xf32>
        %add3A_595 = arith.constant 3 : i32
        %add3A_596 = arith.addi %mul3A_342, %add3A_595 : i32
        %get3A_597 = arith.index_cast %add3A_596 : i32 to index
        %get3A_598 = arith.constant 0 : index
        %get3A_599 = tpu.vector_load %arg10[%get3A_597, %get3A_598] {strides = array<i32>} : memref<208x64xf32, #tpu.memory_space<vmem>>, vector<16xf32>,
        %mul3A_600 = arith.mulf %get3A_599, %get3A_198 : vector<16xf32>
        %get3A_601 = arith.index_cast %add3A_596 : i32 to index
        %get3A_602 = arith.constant 16 : index
        %get3A_603 = tpu.vector_load %arg10[%get3A_601, %get3A_602] {strides = array<i32>} : memref<208x64xf32, #tpu.memory_space<vmem>>, vector<16xf32>,
        %mul3A_604 = arith.mulf %get3A_603, %get3A_201 : vector<16xf32>
        %add3A_605 = arith.addf %mul3A_600, %mul3A_604 : vector<16xf32>
        %get3A_606 = arith.index_cast %add3A_596 : i32 to index
        %get3A_607 = arith.constant 32 : index
        %get3A_608 = tpu.vector_load %arg10[%get3A_606, %get3A_607] {strides = array<i32>} : memref<208x64xf32, #tpu.memory_space<vmem>>, vector<16xf32>,
        %mul3A_609 = arith.mulf %get3A_608, %get3A_204 : vector<16xf32>
        %add3A_610 = arith.addf %add3A_605, %mul3A_609 : vector<16xf32>
        %get3A_611 = arith.index_cast %add3A_596 : i32 to index
        %get3A_612 = arith.constant 48 : index
        %get3A_613 = tpu.vector_load %arg10[%get3A_611, %get3A_612] {strides = array<i32>} : memref<208x64xf32, #tpu.memory_space<vmem>>, vector<16xf32>,
        %mul3A_614 = arith.mulf %get3A_613, %get3A_207 : vector<16xf32>
        %add3A_615 = arith.addf %add3A_610, %mul3A_614 : vector<16xf32>
        %add3A_616 = arith.constant 11 : i32
        %add3A_617 = arith.addi %mul3A_342, %add3A_616 : i32
        %get3A_618 = arith.index_cast %add3A_617 : i32 to index
        %get3A_619 = arith.constant 0 : index
        %get3A_620 = tpu.vector_load %arg10[%get3A_618, %get3A_619] {strides = array<i32>} : memref<208x64xf32, #tpu.memory_space<vmem>>, vector<16xf32>,
        %mul3A_621 = arith.mulf %get3A_620, %get3A_198 : vector<16xf32>
        %get3A_622 = arith.index_cast %add3A_617 : i32 to index
        %get3A_623 = arith.constant 16 : index
        %get3A_624 = tpu.vector_load %arg10[%get3A_622, %get3A_623] {strides = array<i32>} : memref<208x64xf32, #tpu.memory_space<vmem>>, vector<16xf32>,
        %mul3A_625 = arith.mulf %get3A_624, %get3A_201 : vector<16xf32>
        %add3A_626 = arith.addf %mul3A_621, %mul3A_625 : vector<16xf32>
        %get3A_627 = arith.index_cast %add3A_617 : i32 to index
        %get3A_628 = arith.constant 32 : index
        %get3A_629 = tpu.vector_load %arg10[%get3A_627, %get3A_628] {strides = array<i32>} : memref<208x64xf32, #tpu.memory_space<vmem>>, vector<16xf32>,
        %mul3A_630 = arith.mulf %get3A_629, %get3A_204 : vector<16xf32>
        %add3A_631 = arith.addf %add3A_626, %mul3A_630 : vector<16xf32>
        %get3A_632 = arith.index_cast %add3A_617 : i32 to index
        %get3A_633 = arith.constant 48 : index
        %get3A_634 = tpu.vector_load %arg10[%get3A_632, %get3A_633] {strides = array<i32>} : memref<208x64xf32, #tpu.memory_space<vmem>>, vector<16xf32>,
        %mul3A_635 = arith.mulf %get3A_634, %get3A_207 : vector<16xf32>
        %add3A_636 = arith.addf %add3A_631, %mul3A_635 : vector<16xf32>
        %add3A_637 = arith.constant 7 : i32
        %add3A_638 = arith.addi %mul3A_342, %add3A_637 : i32
        %get3A_639 = arith.index_cast %add3A_638 : i32 to index
        %get3A_640 = arith.constant 0 : index
        %get3A_641 = tpu.vector_load %arg10[%get3A_639, %get3A_640] {strides = array<i32>} : memref<208x64xf32, #tpu.memory_space<vmem>>, vector<16xf32>,
        %mul3A_642 = arith.mulf %get3A_641, %get3A_198 : vector<16xf32>
        %get3A_643 = arith.index_cast %add3A_638 : i32 to index
        %get3A_644 = arith.constant 16 : index
        %get3A_645 = tpu.vector_load %arg10[%get3A_643, %get3A_644] {strides = array<i32>} : memref<208x64xf32, #tpu.memory_space<vmem>>, vector<16xf32>,
        %mul3A_646 = arith.mulf %get3A_645, %get3A_201 : vector<16xf32>
        %add3A_647 = arith.addf %mul3A_642, %mul3A_646 : vector<16xf32>
        %get3A_648 = arith.index_cast %add3A_638 : i32 to index
        %get3A_649 = arith.constant 32 : index
        %get3A_650 = tpu.vector_load %arg10[%get3A_648, %get3A_649] {strides = array<i32>} : memref<208x64xf32, #tpu.memory_space<vmem>>, vector<16xf32>,
        %mul3A_651 = arith.mulf %get3A_650, %get3A_204 : vector<16xf32>
        %add3A_652 = arith.addf %add3A_647, %mul3A_651 : vector<16xf32>
        %get3A_653 = arith.index_cast %add3A_638 : i32 to index
        %get3A_654 = arith.constant 48 : index
        %get3A_655 = tpu.vector_load %arg10[%get3A_653, %get3A_654] {strides = array<i32>} : memref<208x64xf32, #tpu.memory_space<vmem>>, vector<16xf32>,
        %mul3A_656 = arith.mulf %get3A_655, %get3A_207 : vector<16xf32>
        %add3A_657 = arith.addf %add3A_652, %mul3A_656 : vector<16xf32>
        %add3A_658 = arith.constant 15 : i32
        %add3A_659 = arith.addi %mul3A_342, %add3A_658 : i32
        %get3A_660 = arith.index_cast %add3A_659 : i32 to index
        %get3A_661 = arith.constant 0 : index
        %get3A_662 = tpu.vector_load %arg10[%get3A_660, %get3A_661] {strides = array<i32>} : memref<208x64xf32, #tpu.memory_space<vmem>>, vector<16xf32>,
        %mul3A_663 = arith.mulf %get3A_662, %get3A_198 : vector<16xf32>
        %get3A_664 = arith.index_cast %add3A_659 : i32 to index
        %get3A_665 = arith.constant 16 : index
        %get3A_666 = tpu.vector_load %arg10[%get3A_664, %get3A_665] {strides = array<i32>} : memref<208x64xf32, #tpu.memory_space<vmem>>, vector<16xf32>,
        %mul3A_667 = arith.mulf %get3A_666, %get3A_201 : vector<16xf32>
        %add3A_668 = arith.addf %mul3A_663, %mul3A_667 : vector<16xf32>
        %get3A_669 = arith.index_cast %add3A_659 : i32 to index
        %get3A_670 = arith.constant 32 : index
        %get3A_671 = tpu.vector_load %arg10[%get3A_669, %get3A_670] {strides = array<i32>} : memref<208x64xf32, #tpu.memory_space<vmem>>, vector<16xf32>,
        %mul3A_672 = arith.mulf %get3A_671, %get3A_204 : vector<16xf32>
        %add3A_673 = arith.addf %add3A_668, %mul3A_672 : vector<16xf32>
        %get3A_674 = arith.index_cast %add3A_659 : i32 to index
        %get3A_675 = arith.constant 48 : index
        %get3A_676 = tpu.vector_load %arg10[%get3A_674, %get3A_675] {strides = array<i32>} : memref<208x64xf32, #tpu.memory_space<vmem>>, vector<16xf32>,
        %mul3A_677 = arith.mulf %get3A_676, %get3A_207 : vector<16xf32>
        %add3A_678 = arith.addf %add3A_673, %mul3A_677 : vector<16xf32>
        %iota3A = tpu.iota {dimensions = array<i32: 0>} : vector<16xi32>
        %and3A = arith.constant 8 : i32
        %and3A_679 = vector.broadcast %and3A : i32 to vector<16xi32>
        %and3A_680 = arith.andi %iota3A, %and3A_679 : vector<16xi32>
        %eq3A = arith.constant 0 : i32
        %eq3A_681 = vector.broadcast %eq3A : i32 to vector<16xi32>
        %eq3A_682 = arith.cmpi eq, %and3A_680, %eq3A_681 : vector<16xi32>
        %xor3A = arith.constant 8 : i32
        %xor3A_683 = vector.broadcast %xor3A : i32 to vector<16xi32>
        %xor3A_684 = arith.xori %iota3A, %xor3A_683 : vector<16xi32>
        %broadcast_in_dim3A = vector.shape_cast %xor3A_684 : vector<16xi32> to vector<16x1xi32>
        %gather3A = vector.shape_cast %broadcast_in_dim3A : vector<16x1xi32> to vector<16xi32>
        %gather3A_685 = tpu.dynamic_gather %add3A_363[%gather3A] in [0] : vector<16xf32>, vector<16xi32> -> vector<16xf32>
        %add3A_686 = arith.addf %add3A_363, %gather3A_685 : vector<16xf32>
        %broadcast_in_dim3A_687 = vector.shape_cast %xor3A_684 : vector<16xi32> to vector<16x1xi32>
        %gather3A_688 = vector.shape_cast %broadcast_in_dim3A_687 : vector<16x1xi32> to vector<16xi32>
        %gather3A_689 = tpu.dynamic_gather %add3A_384[%gather3A_688] in [0] : vector<16xf32>, vector<16xi32> -> vector<16xf32>
        %add3A_690 = arith.addf %add3A_384, %gather3A_689 : vector<16xf32>
        %select_n3A = arith.select %eq3A_682, %add3A_686, %add3A_690 : vector<16xi1>, vector<16xf32>
        %broadcast_in_dim3A_691 = vector.shape_cast %xor3A_684 : vector<16xi32> to vector<16x1xi32>
        %gather3A_692 = vector.shape_cast %broadcast_in_dim3A_691 : vector<16x1xi32> to vector<16xi32>
        %gather3A_693 = tpu.dynamic_gather %add3A_405[%gather3A_692] in [0] : vector<16xf32>, vector<16xi32> -> vector<16xf32>
        %add3A_694 = arith.addf %add3A_405, %gather3A_693 : vector<16xf32>
        %broadcast_in_dim3A_695 = vector.shape_cast %xor3A_684 : vector<16xi32> to vector<16x1xi32>
        %gather3A_696 = vector.shape_cast %broadcast_in_dim3A_695 : vector<16x1xi32> to vector<16xi32>
        %gather3A_697 = tpu.dynamic_gather %add3A_426[%gather3A_696] in [0] : vector<16xf32>, vector<16xi32> -> vector<16xf32>
        %add3A_698 = arith.addf %add3A_426, %gather3A_697 : vector<16xf32>
        %select_n3A_699 = arith.select %eq3A_682, %add3A_694, %add3A_698 : vector<16xi1>, vector<16xf32>
        %broadcast_in_dim3A_700 = vector.shape_cast %xor3A_684 : vector<16xi32> to vector<16x1xi32>
        %gather3A_701 = vector.shape_cast %broadcast_in_dim3A_700 : vector<16x1xi32> to vector<16xi32>
        %gather3A_702 = tpu.dynamic_gather %add3A_447[%gather3A_701] in [0] : vector<16xf32>, vector<16xi32> -> vector<16xf32>
        %add3A_703 = arith.addf %add3A_447, %gather3A_702 : vector<16xf32>
        %broadcast_in_dim3A_704 = vector.shape_cast %xor3A_684 : vector<16xi32> to vector<16x1xi32>
        %gather3A_705 = vector.shape_cast %broadcast_in_dim3A_704 : vector<16x1xi32> to vector<16xi32>
        %gather3A_706 = tpu.dynamic_gather %add3A_468[%gather3A_705] in [0] : vector<16xf32>, vector<16xi32> -> vector<16xf32>
        %add3A_707 = arith.addf %add3A_468, %gather3A_706 : vector<16xf32>
        %select_n3A_708 = arith.select %eq3A_682, %add3A_703, %add3A_707 : vector<16xi1>, vector<16xf32>
        %broadcast_in_dim3A_709 = vector.shape_cast %xor3A_684 : vector<16xi32> to vector<16x1xi32>
        %gather3A_710 = vector.shape_cast %broadcast_in_dim3A_709 : vector<16x1xi32> to vector<16xi32>
        %gather3A_711 = tpu.dynamic_gather %add3A_489[%gather3A_710] in [0] : vector<16xf32>, vector<16xi32> -> vector<16xf32>
        %add3A_712 = arith.addf %add3A_489, %gather3A_711 : vector<16xf32>
        %broadcast_in_dim3A_713 = vector.shape_cast %xor3A_684 : vector<16xi32> to vector<16x1xi32>
        %gather3A_714 = vector.shape_cast %broadcast_in_dim3A_713 : vector<16x1xi32> to vector<16xi32>
        %gather3A_715 = tpu.dynamic_gather %add3A_510[%gather3A_714] in [0] : vector<16xf32>, vector<16xi32> -> vector<16xf32>
        %add3A_716 = arith.addf %add3A_510, %gather3A_715 : vector<16xf32>
        %select_n3A_717 = arith.select %eq3A_682, %add3A_712, %add3A_716 : vector<16xi1>, vector<16xf32>
        %broadcast_in_dim3A_718 = vector.shape_cast %xor3A_684 : vector<16xi32> to vector<16x1xi32>
        %gather3A_719 = vector.shape_cast %broadcast_in_dim3A_718 : vector<16x1xi32> to vector<16xi32>
        %gather3A_720 = tpu.dynamic_gather %add3A_531[%gather3A_719] in [0] : vector<16xf32>, vector<16xi32> -> vector<16xf32>
        %add3A_721 = arith.addf %add3A_531, %gather3A_720 : vector<16xf32>
        %broadcast_in_dim3A_722 = vector.shape_cast %xor3A_684 : vector<16xi32> to vector<16x1xi32>
        %gather3A_723 = vector.shape_cast %broadcast_in_dim3A_722 : vector<16x1xi32> to vector<16xi32>
        %gather3A_724 = tpu.dynamic_gather %add3A_552[%gather3A_723] in [0] : vector<16xf32>, vector<16xi32> -> vector<16xf32>
        %add3A_725 = arith.addf %add3A_552, %gather3A_724 : vector<16xf32>
        %select_n3A_726 = arith.select %eq3A_682, %add3A_721, %add3A_725 : vector<16xi1>, vector<16xf32>
        %broadcast_in_dim3A_727 = vector.shape_cast %xor3A_684 : vector<16xi32> to vector<16x1xi32>
        %gather3A_728 = vector.shape_cast %broadcast_in_dim3A_727 : vector<16x1xi32> to vector<16xi32>
        %gather3A_729 = tpu.dynamic_gather %add3A_573[%gather3A_728] in [0] : vector<16xf32>, vector<16xi32> -> vector<16xf32>
        %add3A_730 = arith.addf %add3A_573, %gather3A_729 : vector<16xf32>
        %broadcast_in_dim3A_731 = vector.shape_cast %xor3A_684 : vector<16xi32> to vector<16x1xi32>
        %gather3A_732 = vector.shape_cast %broadcast_in_dim3A_731 : vector<16x1xi32> to vector<16xi32>
        %gather3A_733 = tpu.dynamic_gather %add3A_594[%gather3A_732] in [0] : vector<16xf32>, vector<16xi32> -> vector<16xf32>
        %add3A_734 = arith.addf %add3A_594, %gather3A_733 : vector<16xf32>
        %select_n3A_735 = arith.select %eq3A_682, %add3A_730, %add3A_734 : vector<16xi1>, vector<16xf32>
        %broadcast_in_dim3A_736 = vector.shape_cast %xor3A_684 : vector<16xi32> to vector<16x1xi32>
        %gather3A_737 = vector.shape_cast %broadcast_in_dim3A_736 : vector<16x1xi32> to vector<16xi32>
        %gather3A_738 = tpu.dynamic_gather %add3A_615[%gather3A_737] in [0] : vector<16xf32>, vector<16xi32> -> vector<16xf32>
        %add3A_739 = arith.addf %add3A_615, %gather3A_738 : vector<16xf32>
        %broadcast_in_dim3A_740 = vector.shape_cast %xor3A_684 : vector<16xi32> to vector<16x1xi32>
        %gather3A_741 = vector.shape_cast %broadcast_in_dim3A_740 : vector<16x1xi32> to vector<16xi32>
        %gather3A_742 = tpu.dynamic_gather %add3A_636[%gather3A_741] in [0] : vector<16xf32>, vector<16xi32> -> vector<16xf32>
        %add3A_743 = arith.addf %add3A_636, %gather3A_742 : vector<16xf32>
        %select_n3A_744 = arith.select %eq3A_682, %add3A_739, %add3A_743 : vector<16xi1>, vector<16xf32>
        %broadcast_in_dim3A_745 = vector.shape_cast %xor3A_684 : vector<16xi32> to vector<16x1xi32>
        %gather3A_746 = vector.shape_cast %broadcast_in_dim3A_745 : vector<16x1xi32> to vector<16xi32>
        %gather3A_747 = tpu.dynamic_gather %add3A_657[%gather3A_746] in [0] : vector<16xf32>, vector<16xi32> -> vector<16xf32>
        %add3A_748 = arith.addf %add3A_657, %gather3A_747 : vector<16xf32>
        %broadcast_in_dim3A_749 = vector.shape_cast %xor3A_684 : vector<16xi32> to vector<16x1xi32>
        %gather3A_750 = vector.shape_cast %broadcast_in_dim3A_749 : vector<16x1xi32> to vector<16xi32>
        %gather3A_751 = tpu.dynamic_gather %add3A_678[%gather3A_750] in [0] : vector<16xf32>, vector<16xi32> -> vector<16xf32>
        %add3A_752 = arith.addf %add3A_678, %gather3A_751 : vector<16xf32>
        %select_n3A_753 = arith.select %eq3A_682, %add3A_748, %add3A_752 : vector<16xi1>, vector<16xf32>
        %and3A_754 = arith.constant 4 : i32
        %and3A_755 = vector.broadcast %and3A_754 : i32 to vector<16xi32>
        %and3A_756 = arith.andi %iota3A, %and3A_755 : vector<16xi32>
        %eq3A_757 = arith.constant 0 : i32
        %eq3A_758 = vector.broadcast %eq3A_757 : i32 to vector<16xi32>
        %eq3A_759 = arith.cmpi eq, %and3A_756, %eq3A_758 : vector<16xi32>
        %xor3A_760 = arith.constant 4 : i32
        %xor3A_761 = vector.broadcast %xor3A_760 : i32 to vector<16xi32>
        %xor3A_762 = arith.xori %iota3A, %xor3A_761 : vector<16xi32>
        %broadcast_in_dim3A_763 = vector.shape_cast %xor3A_762 : vector<16xi32> to vector<16x1xi32>
        %gather3A_764 = vector.shape_cast %broadcast_in_dim3A_763 : vector<16x1xi32> to vector<16xi32>
        %gather3A_765 = tpu.dynamic_gather %select_n3A[%gather3A_764] in [0] : vector<16xf32>, vector<16xi32> -> vector<16xf32>
        %add3A_766 = arith.addf %select_n3A, %gather3A_765 : vector<16xf32>
        %broadcast_in_dim3A_767 = vector.shape_cast %xor3A_762 : vector<16xi32> to vector<16x1xi32>
        %gather3A_768 = vector.shape_cast %broadcast_in_dim3A_767 : vector<16x1xi32> to vector<16xi32>
        %gather3A_769 = tpu.dynamic_gather %select_n3A_699[%gather3A_768] in [0] : vector<16xf32>, vector<16xi32> -> vector<16xf32>
        %add3A_770 = arith.addf %select_n3A_699, %gather3A_769 : vector<16xf32>
        %select_n3A_771 = arith.select %eq3A_759, %add3A_766, %add3A_770 : vector<16xi1>, vector<16xf32>
        %broadcast_in_dim3A_772 = vector.shape_cast %xor3A_762 : vector<16xi32> to vector<16x1xi32>
        %gather3A_773 = vector.shape_cast %broadcast_in_dim3A_772 : vector<16x1xi32> to vector<16xi32>
        %gather3A_774 = tpu.dynamic_gather %select_n3A_708[%gather3A_773] in [0] : vector<16xf32>, vector<16xi32> -> vector<16xf32>
        %add3A_775 = arith.addf %select_n3A_708, %gather3A_774 : vector<16xf32>
        %broadcast_in_dim3A_776 = vector.shape_cast %xor3A_762 : vector<16xi32> to vector<16x1xi32>
        %gather3A_777 = vector.shape_cast %broadcast_in_dim3A_776 : vector<16x1xi32> to vector<16xi32>
        %gather3A_778 = tpu.dynamic_gather %select_n3A_717[%gather3A_777] in [0] : vector<16xf32>, vector<16xi32> -> vector<16xf32>
        %add3A_779 = arith.addf %select_n3A_717, %gather3A_778 : vector<16xf32>
        %select_n3A_780 = arith.select %eq3A_759, %add3A_775, %add3A_779 : vector<16xi1>, vector<16xf32>
        %broadcast_in_dim3A_781 = vector.shape_cast %xor3A_762 : vector<16xi32> to vector<16x1xi32>
        %gather3A_782 = vector.shape_cast %broadcast_in_dim3A_781 : vector<16x1xi32> to vector<16xi32>
        %gather3A_783 = tpu.dynamic_gather %select_n3A_726[%gather3A_782] in [0] : vector<16xf32>, vector<16xi32> -> vector<16xf32>
        %add3A_784 = arith.addf %select_n3A_726, %gather3A_783 : vector<16xf32>
        %broadcast_in_dim3A_785 = vector.shape_cast %xor3A_762 : vector<16xi32> to vector<16x1xi32>
        %gather3A_786 = vector.shape_cast %broadcast_in_dim3A_785 : vector<16x1xi32> to vector<16xi32>
        %gather3A_787 = tpu.dynamic_gather %select_n3A_735[%gather3A_786] in [0] : vector<16xf32>, vector<16xi32> -> vector<16xf32>
        %add3A_788 = arith.addf %select_n3A_735, %gather3A_787 : vector<16xf32>
        %select_n3A_789 = arith.select %eq3A_759, %add3A_784, %add3A_788 : vector<16xi1>, vector<16xf32>
        %broadcast_in_dim3A_790 = vector.shape_cast %xor3A_762 : vector<16xi32> to vector<16x1xi32>
        %gather3A_791 = vector.shape_cast %broadcast_in_dim3A_790 : vector<16x1xi32> to vector<16xi32>
        %gather3A_792 = tpu.dynamic_gather %select_n3A_744[%gather3A_791] in [0] : vector<16xf32>, vector<16xi32> -> vector<16xf32>
        %add3A_793 = arith.addf %select_n3A_744, %gather3A_792 : vector<16xf32>
        %broadcast_in_dim3A_794 = vector.shape_cast %xor3A_762 : vector<16xi32> to vector<16x1xi32>
        %gather3A_795 = vector.shape_cast %broadcast_in_dim3A_794 : vector<16x1xi32> to vector<16xi32>
        %gather3A_796 = tpu.dynamic_gather %select_n3A_753[%gather3A_795] in [0] : vector<16xf32>, vector<16xi32> -> vector<16xf32>
        %add3A_797 = arith.addf %select_n3A_753, %gather3A_796 : vector<16xf32>
        %select_n3A_798 = arith.select %eq3A_759, %add3A_793, %add3A_797 : vector<16xi1>, vector<16xf32>
        %and3A_799 = arith.constant 2 : i32
        %and3A_800 = vector.broadcast %and3A_799 : i32 to vector<16xi32>
        %and3A_801 = arith.andi %iota3A, %and3A_800 : vector<16xi32>
        %eq3A_802 = arith.constant 0 : i32
        %eq3A_803 = vector.broadcast %eq3A_802 : i32 to vector<16xi32>
        %eq3A_804 = arith.cmpi eq, %and3A_801, %eq3A_803 : vector<16xi32>
        %xor3A_805 = arith.constant 2 : i32
        %xor3A_806 = vector.broadcast %xor3A_805 : i32 to vector<16xi32>
        %xor3A_807 = arith.xori %iota3A, %xor3A_806 : vector<16xi32>
        %broadcast_in_dim3A_808 = vector.shape_cast %xor3A_807 : vector<16xi32> to vector<16x1xi32>
        %gather3A_809 = vector.shape_cast %broadcast_in_dim3A_808 : vector<16x1xi32> to vector<16xi32>
        %gather3A_810 = tpu.dynamic_gather %select_n3A_771[%gather3A_809] in [0] : vector<16xf32>, vector<16xi32> -> vector<16xf32>
        %add3A_811 = arith.addf %select_n3A_771, %gather3A_810 : vector<16xf32>
        %broadcast_in_dim3A_812 = vector.shape_cast %xor3A_807 : vector<16xi32> to vector<16x1xi32>
        %gather3A_813 = vector.shape_cast %broadcast_in_dim3A_812 : vector<16x1xi32> to vector<16xi32>
        %gather3A_814 = tpu.dynamic_gather %select_n3A_780[%gather3A_813] in [0] : vector<16xf32>, vector<16xi32> -> vector<16xf32>
        %add3A_815 = arith.addf %select_n3A_780, %gather3A_814 : vector<16xf32>
        %select_n3A_816 = arith.select %eq3A_804, %add3A_811, %add3A_815 : vector<16xi1>, vector<16xf32>
        %broadcast_in_dim3A_817 = vector.shape_cast %xor3A_807 : vector<16xi32> to vector<16x1xi32>
        %gather3A_818 = vector.shape_cast %broadcast_in_dim3A_817 : vector<16x1xi32> to vector<16xi32>
        %gather3A_819 = tpu.dynamic_gather %select_n3A_789[%gather3A_818] in [0] : vector<16xf32>, vector<16xi32> -> vector<16xf32>
        %add3A_820 = arith.addf %select_n3A_789, %gather3A_819 : vector<16xf32>
        %broadcast_in_dim3A_821 = vector.shape_cast %xor3A_807 : vector<16xi32> to vector<16x1xi32>
        %gather3A_822 = vector.shape_cast %broadcast_in_dim3A_821 : vector<16x1xi32> to vector<16xi32>
        %gather3A_823 = tpu.dynamic_gather %select_n3A_798[%gather3A_822] in [0] : vector<16xf32>, vector<16xi32> -> vector<16xf32>
        %add3A_824 = arith.addf %select_n3A_798, %gather3A_823 : vector<16xf32>
        %select_n3A_825 = arith.select %eq3A_804, %add3A_820, %add3A_824 : vector<16xi1>, vector<16xf32>
        %and3A_826 = arith.constant 1 : i32
        %and3A_827 = vector.broadcast %and3A_826 : i32 to vector<16xi32>
        %and3A_828 = arith.andi %iota3A, %and3A_827 : vector<16xi32>
        %eq3A_829 = arith.constant 0 : i32
        %eq3A_830 = vector.broadcast %eq3A_829 : i32 to vector<16xi32>
        %eq3A_831 = arith.cmpi eq, %and3A_828, %eq3A_830 : vector<16xi32>
        %xor3A_832 = arith.constant 1 : i32
        %xor3A_833 = vector.broadcast %xor3A_832 : i32 to vector<16xi32>
        %xor3A_834 = arith.xori %iota3A, %xor3A_833 : vector<16xi32>
        %broadcast_in_dim3A_835 = vector.shape_cast %xor3A_834 : vector<16xi32> to vector<16x1xi32>
        %gather3A_836 = vector.shape_cast %broadcast_in_dim3A_835 : vector<16x1xi32> to vector<16xi32>
        %gather3A_837 = tpu.dynamic_gather %select_n3A_816[%gather3A_836] in [0] : vector<16xf32>, vector<16xi32> -> vector<16xf32>
        %add3A_838 = arith.addf %select_n3A_816, %gather3A_837 : vector<16xf32>
        %broadcast_in_dim3A_839 = vector.shape_cast %xor3A_834 : vector<16xi32> to vector<16x1xi32>
        %gather3A_840 = vector.shape_cast %broadcast_in_dim3A_839 : vector<16x1xi32> to vector<16xi32>
        %gather3A_841 = tpu.dynamic_gather %select_n3A_825[%gather3A_840] in [0] : vector<16xf32>, vector<16xi32> -> vector<16xf32>
        %add3A_842 = arith.addf %select_n3A_825, %gather3A_841 : vector<16xf32>
        %select_n3A_843 = arith.select %eq3A_831, %add3A_838, %add3A_842 : vector<16xi1>, vector<16xf32>
        %get3A_844 = arith.index_cast %mul3A_342 : i32 to index
        %get3A_845 = tpu.vector_load %arg14[%get3A_844] {strides = array<i32>} : memref<208xf32, #tpu.memory_space<vmem>>, vector<16xf32>,
        %add3A_846 = arith.addf %select_n3A_843, %get3A_845 : vector<16xf32>
        %mul3A_847 = arith.constant 200 : i32
        %mul3A_848 = arith.muli %add3A_165, %mul3A_847 : i32
        %add3A_849 = arith.addi %mul3A_848, %mul3A_342 : i32
        %swap3A = arith.index_cast %add3A_849 : i32 to index
        %swap3A_850 = tpu.vector_load %arg17[%swap3A] {strides = array<i32>} : memref<25608xf32, #tpu.memory_space<vmem>>, vector<16xf32>,
        tpu.vector_store %arg17[%swap3A], %add3A_846 {strides = array<i32>} : memref<25608xf32, #tpu.memory_space<vmem>>, vector<16xf32>,
      }
      %scan3A_212 = arith.constant 13 : i32
      %add3A_213 = arith.constant 3 : i32
      %add3A_214 = arith.addi %add3A_165, %add3A_213 : i32
      %lt3A_215 = arith.constant 128 : i32
      %lt3A_216 = arith.cmpi slt, %add3A_214, %lt3A_215 : i32
      %convert_element_type3A_217 = arith.extui %lt3A_216 : i1 to i32
      %cond3A_218 = arith.constant 0 : i32
      %cond3A_219 = arith.cmpi ne, %convert_element_type3A_217, %cond3A_218 : i32
      scf.if %cond3A_219 {
        %add3A_336 = arith.constant 3 : i32
        %add3A_337 = arith.addi %add3A_165, %add3A_336 : i32
        %mul3A_338 = arith.constant 200 : i32
        %mul3A_339 = arith.muli %add3A_337, %mul3A_338 : i32
        %dma_start3A_340 = arith.constant 0 : i32
        %dma_start3A_341 = arith.constant 0 : i32
        %dma_start3A_342 = tpu.memref_slice %arg9[%dma_start3A_340, %dma_start3A_341] : memref<208x64xf32, #tpu.memory_space<vmem>> -> memref<128x64xf32, #tpu.memory_space<vmem>>
        %dma_start3A_343 = tpu.memref_slice %arg7[%mul3A_339] : memref<25600xi32, #tpu.memory_space<vmem>> -> memref<128xi32, #tpu.memory_space<vmem>>
        %dma_start3A_344 = arith.constant 0 : i32
        %dma_start3A_345 = arith.constant 0 : i32
        %dma_start3A_346 = tpu.memref_slice %arg4[%dma_start3A_344, %dma_start3A_345] : memref<1000000x64xf32, #tpu.memory_space<hbm>> -> memref<1000000x64xf32, #tpu.memory_space<hbm>>
        tpu.enqueue_indirect_dma source(%dma_start3A_346 : memref<1000000x64xf32, #tpu.memory_space<hbm>>) target(%dma_start3A_342 : memref<128x64xf32, #tpu.memory_space<vmem>>) offsets(%dma_start3A_343 : memref<128xi32, #tpu.memory_space<vmem>>) semaphore(%arg19 : memref<!tpu.dma_semaphore, #tpu.memory_space<semaphore_mem>>)
        %add3A_347 = arith.constant 128 : i32
        %add3A_348 = arith.addi %mul3A_339, %add3A_347 : i32
        %dma_start3A_349 = arith.constant 128 : i32
        %dma_start3A_350 = arith.constant 0 : i32
        %dma_start3A_351 = tpu.memref_slice %arg9[%dma_start3A_349, %dma_start3A_350] : memref<208x64xf32, #tpu.memory_space<vmem>> -> memref<72x64xf32, #tpu.memory_space<vmem>>
        %dma_start3A_352 = tpu.memref_slice %arg7[%add3A_348] : memref<25600xi32, #tpu.memory_space<vmem>> -> memref<72xi32, #tpu.memory_space<vmem>>
        %dma_start3A_353 = arith.constant 0 : i32
        %dma_start3A_354 = arith.constant 0 : i32
        %dma_start3A_355 = tpu.memref_slice %arg4[%dma_start3A_353, %dma_start3A_354] : memref<1000000x64xf32, #tpu.memory_space<hbm>> -> memref<1000000x64xf32, #tpu.memory_space<hbm>>
        tpu.enqueue_indirect_dma source(%dma_start3A_355 : memref<1000000x64xf32, #tpu.memory_space<hbm>>) target(%dma_start3A_351 : memref<72x64xf32, #tpu.memory_space<vmem>>) offsets(%dma_start3A_352 : memref<72xi32, #tpu.memory_space<vmem>>) semaphore(%arg19 : memref<!tpu.dma_semaphore, #tpu.memory_space<semaphore_mem>>)
        %dma_start3A_356 = arith.constant 0 : i32
        %dma_start3A_357 = tpu.memref_slice %arg13[%dma_start3A_356] : memref<208xf32, #tpu.memory_space<vmem>> -> memref<128xf32, #tpu.memory_space<vmem>>
        %dma_start3A_358 = tpu.memref_slice %arg7[%mul3A_339] : memref<25600xi32, #tpu.memory_space<vmem>> -> memref<128xi32, #tpu.memory_space<vmem>>
        %dma_start3A_359 = arith.constant 0 : i32
        %dma_start3A_360 = tpu.memref_slice %arg5[%dma_start3A_359] : memref<1000000xf32, #tpu.memory_space<hbm>> -> memref<1000000xf32, #tpu.memory_space<hbm>>
        tpu.enqueue_indirect_dma source(%dma_start3A_360 : memref<1000000xf32, #tpu.memory_space<hbm>>) target(%dma_start3A_357 : memref<128xf32, #tpu.memory_space<vmem>>) offsets(%dma_start3A_358 : memref<128xi32, #tpu.memory_space<vmem>>) semaphore(%arg19 : memref<!tpu.dma_semaphore, #tpu.memory_space<semaphore_mem>>)
        %add3A_361 = arith.constant 128 : i32
        %add3A_362 = arith.addi %mul3A_339, %add3A_361 : i32
        %dma_start3A_363 = arith.constant 128 : i32
        %dma_start3A_364 = tpu.memref_slice %arg13[%dma_start3A_363] : memref<208xf32, #tpu.memory_space<vmem>> -> memref<72xf32, #tpu.memory_space<vmem>>
        %dma_start3A_365 = tpu.memref_slice %arg7[%add3A_362] : memref<25600xi32, #tpu.memory_space<vmem>> -> memref<72xi32, #tpu.memory_space<vmem>>
        %dma_start3A_366 = arith.constant 0 : i32
        %dma_start3A_367 = tpu.memref_slice %arg5[%dma_start3A_366] : memref<1000000xf32, #tpu.memory_space<hbm>> -> memref<1000000xf32, #tpu.memory_space<hbm>>
        tpu.enqueue_indirect_dma source(%dma_start3A_367 : memref<1000000xf32, #tpu.memory_space<hbm>>) target(%dma_start3A_364 : memref<72xf32, #tpu.memory_space<vmem>>) offsets(%dma_start3A_365 : memref<72xi32, #tpu.memory_space<vmem>>) semaphore(%arg19 : memref<!tpu.dma_semaphore, #tpu.memory_space<semaphore_mem>>)
      } else {
      }
      %mul3A_220 = arith.constant 4 : i32
      %mul3A_221 = arith.muli %add3A_107, %mul3A_220 : i32
      %add3A_222 = arith.constant 2 : i32
      %add3A_223 = arith.addi %mul3A_221, %add3A_222 : i32
      %mul3A_224 = arith.constant 200 : i32
      %mul3A_225 = arith.muli %add3A_223, %mul3A_224 : i32
      %dma_wait3A_226 = arith.constant 0 : i32
      %dma_wait3A_227 = arith.constant 0 : i32
      %dma_wait3A_228 = tpu.memref_slice %arg11[%dma_wait3A_226, %dma_wait3A_227] : memref<208x64xf32, #tpu.memory_space<vmem>> -> memref<128x64xf32, #tpu.memory_space<vmem>>
      %dma_wait3A_229 = tpu.memref_slice %arg7[%mul3A_225] : memref<25600xi32, #tpu.memory_space<vmem>> -> memref<128xi32, #tpu.memory_space<vmem>>
      %dma_wait3A_230 = arith.constant 0 : i32
      %dma_wait3A_231 = arith.constant 0 : i32
      %dma_wait3A_232 = tpu.memref_slice %arg4[%dma_wait3A_230, %dma_wait3A_231] : memref<1000000x64xf32, #tpu.memory_space<hbm>> -> memref<1000000x64xf32, #tpu.memory_space<hbm>>
      tpu.wait_indirect_dma semaphore(%arg21 : memref<!tpu.dma_semaphore, #tpu.memory_space<semaphore_mem>>) src(%dma_wait3A_232 : memref<1000000x64xf32, #tpu.memory_space<hbm>>) dst(%dma_wait3A_228 : memref<128x64xf32, #tpu.memory_space<vmem>>)
      %add3A_233 = arith.constant 128 : i32
      %add3A_234 = arith.addi %mul3A_225, %add3A_233 : i32
      %dma_wait3A_235 = arith.constant 128 : i32
      %dma_wait3A_236 = arith.constant 0 : i32
      %dma_wait3A_237 = tpu.memref_slice %arg11[%dma_wait3A_235, %dma_wait3A_236] : memref<208x64xf32, #tpu.memory_space<vmem>> -> memref<72x64xf32, #tpu.memory_space<vmem>>
      %dma_wait3A_238 = tpu.memref_slice %arg7[%add3A_234] : memref<25600xi32, #tpu.memory_space<vmem>> -> memref<72xi32, #tpu.memory_space<vmem>>
      %dma_wait3A_239 = arith.constant 0 : i32
      %dma_wait3A_240 = arith.constant 0 : i32
      %dma_wait3A_241 = tpu.memref_slice %arg4[%dma_wait3A_239, %dma_wait3A_240] : memref<1000000x64xf32, #tpu.memory_space<hbm>> -> memref<1000000x64xf32, #tpu.memory_space<hbm>>
      tpu.wait_indirect_dma semaphore(%arg21 : memref<!tpu.dma_semaphore, #tpu.memory_space<semaphore_mem>>) src(%dma_wait3A_241 : memref<1000000x64xf32, #tpu.memory_space<hbm>>) dst(%dma_wait3A_237 : memref<72x64xf32, #tpu.memory_space<vmem>>)
      %dma_wait3A_242 = arith.constant 0 : i32
      %dma_wait3A_243 = tpu.memref_slice %arg15[%dma_wait3A_242] : memref<208xf32, #tpu.memory_space<vmem>> -> memref<128xf32, #tpu.memory_space<vmem>>
      %dma_wait3A_244 = tpu.memref_slice %arg7[%mul3A_225] : memref<25600xi32, #tpu.memory_space<vmem>> -> memref<128xi32, #tpu.memory_space<vmem>>
      %dma_wait3A_245 = arith.constant 0 : i32
      %dma_wait3A_246 = tpu.memref_slice %arg5[%dma_wait3A_245] : memref<1000000xf32, #tpu.memory_space<hbm>> -> memref<1000000xf32, #tpu.memory_space<hbm>>
      tpu.wait_indirect_dma semaphore(%arg21 : memref<!tpu.dma_semaphore, #tpu.memory_space<semaphore_mem>>) src(%dma_wait3A_246 : memref<1000000xf32, #tpu.memory_space<hbm>>) dst(%dma_wait3A_243 : memref<128xf32, #tpu.memory_space<vmem>>)
      %add3A_247 = arith.constant 128 : i32
      %add3A_248 = arith.addi %mul3A_225, %add3A_247 : i32
      %dma_wait3A_249 = arith.constant 128 : i32
      %dma_wait3A_250 = tpu.memref_slice %arg15[%dma_wait3A_249] : memref<208xf32, #tpu.memory_space<vmem>> -> memref<72xf32, #tpu.memory_space<vmem>>
      %dma_wait3A_251 = tpu.memref_slice %arg7[%add3A_248] : memref<25600xi32, #tpu.memory_space<vmem>> -> memref<72xi32, #tpu.memory_space<vmem>>
      %dma_wait3A_252 = arith.constant 0 : i32
      %dma_wait3A_253 = tpu.memref_slice %arg5[%dma_wait3A_252] : memref<1000000xf32, #tpu.memory_space<hbm>> -> memref<1000000xf32, #tpu.memory_space<hbm>>
      tpu.wait_indirect_dma semaphore(%arg21 : memref<!tpu.dma_semaphore, #tpu.memory_space<semaphore_mem>>) src(%dma_wait3A_253 : memref<1000000xf32, #tpu.memory_space<hbm>>) dst(%dma_wait3A_250 : memref<72xf32, #tpu.memory_space<vmem>>)
      %get3A_254 = arith.index_cast %add3A_223 : i32 to index
      %get3A_255 = arith.constant 0 : index
      %get3A_256 = tpu.vector_load %arg8[%get3A_254, %get3A_255] {strides = array<i32>} : memref<128x64xf32, #tpu.memory_space<vmem>>, vector<16xf32>,
      %get3A_257 = arith.index_cast %add3A_223 : i32 to index
      %get3A_258 = arith.constant 16 : index
      %get3A_259 = tpu.vector_load %arg8[%get3A_257, %get3A_258] {strides = array<i32>} : memref<128x64xf32, #tpu.memory_space<vmem>>, vector<16xf32>,
      %get3A_260 = arith.index_cast %add3A_223 : i32 to index
      %get3A_261 = arith.constant 32 : index
      %get3A_262 = tpu.vector_load %arg8[%get3A_260, %get3A_261] {strides = array<i32>} : memref<128x64xf32, #tpu.memory_space<vmem>>, vector<16xf32>,
      %get3A_263 = arith.index_cast %add3A_223 : i32 to index
      %get3A_264 = arith.constant 48 : index
      %get3A_265 = tpu.vector_load %arg8[%get3A_263, %get3A_264] {strides = array<i32>} : memref<128x64xf32, #tpu.memory_space<vmem>>, vector<16xf32>,
      %scan3A_266 = arith.constant 0 : i32
      %scan3A_267 = arith.constant 13 : i32
      %scan3A_268 = arith.addi %scan3A_266, %scan3A_267 : i32
      %scan3A_269 = arith.constant 1 : i32
      scf.for %scan3A_336 = %scan3A_266 to %scan3A_268 step %scan3A_269  : i32 {
        %mul3A_337 = arith.constant 1 : i32
        %mul3A_338 = arith.muli %scan3A_336, %mul3A_337 : i32
        %add3A_339 = arith.constant 0 : i32
        %add3A_340 = arith.addi %add3A_339, %mul3A_338 : i32
        %mul3A_341 = arith.constant 16 : i32
        %mul3A_342 = arith.muli %add3A_340, %mul3A_341 : i32
        %add3A_343 = arith.constant 0 : i32
        %add3A_344 = arith.addi %mul3A_342, %add3A_343 : i32
        %get3A_345 = arith.index_cast %add3A_344 : i32 to index
        %get3A_346 = arith.constant 0 : index
        %get3A_347 = tpu.vector_load %arg11[%get3A_345, %get3A_346] {strides = array<i32>} : memref<208x64xf32, #tpu.memory_space<vmem>>, vector<16xf32>,
        %mul3A_348 = arith.mulf %get3A_347, %get3A_256 : vector<16xf32>
        %get3A_349 = arith.index_cast %add3A_344 : i32 to index
        %get3A_350 = arith.constant 16 : index
        %get3A_351 = tpu.vector_load %arg11[%get3A_349, %get3A_350] {strides = array<i32>} : memref<208x64xf32, #tpu.memory_space<vmem>>, vector<16xf32>,
        %mul3A_352 = arith.mulf %get3A_351, %get3A_259 : vector<16xf32>
        %add3A_353 = arith.addf %mul3A_348, %mul3A_352 : vector<16xf32>
        %get3A_354 = arith.index_cast %add3A_344 : i32 to index
        %get3A_355 = arith.constant 32 : index
        %get3A_356 = tpu.vector_load %arg11[%get3A_354, %get3A_355] {strides = array<i32>} : memref<208x64xf32, #tpu.memory_space<vmem>>, vector<16xf32>,
        %mul3A_357 = arith.mulf %get3A_356, %get3A_262 : vector<16xf32>
        %add3A_358 = arith.addf %add3A_353, %mul3A_357 : vector<16xf32>
        %get3A_359 = arith.index_cast %add3A_344 : i32 to index
        %get3A_360 = arith.constant 48 : index
        %get3A_361 = tpu.vector_load %arg11[%get3A_359, %get3A_360] {strides = array<i32>} : memref<208x64xf32, #tpu.memory_space<vmem>>, vector<16xf32>,
        %mul3A_362 = arith.mulf %get3A_361, %get3A_265 : vector<16xf32>
        %add3A_363 = arith.addf %add3A_358, %mul3A_362 : vector<16xf32>
        %add3A_364 = arith.constant 8 : i32
        %add3A_365 = arith.addi %mul3A_342, %add3A_364 : i32
        %get3A_366 = arith.index_cast %add3A_365 : i32 to index
        %get3A_367 = arith.constant 0 : index
        %get3A_368 = tpu.vector_load %arg11[%get3A_366, %get3A_367] {strides = array<i32>} : memref<208x64xf32, #tpu.memory_space<vmem>>, vector<16xf32>,
        %mul3A_369 = arith.mulf %get3A_368, %get3A_256 : vector<16xf32>
        %get3A_370 = arith.index_cast %add3A_365 : i32 to index
        %get3A_371 = arith.constant 16 : index
        %get3A_372 = tpu.vector_load %arg11[%get3A_370, %get3A_371] {strides = array<i32>} : memref<208x64xf32, #tpu.memory_space<vmem>>, vector<16xf32>,
        %mul3A_373 = arith.mulf %get3A_372, %get3A_259 : vector<16xf32>
        %add3A_374 = arith.addf %mul3A_369, %mul3A_373 : vector<16xf32>
        %get3A_375 = arith.index_cast %add3A_365 : i32 to index
        %get3A_376 = arith.constant 32 : index
        %get3A_377 = tpu.vector_load %arg11[%get3A_375, %get3A_376] {strides = array<i32>} : memref<208x64xf32, #tpu.memory_space<vmem>>, vector<16xf32>,
        %mul3A_378 = arith.mulf %get3A_377, %get3A_262 : vector<16xf32>
        %add3A_379 = arith.addf %add3A_374, %mul3A_378 : vector<16xf32>
        %get3A_380 = arith.index_cast %add3A_365 : i32 to index
        %get3A_381 = arith.constant 48 : index
        %get3A_382 = tpu.vector_load %arg11[%get3A_380, %get3A_381] {strides = array<i32>} : memref<208x64xf32, #tpu.memory_space<vmem>>, vector<16xf32>,
        %mul3A_383 = arith.mulf %get3A_382, %get3A_265 : vector<16xf32>
        %add3A_384 = arith.addf %add3A_379, %mul3A_383 : vector<16xf32>
        %add3A_385 = arith.constant 4 : i32
        %add3A_386 = arith.addi %mul3A_342, %add3A_385 : i32
        %get3A_387 = arith.index_cast %add3A_386 : i32 to index
        %get3A_388 = arith.constant 0 : index
        %get3A_389 = tpu.vector_load %arg11[%get3A_387, %get3A_388] {strides = array<i32>} : memref<208x64xf32, #tpu.memory_space<vmem>>, vector<16xf32>,
        %mul3A_390 = arith.mulf %get3A_389, %get3A_256 : vector<16xf32>
        %get3A_391 = arith.index_cast %add3A_386 : i32 to index
        %get3A_392 = arith.constant 16 : index
        %get3A_393 = tpu.vector_load %arg11[%get3A_391, %get3A_392] {strides = array<i32>} : memref<208x64xf32, #tpu.memory_space<vmem>>, vector<16xf32>,
        %mul3A_394 = arith.mulf %get3A_393, %get3A_259 : vector<16xf32>
        %add3A_395 = arith.addf %mul3A_390, %mul3A_394 : vector<16xf32>
        %get3A_396 = arith.index_cast %add3A_386 : i32 to index
        %get3A_397 = arith.constant 32 : index
        %get3A_398 = tpu.vector_load %arg11[%get3A_396, %get3A_397] {strides = array<i32>} : memref<208x64xf32, #tpu.memory_space<vmem>>, vector<16xf32>,
        %mul3A_399 = arith.mulf %get3A_398, %get3A_262 : vector<16xf32>
        %add3A_400 = arith.addf %add3A_395, %mul3A_399 : vector<16xf32>
        %get3A_401 = arith.index_cast %add3A_386 : i32 to index
        %get3A_402 = arith.constant 48 : index
        %get3A_403 = tpu.vector_load %arg11[%get3A_401, %get3A_402] {strides = array<i32>} : memref<208x64xf32, #tpu.memory_space<vmem>>, vector<16xf32>,
        %mul3A_404 = arith.mulf %get3A_403, %get3A_265 : vector<16xf32>
        %add3A_405 = arith.addf %add3A_400, %mul3A_404 : vector<16xf32>
        %add3A_406 = arith.constant 12 : i32
        %add3A_407 = arith.addi %mul3A_342, %add3A_406 : i32
        %get3A_408 = arith.index_cast %add3A_407 : i32 to index
        %get3A_409 = arith.constant 0 : index
        %get3A_410 = tpu.vector_load %arg11[%get3A_408, %get3A_409] {strides = array<i32>} : memref<208x64xf32, #tpu.memory_space<vmem>>, vector<16xf32>,
        %mul3A_411 = arith.mulf %get3A_410, %get3A_256 : vector<16xf32>
        %get3A_412 = arith.index_cast %add3A_407 : i32 to index
        %get3A_413 = arith.constant 16 : index
        %get3A_414 = tpu.vector_load %arg11[%get3A_412, %get3A_413] {strides = array<i32>} : memref<208x64xf32, #tpu.memory_space<vmem>>, vector<16xf32>,
        %mul3A_415 = arith.mulf %get3A_414, %get3A_259 : vector<16xf32>
        %add3A_416 = arith.addf %mul3A_411, %mul3A_415 : vector<16xf32>
        %get3A_417 = arith.index_cast %add3A_407 : i32 to index
        %get3A_418 = arith.constant 32 : index
        %get3A_419 = tpu.vector_load %arg11[%get3A_417, %get3A_418] {strides = array<i32>} : memref<208x64xf32, #tpu.memory_space<vmem>>, vector<16xf32>,
        %mul3A_420 = arith.mulf %get3A_419, %get3A_262 : vector<16xf32>
        %add3A_421 = arith.addf %add3A_416, %mul3A_420 : vector<16xf32>
        %get3A_422 = arith.index_cast %add3A_407 : i32 to index
        %get3A_423 = arith.constant 48 : index
        %get3A_424 = tpu.vector_load %arg11[%get3A_422, %get3A_423] {strides = array<i32>} : memref<208x64xf32, #tpu.memory_space<vmem>>, vector<16xf32>,
        %mul3A_425 = arith.mulf %get3A_424, %get3A_265 : vector<16xf32>
        %add3A_426 = arith.addf %add3A_421, %mul3A_425 : vector<16xf32>
        %add3A_427 = arith.constant 2 : i32
        %add3A_428 = arith.addi %mul3A_342, %add3A_427 : i32
        %get3A_429 = arith.index_cast %add3A_428 : i32 to index
        %get3A_430 = arith.constant 0 : index
        %get3A_431 = tpu.vector_load %arg11[%get3A_429, %get3A_430] {strides = array<i32>} : memref<208x64xf32, #tpu.memory_space<vmem>>, vector<16xf32>,
        %mul3A_432 = arith.mulf %get3A_431, %get3A_256 : vector<16xf32>
        %get3A_433 = arith.index_cast %add3A_428 : i32 to index
        %get3A_434 = arith.constant 16 : index
        %get3A_435 = tpu.vector_load %arg11[%get3A_433, %get3A_434] {strides = array<i32>} : memref<208x64xf32, #tpu.memory_space<vmem>>, vector<16xf32>,
        %mul3A_436 = arith.mulf %get3A_435, %get3A_259 : vector<16xf32>
        %add3A_437 = arith.addf %mul3A_432, %mul3A_436 : vector<16xf32>
        %get3A_438 = arith.index_cast %add3A_428 : i32 to index
        %get3A_439 = arith.constant 32 : index
        %get3A_440 = tpu.vector_load %arg11[%get3A_438, %get3A_439] {strides = array<i32>} : memref<208x64xf32, #tpu.memory_space<vmem>>, vector<16xf32>,
        %mul3A_441 = arith.mulf %get3A_440, %get3A_262 : vector<16xf32>
        %add3A_442 = arith.addf %add3A_437, %mul3A_441 : vector<16xf32>
        %get3A_443 = arith.index_cast %add3A_428 : i32 to index
        %get3A_444 = arith.constant 48 : index
        %get3A_445 = tpu.vector_load %arg11[%get3A_443, %get3A_444] {strides = array<i32>} : memref<208x64xf32, #tpu.memory_space<vmem>>, vector<16xf32>,
        %mul3A_446 = arith.mulf %get3A_445, %get3A_265 : vector<16xf32>
        %add3A_447 = arith.addf %add3A_442, %mul3A_446 : vector<16xf32>
        %add3A_448 = arith.constant 10 : i32
        %add3A_449 = arith.addi %mul3A_342, %add3A_448 : i32
        %get3A_450 = arith.index_cast %add3A_449 : i32 to index
        %get3A_451 = arith.constant 0 : index
        %get3A_452 = tpu.vector_load %arg11[%get3A_450, %get3A_451] {strides = array<i32>} : memref<208x64xf32, #tpu.memory_space<vmem>>, vector<16xf32>,
        %mul3A_453 = arith.mulf %get3A_452, %get3A_256 : vector<16xf32>
        %get3A_454 = arith.index_cast %add3A_449 : i32 to index
        %get3A_455 = arith.constant 16 : index
        %get3A_456 = tpu.vector_load %arg11[%get3A_454, %get3A_455] {strides = array<i32>} : memref<208x64xf32, #tpu.memory_space<vmem>>, vector<16xf32>,
        %mul3A_457 = arith.mulf %get3A_456, %get3A_259 : vector<16xf32>
        %add3A_458 = arith.addf %mul3A_453, %mul3A_457 : vector<16xf32>
        %get3A_459 = arith.index_cast %add3A_449 : i32 to index
        %get3A_460 = arith.constant 32 : index
        %get3A_461 = tpu.vector_load %arg11[%get3A_459, %get3A_460] {strides = array<i32>} : memref<208x64xf32, #tpu.memory_space<vmem>>, vector<16xf32>,
        %mul3A_462 = arith.mulf %get3A_461, %get3A_262 : vector<16xf32>
        %add3A_463 = arith.addf %add3A_458, %mul3A_462 : vector<16xf32>
        %get3A_464 = arith.index_cast %add3A_449 : i32 to index
        %get3A_465 = arith.constant 48 : index
        %get3A_466 = tpu.vector_load %arg11[%get3A_464, %get3A_465] {strides = array<i32>} : memref<208x64xf32, #tpu.memory_space<vmem>>, vector<16xf32>,
        %mul3A_467 = arith.mulf %get3A_466, %get3A_265 : vector<16xf32>
        %add3A_468 = arith.addf %add3A_463, %mul3A_467 : vector<16xf32>
        %add3A_469 = arith.constant 6 : i32
        %add3A_470 = arith.addi %mul3A_342, %add3A_469 : i32
        %get3A_471 = arith.index_cast %add3A_470 : i32 to index
        %get3A_472 = arith.constant 0 : index
        %get3A_473 = tpu.vector_load %arg11[%get3A_471, %get3A_472] {strides = array<i32>} : memref<208x64xf32, #tpu.memory_space<vmem>>, vector<16xf32>,
        %mul3A_474 = arith.mulf %get3A_473, %get3A_256 : vector<16xf32>
        %get3A_475 = arith.index_cast %add3A_470 : i32 to index
        %get3A_476 = arith.constant 16 : index
        %get3A_477 = tpu.vector_load %arg11[%get3A_475, %get3A_476] {strides = array<i32>} : memref<208x64xf32, #tpu.memory_space<vmem>>, vector<16xf32>,
        %mul3A_478 = arith.mulf %get3A_477, %get3A_259 : vector<16xf32>
        %add3A_479 = arith.addf %mul3A_474, %mul3A_478 : vector<16xf32>
        %get3A_480 = arith.index_cast %add3A_470 : i32 to index
        %get3A_481 = arith.constant 32 : index
        %get3A_482 = tpu.vector_load %arg11[%get3A_480, %get3A_481] {strides = array<i32>} : memref<208x64xf32, #tpu.memory_space<vmem>>, vector<16xf32>,
        %mul3A_483 = arith.mulf %get3A_482, %get3A_262 : vector<16xf32>
        %add3A_484 = arith.addf %add3A_479, %mul3A_483 : vector<16xf32>
        %get3A_485 = arith.index_cast %add3A_470 : i32 to index
        %get3A_486 = arith.constant 48 : index
        %get3A_487 = tpu.vector_load %arg11[%get3A_485, %get3A_486] {strides = array<i32>} : memref<208x64xf32, #tpu.memory_space<vmem>>, vector<16xf32>,
        %mul3A_488 = arith.mulf %get3A_487, %get3A_265 : vector<16xf32>
        %add3A_489 = arith.addf %add3A_484, %mul3A_488 : vector<16xf32>
        %add3A_490 = arith.constant 14 : i32
        %add3A_491 = arith.addi %mul3A_342, %add3A_490 : i32
        %get3A_492 = arith.index_cast %add3A_491 : i32 to index
        %get3A_493 = arith.constant 0 : index
        %get3A_494 = tpu.vector_load %arg11[%get3A_492, %get3A_493] {strides = array<i32>} : memref<208x64xf32, #tpu.memory_space<vmem>>, vector<16xf32>,
        %mul3A_495 = arith.mulf %get3A_494, %get3A_256 : vector<16xf32>
        %get3A_496 = arith.index_cast %add3A_491 : i32 to index
        %get3A_497 = arith.constant 16 : index
        %get3A_498 = tpu.vector_load %arg11[%get3A_496, %get3A_497] {strides = array<i32>} : memref<208x64xf32, #tpu.memory_space<vmem>>, vector<16xf32>,
        %mul3A_499 = arith.mulf %get3A_498, %get3A_259 : vector<16xf32>
        %add3A_500 = arith.addf %mul3A_495, %mul3A_499 : vector<16xf32>
        %get3A_501 = arith.index_cast %add3A_491 : i32 to index
        %get3A_502 = arith.constant 32 : index
        %get3A_503 = tpu.vector_load %arg11[%get3A_501, %get3A_502] {strides = array<i32>} : memref<208x64xf32, #tpu.memory_space<vmem>>, vector<16xf32>,
        %mul3A_504 = arith.mulf %get3A_503, %get3A_262 : vector<16xf32>
        %add3A_505 = arith.addf %add3A_500, %mul3A_504 : vector<16xf32>
        %get3A_506 = arith.index_cast %add3A_491 : i32 to index
        %get3A_507 = arith.constant 48 : index
        %get3A_508 = tpu.vector_load %arg11[%get3A_506, %get3A_507] {strides = array<i32>} : memref<208x64xf32, #tpu.memory_space<vmem>>, vector<16xf32>,
        %mul3A_509 = arith.mulf %get3A_508, %get3A_265 : vector<16xf32>
        %add3A_510 = arith.addf %add3A_505, %mul3A_509 : vector<16xf32>
        %add3A_511 = arith.constant 1 : i32
        %add3A_512 = arith.addi %mul3A_342, %add3A_511 : i32
        %get3A_513 = arith.index_cast %add3A_512 : i32 to index
        %get3A_514 = arith.constant 0 : index
        %get3A_515 = tpu.vector_load %arg11[%get3A_513, %get3A_514] {strides = array<i32>} : memref<208x64xf32, #tpu.memory_space<vmem>>, vector<16xf32>,
        %mul3A_516 = arith.mulf %get3A_515, %get3A_256 : vector<16xf32>
        %get3A_517 = arith.index_cast %add3A_512 : i32 to index
        %get3A_518 = arith.constant 16 : index
        %get3A_519 = tpu.vector_load %arg11[%get3A_517, %get3A_518] {strides = array<i32>} : memref<208x64xf32, #tpu.memory_space<vmem>>, vector<16xf32>,
        %mul3A_520 = arith.mulf %get3A_519, %get3A_259 : vector<16xf32>
        %add3A_521 = arith.addf %mul3A_516, %mul3A_520 : vector<16xf32>
        %get3A_522 = arith.index_cast %add3A_512 : i32 to index
        %get3A_523 = arith.constant 32 : index
        %get3A_524 = tpu.vector_load %arg11[%get3A_522, %get3A_523] {strides = array<i32>} : memref<208x64xf32, #tpu.memory_space<vmem>>, vector<16xf32>,
        %mul3A_525 = arith.mulf %get3A_524, %get3A_262 : vector<16xf32>
        %add3A_526 = arith.addf %add3A_521, %mul3A_525 : vector<16xf32>
        %get3A_527 = arith.index_cast %add3A_512 : i32 to index
        %get3A_528 = arith.constant 48 : index
        %get3A_529 = tpu.vector_load %arg11[%get3A_527, %get3A_528] {strides = array<i32>} : memref<208x64xf32, #tpu.memory_space<vmem>>, vector<16xf32>,
        %mul3A_530 = arith.mulf %get3A_529, %get3A_265 : vector<16xf32>
        %add3A_531 = arith.addf %add3A_526, %mul3A_530 : vector<16xf32>
        %add3A_532 = arith.constant 9 : i32
        %add3A_533 = arith.addi %mul3A_342, %add3A_532 : i32
        %get3A_534 = arith.index_cast %add3A_533 : i32 to index
        %get3A_535 = arith.constant 0 : index
        %get3A_536 = tpu.vector_load %arg11[%get3A_534, %get3A_535] {strides = array<i32>} : memref<208x64xf32, #tpu.memory_space<vmem>>, vector<16xf32>,
        %mul3A_537 = arith.mulf %get3A_536, %get3A_256 : vector<16xf32>
        %get3A_538 = arith.index_cast %add3A_533 : i32 to index
        %get3A_539 = arith.constant 16 : index
        %get3A_540 = tpu.vector_load %arg11[%get3A_538, %get3A_539] {strides = array<i32>} : memref<208x64xf32, #tpu.memory_space<vmem>>, vector<16xf32>,
        %mul3A_541 = arith.mulf %get3A_540, %get3A_259 : vector<16xf32>
        %add3A_542 = arith.addf %mul3A_537, %mul3A_541 : vector<16xf32>
        %get3A_543 = arith.index_cast %add3A_533 : i32 to index
        %get3A_544 = arith.constant 32 : index
        %get3A_545 = tpu.vector_load %arg11[%get3A_543, %get3A_544] {strides = array<i32>} : memref<208x64xf32, #tpu.memory_space<vmem>>, vector<16xf32>,
        %mul3A_546 = arith.mulf %get3A_545, %get3A_262 : vector<16xf32>
        %add3A_547 = arith.addf %add3A_542, %mul3A_546 : vector<16xf32>
        %get3A_548 = arith.index_cast %add3A_533 : i32 to index
        %get3A_549 = arith.constant 48 : index
        %get3A_550 = tpu.vector_load %arg11[%get3A_548, %get3A_549] {strides = array<i32>} : memref<208x64xf32, #tpu.memory_space<vmem>>, vector<16xf32>,
        %mul3A_551 = arith.mulf %get3A_550, %get3A_265 : vector<16xf32>
        %add3A_552 = arith.addf %add3A_547, %mul3A_551 : vector<16xf32>
        %add3A_553 = arith.constant 5 : i32
        %add3A_554 = arith.addi %mul3A_342, %add3A_553 : i32
        %get3A_555 = arith.index_cast %add3A_554 : i32 to index
        %get3A_556 = arith.constant 0 : index
        %get3A_557 = tpu.vector_load %arg11[%get3A_555, %get3A_556] {strides = array<i32>} : memref<208x64xf32, #tpu.memory_space<vmem>>, vector<16xf32>,
        %mul3A_558 = arith.mulf %get3A_557, %get3A_256 : vector<16xf32>
        %get3A_559 = arith.index_cast %add3A_554 : i32 to index
        %get3A_560 = arith.constant 16 : index
        %get3A_561 = tpu.vector_load %arg11[%get3A_559, %get3A_560] {strides = array<i32>} : memref<208x64xf32, #tpu.memory_space<vmem>>, vector<16xf32>,
        %mul3A_562 = arith.mulf %get3A_561, %get3A_259 : vector<16xf32>
        %add3A_563 = arith.addf %mul3A_558, %mul3A_562 : vector<16xf32>
        %get3A_564 = arith.index_cast %add3A_554 : i32 to index
        %get3A_565 = arith.constant 32 : index
        %get3A_566 = tpu.vector_load %arg11[%get3A_564, %get3A_565] {strides = array<i32>} : memref<208x64xf32, #tpu.memory_space<vmem>>, vector<16xf32>,
        %mul3A_567 = arith.mulf %get3A_566, %get3A_262 : vector<16xf32>
        %add3A_568 = arith.addf %add3A_563, %mul3A_567 : vector<16xf32>
        %get3A_569 = arith.index_cast %add3A_554 : i32 to index
        %get3A_570 = arith.constant 48 : index
        %get3A_571 = tpu.vector_load %arg11[%get3A_569, %get3A_570] {strides = array<i32>} : memref<208x64xf32, #tpu.memory_space<vmem>>, vector<16xf32>,
        %mul3A_572 = arith.mulf %get3A_571, %get3A_265 : vector<16xf32>
        %add3A_573 = arith.addf %add3A_568, %mul3A_572 : vector<16xf32>
        %add3A_574 = arith.constant 13 : i32
        %add3A_575 = arith.addi %mul3A_342, %add3A_574 : i32
        %get3A_576 = arith.index_cast %add3A_575 : i32 to index
        %get3A_577 = arith.constant 0 : index
        %get3A_578 = tpu.vector_load %arg11[%get3A_576, %get3A_577] {strides = array<i32>} : memref<208x64xf32, #tpu.memory_space<vmem>>, vector<16xf32>,
        %mul3A_579 = arith.mulf %get3A_578, %get3A_256 : vector<16xf32>
        %get3A_580 = arith.index_cast %add3A_575 : i32 to index
        %get3A_581 = arith.constant 16 : index
        %get3A_582 = tpu.vector_load %arg11[%get3A_580, %get3A_581] {strides = array<i32>} : memref<208x64xf32, #tpu.memory_space<vmem>>, vector<16xf32>,
        %mul3A_583 = arith.mulf %get3A_582, %get3A_259 : vector<16xf32>
        %add3A_584 = arith.addf %mul3A_579, %mul3A_583 : vector<16xf32>
        %get3A_585 = arith.index_cast %add3A_575 : i32 to index
        %get3A_586 = arith.constant 32 : index
        %get3A_587 = tpu.vector_load %arg11[%get3A_585, %get3A_586] {strides = array<i32>} : memref<208x64xf32, #tpu.memory_space<vmem>>, vector<16xf32>,
        %mul3A_588 = arith.mulf %get3A_587, %get3A_262 : vector<16xf32>
        %add3A_589 = arith.addf %add3A_584, %mul3A_588 : vector<16xf32>
        %get3A_590 = arith.index_cast %add3A_575 : i32 to index
        %get3A_591 = arith.constant 48 : index
        %get3A_592 = tpu.vector_load %arg11[%get3A_590, %get3A_591] {strides = array<i32>} : memref<208x64xf32, #tpu.memory_space<vmem>>, vector<16xf32>,
        %mul3A_593 = arith.mulf %get3A_592, %get3A_265 : vector<16xf32>
        %add3A_594 = arith.addf %add3A_589, %mul3A_593 : vector<16xf32>
        %add3A_595 = arith.constant 3 : i32
        %add3A_596 = arith.addi %mul3A_342, %add3A_595 : i32
        %get3A_597 = arith.index_cast %add3A_596 : i32 to index
        %get3A_598 = arith.constant 0 : index
        %get3A_599 = tpu.vector_load %arg11[%get3A_597, %get3A_598] {strides = array<i32>} : memref<208x64xf32, #tpu.memory_space<vmem>>, vector<16xf32>,
        %mul3A_600 = arith.mulf %get3A_599, %get3A_256 : vector<16xf32>
        %get3A_601 = arith.index_cast %add3A_596 : i32 to index
        %get3A_602 = arith.constant 16 : index
        %get3A_603 = tpu.vector_load %arg11[%get3A_601, %get3A_602] {strides = array<i32>} : memref<208x64xf32, #tpu.memory_space<vmem>>, vector<16xf32>,
        %mul3A_604 = arith.mulf %get3A_603, %get3A_259 : vector<16xf32>
        %add3A_605 = arith.addf %mul3A_600, %mul3A_604 : vector<16xf32>
        %get3A_606 = arith.index_cast %add3A_596 : i32 to index
        %get3A_607 = arith.constant 32 : index
        %get3A_608 = tpu.vector_load %arg11[%get3A_606, %get3A_607] {strides = array<i32>} : memref<208x64xf32, #tpu.memory_space<vmem>>, vector<16xf32>,
        %mul3A_609 = arith.mulf %get3A_608, %get3A_262 : vector<16xf32>
        %add3A_610 = arith.addf %add3A_605, %mul3A_609 : vector<16xf32>
        %get3A_611 = arith.index_cast %add3A_596 : i32 to index
        %get3A_612 = arith.constant 48 : index
        %get3A_613 = tpu.vector_load %arg11[%get3A_611, %get3A_612] {strides = array<i32>} : memref<208x64xf32, #tpu.memory_space<vmem>>, vector<16xf32>,
        %mul3A_614 = arith.mulf %get3A_613, %get3A_265 : vector<16xf32>
        %add3A_615 = arith.addf %add3A_610, %mul3A_614 : vector<16xf32>
        %add3A_616 = arith.constant 11 : i32
        %add3A_617 = arith.addi %mul3A_342, %add3A_616 : i32
        %get3A_618 = arith.index_cast %add3A_617 : i32 to index
        %get3A_619 = arith.constant 0 : index
        %get3A_620 = tpu.vector_load %arg11[%get3A_618, %get3A_619] {strides = array<i32>} : memref<208x64xf32, #tpu.memory_space<vmem>>, vector<16xf32>,
        %mul3A_621 = arith.mulf %get3A_620, %get3A_256 : vector<16xf32>
        %get3A_622 = arith.index_cast %add3A_617 : i32 to index
        %get3A_623 = arith.constant 16 : index
        %get3A_624 = tpu.vector_load %arg11[%get3A_622, %get3A_623] {strides = array<i32>} : memref<208x64xf32, #tpu.memory_space<vmem>>, vector<16xf32>,
        %mul3A_625 = arith.mulf %get3A_624, %get3A_259 : vector<16xf32>
        %add3A_626 = arith.addf %mul3A_621, %mul3A_625 : vector<16xf32>
        %get3A_627 = arith.index_cast %add3A_617 : i32 to index
        %get3A_628 = arith.constant 32 : index
        %get3A_629 = tpu.vector_load %arg11[%get3A_627, %get3A_628] {strides = array<i32>} : memref<208x64xf32, #tpu.memory_space<vmem>>, vector<16xf32>,
        %mul3A_630 = arith.mulf %get3A_629, %get3A_262 : vector<16xf32>
        %add3A_631 = arith.addf %add3A_626, %mul3A_630 : vector<16xf32>
        %get3A_632 = arith.index_cast %add3A_617 : i32 to index
        %get3A_633 = arith.constant 48 : index
        %get3A_634 = tpu.vector_load %arg11[%get3A_632, %get3A_633] {strides = array<i32>} : memref<208x64xf32, #tpu.memory_space<vmem>>, vector<16xf32>,
        %mul3A_635 = arith.mulf %get3A_634, %get3A_265 : vector<16xf32>
        %add3A_636 = arith.addf %add3A_631, %mul3A_635 : vector<16xf32>
        %add3A_637 = arith.constant 7 : i32
        %add3A_638 = arith.addi %mul3A_342, %add3A_637 : i32
        %get3A_639 = arith.index_cast %add3A_638 : i32 to index
        %get3A_640 = arith.constant 0 : index
        %get3A_641 = tpu.vector_load %arg11[%get3A_639, %get3A_640] {strides = array<i32>} : memref<208x64xf32, #tpu.memory_space<vmem>>, vector<16xf32>,
        %mul3A_642 = arith.mulf %get3A_641, %get3A_256 : vector<16xf32>
        %get3A_643 = arith.index_cast %add3A_638 : i32 to index
        %get3A_644 = arith.constant 16 : index
        %get3A_645 = tpu.vector_load %arg11[%get3A_643, %get3A_644] {strides = array<i32>} : memref<208x64xf32, #tpu.memory_space<vmem>>, vector<16xf32>,
        %mul3A_646 = arith.mulf %get3A_645, %get3A_259 : vector<16xf32>
        %add3A_647 = arith.addf %mul3A_642, %mul3A_646 : vector<16xf32>
        %get3A_648 = arith.index_cast %add3A_638 : i32 to index
        %get3A_649 = arith.constant 32 : index
        %get3A_650 = tpu.vector_load %arg11[%get3A_648, %get3A_649] {strides = array<i32>} : memref<208x64xf32, #tpu.memory_space<vmem>>, vector<16xf32>,
        %mul3A_651 = arith.mulf %get3A_650, %get3A_262 : vector<16xf32>
        %add3A_652 = arith.addf %add3A_647, %mul3A_651 : vector<16xf32>
        %get3A_653 = arith.index_cast %add3A_638 : i32 to index
        %get3A_654 = arith.constant 48 : index
        %get3A_655 = tpu.vector_load %arg11[%get3A_653, %get3A_654] {strides = array<i32>} : memref<208x64xf32, #tpu.memory_space<vmem>>, vector<16xf32>,
        %mul3A_656 = arith.mulf %get3A_655, %get3A_265 : vector<16xf32>
        %add3A_657 = arith.addf %add3A_652, %mul3A_656 : vector<16xf32>
        %add3A_658 = arith.constant 15 : i32
        %add3A_659 = arith.addi %mul3A_342, %add3A_658 : i32
        %get3A_660 = arith.index_cast %add3A_659 : i32 to index
        %get3A_661 = arith.constant 0 : index
        %get3A_662 = tpu.vector_load %arg11[%get3A_660, %get3A_661] {strides = array<i32>} : memref<208x64xf32, #tpu.memory_space<vmem>>, vector<16xf32>,
        %mul3A_663 = arith.mulf %get3A_662, %get3A_256 : vector<16xf32>
        %get3A_664 = arith.index_cast %add3A_659 : i32 to index
        %get3A_665 = arith.constant 16 : index
        %get3A_666 = tpu.vector_load %arg11[%get3A_664, %get3A_665] {strides = array<i32>} : memref<208x64xf32, #tpu.memory_space<vmem>>, vector<16xf32>,
        %mul3A_667 = arith.mulf %get3A_666, %get3A_259 : vector<16xf32>
        %add3A_668 = arith.addf %mul3A_663, %mul3A_667 : vector<16xf32>
        %get3A_669 = arith.index_cast %add3A_659 : i32 to index
        %get3A_670 = arith.constant 32 : index
        %get3A_671 = tpu.vector_load %arg11[%get3A_669, %get3A_670] {strides = array<i32>} : memref<208x64xf32, #tpu.memory_space<vmem>>, vector<16xf32>,
        %mul3A_672 = arith.mulf %get3A_671, %get3A_262 : vector<16xf32>
        %add3A_673 = arith.addf %add3A_668, %mul3A_672 : vector<16xf32>
        %get3A_674 = arith.index_cast %add3A_659 : i32 to index
        %get3A_675 = arith.constant 48 : index
        %get3A_676 = tpu.vector_load %arg11[%get3A_674, %get3A_675] {strides = array<i32>} : memref<208x64xf32, #tpu.memory_space<vmem>>, vector<16xf32>,
        %mul3A_677 = arith.mulf %get3A_676, %get3A_265 : vector<16xf32>
        %add3A_678 = arith.addf %add3A_673, %mul3A_677 : vector<16xf32>
        %iota3A = tpu.iota {dimensions = array<i32: 0>} : vector<16xi32>
        %and3A = arith.constant 8 : i32
        %and3A_679 = vector.broadcast %and3A : i32 to vector<16xi32>
        %and3A_680 = arith.andi %iota3A, %and3A_679 : vector<16xi32>
        %eq3A = arith.constant 0 : i32
        %eq3A_681 = vector.broadcast %eq3A : i32 to vector<16xi32>
        %eq3A_682 = arith.cmpi eq, %and3A_680, %eq3A_681 : vector<16xi32>
        %xor3A = arith.constant 8 : i32
        %xor3A_683 = vector.broadcast %xor3A : i32 to vector<16xi32>
        %xor3A_684 = arith.xori %iota3A, %xor3A_683 : vector<16xi32>
        %broadcast_in_dim3A = vector.shape_cast %xor3A_684 : vector<16xi32> to vector<16x1xi32>
        %gather3A = vector.shape_cast %broadcast_in_dim3A : vector<16x1xi32> to vector<16xi32>
        %gather3A_685 = tpu.dynamic_gather %add3A_363[%gather3A] in [0] : vector<16xf32>, vector<16xi32> -> vector<16xf32>
        %add3A_686 = arith.addf %add3A_363, %gather3A_685 : vector<16xf32>
        %broadcast_in_dim3A_687 = vector.shape_cast %xor3A_684 : vector<16xi32> to vector<16x1xi32>
        %gather3A_688 = vector.shape_cast %broadcast_in_dim3A_687 : vector<16x1xi32> to vector<16xi32>
        %gather3A_689 = tpu.dynamic_gather %add3A_384[%gather3A_688] in [0] : vector<16xf32>, vector<16xi32> -> vector<16xf32>
        %add3A_690 = arith.addf %add3A_384, %gather3A_689 : vector<16xf32>
        %select_n3A = arith.select %eq3A_682, %add3A_686, %add3A_690 : vector<16xi1>, vector<16xf32>
        %broadcast_in_dim3A_691 = vector.shape_cast %xor3A_684 : vector<16xi32> to vector<16x1xi32>
        %gather3A_692 = vector.shape_cast %broadcast_in_dim3A_691 : vector<16x1xi32> to vector<16xi32>
        %gather3A_693 = tpu.dynamic_gather %add3A_405[%gather3A_692] in [0] : vector<16xf32>, vector<16xi32> -> vector<16xf32>
        %add3A_694 = arith.addf %add3A_405, %gather3A_693 : vector<16xf32>
        %broadcast_in_dim3A_695 = vector.shape_cast %xor3A_684 : vector<16xi32> to vector<16x1xi32>
        %gather3A_696 = vector.shape_cast %broadcast_in_dim3A_695 : vector<16x1xi32> to vector<16xi32>
        %gather3A_697 = tpu.dynamic_gather %add3A_426[%gather3A_696] in [0] : vector<16xf32>, vector<16xi32> -> vector<16xf32>
        %add3A_698 = arith.addf %add3A_426, %gather3A_697 : vector<16xf32>
        %select_n3A_699 = arith.select %eq3A_682, %add3A_694, %add3A_698 : vector<16xi1>, vector<16xf32>
        %broadcast_in_dim3A_700 = vector.shape_cast %xor3A_684 : vector<16xi32> to vector<16x1xi32>
        %gather3A_701 = vector.shape_cast %broadcast_in_dim3A_700 : vector<16x1xi32> to vector<16xi32>
        %gather3A_702 = tpu.dynamic_gather %add3A_447[%gather3A_701] in [0] : vector<16xf32>, vector<16xi32> -> vector<16xf32>
        %add3A_703 = arith.addf %add3A_447, %gather3A_702 : vector<16xf32>
        %broadcast_in_dim3A_704 = vector.shape_cast %xor3A_684 : vector<16xi32> to vector<16x1xi32>
        %gather3A_705 = vector.shape_cast %broadcast_in_dim3A_704 : vector<16x1xi32> to vector<16xi32>
        %gather3A_706 = tpu.dynamic_gather %add3A_468[%gather3A_705] in [0] : vector<16xf32>, vector<16xi32> -> vector<16xf32>
        %add3A_707 = arith.addf %add3A_468, %gather3A_706 : vector<16xf32>
        %select_n3A_708 = arith.select %eq3A_682, %add3A_703, %add3A_707 : vector<16xi1>, vector<16xf32>
        %broadcast_in_dim3A_709 = vector.shape_cast %xor3A_684 : vector<16xi32> to vector<16x1xi32>
        %gather3A_710 = vector.shape_cast %broadcast_in_dim3A_709 : vector<16x1xi32> to vector<16xi32>
        %gather3A_711 = tpu.dynamic_gather %add3A_489[%gather3A_710] in [0] : vector<16xf32>, vector<16xi32> -> vector<16xf32>
        %add3A_712 = arith.addf %add3A_489, %gather3A_711 : vector<16xf32>
        %broadcast_in_dim3A_713 = vector.shape_cast %xor3A_684 : vector<16xi32> to vector<16x1xi32>
        %gather3A_714 = vector.shape_cast %broadcast_in_dim3A_713 : vector<16x1xi32> to vector<16xi32>
        %gather3A_715 = tpu.dynamic_gather %add3A_510[%gather3A_714] in [0] : vector<16xf32>, vector<16xi32> -> vector<16xf32>
        %add3A_716 = arith.addf %add3A_510, %gather3A_715 : vector<16xf32>
        %select_n3A_717 = arith.select %eq3A_682, %add3A_712, %add3A_716 : vector<16xi1>, vector<16xf32>
        %broadcast_in_dim3A_718 = vector.shape_cast %xor3A_684 : vector<16xi32> to vector<16x1xi32>
        %gather3A_719 = vector.shape_cast %broadcast_in_dim3A_718 : vector<16x1xi32> to vector<16xi32>
        %gather3A_720 = tpu.dynamic_gather %add3A_531[%gather3A_719] in [0] : vector<16xf32>, vector<16xi32> -> vector<16xf32>
        %add3A_721 = arith.addf %add3A_531, %gather3A_720 : vector<16xf32>
        %broadcast_in_dim3A_722 = vector.shape_cast %xor3A_684 : vector<16xi32> to vector<16x1xi32>
        %gather3A_723 = vector.shape_cast %broadcast_in_dim3A_722 : vector<16x1xi32> to vector<16xi32>
        %gather3A_724 = tpu.dynamic_gather %add3A_552[%gather3A_723] in [0] : vector<16xf32>, vector<16xi32> -> vector<16xf32>
        %add3A_725 = arith.addf %add3A_552, %gather3A_724 : vector<16xf32>
        %select_n3A_726 = arith.select %eq3A_682, %add3A_721, %add3A_725 : vector<16xi1>, vector<16xf32>
        %broadcast_in_dim3A_727 = vector.shape_cast %xor3A_684 : vector<16xi32> to vector<16x1xi32>
        %gather3A_728 = vector.shape_cast %broadcast_in_dim3A_727 : vector<16x1xi32> to vector<16xi32>
        %gather3A_729 = tpu.dynamic_gather %add3A_573[%gather3A_728] in [0] : vector<16xf32>, vector<16xi32> -> vector<16xf32>
        %add3A_730 = arith.addf %add3A_573, %gather3A_729 : vector<16xf32>
        %broadcast_in_dim3A_731 = vector.shape_cast %xor3A_684 : vector<16xi32> to vector<16x1xi32>
        %gather3A_732 = vector.shape_cast %broadcast_in_dim3A_731 : vector<16x1xi32> to vector<16xi32>
        %gather3A_733 = tpu.dynamic_gather %add3A_594[%gather3A_732] in [0] : vector<16xf32>, vector<16xi32> -> vector<16xf32>
        %add3A_734 = arith.addf %add3A_594, %gather3A_733 : vector<16xf32>
        %select_n3A_735 = arith.select %eq3A_682, %add3A_730, %add3A_734 : vector<16xi1>, vector<16xf32>
        %broadcast_in_dim3A_736 = vector.shape_cast %xor3A_684 : vector<16xi32> to vector<16x1xi32>
        %gather3A_737 = vector.shape_cast %broadcast_in_dim3A_736 : vector<16x1xi32> to vector<16xi32>
        %gather3A_738 = tpu.dynamic_gather %add3A_615[%gather3A_737] in [0] : vector<16xf32>, vector<16xi32> -> vector<16xf32>
        %add3A_739 = arith.addf %add3A_615, %gather3A_738 : vector<16xf32>
        %broadcast_in_dim3A_740 = vector.shape_cast %xor3A_684 : vector<16xi32> to vector<16x1xi32>
        %gather3A_741 = vector.shape_cast %broadcast_in_dim3A_740 : vector<16x1xi32> to vector<16xi32>
        %gather3A_742 = tpu.dynamic_gather %add3A_636[%gather3A_741] in [0] : vector<16xf32>, vector<16xi32> -> vector<16xf32>
        %add3A_743 = arith.addf %add3A_636, %gather3A_742 : vector<16xf32>
        %select_n3A_744 = arith.select %eq3A_682, %add3A_739, %add3A_743 : vector<16xi1>, vector<16xf32>
        %broadcast_in_dim3A_745 = vector.shape_cast %xor3A_684 : vector<16xi32> to vector<16x1xi32>
        %gather3A_746 = vector.shape_cast %broadcast_in_dim3A_745 : vector<16x1xi32> to vector<16xi32>
        %gather3A_747 = tpu.dynamic_gather %add3A_657[%gather3A_746] in [0] : vector<16xf32>, vector<16xi32> -> vector<16xf32>
        %add3A_748 = arith.addf %add3A_657, %gather3A_747 : vector<16xf32>
        %broadcast_in_dim3A_749 = vector.shape_cast %xor3A_684 : vector<16xi32> to vector<16x1xi32>
        %gather3A_750 = vector.shape_cast %broadcast_in_dim3A_749 : vector<16x1xi32> to vector<16xi32>
        %gather3A_751 = tpu.dynamic_gather %add3A_678[%gather3A_750] in [0] : vector<16xf32>, vector<16xi32> -> vector<16xf32>
        %add3A_752 = arith.addf %add3A_678, %gather3A_751 : vector<16xf32>
        %select_n3A_753 = arith.select %eq3A_682, %add3A_748, %add3A_752 : vector<16xi1>, vector<16xf32>
        %and3A_754 = arith.constant 4 : i32
        %and3A_755 = vector.broadcast %and3A_754 : i32 to vector<16xi32>
        %and3A_756 = arith.andi %iota3A, %and3A_755 : vector<16xi32>
        %eq3A_757 = arith.constant 0 : i32
        %eq3A_758 = vector.broadcast %eq3A_757 : i32 to vector<16xi32>
        %eq3A_759 = arith.cmpi eq, %and3A_756, %eq3A_758 : vector<16xi32>
        %xor3A_760 = arith.constant 4 : i32
        %xor3A_761 = vector.broadcast %xor3A_760 : i32 to vector<16xi32>
        %xor3A_762 = arith.xori %iota3A, %xor3A_761 : vector<16xi32>
        %broadcast_in_dim3A_763 = vector.shape_cast %xor3A_762 : vector<16xi32> to vector<16x1xi32>
        %gather3A_764 = vector.shape_cast %broadcast_in_dim3A_763 : vector<16x1xi32> to vector<16xi32>
        %gather3A_765 = tpu.dynamic_gather %select_n3A[%gather3A_764] in [0] : vector<16xf32>, vector<16xi32> -> vector<16xf32>
        %add3A_766 = arith.addf %select_n3A, %gather3A_765 : vector<16xf32>
        %broadcast_in_dim3A_767 = vector.shape_cast %xor3A_762 : vector<16xi32> to vector<16x1xi32>
        %gather3A_768 = vector.shape_cast %broadcast_in_dim3A_767 : vector<16x1xi32> to vector<16xi32>
        %gather3A_769 = tpu.dynamic_gather %select_n3A_699[%gather3A_768] in [0] : vector<16xf32>, vector<16xi32> -> vector<16xf32>
        %add3A_770 = arith.addf %select_n3A_699, %gather3A_769 : vector<16xf32>
        %select_n3A_771 = arith.select %eq3A_759, %add3A_766, %add3A_770 : vector<16xi1>, vector<16xf32>
        %broadcast_in_dim3A_772 = vector.shape_cast %xor3A_762 : vector<16xi32> to vector<16x1xi32>
        %gather3A_773 = vector.shape_cast %broadcast_in_dim3A_772 : vector<16x1xi32> to vector<16xi32>
        %gather3A_774 = tpu.dynamic_gather %select_n3A_708[%gather3A_773] in [0] : vector<16xf32>, vector<16xi32> -> vector<16xf32>
        %add3A_775 = arith.addf %select_n3A_708, %gather3A_774 : vector<16xf32>
        %broadcast_in_dim3A_776 = vector.shape_cast %xor3A_762 : vector<16xi32> to vector<16x1xi32>
        %gather3A_777 = vector.shape_cast %broadcast_in_dim3A_776 : vector<16x1xi32> to vector<16xi32>
        %gather3A_778 = tpu.dynamic_gather %select_n3A_717[%gather3A_777] in [0] : vector<16xf32>, vector<16xi32> -> vector<16xf32>
        %add3A_779 = arith.addf %select_n3A_717, %gather3A_778 : vector<16xf32>
        %select_n3A_780 = arith.select %eq3A_759, %add3A_775, %add3A_779 : vector<16xi1>, vector<16xf32>
        %broadcast_in_dim3A_781 = vector.shape_cast %xor3A_762 : vector<16xi32> to vector<16x1xi32>
        %gather3A_782 = vector.shape_cast %broadcast_in_dim3A_781 : vector<16x1xi32> to vector<16xi32>
        %gather3A_783 = tpu.dynamic_gather %select_n3A_726[%gather3A_782] in [0] : vector<16xf32>, vector<16xi32> -> vector<16xf32>
        %add3A_784 = arith.addf %select_n3A_726, %gather3A_783 : vector<16xf32>
        %broadcast_in_dim3A_785 = vector.shape_cast %xor3A_762 : vector<16xi32> to vector<16x1xi32>
        %gather3A_786 = vector.shape_cast %broadcast_in_dim3A_785 : vector<16x1xi32> to vector<16xi32>
        %gather3A_787 = tpu.dynamic_gather %select_n3A_735[%gather3A_786] in [0] : vector<16xf32>, vector<16xi32> -> vector<16xf32>
        %add3A_788 = arith.addf %select_n3A_735, %gather3A_787 : vector<16xf32>
        %select_n3A_789 = arith.select %eq3A_759, %add3A_784, %add3A_788 : vector<16xi1>, vector<16xf32>
        %broadcast_in_dim3A_790 = vector.shape_cast %xor3A_762 : vector<16xi32> to vector<16x1xi32>
        %gather3A_791 = vector.shape_cast %broadcast_in_dim3A_790 : vector<16x1xi32> to vector<16xi32>
        %gather3A_792 = tpu.dynamic_gather %select_n3A_744[%gather3A_791] in [0] : vector<16xf32>, vector<16xi32> -> vector<16xf32>
        %add3A_793 = arith.addf %select_n3A_744, %gather3A_792 : vector<16xf32>
        %broadcast_in_dim3A_794 = vector.shape_cast %xor3A_762 : vector<16xi32> to vector<16x1xi32>
        %gather3A_795 = vector.shape_cast %broadcast_in_dim3A_794 : vector<16x1xi32> to vector<16xi32>
        %gather3A_796 = tpu.dynamic_gather %select_n3A_753[%gather3A_795] in [0] : vector<16xf32>, vector<16xi32> -> vector<16xf32>
        %add3A_797 = arith.addf %select_n3A_753, %gather3A_796 : vector<16xf32>
        %select_n3A_798 = arith.select %eq3A_759, %add3A_793, %add3A_797 : vector<16xi1>, vector<16xf32>
        %and3A_799 = arith.constant 2 : i32
        %and3A_800 = vector.broadcast %and3A_799 : i32 to vector<16xi32>
        %and3A_801 = arith.andi %iota3A, %and3A_800 : vector<16xi32>
        %eq3A_802 = arith.constant 0 : i32
        %eq3A_803 = vector.broadcast %eq3A_802 : i32 to vector<16xi32>
        %eq3A_804 = arith.cmpi eq, %and3A_801, %eq3A_803 : vector<16xi32>
        %xor3A_805 = arith.constant 2 : i32
        %xor3A_806 = vector.broadcast %xor3A_805 : i32 to vector<16xi32>
        %xor3A_807 = arith.xori %iota3A, %xor3A_806 : vector<16xi32>
        %broadcast_in_dim3A_808 = vector.shape_cast %xor3A_807 : vector<16xi32> to vector<16x1xi32>
        %gather3A_809 = vector.shape_cast %broadcast_in_dim3A_808 : vector<16x1xi32> to vector<16xi32>
        %gather3A_810 = tpu.dynamic_gather %select_n3A_771[%gather3A_809] in [0] : vector<16xf32>, vector<16xi32> -> vector<16xf32>
        %add3A_811 = arith.addf %select_n3A_771, %gather3A_810 : vector<16xf32>
        %broadcast_in_dim3A_812 = vector.shape_cast %xor3A_807 : vector<16xi32> to vector<16x1xi32>
        %gather3A_813 = vector.shape_cast %broadcast_in_dim3A_812 : vector<16x1xi32> to vector<16xi32>
        %gather3A_814 = tpu.dynamic_gather %select_n3A_780[%gather3A_813] in [0] : vector<16xf32>, vector<16xi32> -> vector<16xf32>
        %add3A_815 = arith.addf %select_n3A_780, %gather3A_814 : vector<16xf32>
        %select_n3A_816 = arith.select %eq3A_804, %add3A_811, %add3A_815 : vector<16xi1>, vector<16xf32>
        %broadcast_in_dim3A_817 = vector.shape_cast %xor3A_807 : vector<16xi32> to vector<16x1xi32>
        %gather3A_818 = vector.shape_cast %broadcast_in_dim3A_817 : vector<16x1xi32> to vector<16xi32>
        %gather3A_819 = tpu.dynamic_gather %select_n3A_789[%gather3A_818] in [0] : vector<16xf32>, vector<16xi32> -> vector<16xf32>
        %add3A_820 = arith.addf %select_n3A_789, %gather3A_819 : vector<16xf32>
        %broadcast_in_dim3A_821 = vector.shape_cast %xor3A_807 : vector<16xi32> to vector<16x1xi32>
        %gather3A_822 = vector.shape_cast %broadcast_in_dim3A_821 : vector<16x1xi32> to vector<16xi32>
        %gather3A_823 = tpu.dynamic_gather %select_n3A_798[%gather3A_822] in [0] : vector<16xf32>, vector<16xi32> -> vector<16xf32>
        %add3A_824 = arith.addf %select_n3A_798, %gather3A_823 : vector<16xf32>
        %select_n3A_825 = arith.select %eq3A_804, %add3A_820, %add3A_824 : vector<16xi1>, vector<16xf32>
        %and3A_826 = arith.constant 1 : i32
        %and3A_827 = vector.broadcast %and3A_826 : i32 to vector<16xi32>
        %and3A_828 = arith.andi %iota3A, %and3A_827 : vector<16xi32>
        %eq3A_829 = arith.constant 0 : i32
        %eq3A_830 = vector.broadcast %eq3A_829 : i32 to vector<16xi32>
        %eq3A_831 = arith.cmpi eq, %and3A_828, %eq3A_830 : vector<16xi32>
        %xor3A_832 = arith.constant 1 : i32
        %xor3A_833 = vector.broadcast %xor3A_832 : i32 to vector<16xi32>
        %xor3A_834 = arith.xori %iota3A, %xor3A_833 : vector<16xi32>
        %broadcast_in_dim3A_835 = vector.shape_cast %xor3A_834 : vector<16xi32> to vector<16x1xi32>
        %gather3A_836 = vector.shape_cast %broadcast_in_dim3A_835 : vector<16x1xi32> to vector<16xi32>
        %gather3A_837 = tpu.dynamic_gather %select_n3A_816[%gather3A_836] in [0] : vector<16xf32>, vector<16xi32> -> vector<16xf32>
        %add3A_838 = arith.addf %select_n3A_816, %gather3A_837 : vector<16xf32>
        %broadcast_in_dim3A_839 = vector.shape_cast %xor3A_834 : vector<16xi32> to vector<16x1xi32>
        %gather3A_840 = vector.shape_cast %broadcast_in_dim3A_839 : vector<16x1xi32> to vector<16xi32>
        %gather3A_841 = tpu.dynamic_gather %select_n3A_825[%gather3A_840] in [0] : vector<16xf32>, vector<16xi32> -> vector<16xf32>
        %add3A_842 = arith.addf %select_n3A_825, %gather3A_841 : vector<16xf32>
        %select_n3A_843 = arith.select %eq3A_831, %add3A_838, %add3A_842 : vector<16xi1>, vector<16xf32>
        %get3A_844 = arith.index_cast %mul3A_342 : i32 to index
        %get3A_845 = tpu.vector_load %arg15[%get3A_844] {strides = array<i32>} : memref<208xf32, #tpu.memory_space<vmem>>, vector<16xf32>,
        %add3A_846 = arith.addf %select_n3A_843, %get3A_845 : vector<16xf32>
        %mul3A_847 = arith.constant 200 : i32
        %mul3A_848 = arith.muli %add3A_223, %mul3A_847 : i32
        %add3A_849 = arith.addi %mul3A_848, %mul3A_342 : i32
        %swap3A = arith.index_cast %add3A_849 : i32 to index
        %swap3A_850 = tpu.vector_load %arg17[%swap3A] {strides = array<i32>} : memref<25608xf32, #tpu.memory_space<vmem>>, vector<16xf32>,
        tpu.vector_store %arg17[%swap3A], %add3A_846 {strides = array<i32>} : memref<25608xf32, #tpu.memory_space<vmem>>, vector<16xf32>,
      }
      %scan3A_270 = arith.constant 13 : i32
      %add3A_271 = arith.constant 3 : i32
      %add3A_272 = arith.addi %add3A_223, %add3A_271 : i32
      %lt3A_273 = arith.constant 128 : i32
      %lt3A_274 = arith.cmpi slt, %add3A_272, %lt3A_273 : i32
      %convert_element_type3A_275 = arith.extui %lt3A_274 : i1 to i32
      %cond3A_276 = arith.constant 0 : i32
      %cond3A_277 = arith.cmpi ne, %convert_element_type3A_275, %cond3A_276 : i32
      scf.if %cond3A_277 {
        %add3A_336 = arith.constant 3 : i32
        %add3A_337 = arith.addi %add3A_223, %add3A_336 : i32
        %mul3A_338 = arith.constant 200 : i32
        %mul3A_339 = arith.muli %add3A_337, %mul3A_338 : i32
        %dma_start3A_340 = arith.constant 0 : i32
        %dma_start3A_341 = arith.constant 0 : i32
        %dma_start3A_342 = tpu.memref_slice %arg10[%dma_start3A_340, %dma_start3A_341] : memref<208x64xf32, #tpu.memory_space<vmem>> -> memref<128x64xf32, #tpu.memory_space<vmem>>
        %dma_start3A_343 = tpu.memref_slice %arg7[%mul3A_339] : memref<25600xi32, #tpu.memory_space<vmem>> -> memref<128xi32, #tpu.memory_space<vmem>>
        %dma_start3A_344 = arith.constant 0 : i32
        %dma_start3A_345 = arith.constant 0 : i32
        %dma_start3A_346 = tpu.memref_slice %arg4[%dma_start3A_344, %dma_start3A_345] : memref<1000000x64xf32, #tpu.memory_space<hbm>> -> memref<1000000x64xf32, #tpu.memory_space<hbm>>
        tpu.enqueue_indirect_dma source(%dma_start3A_346 : memref<1000000x64xf32, #tpu.memory_space<hbm>>) target(%dma_start3A_342 : memref<128x64xf32, #tpu.memory_space<vmem>>) offsets(%dma_start3A_343 : memref<128xi32, #tpu.memory_space<vmem>>) semaphore(%arg20 : memref<!tpu.dma_semaphore, #tpu.memory_space<semaphore_mem>>)
        %add3A_347 = arith.constant 128 : i32
        %add3A_348 = arith.addi %mul3A_339, %add3A_347 : i32
        %dma_start3A_349 = arith.constant 128 : i32
        %dma_start3A_350 = arith.constant 0 : i32
        %dma_start3A_351 = tpu.memref_slice %arg10[%dma_start3A_349, %dma_start3A_350] : memref<208x64xf32, #tpu.memory_space<vmem>> -> memref<72x64xf32, #tpu.memory_space<vmem>>
        %dma_start3A_352 = tpu.memref_slice %arg7[%add3A_348] : memref<25600xi32, #tpu.memory_space<vmem>> -> memref<72xi32, #tpu.memory_space<vmem>>
        %dma_start3A_353 = arith.constant 0 : i32
        %dma_start3A_354 = arith.constant 0 : i32
        %dma_start3A_355 = tpu.memref_slice %arg4[%dma_start3A_353, %dma_start3A_354] : memref<1000000x64xf32, #tpu.memory_space<hbm>> -> memref<1000000x64xf32, #tpu.memory_space<hbm>>
        tpu.enqueue_indirect_dma source(%dma_start3A_355 : memref<1000000x64xf32, #tpu.memory_space<hbm>>) target(%dma_start3A_351 : memref<72x64xf32, #tpu.memory_space<vmem>>) offsets(%dma_start3A_352 : memref<72xi32, #tpu.memory_space<vmem>>) semaphore(%arg20 : memref<!tpu.dma_semaphore, #tpu.memory_space<semaphore_mem>>)
        %dma_start3A_356 = arith.constant 0 : i32
        %dma_start3A_357 = tpu.memref_slice %arg14[%dma_start3A_356] : memref<208xf32, #tpu.memory_space<vmem>> -> memref<128xf32, #tpu.memory_space<vmem>>
        %dma_start3A_358 = tpu.memref_slice %arg7[%mul3A_339] : memref<25600xi32, #tpu.memory_space<vmem>> -> memref<128xi32, #tpu.memory_space<vmem>>
        %dma_start3A_359 = arith.constant 0 : i32
        %dma_start3A_360 = tpu.memref_slice %arg5[%dma_start3A_359] : memref<1000000xf32, #tpu.memory_space<hbm>> -> memref<1000000xf32, #tpu.memory_space<hbm>>
        tpu.enqueue_indirect_dma source(%dma_start3A_360 : memref<1000000xf32, #tpu.memory_space<hbm>>) target(%dma_start3A_357 : memref<128xf32, #tpu.memory_space<vmem>>) offsets(%dma_start3A_358 : memref<128xi32, #tpu.memory_space<vmem>>) semaphore(%arg20 : memref<!tpu.dma_semaphore, #tpu.memory_space<semaphore_mem>>)
        %add3A_361 = arith.constant 128 : i32
        %add3A_362 = arith.addi %mul3A_339, %add3A_361 : i32
        %dma_start3A_363 = arith.constant 128 : i32
        %dma_start3A_364 = tpu.memref_slice %arg14[%dma_start3A_363] : memref<208xf32, #tpu.memory_space<vmem>> -> memref<72xf32, #tpu.memory_space<vmem>>
        %dma_start3A_365 = tpu.memref_slice %arg7[%add3A_362] : memref<25600xi32, #tpu.memory_space<vmem>> -> memref<72xi32, #tpu.memory_space<vmem>>
        %dma_start3A_366 = arith.constant 0 : i32
        %dma_start3A_367 = tpu.memref_slice %arg5[%dma_start3A_366] : memref<1000000xf32, #tpu.memory_space<hbm>> -> memref<1000000xf32, #tpu.memory_space<hbm>>
        tpu.enqueue_indirect_dma source(%dma_start3A_367 : memref<1000000xf32, #tpu.memory_space<hbm>>) target(%dma_start3A_364 : memref<72xf32, #tpu.memory_space<vmem>>) offsets(%dma_start3A_365 : memref<72xi32, #tpu.memory_space<vmem>>) semaphore(%arg20 : memref<!tpu.dma_semaphore, #tpu.memory_space<semaphore_mem>>)
      } else {
      }
      %mul3A_278 = arith.constant 4 : i32
      %mul3A_279 = arith.muli %add3A_107, %mul3A_278 : i32
      %add3A_280 = arith.constant 3 : i32
      %add3A_281 = arith.addi %mul3A_279, %add3A_280 : i32
      %mul3A_282 = arith.constant 200 : i32
      %mul3A_283 = arith.muli %add3A_281, %mul3A_282 : i32
      %dma_wait3A_284 = arith.constant 0 : i32
      %dma_wait3A_285 = arith.constant 0 : i32
      %dma_wait3A_286 = tpu.memref_slice %arg12[%dma_wait3A_284, %dma_wait3A_285] : memref<208x64xf32, #tpu.memory_space<vmem>> -> memref<128x64xf32, #tpu.memory_space<vmem>>
      %dma_wait3A_287 = tpu.memref_slice %arg7[%mul3A_283] : memref<25600xi32, #tpu.memory_space<vmem>> -> memref<128xi32, #tpu.memory_space<vmem>>
      %dma_wait3A_288 = arith.constant 0 : i32
      %dma_wait3A_289 = arith.constant 0 : i32
      %dma_wait3A_290 = tpu.memref_slice %arg4[%dma_wait3A_288, %dma_wait3A_289] : memref<1000000x64xf32, #tpu.memory_space<hbm>> -> memref<1000000x64xf32, #tpu.memory_space<hbm>>
      tpu.wait_indirect_dma semaphore(%arg22 : memref<!tpu.dma_semaphore, #tpu.memory_space<semaphore_mem>>) src(%dma_wait3A_290 : memref<1000000x64xf32, #tpu.memory_space<hbm>>) dst(%dma_wait3A_286 : memref<128x64xf32, #tpu.memory_space<vmem>>)
      %add3A_291 = arith.constant 128 : i32
      %add3A_292 = arith.addi %mul3A_283, %add3A_291 : i32
      %dma_wait3A_293 = arith.constant 128 : i32
      %dma_wait3A_294 = arith.constant 0 : i32
      %dma_wait3A_295 = tpu.memref_slice %arg12[%dma_wait3A_293, %dma_wait3A_294] : memref<208x64xf32, #tpu.memory_space<vmem>> -> memref<72x64xf32, #tpu.memory_space<vmem>>
      %dma_wait3A_296 = tpu.memref_slice %arg7[%add3A_292] : memref<25600xi32, #tpu.memory_space<vmem>> -> memref<72xi32, #tpu.memory_space<vmem>>
      %dma_wait3A_297 = arith.constant 0 : i32
      %dma_wait3A_298 = arith.constant 0 : i32
      %dma_wait3A_299 = tpu.memref_slice %arg4[%dma_wait3A_297, %dma_wait3A_298] : memref<1000000x64xf32, #tpu.memory_space<hbm>> -> memref<1000000x64xf32, #tpu.memory_space<hbm>>
      tpu.wait_indirect_dma semaphore(%arg22 : memref<!tpu.dma_semaphore, #tpu.memory_space<semaphore_mem>>) src(%dma_wait3A_299 : memref<1000000x64xf32, #tpu.memory_space<hbm>>) dst(%dma_wait3A_295 : memref<72x64xf32, #tpu.memory_space<vmem>>)
      %dma_wait3A_300 = arith.constant 0 : i32
      %dma_wait3A_301 = tpu.memref_slice %arg16[%dma_wait3A_300] : memref<208xf32, #tpu.memory_space<vmem>> -> memref<128xf32, #tpu.memory_space<vmem>>
      %dma_wait3A_302 = tpu.memref_slice %arg7[%mul3A_283] : memref<25600xi32, #tpu.memory_space<vmem>> -> memref<128xi32, #tpu.memory_space<vmem>>
      %dma_wait3A_303 = arith.constant 0 : i32
      %dma_wait3A_304 = tpu.memref_slice %arg5[%dma_wait3A_303] : memref<1000000xf32, #tpu.memory_space<hbm>> -> memref<1000000xf32, #tpu.memory_space<hbm>>
      tpu.wait_indirect_dma semaphore(%arg22 : memref<!tpu.dma_semaphore, #tpu.memory_space<semaphore_mem>>) src(%dma_wait3A_304 : memref<1000000xf32, #tpu.memory_space<hbm>>) dst(%dma_wait3A_301 : memref<128xf32, #tpu.memory_space<vmem>>)
      %add3A_305 = arith.constant 128 : i32
      %add3A_306 = arith.addi %mul3A_283, %add3A_305 : i32
      %dma_wait3A_307 = arith.constant 128 : i32
      %dma_wait3A_308 = tpu.memref_slice %arg16[%dma_wait3A_307] : memref<208xf32, #tpu.memory_space<vmem>> -> memref<72xf32, #tpu.memory_space<vmem>>
      %dma_wait3A_309 = tpu.memref_slice %arg7[%add3A_306] : memref<25600xi32, #tpu.memory_space<vmem>> -> memref<72xi32, #tpu.memory_space<vmem>>
      %dma_wait3A_310 = arith.constant 0 : i32
      %dma_wait3A_311 = tpu.memref_slice %arg5[%dma_wait3A_310] : memref<1000000xf32, #tpu.memory_space<hbm>> -> memref<1000000xf32, #tpu.memory_space<hbm>>
      tpu.wait_indirect_dma semaphore(%arg22 : memref<!tpu.dma_semaphore, #tpu.memory_space<semaphore_mem>>) src(%dma_wait3A_311 : memref<1000000xf32, #tpu.memory_space<hbm>>) dst(%dma_wait3A_308 : memref<72xf32, #tpu.memory_space<vmem>>)
      %get3A_312 = arith.index_cast %add3A_281 : i32 to index
      %get3A_313 = arith.constant 0 : index
      %get3A_314 = tpu.vector_load %arg8[%get3A_312, %get3A_313] {strides = array<i32>} : memref<128x64xf32, #tpu.memory_space<vmem>>, vector<16xf32>,
      %get3A_315 = arith.index_cast %add3A_281 : i32 to index
      %get3A_316 = arith.constant 16 : index
      %get3A_317 = tpu.vector_load %arg8[%get3A_315, %get3A_316] {strides = array<i32>} : memref<128x64xf32, #tpu.memory_space<vmem>>, vector<16xf32>,
      %get3A_318 = arith.index_cast %add3A_281 : i32 to index
      %get3A_319 = arith.constant 32 : index
      %get3A_320 = tpu.vector_load %arg8[%get3A_318, %get3A_319] {strides = array<i32>} : memref<128x64xf32, #tpu.memory_space<vmem>>, vector<16xf32>,
      %get3A_321 = arith.index_cast %add3A_281 : i32 to index
      %get3A_322 = arith.constant 48 : index
      %get3A_323 = tpu.vector_load %arg8[%get3A_321, %get3A_322] {strides = array<i32>} : memref<128x64xf32, #tpu.memory_space<vmem>>, vector<16xf32>,
      %scan3A_324 = arith.constant 0 : i32
      %scan3A_325 = arith.constant 13 : i32
      %scan3A_326 = arith.addi %scan3A_324, %scan3A_325 : i32
      %scan3A_327 = arith.constant 1 : i32
      scf.for %scan3A_336 = %scan3A_324 to %scan3A_326 step %scan3A_327  : i32 {
        %mul3A_337 = arith.constant 1 : i32
        %mul3A_338 = arith.muli %scan3A_336, %mul3A_337 : i32
        %add3A_339 = arith.constant 0 : i32
        %add3A_340 = arith.addi %add3A_339, %mul3A_338 : i32
        %mul3A_341 = arith.constant 16 : i32
        %mul3A_342 = arith.muli %add3A_340, %mul3A_341 : i32
        %add3A_343 = arith.constant 0 : i32
        %add3A_344 = arith.addi %mul3A_342, %add3A_343 : i32
        %get3A_345 = arith.index_cast %add3A_344 : i32 to index
        %get3A_346 = arith.constant 0 : index
        %get3A_347 = tpu.vector_load %arg12[%get3A_345, %get3A_346] {strides = array<i32>} : memref<208x64xf32, #tpu.memory_space<vmem>>, vector<16xf32>,
        %mul3A_348 = arith.mulf %get3A_347, %get3A_314 : vector<16xf32>
        %get3A_349 = arith.index_cast %add3A_344 : i32 to index
        %get3A_350 = arith.constant 16 : index
        %get3A_351 = tpu.vector_load %arg12[%get3A_349, %get3A_350] {strides = array<i32>} : memref<208x64xf32, #tpu.memory_space<vmem>>, vector<16xf32>,
        %mul3A_352 = arith.mulf %get3A_351, %get3A_317 : vector<16xf32>
        %add3A_353 = arith.addf %mul3A_348, %mul3A_352 : vector<16xf32>
        %get3A_354 = arith.index_cast %add3A_344 : i32 to index
        %get3A_355 = arith.constant 32 : index
        %get3A_356 = tpu.vector_load %arg12[%get3A_354, %get3A_355] {strides = array<i32>} : memref<208x64xf32, #tpu.memory_space<vmem>>, vector<16xf32>,
        %mul3A_357 = arith.mulf %get3A_356, %get3A_320 : vector<16xf32>
        %add3A_358 = arith.addf %add3A_353, %mul3A_357 : vector<16xf32>
        %get3A_359 = arith.index_cast %add3A_344 : i32 to index
        %get3A_360 = arith.constant 48 : index
        %get3A_361 = tpu.vector_load %arg12[%get3A_359, %get3A_360] {strides = array<i32>} : memref<208x64xf32, #tpu.memory_space<vmem>>, vector<16xf32>,
        %mul3A_362 = arith.mulf %get3A_361, %get3A_323 : vector<16xf32>
        %add3A_363 = arith.addf %add3A_358, %mul3A_362 : vector<16xf32>
        %add3A_364 = arith.constant 8 : i32
        %add3A_365 = arith.addi %mul3A_342, %add3A_364 : i32
        %get3A_366 = arith.index_cast %add3A_365 : i32 to index
        %get3A_367 = arith.constant 0 : index
        %get3A_368 = tpu.vector_load %arg12[%get3A_366, %get3A_367] {strides = array<i32>} : memref<208x64xf32, #tpu.memory_space<vmem>>, vector<16xf32>,
        %mul3A_369 = arith.mulf %get3A_368, %get3A_314 : vector<16xf32>
        %get3A_370 = arith.index_cast %add3A_365 : i32 to index
        %get3A_371 = arith.constant 16 : index
        %get3A_372 = tpu.vector_load %arg12[%get3A_370, %get3A_371] {strides = array<i32>} : memref<208x64xf32, #tpu.memory_space<vmem>>, vector<16xf32>,
        %mul3A_373 = arith.mulf %get3A_372, %get3A_317 : vector<16xf32>
        %add3A_374 = arith.addf %mul3A_369, %mul3A_373 : vector<16xf32>
        %get3A_375 = arith.index_cast %add3A_365 : i32 to index
        %get3A_376 = arith.constant 32 : index
        %get3A_377 = tpu.vector_load %arg12[%get3A_375, %get3A_376] {strides = array<i32>} : memref<208x64xf32, #tpu.memory_space<vmem>>, vector<16xf32>,
        %mul3A_378 = arith.mulf %get3A_377, %get3A_320 : vector<16xf32>
        %add3A_379 = arith.addf %add3A_374, %mul3A_378 : vector<16xf32>
        %get3A_380 = arith.index_cast %add3A_365 : i32 to index
        %get3A_381 = arith.constant 48 : index
        %get3A_382 = tpu.vector_load %arg12[%get3A_380, %get3A_381] {strides = array<i32>} : memref<208x64xf32, #tpu.memory_space<vmem>>, vector<16xf32>,
        %mul3A_383 = arith.mulf %get3A_382, %get3A_323 : vector<16xf32>
        %add3A_384 = arith.addf %add3A_379, %mul3A_383 : vector<16xf32>
        %add3A_385 = arith.constant 4 : i32
        %add3A_386 = arith.addi %mul3A_342, %add3A_385 : i32
        %get3A_387 = arith.index_cast %add3A_386 : i32 to index
        %get3A_388 = arith.constant 0 : index
        %get3A_389 = tpu.vector_load %arg12[%get3A_387, %get3A_388] {strides = array<i32>} : memref<208x64xf32, #tpu.memory_space<vmem>>, vector<16xf32>,
        %mul3A_390 = arith.mulf %get3A_389, %get3A_314 : vector<16xf32>
        %get3A_391 = arith.index_cast %add3A_386 : i32 to index
        %get3A_392 = arith.constant 16 : index
        %get3A_393 = tpu.vector_load %arg12[%get3A_391, %get3A_392] {strides = array<i32>} : memref<208x64xf32, #tpu.memory_space<vmem>>, vector<16xf32>,
        %mul3A_394 = arith.mulf %get3A_393, %get3A_317 : vector<16xf32>
        %add3A_395 = arith.addf %mul3A_390, %mul3A_394 : vector<16xf32>
        %get3A_396 = arith.index_cast %add3A_386 : i32 to index
        %get3A_397 = arith.constant 32 : index
        %get3A_398 = tpu.vector_load %arg12[%get3A_396, %get3A_397] {strides = array<i32>} : memref<208x64xf32, #tpu.memory_space<vmem>>, vector<16xf32>,
        %mul3A_399 = arith.mulf %get3A_398, %get3A_320 : vector<16xf32>
        %add3A_400 = arith.addf %add3A_395, %mul3A_399 : vector<16xf32>
        %get3A_401 = arith.index_cast %add3A_386 : i32 to index
        %get3A_402 = arith.constant 48 : index
        %get3A_403 = tpu.vector_load %arg12[%get3A_401, %get3A_402] {strides = array<i32>} : memref<208x64xf32, #tpu.memory_space<vmem>>, vector<16xf32>,
        %mul3A_404 = arith.mulf %get3A_403, %get3A_323 : vector<16xf32>
        %add3A_405 = arith.addf %add3A_400, %mul3A_404 : vector<16xf32>
        %add3A_406 = arith.constant 12 : i32
        %add3A_407 = arith.addi %mul3A_342, %add3A_406 : i32
        %get3A_408 = arith.index_cast %add3A_407 : i32 to index
        %get3A_409 = arith.constant 0 : index
        %get3A_410 = tpu.vector_load %arg12[%get3A_408, %get3A_409] {strides = array<i32>} : memref<208x64xf32, #tpu.memory_space<vmem>>, vector<16xf32>,
        %mul3A_411 = arith.mulf %get3A_410, %get3A_314 : vector<16xf32>
        %get3A_412 = arith.index_cast %add3A_407 : i32 to index
        %get3A_413 = arith.constant 16 : index
        %get3A_414 = tpu.vector_load %arg12[%get3A_412, %get3A_413] {strides = array<i32>} : memref<208x64xf32, #tpu.memory_space<vmem>>, vector<16xf32>,
        %mul3A_415 = arith.mulf %get3A_414, %get3A_317 : vector<16xf32>
        %add3A_416 = arith.addf %mul3A_411, %mul3A_415 : vector<16xf32>
        %get3A_417 = arith.index_cast %add3A_407 : i32 to index
        %get3A_418 = arith.constant 32 : index
        %get3A_419 = tpu.vector_load %arg12[%get3A_417, %get3A_418] {strides = array<i32>} : memref<208x64xf32, #tpu.memory_space<vmem>>, vector<16xf32>,
        %mul3A_420 = arith.mulf %get3A_419, %get3A_320 : vector<16xf32>
        %add3A_421 = arith.addf %add3A_416, %mul3A_420 : vector<16xf32>
        %get3A_422 = arith.index_cast %add3A_407 : i32 to index
        %get3A_423 = arith.constant 48 : index
        %get3A_424 = tpu.vector_load %arg12[%get3A_422, %get3A_423] {strides = array<i32>} : memref<208x64xf32, #tpu.memory_space<vmem>>, vector<16xf32>,
        %mul3A_425 = arith.mulf %get3A_424, %get3A_323 : vector<16xf32>
        %add3A_426 = arith.addf %add3A_421, %mul3A_425 : vector<16xf32>
        %add3A_427 = arith.constant 2 : i32
        %add3A_428 = arith.addi %mul3A_342, %add3A_427 : i32
        %get3A_429 = arith.index_cast %add3A_428 : i32 to index
        %get3A_430 = arith.constant 0 : index
        %get3A_431 = tpu.vector_load %arg12[%get3A_429, %get3A_430] {strides = array<i32>} : memref<208x64xf32, #tpu.memory_space<vmem>>, vector<16xf32>,
        %mul3A_432 = arith.mulf %get3A_431, %get3A_314 : vector<16xf32>
        %get3A_433 = arith.index_cast %add3A_428 : i32 to index
        %get3A_434 = arith.constant 16 : index
        %get3A_435 = tpu.vector_load %arg12[%get3A_433, %get3A_434] {strides = array<i32>} : memref<208x64xf32, #tpu.memory_space<vmem>>, vector<16xf32>,
        %mul3A_436 = arith.mulf %get3A_435, %get3A_317 : vector<16xf32>
        %add3A_437 = arith.addf %mul3A_432, %mul3A_436 : vector<16xf32>
        %get3A_438 = arith.index_cast %add3A_428 : i32 to index
        %get3A_439 = arith.constant 32 : index
        %get3A_440 = tpu.vector_load %arg12[%get3A_438, %get3A_439] {strides = array<i32>} : memref<208x64xf32, #tpu.memory_space<vmem>>, vector<16xf32>,
        %mul3A_441 = arith.mulf %get3A_440, %get3A_320 : vector<16xf32>
        %add3A_442 = arith.addf %add3A_437, %mul3A_441 : vector<16xf32>
        %get3A_443 = arith.index_cast %add3A_428 : i32 to index
        %get3A_444 = arith.constant 48 : index
        %get3A_445 = tpu.vector_load %arg12[%get3A_443, %get3A_444] {strides = array<i32>} : memref<208x64xf32, #tpu.memory_space<vmem>>, vector<16xf32>,
        %mul3A_446 = arith.mulf %get3A_445, %get3A_323 : vector<16xf32>
        %add3A_447 = arith.addf %add3A_442, %mul3A_446 : vector<16xf32>
        %add3A_448 = arith.constant 10 : i32
        %add3A_449 = arith.addi %mul3A_342, %add3A_448 : i32
        %get3A_450 = arith.index_cast %add3A_449 : i32 to index
        %get3A_451 = arith.constant 0 : index
        %get3A_452 = tpu.vector_load %arg12[%get3A_450, %get3A_451] {strides = array<i32>} : memref<208x64xf32, #tpu.memory_space<vmem>>, vector<16xf32>,
        %mul3A_453 = arith.mulf %get3A_452, %get3A_314 : vector<16xf32>
        %get3A_454 = arith.index_cast %add3A_449 : i32 to index
        %get3A_455 = arith.constant 16 : index
        %get3A_456 = tpu.vector_load %arg12[%get3A_454, %get3A_455] {strides = array<i32>} : memref<208x64xf32, #tpu.memory_space<vmem>>, vector<16xf32>,
        %mul3A_457 = arith.mulf %get3A_456, %get3A_317 : vector<16xf32>
        %add3A_458 = arith.addf %mul3A_453, %mul3A_457 : vector<16xf32>
        %get3A_459 = arith.index_cast %add3A_449 : i32 to index
        %get3A_460 = arith.constant 32 : index
        %get3A_461 = tpu.vector_load %arg12[%get3A_459, %get3A_460] {strides = array<i32>} : memref<208x64xf32, #tpu.memory_space<vmem>>, vector<16xf32>,
        %mul3A_462 = arith.mulf %get3A_461, %get3A_320 : vector<16xf32>
        %add3A_463 = arith.addf %add3A_458, %mul3A_462 : vector<16xf32>
        %get3A_464 = arith.index_cast %add3A_449 : i32 to index
        %get3A_465 = arith.constant 48 : index
        %get3A_466 = tpu.vector_load %arg12[%get3A_464, %get3A_465] {strides = array<i32>} : memref<208x64xf32, #tpu.memory_space<vmem>>, vector<16xf32>,
        %mul3A_467 = arith.mulf %get3A_466, %get3A_323 : vector<16xf32>
        %add3A_468 = arith.addf %add3A_463, %mul3A_467 : vector<16xf32>
        %add3A_469 = arith.constant 6 : i32
        %add3A_470 = arith.addi %mul3A_342, %add3A_469 : i32
        %get3A_471 = arith.index_cast %add3A_470 : i32 to index
        %get3A_472 = arith.constant 0 : index
        %get3A_473 = tpu.vector_load %arg12[%get3A_471, %get3A_472] {strides = array<i32>} : memref<208x64xf32, #tpu.memory_space<vmem>>, vector<16xf32>,
        %mul3A_474 = arith.mulf %get3A_473, %get3A_314 : vector<16xf32>
        %get3A_475 = arith.index_cast %add3A_470 : i32 to index
        %get3A_476 = arith.constant 16 : index
        %get3A_477 = tpu.vector_load %arg12[%get3A_475, %get3A_476] {strides = array<i32>} : memref<208x64xf32, #tpu.memory_space<vmem>>, vector<16xf32>,
        %mul3A_478 = arith.mulf %get3A_477, %get3A_317 : vector<16xf32>
        %add3A_479 = arith.addf %mul3A_474, %mul3A_478 : vector<16xf32>
        %get3A_480 = arith.index_cast %add3A_470 : i32 to index
        %get3A_481 = arith.constant 32 : index
        %get3A_482 = tpu.vector_load %arg12[%get3A_480, %get3A_481] {strides = array<i32>} : memref<208x64xf32, #tpu.memory_space<vmem>>, vector<16xf32>,
        %mul3A_483 = arith.mulf %get3A_482, %get3A_320 : vector<16xf32>
        %add3A_484 = arith.addf %add3A_479, %mul3A_483 : vector<16xf32>
        %get3A_485 = arith.index_cast %add3A_470 : i32 to index
        %get3A_486 = arith.constant 48 : index
        %get3A_487 = tpu.vector_load %arg12[%get3A_485, %get3A_486] {strides = array<i32>} : memref<208x64xf32, #tpu.memory_space<vmem>>, vector<16xf32>,
        %mul3A_488 = arith.mulf %get3A_487, %get3A_323 : vector<16xf32>
        %add3A_489 = arith.addf %add3A_484, %mul3A_488 : vector<16xf32>
        %add3A_490 = arith.constant 14 : i32
        %add3A_491 = arith.addi %mul3A_342, %add3A_490 : i32
        %get3A_492 = arith.index_cast %add3A_491 : i32 to index
        %get3A_493 = arith.constant 0 : index
        %get3A_494 = tpu.vector_load %arg12[%get3A_492, %get3A_493] {strides = array<i32>} : memref<208x64xf32, #tpu.memory_space<vmem>>, vector<16xf32>,
        %mul3A_495 = arith.mulf %get3A_494, %get3A_314 : vector<16xf32>
        %get3A_496 = arith.index_cast %add3A_491 : i32 to index
        %get3A_497 = arith.constant 16 : index
        %get3A_498 = tpu.vector_load %arg12[%get3A_496, %get3A_497] {strides = array<i32>} : memref<208x64xf32, #tpu.memory_space<vmem>>, vector<16xf32>,
        %mul3A_499 = arith.mulf %get3A_498, %get3A_317 : vector<16xf32>
        %add3A_500 = arith.addf %mul3A_495, %mul3A_499 : vector<16xf32>
        %get3A_501 = arith.index_cast %add3A_491 : i32 to index
        %get3A_502 = arith.constant 32 : index
        %get3A_503 = tpu.vector_load %arg12[%get3A_501, %get3A_502] {strides = array<i32>} : memref<208x64xf32, #tpu.memory_space<vmem>>, vector<16xf32>,
        %mul3A_504 = arith.mulf %get3A_503, %get3A_320 : vector<16xf32>
        %add3A_505 = arith.addf %add3A_500, %mul3A_504 : vector<16xf32>
        %get3A_506 = arith.index_cast %add3A_491 : i32 to index
        %get3A_507 = arith.constant 48 : index
        %get3A_508 = tpu.vector_load %arg12[%get3A_506, %get3A_507] {strides = array<i32>} : memref<208x64xf32, #tpu.memory_space<vmem>>, vector<16xf32>,
        %mul3A_509 = arith.mulf %get3A_508, %get3A_323 : vector<16xf32>
        %add3A_510 = arith.addf %add3A_505, %mul3A_509 : vector<16xf32>
        %add3A_511 = arith.constant 1 : i32
        %add3A_512 = arith.addi %mul3A_342, %add3A_511 : i32
        %get3A_513 = arith.index_cast %add3A_512 : i32 to index
        %get3A_514 = arith.constant 0 : index
        %get3A_515 = tpu.vector_load %arg12[%get3A_513, %get3A_514] {strides = array<i32>} : memref<208x64xf32, #tpu.memory_space<vmem>>, vector<16xf32>,
        %mul3A_516 = arith.mulf %get3A_515, %get3A_314 : vector<16xf32>
        %get3A_517 = arith.index_cast %add3A_512 : i32 to index
        %get3A_518 = arith.constant 16 : index
        %get3A_519 = tpu.vector_load %arg12[%get3A_517, %get3A_518] {strides = array<i32>} : memref<208x64xf32, #tpu.memory_space<vmem>>, vector<16xf32>,
        %mul3A_520 = arith.mulf %get3A_519, %get3A_317 : vector<16xf32>
        %add3A_521 = arith.addf %mul3A_516, %mul3A_520 : vector<16xf32>
        %get3A_522 = arith.index_cast %add3A_512 : i32 to index
        %get3A_523 = arith.constant 32 : index
        %get3A_524 = tpu.vector_load %arg12[%get3A_522, %get3A_523] {strides = array<i32>} : memref<208x64xf32, #tpu.memory_space<vmem>>, vector<16xf32>,
        %mul3A_525 = arith.mulf %get3A_524, %get3A_320 : vector<16xf32>
        %add3A_526 = arith.addf %add3A_521, %mul3A_525 : vector<16xf32>
        %get3A_527 = arith.index_cast %add3A_512 : i32 to index
        %get3A_528 = arith.constant 48 : index
        %get3A_529 = tpu.vector_load %arg12[%get3A_527, %get3A_528] {strides = array<i32>} : memref<208x64xf32, #tpu.memory_space<vmem>>, vector<16xf32>,
        %mul3A_530 = arith.mulf %get3A_529, %get3A_323 : vector<16xf32>
        %add3A_531 = arith.addf %add3A_526, %mul3A_530 : vector<16xf32>
        %add3A_532 = arith.constant 9 : i32
        %add3A_533 = arith.addi %mul3A_342, %add3A_532 : i32
        %get3A_534 = arith.index_cast %add3A_533 : i32 to index
        %get3A_535 = arith.constant 0 : index
        %get3A_536 = tpu.vector_load %arg12[%get3A_534, %get3A_535] {strides = array<i32>} : memref<208x64xf32, #tpu.memory_space<vmem>>, vector<16xf32>,
        %mul3A_537 = arith.mulf %get3A_536, %get3A_314 : vector<16xf32>
        %get3A_538 = arith.index_cast %add3A_533 : i32 to index
        %get3A_539 = arith.constant 16 : index
        %get3A_540 = tpu.vector_load %arg12[%get3A_538, %get3A_539] {strides = array<i32>} : memref<208x64xf32, #tpu.memory_space<vmem>>, vector<16xf32>,
        %mul3A_541 = arith.mulf %get3A_540, %get3A_317 : vector<16xf32>
        %add3A_542 = arith.addf %mul3A_537, %mul3A_541 : vector<16xf32>
        %get3A_543 = arith.index_cast %add3A_533 : i32 to index
        %get3A_544 = arith.constant 32 : index
        %get3A_545 = tpu.vector_load %arg12[%get3A_543, %get3A_544] {strides = array<i32>} : memref<208x64xf32, #tpu.memory_space<vmem>>, vector<16xf32>,
        %mul3A_546 = arith.mulf %get3A_545, %get3A_320 : vector<16xf32>
        %add3A_547 = arith.addf %add3A_542, %mul3A_546 : vector<16xf32>
        %get3A_548 = arith.index_cast %add3A_533 : i32 to index
        %get3A_549 = arith.constant 48 : index
        %get3A_550 = tpu.vector_load %arg12[%get3A_548, %get3A_549] {strides = array<i32>} : memref<208x64xf32, #tpu.memory_space<vmem>>, vector<16xf32>,
        %mul3A_551 = arith.mulf %get3A_550, %get3A_323 : vector<16xf32>
        %add3A_552 = arith.addf %add3A_547, %mul3A_551 : vector<16xf32>
        %add3A_553 = arith.constant 5 : i32
        %add3A_554 = arith.addi %mul3A_342, %add3A_553 : i32
        %get3A_555 = arith.index_cast %add3A_554 : i32 to index
        %get3A_556 = arith.constant 0 : index
        %get3A_557 = tpu.vector_load %arg12[%get3A_555, %get3A_556] {strides = array<i32>} : memref<208x64xf32, #tpu.memory_space<vmem>>, vector<16xf32>,
        %mul3A_558 = arith.mulf %get3A_557, %get3A_314 : vector<16xf32>
        %get3A_559 = arith.index_cast %add3A_554 : i32 to index
        %get3A_560 = arith.constant 16 : index
        %get3A_561 = tpu.vector_load %arg12[%get3A_559, %get3A_560] {strides = array<i32>} : memref<208x64xf32, #tpu.memory_space<vmem>>, vector<16xf32>,
        %mul3A_562 = arith.mulf %get3A_561, %get3A_317 : vector<16xf32>
        %add3A_563 = arith.addf %mul3A_558, %mul3A_562 : vector<16xf32>
        %get3A_564 = arith.index_cast %add3A_554 : i32 to index
        %get3A_565 = arith.constant 32 : index
        %get3A_566 = tpu.vector_load %arg12[%get3A_564, %get3A_565] {strides = array<i32>} : memref<208x64xf32, #tpu.memory_space<vmem>>, vector<16xf32>,
        %mul3A_567 = arith.mulf %get3A_566, %get3A_320 : vector<16xf32>
        %add3A_568 = arith.addf %add3A_563, %mul3A_567 : vector<16xf32>
        %get3A_569 = arith.index_cast %add3A_554 : i32 to index
        %get3A_570 = arith.constant 48 : index
        %get3A_571 = tpu.vector_load %arg12[%get3A_569, %get3A_570] {strides = array<i32>} : memref<208x64xf32, #tpu.memory_space<vmem>>, vector<16xf32>,
        %mul3A_572 = arith.mulf %get3A_571, %get3A_323 : vector<16xf32>
        %add3A_573 = arith.addf %add3A_568, %mul3A_572 : vector<16xf32>
        %add3A_574 = arith.constant 13 : i32
        %add3A_575 = arith.addi %mul3A_342, %add3A_574 : i32
        %get3A_576 = arith.index_cast %add3A_575 : i32 to index
        %get3A_577 = arith.constant 0 : index
        %get3A_578 = tpu.vector_load %arg12[%get3A_576, %get3A_577] {strides = array<i32>} : memref<208x64xf32, #tpu.memory_space<vmem>>, vector<16xf32>,
        %mul3A_579 = arith.mulf %get3A_578, %get3A_314 : vector<16xf32>
        %get3A_580 = arith.index_cast %add3A_575 : i32 to index
        %get3A_581 = arith.constant 16 : index
        %get3A_582 = tpu.vector_load %arg12[%get3A_580, %get3A_581] {strides = array<i32>} : memref<208x64xf32, #tpu.memory_space<vmem>>, vector<16xf32>,
        %mul3A_583 = arith.mulf %get3A_582, %get3A_317 : vector<16xf32>
        %add3A_584 = arith.addf %mul3A_579, %mul3A_583 : vector<16xf32>
        %get3A_585 = arith.index_cast %add3A_575 : i32 to index
        %get3A_586 = arith.constant 32 : index
        %get3A_587 = tpu.vector_load %arg12[%get3A_585, %get3A_586] {strides = array<i32>} : memref<208x64xf32, #tpu.memory_space<vmem>>, vector<16xf32>,
        %mul3A_588 = arith.mulf %get3A_587, %get3A_320 : vector<16xf32>
        %add3A_589 = arith.addf %add3A_584, %mul3A_588 : vector<16xf32>
        %get3A_590 = arith.index_cast %add3A_575 : i32 to index
        %get3A_591 = arith.constant 48 : index
        %get3A_592 = tpu.vector_load %arg12[%get3A_590, %get3A_591] {strides = array<i32>} : memref<208x64xf32, #tpu.memory_space<vmem>>, vector<16xf32>,
        %mul3A_593 = arith.mulf %get3A_592, %get3A_323 : vector<16xf32>
        %add3A_594 = arith.addf %add3A_589, %mul3A_593 : vector<16xf32>
        %add3A_595 = arith.constant 3 : i32
        %add3A_596 = arith.addi %mul3A_342, %add3A_595 : i32
        %get3A_597 = arith.index_cast %add3A_596 : i32 to index
        %get3A_598 = arith.constant 0 : index
        %get3A_599 = tpu.vector_load %arg12[%get3A_597, %get3A_598] {strides = array<i32>} : memref<208x64xf32, #tpu.memory_space<vmem>>, vector<16xf32>,
        %mul3A_600 = arith.mulf %get3A_599, %get3A_314 : vector<16xf32>
        %get3A_601 = arith.index_cast %add3A_596 : i32 to index
        %get3A_602 = arith.constant 16 : index
        %get3A_603 = tpu.vector_load %arg12[%get3A_601, %get3A_602] {strides = array<i32>} : memref<208x64xf32, #tpu.memory_space<vmem>>, vector<16xf32>,
        %mul3A_604 = arith.mulf %get3A_603, %get3A_317 : vector<16xf32>
        %add3A_605 = arith.addf %mul3A_600, %mul3A_604 : vector<16xf32>
        %get3A_606 = arith.index_cast %add3A_596 : i32 to index
        %get3A_607 = arith.constant 32 : index
        %get3A_608 = tpu.vector_load %arg12[%get3A_606, %get3A_607] {strides = array<i32>} : memref<208x64xf32, #tpu.memory_space<vmem>>, vector<16xf32>,
        %mul3A_609 = arith.mulf %get3A_608, %get3A_320 : vector<16xf32>
        %add3A_610 = arith.addf %add3A_605, %mul3A_609 : vector<16xf32>
        %get3A_611 = arith.index_cast %add3A_596 : i32 to index
        %get3A_612 = arith.constant 48 : index
        %get3A_613 = tpu.vector_load %arg12[%get3A_611, %get3A_612] {strides = array<i32>} : memref<208x64xf32, #tpu.memory_space<vmem>>, vector<16xf32>,
        %mul3A_614 = arith.mulf %get3A_613, %get3A_323 : vector<16xf32>
        %add3A_615 = arith.addf %add3A_610, %mul3A_614 : vector<16xf32>
        %add3A_616 = arith.constant 11 : i32
        %add3A_617 = arith.addi %mul3A_342, %add3A_616 : i32
        %get3A_618 = arith.index_cast %add3A_617 : i32 to index
        %get3A_619 = arith.constant 0 : index
        %get3A_620 = tpu.vector_load %arg12[%get3A_618, %get3A_619] {strides = array<i32>} : memref<208x64xf32, #tpu.memory_space<vmem>>, vector<16xf32>,
        %mul3A_621 = arith.mulf %get3A_620, %get3A_314 : vector<16xf32>
        %get3A_622 = arith.index_cast %add3A_617 : i32 to index
        %get3A_623 = arith.constant 16 : index
        %get3A_624 = tpu.vector_load %arg12[%get3A_622, %get3A_623] {strides = array<i32>} : memref<208x64xf32, #tpu.memory_space<vmem>>, vector<16xf32>,
        %mul3A_625 = arith.mulf %get3A_624, %get3A_317 : vector<16xf32>
        %add3A_626 = arith.addf %mul3A_621, %mul3A_625 : vector<16xf32>
        %get3A_627 = arith.index_cast %add3A_617 : i32 to index
        %get3A_628 = arith.constant 32 : index
        %get3A_629 = tpu.vector_load %arg12[%get3A_627, %get3A_628] {strides = array<i32>} : memref<208x64xf32, #tpu.memory_space<vmem>>, vector<16xf32>,
        %mul3A_630 = arith.mulf %get3A_629, %get3A_320 : vector<16xf32>
        %add3A_631 = arith.addf %add3A_626, %mul3A_630 : vector<16xf32>
        %get3A_632 = arith.index_cast %add3A_617 : i32 to index
        %get3A_633 = arith.constant 48 : index
        %get3A_634 = tpu.vector_load %arg12[%get3A_632, %get3A_633] {strides = array<i32>} : memref<208x64xf32, #tpu.memory_space<vmem>>, vector<16xf32>,
        %mul3A_635 = arith.mulf %get3A_634, %get3A_323 : vector<16xf32>
        %add3A_636 = arith.addf %add3A_631, %mul3A_635 : vector<16xf32>
        %add3A_637 = arith.constant 7 : i32
        %add3A_638 = arith.addi %mul3A_342, %add3A_637 : i32
        %get3A_639 = arith.index_cast %add3A_638 : i32 to index
        %get3A_640 = arith.constant 0 : index
        %get3A_641 = tpu.vector_load %arg12[%get3A_639, %get3A_640] {strides = array<i32>} : memref<208x64xf32, #tpu.memory_space<vmem>>, vector<16xf32>,
        %mul3A_642 = arith.mulf %get3A_641, %get3A_314 : vector<16xf32>
        %get3A_643 = arith.index_cast %add3A_638 : i32 to index
        %get3A_644 = arith.constant 16 : index
        %get3A_645 = tpu.vector_load %arg12[%get3A_643, %get3A_644] {strides = array<i32>} : memref<208x64xf32, #tpu.memory_space<vmem>>, vector<16xf32>,
        %mul3A_646 = arith.mulf %get3A_645, %get3A_317 : vector<16xf32>
        %add3A_647 = arith.addf %mul3A_642, %mul3A_646 : vector<16xf32>
        %get3A_648 = arith.index_cast %add3A_638 : i32 to index
        %get3A_649 = arith.constant 32 : index
        %get3A_650 = tpu.vector_load %arg12[%get3A_648, %get3A_649] {strides = array<i32>} : memref<208x64xf32, #tpu.memory_space<vmem>>, vector<16xf32>,
        %mul3A_651 = arith.mulf %get3A_650, %get3A_320 : vector<16xf32>
        %add3A_652 = arith.addf %add3A_647, %mul3A_651 : vector<16xf32>
        %get3A_653 = arith.index_cast %add3A_638 : i32 to index
        %get3A_654 = arith.constant 48 : index
        %get3A_655 = tpu.vector_load %arg12[%get3A_653, %get3A_654] {strides = array<i32>} : memref<208x64xf32, #tpu.memory_space<vmem>>, vector<16xf32>,
        %mul3A_656 = arith.mulf %get3A_655, %get3A_323 : vector<16xf32>
        %add3A_657 = arith.addf %add3A_652, %mul3A_656 : vector<16xf32>
        %add3A_658 = arith.constant 15 : i32
        %add3A_659 = arith.addi %mul3A_342, %add3A_658 : i32
        %get3A_660 = arith.index_cast %add3A_659 : i32 to index
        %get3A_661 = arith.constant 0 : index
        %get3A_662 = tpu.vector_load %arg12[%get3A_660, %get3A_661] {strides = array<i32>} : memref<208x64xf32, #tpu.memory_space<vmem>>, vector<16xf32>,
        %mul3A_663 = arith.mulf %get3A_662, %get3A_314 : vector<16xf32>
        %get3A_664 = arith.index_cast %add3A_659 : i32 to index
        %get3A_665 = arith.constant 16 : index
        %get3A_666 = tpu.vector_load %arg12[%get3A_664, %get3A_665] {strides = array<i32>} : memref<208x64xf32, #tpu.memory_space<vmem>>, vector<16xf32>,
        %mul3A_667 = arith.mulf %get3A_666, %get3A_317 : vector<16xf32>
        %add3A_668 = arith.addf %mul3A_663, %mul3A_667 : vector<16xf32>
        %get3A_669 = arith.index_cast %add3A_659 : i32 to index
        %get3A_670 = arith.constant 32 : index
        %get3A_671 = tpu.vector_load %arg12[%get3A_669, %get3A_670] {strides = array<i32>} : memref<208x64xf32, #tpu.memory_space<vmem>>, vector<16xf32>,
        %mul3A_672 = arith.mulf %get3A_671, %get3A_320 : vector<16xf32>
        %add3A_673 = arith.addf %add3A_668, %mul3A_672 : vector<16xf32>
        %get3A_674 = arith.index_cast %add3A_659 : i32 to index
        %get3A_675 = arith.constant 48 : index
        %get3A_676 = tpu.vector_load %arg12[%get3A_674, %get3A_675] {strides = array<i32>} : memref<208x64xf32, #tpu.memory_space<vmem>>, vector<16xf32>,
        %mul3A_677 = arith.mulf %get3A_676, %get3A_323 : vector<16xf32>
        %add3A_678 = arith.addf %add3A_673, %mul3A_677 : vector<16xf32>
        %iota3A = tpu.iota {dimensions = array<i32: 0>} : vector<16xi32>
        %and3A = arith.constant 8 : i32
        %and3A_679 = vector.broadcast %and3A : i32 to vector<16xi32>
        %and3A_680 = arith.andi %iota3A, %and3A_679 : vector<16xi32>
        %eq3A = arith.constant 0 : i32
        %eq3A_681 = vector.broadcast %eq3A : i32 to vector<16xi32>
        %eq3A_682 = arith.cmpi eq, %and3A_680, %eq3A_681 : vector<16xi32>
        %xor3A = arith.constant 8 : i32
        %xor3A_683 = vector.broadcast %xor3A : i32 to vector<16xi32>
        %xor3A_684 = arith.xori %iota3A, %xor3A_683 : vector<16xi32>
        %broadcast_in_dim3A = vector.shape_cast %xor3A_684 : vector<16xi32> to vector<16x1xi32>
        %gather3A = vector.shape_cast %broadcast_in_dim3A : vector<16x1xi32> to vector<16xi32>
        %gather3A_685 = tpu.dynamic_gather %add3A_363[%gather3A] in [0] : vector<16xf32>, vector<16xi32> -> vector<16xf32>
        %add3A_686 = arith.addf %add3A_363, %gather3A_685 : vector<16xf32>
        %broadcast_in_dim3A_687 = vector.shape_cast %xor3A_684 : vector<16xi32> to vector<16x1xi32>
        %gather3A_688 = vector.shape_cast %broadcast_in_dim3A_687 : vector<16x1xi32> to vector<16xi32>
        %gather3A_689 = tpu.dynamic_gather %add3A_384[%gather3A_688] in [0] : vector<16xf32>, vector<16xi32> -> vector<16xf32>
        %add3A_690 = arith.addf %add3A_384, %gather3A_689 : vector<16xf32>
        %select_n3A = arith.select %eq3A_682, %add3A_686, %add3A_690 : vector<16xi1>, vector<16xf32>
        %broadcast_in_dim3A_691 = vector.shape_cast %xor3A_684 : vector<16xi32> to vector<16x1xi32>
        %gather3A_692 = vector.shape_cast %broadcast_in_dim3A_691 : vector<16x1xi32> to vector<16xi32>
        %gather3A_693 = tpu.dynamic_gather %add3A_405[%gather3A_692] in [0] : vector<16xf32>, vector<16xi32> -> vector<16xf32>
        %add3A_694 = arith.addf %add3A_405, %gather3A_693 : vector<16xf32>
        %broadcast_in_dim3A_695 = vector.shape_cast %xor3A_684 : vector<16xi32> to vector<16x1xi32>
        %gather3A_696 = vector.shape_cast %broadcast_in_dim3A_695 : vector<16x1xi32> to vector<16xi32>
        %gather3A_697 = tpu.dynamic_gather %add3A_426[%gather3A_696] in [0] : vector<16xf32>, vector<16xi32> -> vector<16xf32>
        %add3A_698 = arith.addf %add3A_426, %gather3A_697 : vector<16xf32>
        %select_n3A_699 = arith.select %eq3A_682, %add3A_694, %add3A_698 : vector<16xi1>, vector<16xf32>
        %broadcast_in_dim3A_700 = vector.shape_cast %xor3A_684 : vector<16xi32> to vector<16x1xi32>
        %gather3A_701 = vector.shape_cast %broadcast_in_dim3A_700 : vector<16x1xi32> to vector<16xi32>
        %gather3A_702 = tpu.dynamic_gather %add3A_447[%gather3A_701] in [0] : vector<16xf32>, vector<16xi32> -> vector<16xf32>
        %add3A_703 = arith.addf %add3A_447, %gather3A_702 : vector<16xf32>
        %broadcast_in_dim3A_704 = vector.shape_cast %xor3A_684 : vector<16xi32> to vector<16x1xi32>
        %gather3A_705 = vector.shape_cast %broadcast_in_dim3A_704 : vector<16x1xi32> to vector<16xi32>
        %gather3A_706 = tpu.dynamic_gather %add3A_468[%gather3A_705] in [0] : vector<16xf32>, vector<16xi32> -> vector<16xf32>
        %add3A_707 = arith.addf %add3A_468, %gather3A_706 : vector<16xf32>
        %select_n3A_708 = arith.select %eq3A_682, %add3A_703, %add3A_707 : vector<16xi1>, vector<16xf32>
        %broadcast_in_dim3A_709 = vector.shape_cast %xor3A_684 : vector<16xi32> to vector<16x1xi32>
        %gather3A_710 = vector.shape_cast %broadcast_in_dim3A_709 : vector<16x1xi32> to vector<16xi32>
        %gather3A_711 = tpu.dynamic_gather %add3A_489[%gather3A_710] in [0] : vector<16xf32>, vector<16xi32> -> vector<16xf32>
        %add3A_712 = arith.addf %add3A_489, %gather3A_711 : vector<16xf32>
        %broadcast_in_dim3A_713 = vector.shape_cast %xor3A_684 : vector<16xi32> to vector<16x1xi32>
        %gather3A_714 = vector.shape_cast %broadcast_in_dim3A_713 : vector<16x1xi32> to vector<16xi32>
        %gather3A_715 = tpu.dynamic_gather %add3A_510[%gather3A_714] in [0] : vector<16xf32>, vector<16xi32> -> vector<16xf32>
        %add3A_716 = arith.addf %add3A_510, %gather3A_715 : vector<16xf32>
        %select_n3A_717 = arith.select %eq3A_682, %add3A_712, %add3A_716 : vector<16xi1>, vector<16xf32>
        %broadcast_in_dim3A_718 = vector.shape_cast %xor3A_684 : vector<16xi32> to vector<16x1xi32>
        %gather3A_719 = vector.shape_cast %broadcast_in_dim3A_718 : vector<16x1xi32> to vector<16xi32>
        %gather3A_720 = tpu.dynamic_gather %add3A_531[%gather3A_719] in [0] : vector<16xf32>, vector<16xi32> -> vector<16xf32>
        %add3A_721 = arith.addf %add3A_531, %gather3A_720 : vector<16xf32>
        %broadcast_in_dim3A_722 = vector.shape_cast %xor3A_684 : vector<16xi32> to vector<16x1xi32>
        %gather3A_723 = vector.shape_cast %broadcast_in_dim3A_722 : vector<16x1xi32> to vector<16xi32>
        %gather3A_724 = tpu.dynamic_gather %add3A_552[%gather3A_723] in [0] : vector<16xf32>, vector<16xi32> -> vector<16xf32>
        %add3A_725 = arith.addf %add3A_552, %gather3A_724 : vector<16xf32>
        %select_n3A_726 = arith.select %eq3A_682, %add3A_721, %add3A_725 : vector<16xi1>, vector<16xf32>
        %broadcast_in_dim3A_727 = vector.shape_cast %xor3A_684 : vector<16xi32> to vector<16x1xi32>
        %gather3A_728 = vector.shape_cast %broadcast_in_dim3A_727 : vector<16x1xi32> to vector<16xi32>
        %gather3A_729 = tpu.dynamic_gather %add3A_573[%gather3A_728] in [0] : vector<16xf32>, vector<16xi32> -> vector<16xf32>
        %add3A_730 = arith.addf %add3A_573, %gather3A_729 : vector<16xf32>
        %broadcast_in_dim3A_731 = vector.shape_cast %xor3A_684 : vector<16xi32> to vector<16x1xi32>
        %gather3A_732 = vector.shape_cast %broadcast_in_dim3A_731 : vector<16x1xi32> to vector<16xi32>
        %gather3A_733 = tpu.dynamic_gather %add3A_594[%gather3A_732] in [0] : vector<16xf32>, vector<16xi32> -> vector<16xf32>
        %add3A_734 = arith.addf %add3A_594, %gather3A_733 : vector<16xf32>
        %select_n3A_735 = arith.select %eq3A_682, %add3A_730, %add3A_734 : vector<16xi1>, vector<16xf32>
        %broadcast_in_dim3A_736 = vector.shape_cast %xor3A_684 : vector<16xi32> to vector<16x1xi32>
        %gather3A_737 = vector.shape_cast %broadcast_in_dim3A_736 : vector<16x1xi32> to vector<16xi32>
        %gather3A_738 = tpu.dynamic_gather %add3A_615[%gather3A_737] in [0] : vector<16xf32>, vector<16xi32> -> vector<16xf32>
        %add3A_739 = arith.addf %add3A_615, %gather3A_738 : vector<16xf32>
        %broadcast_in_dim3A_740 = vector.shape_cast %xor3A_684 : vector<16xi32> to vector<16x1xi32>
        %gather3A_741 = vector.shape_cast %broadcast_in_dim3A_740 : vector<16x1xi32> to vector<16xi32>
        %gather3A_742 = tpu.dynamic_gather %add3A_636[%gather3A_741] in [0] : vector<16xf32>, vector<16xi32> -> vector<16xf32>
        %add3A_743 = arith.addf %add3A_636, %gather3A_742 : vector<16xf32>
        %select_n3A_744 = arith.select %eq3A_682, %add3A_739, %add3A_743 : vector<16xi1>, vector<16xf32>
        %broadcast_in_dim3A_745 = vector.shape_cast %xor3A_684 : vector<16xi32> to vector<16x1xi32>
        %gather3A_746 = vector.shape_cast %broadcast_in_dim3A_745 : vector<16x1xi32> to vector<16xi32>
        %gather3A_747 = tpu.dynamic_gather %add3A_657[%gather3A_746] in [0] : vector<16xf32>, vector<16xi32> -> vector<16xf32>
        %add3A_748 = arith.addf %add3A_657, %gather3A_747 : vector<16xf32>
        %broadcast_in_dim3A_749 = vector.shape_cast %xor3A_684 : vector<16xi32> to vector<16x1xi32>
        %gather3A_750 = vector.shape_cast %broadcast_in_dim3A_749 : vector<16x1xi32> to vector<16xi32>
        %gather3A_751 = tpu.dynamic_gather %add3A_678[%gather3A_750] in [0] : vector<16xf32>, vector<16xi32> -> vector<16xf32>
        %add3A_752 = arith.addf %add3A_678, %gather3A_751 : vector<16xf32>
        %select_n3A_753 = arith.select %eq3A_682, %add3A_748, %add3A_752 : vector<16xi1>, vector<16xf32>
        %and3A_754 = arith.constant 4 : i32
        %and3A_755 = vector.broadcast %and3A_754 : i32 to vector<16xi32>
        %and3A_756 = arith.andi %iota3A, %and3A_755 : vector<16xi32>
        %eq3A_757 = arith.constant 0 : i32
        %eq3A_758 = vector.broadcast %eq3A_757 : i32 to vector<16xi32>
        %eq3A_759 = arith.cmpi eq, %and3A_756, %eq3A_758 : vector<16xi32>
        %xor3A_760 = arith.constant 4 : i32
        %xor3A_761 = vector.broadcast %xor3A_760 : i32 to vector<16xi32>
        %xor3A_762 = arith.xori %iota3A, %xor3A_761 : vector<16xi32>
        %broadcast_in_dim3A_763 = vector.shape_cast %xor3A_762 : vector<16xi32> to vector<16x1xi32>
        %gather3A_764 = vector.shape_cast %broadcast_in_dim3A_763 : vector<16x1xi32> to vector<16xi32>
        %gather3A_765 = tpu.dynamic_gather %select_n3A[%gather3A_764] in [0] : vector<16xf32>, vector<16xi32> -> vector<16xf32>
        %add3A_766 = arith.addf %select_n3A, %gather3A_765 : vector<16xf32>
        %broadcast_in_dim3A_767 = vector.shape_cast %xor3A_762 : vector<16xi32> to vector<16x1xi32>
        %gather3A_768 = vector.shape_cast %broadcast_in_dim3A_767 : vector<16x1xi32> to vector<16xi32>
        %gather3A_769 = tpu.dynamic_gather %select_n3A_699[%gather3A_768] in [0] : vector<16xf32>, vector<16xi32> -> vector<16xf32>
        %add3A_770 = arith.addf %select_n3A_699, %gather3A_769 : vector<16xf32>
        %select_n3A_771 = arith.select %eq3A_759, %add3A_766, %add3A_770 : vector<16xi1>, vector<16xf32>
        %broadcast_in_dim3A_772 = vector.shape_cast %xor3A_762 : vector<16xi32> to vector<16x1xi32>
        %gather3A_773 = vector.shape_cast %broadcast_in_dim3A_772 : vector<16x1xi32> to vector<16xi32>
        %gather3A_774 = tpu.dynamic_gather %select_n3A_708[%gather3A_773] in [0] : vector<16xf32>, vector<16xi32> -> vector<16xf32>
        %add3A_775 = arith.addf %select_n3A_708, %gather3A_774 : vector<16xf32>
        %broadcast_in_dim3A_776 = vector.shape_cast %xor3A_762 : vector<16xi32> to vector<16x1xi32>
        %gather3A_777 = vector.shape_cast %broadcast_in_dim3A_776 : vector<16x1xi32> to vector<16xi32>
        %gather3A_778 = tpu.dynamic_gather %select_n3A_717[%gather3A_777] in [0] : vector<16xf32>, vector<16xi32> -> vector<16xf32>
        %add3A_779 = arith.addf %select_n3A_717, %gather3A_778 : vector<16xf32>
        %select_n3A_780 = arith.select %eq3A_759, %add3A_775, %add3A_779 : vector<16xi1>, vector<16xf32>
        %broadcast_in_dim3A_781 = vector.shape_cast %xor3A_762 : vector<16xi32> to vector<16x1xi32>
        %gather3A_782 = vector.shape_cast %broadcast_in_dim3A_781 : vector<16x1xi32> to vector<16xi32>
        %gather3A_783 = tpu.dynamic_gather %select_n3A_726[%gather3A_782] in [0] : vector<16xf32>, vector<16xi32> -> vector<16xf32>
        %add3A_784 = arith.addf %select_n3A_726, %gather3A_783 : vector<16xf32>
        %broadcast_in_dim3A_785 = vector.shape_cast %xor3A_762 : vector<16xi32> to vector<16x1xi32>
        %gather3A_786 = vector.shape_cast %broadcast_in_dim3A_785 : vector<16x1xi32> to vector<16xi32>
        %gather3A_787 = tpu.dynamic_gather %select_n3A_735[%gather3A_786] in [0] : vector<16xf32>, vector<16xi32> -> vector<16xf32>
        %add3A_788 = arith.addf %select_n3A_735, %gather3A_787 : vector<16xf32>
        %select_n3A_789 = arith.select %eq3A_759, %add3A_784, %add3A_788 : vector<16xi1>, vector<16xf32>
        %broadcast_in_dim3A_790 = vector.shape_cast %xor3A_762 : vector<16xi32> to vector<16x1xi32>
        %gather3A_791 = vector.shape_cast %broadcast_in_dim3A_790 : vector<16x1xi32> to vector<16xi32>
        %gather3A_792 = tpu.dynamic_gather %select_n3A_744[%gather3A_791] in [0] : vector<16xf32>, vector<16xi32> -> vector<16xf32>
        %add3A_793 = arith.addf %select_n3A_744, %gather3A_792 : vector<16xf32>
        %broadcast_in_dim3A_794 = vector.shape_cast %xor3A_762 : vector<16xi32> to vector<16x1xi32>
        %gather3A_795 = vector.shape_cast %broadcast_in_dim3A_794 : vector<16x1xi32> to vector<16xi32>
        %gather3A_796 = tpu.dynamic_gather %select_n3A_753[%gather3A_795] in [0] : vector<16xf32>, vector<16xi32> -> vector<16xf32>
        %add3A_797 = arith.addf %select_n3A_753, %gather3A_796 : vector<16xf32>
        %select_n3A_798 = arith.select %eq3A_759, %add3A_793, %add3A_797 : vector<16xi1>, vector<16xf32>
        %and3A_799 = arith.constant 2 : i32
        %and3A_800 = vector.broadcast %and3A_799 : i32 to vector<16xi32>
        %and3A_801 = arith.andi %iota3A, %and3A_800 : vector<16xi32>
        %eq3A_802 = arith.constant 0 : i32
        %eq3A_803 = vector.broadcast %eq3A_802 : i32 to vector<16xi32>
        %eq3A_804 = arith.cmpi eq, %and3A_801, %eq3A_803 : vector<16xi32>
        %xor3A_805 = arith.constant 2 : i32
        %xor3A_806 = vector.broadcast %xor3A_805 : i32 to vector<16xi32>
        %xor3A_807 = arith.xori %iota3A, %xor3A_806 : vector<16xi32>
        %broadcast_in_dim3A_808 = vector.shape_cast %xor3A_807 : vector<16xi32> to vector<16x1xi32>
        %gather3A_809 = vector.shape_cast %broadcast_in_dim3A_808 : vector<16x1xi32> to vector<16xi32>
        %gather3A_810 = tpu.dynamic_gather %select_n3A_771[%gather3A_809] in [0] : vector<16xf32>, vector<16xi32> -> vector<16xf32>
        %add3A_811 = arith.addf %select_n3A_771, %gather3A_810 : vector<16xf32>
        %broadcast_in_dim3A_812 = vector.shape_cast %xor3A_807 : vector<16xi32> to vector<16x1xi32>
        %gather3A_813 = vector.shape_cast %broadcast_in_dim3A_812 : vector<16x1xi32> to vector<16xi32>
        %gather3A_814 = tpu.dynamic_gather %select_n3A_780[%gather3A_813] in [0] : vector<16xf32>, vector<16xi32> -> vector<16xf32>
        %add3A_815 = arith.addf %select_n3A_780, %gather3A_814 : vector<16xf32>
        %select_n3A_816 = arith.select %eq3A_804, %add3A_811, %add3A_815 : vector<16xi1>, vector<16xf32>
        %broadcast_in_dim3A_817 = vector.shape_cast %xor3A_807 : vector<16xi32> to vector<16x1xi32>
        %gather3A_818 = vector.shape_cast %broadcast_in_dim3A_817 : vector<16x1xi32> to vector<16xi32>
        %gather3A_819 = tpu.dynamic_gather %select_n3A_789[%gather3A_818] in [0] : vector<16xf32>, vector<16xi32> -> vector<16xf32>
        %add3A_820 = arith.addf %select_n3A_789, %gather3A_819 : vector<16xf32>
        %broadcast_in_dim3A_821 = vector.shape_cast %xor3A_807 : vector<16xi32> to vector<16x1xi32>
        %gather3A_822 = vector.shape_cast %broadcast_in_dim3A_821 : vector<16x1xi32> to vector<16xi32>
        %gather3A_823 = tpu.dynamic_gather %select_n3A_798[%gather3A_822] in [0] : vector<16xf32>, vector<16xi32> -> vector<16xf32>
        %add3A_824 = arith.addf %select_n3A_798, %gather3A_823 : vector<16xf32>
        %select_n3A_825 = arith.select %eq3A_804, %add3A_820, %add3A_824 : vector<16xi1>, vector<16xf32>
        %and3A_826 = arith.constant 1 : i32
        %and3A_827 = vector.broadcast %and3A_826 : i32 to vector<16xi32>
        %and3A_828 = arith.andi %iota3A, %and3A_827 : vector<16xi32>
        %eq3A_829 = arith.constant 0 : i32
        %eq3A_830 = vector.broadcast %eq3A_829 : i32 to vector<16xi32>
        %eq3A_831 = arith.cmpi eq, %and3A_828, %eq3A_830 : vector<16xi32>
        %xor3A_832 = arith.constant 1 : i32
        %xor3A_833 = vector.broadcast %xor3A_832 : i32 to vector<16xi32>
        %xor3A_834 = arith.xori %iota3A, %xor3A_833 : vector<16xi32>
        %broadcast_in_dim3A_835 = vector.shape_cast %xor3A_834 : vector<16xi32> to vector<16x1xi32>
        %gather3A_836 = vector.shape_cast %broadcast_in_dim3A_835 : vector<16x1xi32> to vector<16xi32>
        %gather3A_837 = tpu.dynamic_gather %select_n3A_816[%gather3A_836] in [0] : vector<16xf32>, vector<16xi32> -> vector<16xf32>
        %add3A_838 = arith.addf %select_n3A_816, %gather3A_837 : vector<16xf32>
        %broadcast_in_dim3A_839 = vector.shape_cast %xor3A_834 : vector<16xi32> to vector<16x1xi32>
        %gather3A_840 = vector.shape_cast %broadcast_in_dim3A_839 : vector<16x1xi32> to vector<16xi32>
        %gather3A_841 = tpu.dynamic_gather %select_n3A_825[%gather3A_840] in [0] : vector<16xf32>, vector<16xi32> -> vector<16xf32>
        %add3A_842 = arith.addf %select_n3A_825, %gather3A_841 : vector<16xf32>
        %select_n3A_843 = arith.select %eq3A_831, %add3A_838, %add3A_842 : vector<16xi1>, vector<16xf32>
        %get3A_844 = arith.index_cast %mul3A_342 : i32 to index
        %get3A_845 = tpu.vector_load %arg16[%get3A_844] {strides = array<i32>} : memref<208xf32, #tpu.memory_space<vmem>>, vector<16xf32>,
        %add3A_846 = arith.addf %select_n3A_843, %get3A_845 : vector<16xf32>
        %mul3A_847 = arith.constant 200 : i32
        %mul3A_848 = arith.muli %add3A_281, %mul3A_847 : i32
        %add3A_849 = arith.addi %mul3A_848, %mul3A_342 : i32
        %swap3A = arith.index_cast %add3A_849 : i32 to index
        %swap3A_850 = tpu.vector_load %arg17[%swap3A] {strides = array<i32>} : memref<25608xf32, #tpu.memory_space<vmem>>, vector<16xf32>,
        tpu.vector_store %arg17[%swap3A], %add3A_846 {strides = array<i32>} : memref<25608xf32, #tpu.memory_space<vmem>>, vector<16xf32>,
      }
      %scan3A_328 = arith.constant 13 : i32
      %add3A_329 = arith.constant 3 : i32
      %add3A_330 = arith.addi %add3A_281, %add3A_329 : i32
      %lt3A_331 = arith.constant 128 : i32
      %lt3A_332 = arith.cmpi slt, %add3A_330, %lt3A_331 : i32
      %convert_element_type3A_333 = arith.extui %lt3A_332 : i1 to i32
      %cond3A_334 = arith.constant 0 : i32
      %cond3A_335 = arith.cmpi ne, %convert_element_type3A_333, %cond3A_334 : i32
      scf.if %cond3A_335 {
        %add3A_336 = arith.constant 3 : i32
        %add3A_337 = arith.addi %add3A_281, %add3A_336 : i32
        %mul3A_338 = arith.constant 200 : i32
        %mul3A_339 = arith.muli %add3A_337, %mul3A_338 : i32
        %dma_start3A_340 = arith.constant 0 : i32
        %dma_start3A_341 = arith.constant 0 : i32
        %dma_start3A_342 = tpu.memref_slice %arg11[%dma_start3A_340, %dma_start3A_341] : memref<208x64xf32, #tpu.memory_space<vmem>> -> memref<128x64xf32, #tpu.memory_space<vmem>>
        %dma_start3A_343 = tpu.memref_slice %arg7[%mul3A_339] : memref<25600xi32, #tpu.memory_space<vmem>> -> memref<128xi32, #tpu.memory_space<vmem>>
        %dma_start3A_344 = arith.constant 0 : i32
        %dma_start3A_345 = arith.constant 0 : i32
        %dma_start3A_346 = tpu.memref_slice %arg4[%dma_start3A_344, %dma_start3A_345] : memref<1000000x64xf32, #tpu.memory_space<hbm>> -> memref<1000000x64xf32, #tpu.memory_space<hbm>>
        tpu.enqueue_indirect_dma source(%dma_start3A_346 : memref<1000000x64xf32, #tpu.memory_space<hbm>>) target(%dma_start3A_342 : memref<128x64xf32, #tpu.memory_space<vmem>>) offsets(%dma_start3A_343 : memref<128xi32, #tpu.memory_space<vmem>>) semaphore(%arg21 : memref<!tpu.dma_semaphore, #tpu.memory_space<semaphore_mem>>)
        %add3A_347 = arith.constant 128 : i32
        %add3A_348 = arith.addi %mul3A_339, %add3A_347 : i32
        %dma_start3A_349 = arith.constant 128 : i32
        %dma_start3A_350 = arith.constant 0 : i32
        %dma_start3A_351 = tpu.memref_slice %arg11[%dma_start3A_349, %dma_start3A_350] : memref<208x64xf32, #tpu.memory_space<vmem>> -> memref<72x64xf32, #tpu.memory_space<vmem>>
        %dma_start3A_352 = tpu.memref_slice %arg7[%add3A_348] : memref<25600xi32, #tpu.memory_space<vmem>> -> memref<72xi32, #tpu.memory_space<vmem>>
        %dma_start3A_353 = arith.constant 0 : i32
        %dma_start3A_354 = arith.constant 0 : i32
        %dma_start3A_355 = tpu.memref_slice %arg4[%dma_start3A_353, %dma_start3A_354] : memref<1000000x64xf32, #tpu.memory_space<hbm>> -> memref<1000000x64xf32, #tpu.memory_space<hbm>>
        tpu.enqueue_indirect_dma source(%dma_start3A_355 : memref<1000000x64xf32, #tpu.memory_space<hbm>>) target(%dma_start3A_351 : memref<72x64xf32, #tpu.memory_space<vmem>>) offsets(%dma_start3A_352 : memref<72xi32, #tpu.memory_space<vmem>>) semaphore(%arg21 : memref<!tpu.dma_semaphore, #tpu.memory_space<semaphore_mem>>)
        %dma_start3A_356 = arith.constant 0 : i32
        %dma_start3A_357 = tpu.memref_slice %arg15[%dma_start3A_356] : memref<208xf32, #tpu.memory_space<vmem>> -> memref<128xf32, #tpu.memory_space<vmem>>
        %dma_start3A_358 = tpu.memref_slice %arg7[%mul3A_339] : memref<25600xi32, #tpu.memory_space<vmem>> -> memref<128xi32, #tpu.memory_space<vmem>>
        %dma_start3A_359 = arith.constant 0 : i32
        %dma_start3A_360 = tpu.memref_slice %arg5[%dma_start3A_359] : memref<1000000xf32, #tpu.memory_space<hbm>> -> memref<1000000xf32, #tpu.memory_space<hbm>>
        tpu.enqueue_indirect_dma source(%dma_start3A_360 : memref<1000000xf32, #tpu.memory_space<hbm>>) target(%dma_start3A_357 : memref<128xf32, #tpu.memory_space<vmem>>) offsets(%dma_start3A_358 : memref<128xi32, #tpu.memory_space<vmem>>) semaphore(%arg21 : memref<!tpu.dma_semaphore, #tpu.memory_space<semaphore_mem>>)
        %add3A_361 = arith.constant 128 : i32
        %add3A_362 = arith.addi %mul3A_339, %add3A_361 : i32
        %dma_start3A_363 = arith.constant 128 : i32
        %dma_start3A_364 = tpu.memref_slice %arg15[%dma_start3A_363] : memref<208xf32, #tpu.memory_space<vmem>> -> memref<72xf32, #tpu.memory_space<vmem>>
        %dma_start3A_365 = tpu.memref_slice %arg7[%add3A_362] : memref<25600xi32, #tpu.memory_space<vmem>> -> memref<72xi32, #tpu.memory_space<vmem>>
        %dma_start3A_366 = arith.constant 0 : i32
        %dma_start3A_367 = tpu.memref_slice %arg5[%dma_start3A_366] : memref<1000000xf32, #tpu.memory_space<hbm>> -> memref<1000000xf32, #tpu.memory_space<hbm>>
        tpu.enqueue_indirect_dma source(%dma_start3A_367 : memref<1000000xf32, #tpu.memory_space<hbm>>) target(%dma_start3A_364 : memref<72xf32, #tpu.memory_space<vmem>>) offsets(%dma_start3A_365 : memref<72xi32, #tpu.memory_space<vmem>>) semaphore(%arg21 : memref<!tpu.dma_semaphore, #tpu.memory_space<semaphore_mem>>)
      } else {
      }
    }
    %scan3A_102 = arith.constant 32 : i32
    "tpu.region"() ({
      %run_scoped3A = tpu.sem_alloc : memref<!tpu.dma_semaphore, #tpu.memory_space<semaphore_mem>>
      %dma_start3A_103 = arith.constant 0 : i32
      %dma_start3A_104 = tpu.memref_slice %arg17[%dma_start3A_103] : memref<25608xf32, #tpu.memory_space<vmem>> -> memref<25600xf32, #tpu.memory_space<vmem>>
      %dma_start3A_105 = tpu.memref_slice %arg6[%mul3A_4] : memref<819200xf32, #tpu.memory_space<hbm>> -> memref<25600xf32, #tpu.memory_space<hbm>>
      %dma_start3A_106 = tpu.memref_slice %arg6[%mul3A_4] : memref<819200xf32, #tpu.memory_space<hbm>> -> memref<25600xf32, #tpu.memory_space<hbm>>
      %dma_start3A_107 = arith.constant 0 : i32
      %dma_start3A_108 = tpu.memref_slice %arg17[%dma_start3A_107] : memref<25608xf32, #tpu.memory_space<vmem>> -> memref<25600xf32, #tpu.memory_space<vmem>>
      tpu.enqueue_dma source(%dma_start3A_108 : memref<25600xf32, #tpu.memory_space<vmem>>) target(%dma_start3A_106 : memref<25600xf32, #tpu.memory_space<hbm>>) target_semaphore(%run_scoped3A : memref<!tpu.dma_semaphore, #tpu.memory_space<semaphore_mem>>)
      %dma_wait3A_109 = arith.constant 0 : i32
      %dma_wait3A_110 = tpu.memref_slice %arg17[%dma_wait3A_109] : memref<25608xf32, #tpu.memory_space<vmem>> -> memref<25600xf32, #tpu.memory_space<vmem>>
      %dma_wait3A_111 = tpu.memref_slice %arg6[%mul3A_4] : memref<819200xf32, #tpu.memory_space<hbm>> -> memref<25600xf32, #tpu.memory_space<hbm>>
      %dma_wait3A_112 = tpu.memref_slice %arg6[%mul3A_4] : memref<819200xf32, #tpu.memory_space<hbm>> -> memref<25600xf32, #tpu.memory_space<hbm>>
      %dma_wait3A_113 = arith.constant 0 : i32
      %dma_wait3A_114 = tpu.memref_slice %arg17[%dma_wait3A_113] : memref<25608xf32, #tpu.memory_space<vmem>> -> memref<25600xf32, #tpu.memory_space<vmem>>
      tpu.wait_dma2 semaphore(%run_scoped3A : memref<!tpu.dma_semaphore, #tpu.memory_space<semaphore_mem>>) src(%dma_wait3A_114 : memref<25600xf32, #tpu.memory_space<vmem>>) dst(%dma_wait3A_112 : memref<25600xf32, #tpu.memory_space<hbm>>)
      tpu.yield
    }) : () -> ()
    return
  }
}

</mosaic_0001>

<sc_bundles>
// kernel: kernel.3.cloned.1.call-start
scs
__scs_entry_jumppad:
0x0: {  	(pc) =	sbr.rel $0x88, $3  }
0x1: {  	(tag) =	ssettag $0x0;
	lr =	simm.s32 $0x1  }
0x2: {  	[smem:$0x3F9D] =	sst lr;
	_ =	strace $0xD0000000  }
0x3: {  	_ = 	snop  }
0x4: {  	_ = 	snop  }
0x5: {  	_ = 	snop  }
0x6: {  	_ = 	snop  }
0x7: {  	_ = 	snop  }
__scs_overlays_trampoline_lowered:
0x8: {  	[smem:$0x3FAC] =	sst s0  }
0x9: {  	[smem:$0x3FAD] =	sst s1  }
0xa: {  	[smem:$0x3FAE] =	sst s2  }
0xb: {  	[smem:$0x3FAF] =	sst s3  }
0xc: {  	[smem:$0x3FB0] =	sst s4  }
0xd: {  	[smem:$0x3FB1] =	sst s5  }
0xe: {  	[smem:$0x3FB2] =	sst s6  }
0xf: {  	[smem:$0x3FB3] =	sst s7  }
0x10: {  	[smem:$0x3FB4] =	sst s8  }
0x11: {  	[smem:$0x3FB5] =	sst s9;
	s0 =	simm.s32 @!p0 $0x0  }
0x12: {  	s1 =	sld [smem:$0x3F9B];
	s0 =	simm.s32 @p0 $0x1  }
0x13: {  	[smem:$0x3FB6] =	sst s0;
	s0 =	simm.s32 @!p1 $0x0  }
0x14: {  	s2 =	sld [smem:$0x3F9A];
	s0 =	simm.s32 @p1 $0x1  }
0x15: {  	[smem:$0x3FB7] =	sst s0;
	s0 =	simm.s32 @!p2 $0x0  }
0x16: {  	s3 =	sld [smem:$0x3FDB];
	s0 =	simm.s32 @p2 $0x1  }
0x17: {  	s4 =	simm.s32 $0x1BF5;
	[smem:$0x3FB9] =	sst s0  }
0x18: {  	s0 =	sld [smem:$0x3F9C];
	_ =	swait.ge [sflag:s4], $0x0  }
0x19: {  	s7 =	sld [smem:$0x3F9D]  }
0x1a: {  	s8 =	sadd.s32 $0xFFFFE003, lr  }
0x1b: {  	s9 =	sadd.s32 $0xFFFFFEF7, lr;
	s5 =	simm.s32 $0xFFFFFFFF;
	p2 =	slt.u32 s8, $0xFFFFF086  }
0x1c: {  	p1 =	slt.u32 s9, $0xF7A;
	s5 =	simm.s32 @!p2 $0x0  }
0x1d: {  	s5 =	simm.s32 @p1 $0x1;
	p0 =	seq.s32 s7, s2  }
0x1e: {  	s7 =	smul.u32 @!p0 $0xF7A, s2;
	p2 =	seq.s32 @!p0 s5, $0x0  }
0x1f: {  	s9 =	smul.u32 $0xF7A, s1;
	s8 =	simm.s32 @!p0 $0x1BF5;
	p2 =	por !p2, p0  }
0x20: {  	[sflag:s8] =	ssyncset.s32 @!p0 $0xFFFFF086;
	s6 =	sadd.s32 @!p0 s3, s7;
	s7 =	simm.s32 @!p0 $0x108  }
0x21: {  	s3 =	sadd.s32 s3, s9;
	s6 =	sadd.s32 @!p0 $0x88, s6;
	s7 =	simm.s32 @p2 $0x1082  }
0x22: {  	[simem:s7], [sflag:s8] =	dma.local @!p0 [hbm:s6], $0xF7A  }
0x23: {  	s9 =	sor.u32 $0xD0000000, s2;
	s6 =	simm.s32 $0x108;
	_ =	swait.ge @!p0 [sflag:s8], $0x0  }
0x24: {  	s3 =	sadd.s32 $0x88, s3;
	s6 =	simm.s32 @!p1 $0x1082;
	[sflag:s4] =	ssyncset.s32 $0xFFFFF086  }
0x25: {  	[simem:s6], [sflag:s4] =	dma.local [hbm:s3], $0xF7A  }
0x26: {  	[smem:$0x3F9D] =	sst s1;
	(tag) =	ssettag s2;
	_ =	strace s9  }
0x27: {  	s1 =	sld [smem:$0x3FAD]  }
0x28: {  	s2 =	sld [smem:$0x3FAE]  }
0x29: {  	s4 =	sld [smem:$0x3FB0]  }
0x2a: {  	p0 =	seq.s32 s5, $0x0;
	s5 =	sld [smem:$0x3FB1]  }
0x2b: {  	s6 =	sld [smem:$0x3FB2]  }
0x2c: {  	s7 =	sld [smem:$0x3FB3]  }
0x2d: {  	s3 =	simm.s32 $0x108;
	s8 =	sld [smem:$0x3FB4]  }
0x2e: {  	s3 =	simm.s32 @!p0 $0x1082;
	s9 =	sld [smem:$0x3FB5]  }
0x2f: {  	lr =	sadd.s32 s0, s3;
	s0 =	sld [smem:$0x3FAC]  }
0x30: {  	s3 =	sld [smem:$0x3FAF]  }
0x31: {  	[smem:$0x3FB8] =	sst s10  }
0x32: {  	s10 =	sld [smem:$0x3FB6];
	_ =	sdelay $0x3  }
0x33: {  	p0 =	seq.s32 s10, $0x1;
	s10 =	sld [smem:$0x3FB8];
	_ =	sdelay $0x3  }
0x34: {  	[smem:$0x3FB8] =	sst s10  }
0x35: {  	s10 =	sld [smem:$0x3FB7];
	_ =	sdelay $0x3  }
0x36: {  	p1 =	seq.s32 s10, $0x1;
	s10 =	sld [smem:$0x3FB8];
	_ =	sdelay $0x3  }
0x37: {  	[smem:$0x3FB8] =	sst s10  }
0x38: {  	s10 =	sld [smem:$0x3FB9]  }
0x39: {  	_ = 	snop;
	(pc) =	sbr.ind lr, $3  }
0x3a: {  	_ = 	snop  }
0x3b: {  	_ = 	snop  }
0x3c: {  	p2 =	seq.s32 s10, $0x1;
	s10 =	sld [smem:$0x3FB8]  }
0x3d: {  	_ =	shalt  }
0x3e: {  	_ =	shalt  }
0x3f: {  	_ =	shalt  }
0x40: {  	_ =	shalt  }
0x41: {  	_ =	shalt  }
0x42: {  	_ =	shalt  }
0x43: {  	_ =	shalt  }
0x44: {  	_ =	shalt  }
0x45: {  	_ =	shalt  }
0x46: {  	_ =	shalt  }
0x47: {  	_ =	shalt  }
0x48: {  	_ =	shalt  }
0x49: {  	_ =	shalt  }
0x4a: {  	_ =	shalt  }
0x4b: {  	_ =	shalt  }
0x4c: {  	_ =	shalt  }
0x4d: {  	_ =	shalt  }
0x4e: {  	_ =	shalt  }
0x4f: {  	_ =	shalt  }
0x50: {  	_ =	shalt  }
0x51: {  	_ =	shalt  }
0x52: {  	_ =	shalt  }
0x53: {  	_ =	shalt  }
0x54: {  	_ =	shalt  }
0x55: {  	_ =	shalt  }
0x56: {  	_ =	shalt  }
0x57: {  	_ =	shalt  }
0x58: {  	_ =	shalt  }
0x59: {  	_ =	shalt  }
0x5a: {  	_ =	shalt  }
0x5b: {  	_ =	shalt  }
0x5c: {  	_ =	shalt  }
0x5d: {  	_ =	shalt  }
0x5e: {  	_ =	shalt  }
0x5f: {  	_ =	shalt  }
0x60: {  	_ =	shalt  }
0x61: {  	_ =	shalt  }
0x62: {  	_ =	shalt  }
0x63: {  	_ =	shalt  }
0x64: {  	_ =	shalt  }
0x65: {  	_ =	shalt  }
0x66: {  	_ =	shalt  }
0x67: {  	_ =	shalt  }
0x68: {  	_ =	shalt  }
0x69: {  	_ =	shalt  }
0x6a: {  	_ =	shalt  }
0x6b: {  	_ =	shalt  }
0x6c: {  	_ =	shalt  }
0x6d: {  	_ =	shalt  }
0x6e: {  	_ =	shalt  }
0x6f: {  	_ =	shalt  }
0x70: {  	_ =	shalt  }
0x71: {  	_ =	shalt  }
0x72: {  	_ =	shalt  }
0x73: {  	_ =	shalt  }
0x74: {  	_ =	shalt  }
0x75: {  	_ =	shalt  }
0x76: {  	_ =	shalt  }
0x77: {  	_ =	shalt  }
0x78: {  	_ =	shalt  }
0x79: {  	_ =	shalt  }
0x7a: {  	_ =	shalt  }
0x7b: {  	_ =	shalt  }
0x7c: {  	_ =	shalt  }
0x7d: {  	_ =	shalt  }
0x7e: {  	_ =	shalt  }
0x7f: {  	_ =	shalt  }
0x80: {  	_ =	shalt  }
0x81: {  	_ =	shalt  }
0x82: {  	_ =	shalt  }
0x83: {  	_ =	shalt  }
0x84: {  	_ =	shalt  }
0x85: {  	_ =	shalt  }
0x86: {  	_ =	shalt  }
0x87: {  	_ =	shalt  }
.Lfunc_end0:
.L_simem_size_0:
called_computation_lowered:
.L_overlay_start_0:
0x88: {  	s2 =	sld [smem:$0x3FD9]  }
0x89: {  	s3 =	sld [smem:$0x3FFE];
	_ =	sdelay $0x1  }
0x8a: {  	s1 =	srdreg.scid  }
0x8b: {  	s0 =	sand.u32 $0x1, s1  }
0x8c: {  	s17 =	sshll.u32 s0, $0xA;
	s2 =	sadd.s32 s3, s2  }
0x8d: {  	s2 =	sadd.s32 s2, s17  }
0x8e: {  	[smem:$0x3FC4] =	sst s2  }
0x8f: {  	_ = 	snop  }
0x90: {  	s2 =	sld [smem:$0x3FD0];
	(tm) =	ssettm $0x1  }
0x91: {  	s18 =	sld [smem:$0x3FFB];
	_ =	sdelay $0x3  }
0x92: {  	_ =	strace s18  }
0x93: {  	s3 =	sld [smem:$0x3FFC];
	_ =	sdelay $0x3  }
0x94: {  	_ =	strace s3  }
0x95: {  	s3 =	sld [smem:$0x3FFD];
	_ =	sdelay $0x3  }
0x96: {  	_ =	strace s3  }
0x97: {  	_ =	strace $0x8FFFFFFF  }
0x98: {  	s19 =	sld [smem:$0x3FDB];
	_ =	sdelay $0x1  }
0x99: {  	s4 =	simm.s32 $_scs_section_size  }
0x9a: {  	s5 =	simm.s32 $_size__tile_overlayer_lowered;
	s6 =	simm.s32 $_tile_overlayer_lowered  }
0x9b: {  	s22 =	simm.s32 $0x1BFF;
	s21 =	sshll.u32 s6, $0x1;
	s3 =	sadd.s32 s4, s19  }
0x9c: {  	s7 =	simm.s32 $0x0;
	s20 =	sshll.u32 s5, $0x1;
	s5 =	sadd.s32 s21, s3  }
0x9d: {  	[timem:s7], [sflag:s22] =	dma.local [hbm:s5], s20  }
0x9e: {  	_ =	swait.ge [sflag:s22], s20  }
0x9f: {  	s4 =	ssub.s32 $0x0, s20;
	[sflag:s22] =	ssyncset.done $0x0  }
0xa0: {  	[sflag:s22] =	ssyncadd.s32 s4;
	_ =	sdelay $0x1  }
0xa1: {  	s23 =	simm.s32 $0x1B8B  }
0xa2: {  	_ =	swait.ge [sflag:s23], $0x1  }
0xa3: {  	[sflag:s23] =	ssyncset.done $0x0  }
0xa4: {  	s25 =	simm.s32 $0x1B8E;
	s24 =	sld [smem:$0x3FFE];
	[sflag:s23] =	ssyncadd.s32 $0xFFFFFFFF  }
0xa5: {  	s26 =	simm.s32 $execute0_lowered;
	[smem:$0x3FD2] =	sst s25  }
0xa6: {  	s5 =	sshll.u32 s26, $0x1;
	_ =	strace $0x80000046;
	[dreg:$0x1] =	wrdreg $0xFFFFFFFF  }
0xa7: {  	s28 =	simm.s32 $_size_execute0_lowered;
	s3 =	sadd.s32 s3, s5;
	[dreg:$0x0] =	wrdreg $0x0  }
0xa8: {  	s5 =	sshll.u32 s28, $0x1;
	[dreg:$0x2] =	wrdreg s3  }
0xa9: {  	[dreg:$0x3] =	wrdreg s5  }
0xaa: {  	[dreg:$0x4] =	wrdreg $0xC0  }
0xab: {  	_ =	task [dreg:s7], $0x5FFFF  }
0xac: {  	[dreg:$0x1] =	wrdreg $0xFFFFFFFF  }
0xad: {  	[dreg:$0x0] =	wrdreg $0x60  }
0xae: {  	[dreg:$0x2] =	wrdreg s24  }
0xaf: {  	[dreg:$0x3] =	wrdreg s2  }
0xb0: {  	[dreg:$0x4] =	wrdreg $0x9  }
0xb1: {  	_ =	task.clear_ibuf [dreg:s7], $0x5FFFF;
	_ =	strace $0x90000046  }
0xb2: {  	s29 =	simm.s32 $0x9;
	_ =	strace $0x80000048  }
0xb3: {  	_ =	swait.ge [sflag:s29], $0x1  }
0xb4: {  	[sflag:s29] =	ssyncadd.s32 $0xFFFFFFFF  }
0xb5: {  	_ =	strace $0x90000048  }
0xb6: {  	_ =	sfence  }
0xb7: {  	s30 =	sld [smem:$0x0];
	_ =	sdelay $0x2  }
0xb8: {  	s31 =	sshll.u32 s1, $0xD;
	s1 =	sshrl.u32 s1, $0x2  }
0xb9: {  	s3 =	sand.u32 $0x4000, s31;
	s1 =	sadd.s32 s1, s30  }
0xba: {  	s0 =	sor.u32 s3, s0;
	s1 =	sshll.u32 s1, $0x11  }
0xbb: {  	s0 =	sor.u32 s1, s0  }
0xbc: {  	s0 =	sadd.s32 $0x8F2B, s0  }
0xbd: {  	[sflag:s0] =	ssyncadd.remote.s32 $0x1  }
0xbe: {  	_ =	sfence.sel $0xFFFF  }
0xbf: {  	[dreg:$0x0] =	wrdreg $0xFFFFFFFF;
	(pc) =	sbr.abs _section_cstart, $3  }
0xc0: {  	[dreg:$0x1] =	wrdreg $0xFFFFFFFF  }
0xc1: {  	_ =	task.clear_ibuf [dreg:s7], $0x2FFFF;
	_ =	strace $0x9FFFFFFF  }
0xc2: {  	(tm) =	ssettm $0x7FFFFFFF  }
0xc3: {  	_ =	shalt  }
tec
execute0_lowered:
.L_overlay_start_1:
0x0: {  	(tag) =	ssettag $0x1  }
0x1: {  	v0 =	vimm.s32 $0x76543210;
	v1 =	vimm.s32 $0xFEDCBA98;
	v2 =	vimm.s32 $0xBA98FEDC  }
0x2: {  	v3 =	vimm.s32 $0x32107654;
	v4 =	vimm.s32 $0xDCFE98BA;
	v5 =	vimm.s32 $0x54761032  }
0x3: {  	vm0 =	vcmask $0x2F20;
	vm1 =	vcmask $0xF00;
	vm2 =	vcmask $0x1710  }
0x4: {  	vm3 =	vcmask $0x700;
	vm4 =	vcmask $0x300;
	v1 =	vunpack.c.l.s4.s8 v1  }
0x5: {  	v0 =	vunpack.c.l.s4.s8 v0;
	v2 =	vunpack.c.l.s4.s8 v2;
	v3 =	vunpack.c.l.s4.s8 v3  }
0x6: {  	s0 =	rddreg [dreg:$0x0];
	v4 =	vunpack.c.l.s4.s8 v4;
	vm0 =	vmor vm1, vm0;
	v1 =	vunpack.c.0.s8.s32 v1  }
0x7: {  	s1 =	rddreg [dreg:$0x1];
	s10 =	simm.s32 $0x0;
	s3 =	srdreg.scid;
	v0 =	vunpack.c.0.s8.s32 v0;
	v2 =	vunpack.c.0.s8.s32 v2;
	v3 =	vunpack.c.0.s8.s32 v3  }
0x8: {  	s2 =	stileid.u32;
	s11 =	simm.s32 $0x80;
	s13 =	simm.s32 $0x48;
	vm1 =	vmor vm3, vm2;
	vm3 =	vcmask $0xB08;
	v1 =	vand.u32 $0xF, v1  }
0x9: {  	s28 =	simm.s32 $0x155A0;
	s29 =	simm.s32 $0x15620;
	s30 =	simm.s32 $0x2;
	v0 =	vcombine.low v1, v0;
	v1 =	vcombine.low v3, v2;
	v2 =	vunpack.c.l.s4.s8 v5  }
0xa: {  	s31 =	simm.s32 $0x12000;
	s9 =	simm.s32 $0x156F0;
	s12 =	simm.s32 $0x3;
	vm2 =	vcmask $0x2720;
	vm3 =	vmor vm4, vm3  }
0xb: {  	s14 =	simm.s32 $0x4;
	s15 =	simm.s32 $0x5;
	s20 =	simm.s32 $0x0;
	vm4 =	vcmask $0x1310;
	v3 =	vunpack.c.0.s8.s32 v4;
	v2 =	vunpack.c.0.s8.s32 v2  }
0xc: {  	[smem:$0x7FF] =	sst s10;
	s4 =	sand.u32 $0x1, s3;
	s24 =	sshll.u32 s2, $0x1;
	vm1 =	vmor vm1, vm2;
	vm2 =	vcmask $0x3730;
	vm3 =	vmor vm3, vm4  }
0xd: {  	_ =	strace $0x80000047;
	s3 =	sor.u32 s4, s24;
	s7 =	ssub.s32 $0x2, s4;
	v4 =	vimm.s32 $0x67452301;
	v2 =	vcombine.low v2, v3;
	v3 =	vimm.s32 $0xEFCDAB89  }
0xe: {  	s4 =	sadd.s32 $0x8600, s0;
	s24 =	simm.s32 $0xEC00;
	s6 =	smul.u32 $0xC80, s3;
	vm4 =	vcmask $0x1B18;
	v4 =	vunpack.c.l.s4.s8 v4;
	v3 =	vunpack.c.l.s4.s8 v3  }
0xf: {  	s5 =	sshll.u32 s3, $0xA;
	s3 =	sadd.s32 $0xF42A00, s0;
	s8 =	sshrl.u32 s7, $0x1;
	vm1 =	vmor vm1, vm2;
	vm2 =	vmor vm3, vm4  }
.Ltmp0:
0x10: {  	s5 =	sadd.s32 s5, s0;
	vm3 =	vcmask $0x2320;
	s1 =	sadd.s32 s1, s6;
	v4 =	vunpack.c.0.s8.s32 v4;
	v3 =	vunpack.c.0.s8.s32 v3;
	(pc) =	sbr.rel .LBB2_1-.Ltmp0, $4  }
0x11: {  	s7 =	ssub.s32 s7, s8;
	vm4 =	vcmask $0x2B28;
	s25 =	sadd.s32 $0x600, s5;
	vm3 =	vmor vm2, vm3;
	vm2 =	vmmov $0xff;
	[dreg:$0x3] =	wrdreg s1  }
0x12: {  	s0 =	sadd.s32 s6, s0;
	s26 =	smax.u32 s7, $0x1;
	[dreg:$0x4] =	wrdreg s25;
	vm3 =	vmor vm3, vm4;
	vm4 =	vcmask $0x3330;
	v3 =	vcombine.low v4, v3  }
0x13: {  	s0 =	sadd.s32 $0x27000, s0;
	[dreg:$0x6] =	wrdreg s26;
	s26 =	simm.s32 $0x10C00;
	vm3 =	vmor vm3, vm4;
	vm4 =	vcmask $0x3B38;
	v1 =	vand.u32 $0xF, v1  }
0x14: {  	s1 =	simm.s32 $0x15670;
	[dreg:$0x5] =	wrdreg s0;
	s0 =	simm.s32 $0x14000;
	vm3 =	vmor vm3, vm4;
	v2 =	vand.u32 $0xF, v2;
	v3 =	vand.u32 $0xF, v3  }
.LBB2_12:
0x15: {  	s10 =	simm.s32 $0x0  }
0x16: {  	s2 =	rddreg [dreg:$0x5];
	s5 =	simm.s32 $0x15740;
	s23 =	simm.s32 $0x6  }
0x17: {  	[hbm4b:s2+s10] =	stream.linear.scatter [tilespmem:s5], [sflag:$0x6], $0x6400, $0x38;
	[tilespmem:$0x1BB48] =	vst v63  }
0x18: {  	_ =	swait.ge [sflag:s23], $0x6400  }
0x19: {  	s20 =	sadd.s32 $0x1, s20;
	s25 =	rddreg [dreg:$0x6]  }
0x1a: {  	p0 =	sne.s32 s20, s25  }
.Ltmp1:
0x1b: {  	_ = 	snop;
	(pc) =	sbr.rel @!p0 .LBB2_13-.Ltmp1, $3  }
0x1c: {  	_ =	sdelay $0x1  }
0x1d: {  	[sflag:s23] =	ssyncset.done $0x0  }
0x1e: {  	[sflag:s23] =	ssyncadd.s32 $0xFFFF9C00  }
.LBB2_1:
0x1f: {  	s2 =	rddreg [dreg:$0x3]  }
0x20: {  	[tilespmem:s10], [sflag:$0x1] =	stream.linear.gather [hbm4b:s2+s10], $0x6400, $0x38;
	[tilespmem:$0x1BB48] =	vst v63  }
0x21: {  	s25 =	rddreg [dreg:$0x4];
	s5 =	simm.s32 $0x6400  }
0x22: {  	[tilespmem:s5], [sflag:$0x1] =	stream.linear.gather [hbm4b:s25+s10], $0x2000, $0x38;
	[tilespmem:$0x1BB48] =	vst v63  }
0x23: {  	s5 =	simm.s32 $0x1  }
0x24: {  	_ =	swait.ge [sflag:s5], $0x6400  }
0x25: {  	[sflag:s5] =	ssyncset.done $0x0  }
0x26: {  	[sflag:s5] =	ssyncadd.s32 $0xFFFF9C00  }
0x27: {  	_ =	swait.ge [sflag:s5], $0x2000  }
0x28: {  	[sflag:s5] =	ssyncset.done $0x0  }
0x29: {  	s6 =	simm.s32 $0x8400;
	[sflag:s5] =	ssyncadd.s32 $0xFFFFE000  }
0x2a: {  	[tilespmem:s6], [sflag:$0x2] =	stream.indirect.gather [hbm4b:s3+s11], $0x40, s10, s11, $0xb8;
	[tilespmem:$0x1BB48] =	vst v63  }
0x2b: {  	s7 =	simm.s32 $0xA400  }
0x2c: {  	[tilespmem:s7], [sflag:$0x2] =	stream.indirect.gather [hbm4b:s3+s13], $0x40, s11, s13, $0xb8;
	[tilespmem:$0x1BB48] =	vst v63  }
0x2d: {  	s8 =	simm.s32 $0x15400  }
0x2e: {  	[tilespmem:s8], [sflag:$0x2] =	stream.indirect.gather [hbm4b:s4+s11], $0x1, s10, s11, $0xb8;
	[tilespmem:$0x1BB48] =	vst v63  }
0x2f: {  	s16 =	simm.s32 $0x15480  }
0x30: {  	[tilespmem:s16], [sflag:$0x2] =	stream.indirect.gather [hbm4b:s4+s13], $0x1, s11, s13, $0xb8;
	[tilespmem:$0x1BB48] =	vst v63  }
0x31: {  	s17 =	simm.s32 $0xC8;
	s18 =	simm.s32 $0xB800  }
0x32: {  	[tilespmem:s18], [sflag:$0x3] =	stream.indirect.gather [hbm4b:s3+s11], $0x40, s17, s11, $0xb8;
	[tilespmem:$0x1BB48] =	vst v63  }
0x33: {  	s19 =	simm.s32 $0x148;
	s6 =	simm.s32 $0xD800  }
0x34: {  	[tilespmem:s6], [sflag:$0x3] =	stream.indirect.gather [hbm4b:s3+s13], $0x40, s19, s13, $0xb8;
	[tilespmem:$0x1BB48] =	vst v63  }
0x35: {  	s21 =	simm.s32 $0x154D0  }
0x36: {  	[tilespmem:s21], [sflag:$0x3] =	stream.indirect.gather [hbm4b:s4+s11], $0x1, s17, s11, $0xb8;
	[tilespmem:$0x1BB48] =	vst v63  }
0x37: {  	s22 =	simm.s32 $0x15550  }
0x38: {  	[tilespmem:s22], [sflag:$0x3] =	stream.indirect.gather [hbm4b:s4+s13], $0x1, s19, s13, $0xb8;
	[tilespmem:$0x1BB48] =	vst v63  }
0x39: {  	s23 =	simm.s32 $0x190  }
0x3a: {  	[tilespmem:s24], [sflag:$0x4] =	stream.indirect.gather [hbm4b:s3+s11], $0x40, s23, s11, $0xb8;
	[tilespmem:$0x1BB48] =	vst v63  }
0x3b: {  	s25 =	simm.s32 $0x210  }
0x3c: {  	[tilespmem:s26], [sflag:$0x4] =	stream.indirect.gather [hbm4b:s3+s13], $0x40, s25, s13, $0xb8;
	[tilespmem:$0x1BB48] =	vst v63  }
0x3d: {  	s16 =	simm.s32 $0x15998;
	s21 =	simm.s32 $0x15808  }
0x3e: {  	[tilespmem:s28], [sflag:$0x4] =	stream.indirect.gather [hbm4b:s4+s11], $0x1, s23, s11, $0xb8;
	[tilespmem:$0x1BB48] =	vst v63  }
0x3f: {  	s17 =	simm.s32 $0x15740;
	s22 =	simm.s32 $0x158D0;
	s19 =	simm.s32 $0x0  }
0x40: {  	[tilespmem:s29], [sflag:$0x4] =	stream.indirect.gather [hbm4b:s4+s13], $0x1, s25, s13, $0xb8;
	[tilespmem:$0x1BB48] =	vst v63  }
.LBB2_2:
0x41: {  	_ =	swait.ge [sflag:s30], $0x2000  }
0x42: {  	[sflag:s30] =	ssyncset.done $0x0  }
0x43: {  	[sflag:s30] =	ssyncadd.s32 $0xFFFFE000  }
0x44: {  	_ =	swait.ge [sflag:s30], $0x1200  }
0x45: {  	[sflag:s30] =	ssyncset.done $0x0  }
0x46: {  	[sflag:s30] =	ssyncadd.s32 $0xFFFFEE00  }
0x47: {  	_ =	swait.ge [sflag:s30], $0x80  }
0x48: {  	[sflag:s30] =	ssyncset.done $0x0  }
0x49: {  	[sflag:s30] =	ssyncadd.s32 $0xFFFFFF80  }
0x4a: {  	_ =	swait.ge [sflag:s30], $0x48  }
0x4b: {  	s25 =	sshll.u32 s19, $0x8;
	[sflag:s30] =	ssyncset.done $0x0  }
0x4c: {  	s5 =	sand.u32 $0x3FFFFF00, s25;
	[sflag:s30] =	ssyncadd.s32 $0xFFFFFFB8  }
0x4d: {  	v6 =	vld [tilespmem:s5+$0x6400]  }
0x4e: {  	v7 =	vld [tilespmem:s5+$0x6410]  }
0x4f: {  	v5 =	vld [tilespmem:s5+$0x6420]  }
0x50: {  	v4 =	vld [tilespmem:s5+$0x6430];
	s5 =	simm.s32 $0x8600  }
0x51: {  	v8 =	vld [tilespmem:s5+$0xFFFFFE30]  }
0x52: {  	v9 =	vld [tilespmem:s5+$0x30]  }
0x53: {  	v10 =	vld [tilespmem:s5+$0xFFFFFF30]  }
0x54: {  	v11 =	vld [tilespmem:s5+$0x130]  }
0x55: {  	v12 =	vld [tilespmem:s5+$0xFFFFFEB0]  }
0x56: {  	v13 =	vld [tilespmem:s5+$0xB0]  }
0x57: {  	v14 =	vld [tilespmem:s5+$0xFFFFFFB0]  }
0x58: {  	v15 =	vld [tilespmem:s5+$0x1B0]  }
0x59: {  	v16 =	vld [tilespmem:s5+$0xFFFFFE70]  }
0x5a: {  	v17 =	vld [tilespmem:s5+$0x70]  }
0x5b: {  	v18 =	vld [tilespmem:s5+$0xFFFFFF70]  }
0x5c: {  	v19 =	vld [tilespmem:s5+$0x170]  }
0x5d: {  	v20 =	vld [tilespmem:s5+$0xFFFFFEF0]  }
0x5e: {  	v21 =	vld [tilespmem:s5+$0xF0]  }
0x5f: {  	v22 =	vld [tilespmem:s5+$0xFFFFFE20]  }
0x60: {  	v23 =	vld [tilespmem:s5+$0x20]  }
0x61: {  	v24 =	vld [tilespmem:s5+$0xFFFFFE00]  }
0x62: {  	v25 =	vld [tilespmem:s5+$0xFFFFFE10]  }
0x63: {  	v26 =	vld [tilespmem:s5+$0x0]  }
0x64: {  	v27 =	vld [tilespmem:s5+$0x10]  }
0x65: {  	v32 =	vld [tilespmem:s5+$0x120];
	v8 =	vmul.f32 v8, v4  }
0x66: {  	v33 =	vld [tilespmem:s5+$0xFFFFFEA0];
	v28 =	vmul.f32 v9, v4;
	v29 =	vmul.f32 v10, v4  }
0x67: {  	v34 =	vld [tilespmem:s5+$0x100];
	v30 =	vmul.f32 v11, v4;
	v31 =	vmul.f32 v12, v4  }
0x68: {  	v35 =	vld [tilespmem:s5+$0x110];
	v13 =	vmul.f32 v13, v4;
	v14 =	vmul.f32 v14, v4  }
0x69: {  	v49 =	vld [tilespmem:s5+$0xFFFFFFA0];
	v15 =	vmul.f32 v15, v4;
	v16 =	vmul.f32 v16, v4  }
0x6a: {  	v51 =	vld [tilespmem:s5+$0xFFFFFF80];
	v9 =	vmul.f32 v24, v6;
	v11 =	vmul.f32 v25, v7  }
0x6b: {  	v10 =	vld [tilespmem:s5+$0xFFFFFF20];
	v12 =	vmul.f32 v26, v6;
	v25 =	vmul.f32 v27, v7  }
0x6c: {  	v26 =	vld [tilespmem:s5+$0xFFFFFF00];
	v22 =	vmul.f32 v22, v5;
	v17 =	vmul.f32 v17, v4  }
0x6d: {  	v27 =	vld [tilespmem:s5+$0xFFFFFF10];
	v23 =	vmul.f32 v23, v5;
	v34 =	vmul.f32 v34, v6;
	v9 =	vadd.f32 v11, v9  }
0x6e: {  	v24 =	vld [tilespmem:s5+$0xA0];
	v35 =	vmul.f32 v35, v7;
	v25 =	vadd.f32 v25, v12;
	v12 =	vmul.f32 v18, v4  }
0x6f: {  	v38 =	vld [tilespmem:s5+$0xFFFFFE60];
	v11 =	vmul.f32 v19, v4;
	v18 =	vadd.f32 v22, v9;
	v9 =	vmul.f32 v20, v4  }
0x70: {  	v52 =	vld [tilespmem:s5+$0xFFFFFF90];
	v19 =	vadd.f32 v23, v25;
	v25 =	vmul.f32 v33, v5;
	v33 =	vmul.f32 v51, v6  }
0x71: {  	v22 =	vld [tilespmem:s5+$0xFFFFFE80];
	v20 =	vmul.f32 v10, v5;
	v10 =	vmul.f32 v21, v4  }
0x72: {  	v23 =	vld [tilespmem:s5+$0xFFFFFE90];
	v26 =	vmul.f32 v26, v6;
	v27 =	vmul.f32 v27, v7  }
0x73: {  	v21 =	vld [tilespmem:s5+$0x80];
	v24 =	vmul.f32 v24, v5;
	v8 =	vadd.f32 v8, v18;
	v18 =	vadd.f32 v28, v19  }
0x74: {  	v19 =	vmul.f32 v32, v5;
	v28 =	vld [tilespmem:s5+$0x90];
	v32 =	vmul.f32 v49, v5;
	v26 =	vadd.f32 v27, v26  }
0x75: {  	v60 =	vld [tilespmem:s5+$0x150];
	v27 =	vadd.f32 v35, v34;
	v34 =	vmul.f32 v52, v7;
	v50 =	vperm.xlane v8, v0  }
0x76: {  	v36 =	vperm.xlane v18, v0;
	v22 =	vmul.f32 v22, v6  }
0x77: {  	v37 =	vld [tilespmem:s5+$0x1A0];
	v23 =	vmul.f32 v23, v7;
	v20 =	vadd.f32 v20, v26;
	v19 =	vadd.f32 v19, v27  }
0x78: {  	v39 =	vld [tilespmem:s5+$0x60];
	v27 =	vmul.f32 v38, v5;
	v33 =	vadd.f32 v34, v33;
	v8 =	vadd.f32 v50, v8  }
0x79: {  	v26 =	vld [tilespmem:s5+$0x190];
	v21 =	vmul.f32 v21, v6;
	v18 =	vadd.f32 v36, v18;
	v28 =	vmul.f32 v28, v7  }
0x7a: {  	v34 =	vmul.f32 v60, v7;
	v22 =	vadd.f32 v23, v22;
	v23 =	vld [tilespmem:s5+$0x180];
	v20 =	vadd.f32 v29, v20  }
0x7b: {  	v19 =	vadd.f32 v30, v19;
	v29 =	vld [tilespmem:s5+$0xFFFFFE50];
	v18 =	vsel vm2, v8, v18;
	v21 =	vadd.f32 v28, v21  }
0x7c: {  	v30 =	vld [tilespmem:s5+$0x40];
	v8 =	vmov s17;
	v22 =	vadd.f32 v25, v22;
	v53 =	vperm.xlane v20, v0  }
0x7d: {  	v28 =	vmul.f32 v37, v5;
	v25 =	vmul.f32 v39, v5;
	v21 =	vadd.f32 v24, v21;
	v24 =	vld [tilespmem:s5+$0xFFFFFE40]  }
0x7e: {  	v54 =	vperm.xlane v19, v0;
	v22 =	vadd.f32 v31, v22;
	v31 =	vld [tilespmem:s5+$0x50];
	v35 =	vadd.f32 v53, v20  }
0x7f: {  	v55 =	vld [tilespmem:s5+$0xFFFFFF60];
	v20 =	vmul.f32 v23, v6;
	v23 =	vmul.f32 v26, v7;
	v21 =	vadd.f32 v13, v21  }
0x80: {  	v40 =	vld [tilespmem:s5+$0x160];
	v19 =	vadd.f32 v54, v19;
	v13 =	vperm.xlane v18, v1;
	v56 =	vperm.xlane v22, v0  }
0x81: {  	v41 =	vld [tilespmem:s5+$0xFFFFFEE0];
	v26 =	vmul.f32 v29, v7;
	v23 =	vadd.f32 v23, v20;
	v57 =	vperm.xlane v21, v0  }
0x82: {  	v59 =	vld [tilespmem:s5+$0xFFFFFF50];
	v13 =	vadd.f32 v13, v18;
	v29 =	vadd.f32 v56, v22;
	v24 =	vmul.f32 v24, v6  }
0x83: {  	v18 =	vld [tilespmem:s5+$0xE0];
	v22 =	vmul.f32 v30, v6;
	v30 =	vmul.f32 v31, v7;
	v23 =	vadd.f32 v28, v23  }
0x84: {  	v19 =	vsel vm2, v35, v19;
	v31 =	vld [tilespmem:s5+$0xFFFFFF40];
	v58 =	vadd.f32 v57, v21;
	v24 =	vadd.f32 v26, v24  }
0x85: {  	v20 =	vmul.f32 v55, v5;
	v22 =	vadd.f32 v30, v22;
	v30 =	vld [tilespmem:s5+$0x140];
	v26 =	vadd.f32 v32, v33  }
0x86: {  	v21 =	vmul.f32 v40, v5;
	v61 =	vadd.f32 v15, v23;
	v23 =	vld [tilespmem:s5+$0xFFFFFED0];
	v24 =	vadd.f32 v27, v24  }
0x87: {  	v15 =	vsel vm2, v29, v58;
	v29 =	vld [tilespmem:s5+$0xFFFFFFD0];
	v25 =	vadd.f32 v25, v22;
	v33 =	vadd.f32 v14, v26  }
0x88: {  	v22 =	vld [tilespmem:s5+$0xFFFFFEC0];
	v27 =	vperm.xlane v19, v1;
	v63 =	vperm.xlane v61, v0;
	v62 =	vadd.f32 v16, v24  }
0x89: {  	v26 =	vld [tilespmem:s5+$0xFFFFFFC0];
	v28 =	vadd.f32 v17, v25;
	v16 =	vperm.xlane v15, v1;
	v17 =	vperm.xlane v33, v0  }
0x8a: {  	v24 =	vld [tilespmem:s5+$0xC0];
	v14 =	vadd.f32 v27, v19;
	v27 =	vmul.f32 v31, v6;
	v31 =	vmul.f32 v59, v7  }
0x8b: {  	v25 =	vld [tilespmem:s5+$0xD0];
	v19 =	vperm.xlane v62, v0;
	v32 =	vperm.xlane v28, v0;
	v15 =	vadd.f32 v16, v15  }
0x8c: {  	v16 =	vadd.f32 v17, v33;
	v33 =	vmul.f32 v30, v6;
	v30 =	vld [tilespmem:s5+$0x1C0];
	v17 =	vadd.f32 v63, v61  }
0x8d: {  	s23 =	smul.u32 $0xC80, s19;
	s6 =	simm.s32 $0x0;
	s7 =	simm.s32 $0x40;
	v35 =	vadd.f32 v31, v27;
	v27 =	vmul.f32 v41, v5;
	v31 =	vld [tilespmem:s5+$0x1D0];
	v19 =	vadd.f32 v19, v62  }
.LBB2_3:
0x8e: {  	p0 =	sne.s32 s7, $0x300;
	v33 =	vadd.f32 v34, v33;
	v18 =	vmul.f32 v18, v5;
	v34 =	vld [tilespmem:s5+$0xFFFFFFE0];
	v28 =	vadd.f32 v32, v28  }
0x8f: {  	v22 =	vmul.f32 v22, v6;
	v23 =	vmul.f32 v23, v7;
	v20 =	vadd.f32 v20, v35;
	v32 =	vld [tilespmem:s5+$0x1E0]  }
0x90: {  	v24 =	vmul.f32 v24, v6;
	v25 =	vmul.f32 v25, v7;
	v21 =	vadd.f32 v21, v33;
	v33 =	vld [tilespmem:s5+$0xFFFFFFF0]  }
0x91: {  	v12 =	vadd.f32 v12, v20;
	v20 =	vmul.f32 v26, v6;
	v26 =	vmul.f32 v29, v7;
	v29 =	vld [tilespmem:s5+$0x1F0]  }
0x92: {  	v11 =	vadd.f32 v11, v21;
	v21 =	vmul.f32 v30, v6;
	v30 =	vmul.f32 v31, v7  }
0x93: {  	v22 =	vadd.f32 v23, v22;
	v23 =	vadd.f32 v25, v24;
	v24 =	vmul.f32 v34, v5  }
0x94: {  	v20 =	vadd.f32 v26, v20;
	v21 =	vadd.f32 v30, v21;
	v25 =	vmul.f32 v32, v5  }
0x95: {  	v22 =	vadd.f32 v27, v22;
	v18 =	vadd.f32 v18, v23;
	v23 =	vmul.f32 v33, v4  }
0x96: {  	v20 =	vadd.f32 v24, v20;
	v21 =	vadd.f32 v25, v21;
	v24 =	vmul.f32 v29, v4  }
0x97: {  	v9 =	vadd.f32 v9, v22;
	v10 =	vadd.f32 v10, v18;
	v18 =	vperm.xlane v12, v0  }
0x98: {  	v22 =	vperm.xlane v11, v0;
	v20 =	vadd.f32 v23, v20;
	v21 =	vadd.f32 v24, v21  }
0x99: {  	v12 =	vadd.f32 v18, v12;
	v18 =	vperm.xlane v9, v0;
	v23 =	vperm.xlane v10, v0  }
0x9a: {  	v11 =	vadd.f32 v22, v11;
	v22 =	vperm.xlane v20, v0;
	v24 =	vperm.xlane v21, v0  }
0x9b: {  	v16 =	vsel vm2, v16, v17;
	v9 =	vadd.f32 v18, v9;
	v10 =	vadd.f32 v23, v10  }
0x9c: {  	v17 =	vsel vm2, v19, v28;
	v18 =	vadd.f32 v22, v20;
	v19 =	vadd.f32 v24, v21  }
0x9d: {  	v11 =	vsel vm2, v12, v11;
	v12 =	vperm.xlane v16, v1;
	v20 =	vperm.xlane v17, v1  }
0x9e: {  	v9 =	vsel vm2, v9, v10;
	v10 =	vsel vm2, v18, v19;
	v18 =	vperm.xlane v11, v1  }
0x9f: {  	v12 =	vadd.f32 v12, v16;
	v16 =	vperm.xlane v9, v1;
	v19 =	vperm.xlane v10, v1  }
0xa0: {  	v17 =	vadd.f32 v20, v17;
	v11 =	vadd.f32 v18, v11  }
0xa1: {  	v13 =	vsel vm0, v13, v14;
	v9 =	vadd.f32 v16, v9;
	v10 =	vadd.f32 v19, v10  }
0xa2: {  	v14 =	vperm.xlane v13, v2;
	v12 =	vsel vm0, v15, v12  }
0xa3: {  	v11 =	vsel vm0, v17, v11;
	v9 =	vsel vm0, v9, v10;
	v10 =	vperm.xlane v12, v2  }
0xa4: {  	v15 =	vperm.xlane v11, v2;
	v16 =	vperm.xlane v9, v2  }
0xa5: {  	v13 =	vadd.f32 v14, v13;
	v10 =	vadd.f32 v10, v12  }
0xa6: {  	v11 =	vadd.f32 v15, v11;
	v9 =	vadd.f32 v16, v9;
	_ =	sdelay $0x1  }
0xa7: {  	s8 =	sshra.s32 s6, $0x2;
	s6 =	smov.u32 s7;
	v10 =	vsel vm1, v13, v10;
	v9 =	vsel vm1, v11, v9  }
0xa8: {  	v11 =	vperm.xlane v10, v3;
	v12 =	vperm.xlane v9, v3;
	v13 =	vld [tilespmem:s8+$0x15400];
	_ =	sdelay $0x1  }
0xa9: {  	v10 =	vadd.f32 v11, v10;
	v9 =	vadd.f32 v12, v9;
	_ =	sdelay $0x1  }
0xaa: {  	v9 =	vsel vm3, v10, v9  }
0xab: {  	v9 =	vadd.f32 v9, v13;
	_ =	sdelay $0x1  }
0xac: {  	s5 =	sadd.s32 $0x400, s5;
	[tilespmem:v8+s8+$0x0 ss:$0x1] =	vst.idx.msk $0xffff, v9  }
0xad: {  	v9 =	vld [tilespmem:s5+$0xFFFFFE30]  }
0xae: {  	v10 =	vld [tilespmem:s5+$0x30]  }
0xaf: {  	v11 =	vld [tilespmem:s5+$0xFFFFFF30]  }
0xb0: {  	v12 =	vld [tilespmem:s5+$0x130]  }
0xb1: {  	v13 =	vld [tilespmem:s5+$0xFFFFFEB0]  }
0xb2: {  	v14 =	vld [tilespmem:s5+$0xB0]  }
0xb3: {  	v15 =	vld [tilespmem:s5+$0xFFFFFFB0]  }
0xb4: {  	v16 =	vld [tilespmem:s5+$0x1B0]  }
0xb5: {  	v17 =	vld [tilespmem:s5+$0xFFFFFE70]  }
0xb6: {  	v18 =	vld [tilespmem:s5+$0x70]  }
0xb7: {  	v19 =	vld [tilespmem:s5+$0xFFFFFF70]  }
0xb8: {  	v20 =	vld [tilespmem:s5+$0x170]  }
0xb9: {  	v21 =	vld [tilespmem:s5+$0xFFFFFEF0]  }
0xba: {  	v22 =	vld [tilespmem:s5+$0xF0]  }
0xbb: {  	v23 =	vld [tilespmem:s5+$0xFFFFFE20]  }
0xbc: {  	v24 =	vld [tilespmem:s5+$0x20]  }
0xbd: {  	v25 =	vld [tilespmem:s5+$0xFFFFFE00]  }
0xbe: {  	v26 =	vld [tilespmem:s5+$0xFFFFFE10]  }
0xbf: {  	v27 =	vmul.f32 v9, v4;
	v9 =	vld [tilespmem:s5+$0x0]  }
0xc0: {  	v29 =	vmul.f32 v10, v4;
	v30 =	vmul.f32 v11, v4;
	v28 =	vld [tilespmem:s5+$0x10]  }
0xc1: {  	v31 =	vmul.f32 v12, v4;
	v13 =	vmul.f32 v13, v4;
	v10 =	vld [tilespmem:s5+$0xFFFFFF20]  }
0xc2: {  	v33 =	vmul.f32 v14, v4;
	v15 =	vmul.f32 v15, v4;
	v32 =	vld [tilespmem:s5+$0x120]  }
0xc3: {  	v16 =	vmul.f32 v16, v4;
	v14 =	vmul.f32 v17, v4;
	v34 =	vld [tilespmem:s5+$0xFFFFFEA0]  }
0xc4: {  	v11 =	vmul.f32 v25, v6;
	v12 =	vmul.f32 v26, v7;
	v25 =	vld [tilespmem:s5+$0xA0]  }
0xc5: {  	v9 =	vmul.f32 v9, v6;
	v26 =	vmul.f32 v28, v7;
	v28 =	vld [tilespmem:s5+$0xFFFFFF00]  }
0xc6: {  	v17 =	vmul.f32 v18, v4;
	v23 =	vmul.f32 v23, v5;
	v35 =	vld [tilespmem:s5+$0xFFFFFF10]  }
0xc7: {  	v24 =	vmul.f32 v24, v5;
	v18 =	vadd.f32 v12, v11;
	v9 =	vadd.f32 v26, v9;
	v26 =	vld [tilespmem:s5+$0x100]  }
0xc8: {  	v12 =	vmul.f32 v19, v4;
	v11 =	vmul.f32 v20, v4;
	v36 =	vld [tilespmem:s5+$0x110]  }
0xc9: {  	v18 =	vadd.f32 v23, v18;
	v19 =	vadd.f32 v24, v9;
	v20 =	vld [tilespmem:s5+$0xFFFFFE80];
	v9 =	vmul.f32 v21, v4  }
0xca: {  	v21 =	vmul.f32 v10, v5;
	v10 =	vmul.f32 v22, v4;
	v23 =	vld [tilespmem:s5+$0xFFFFFE90]  }
0xcb: {  	v18 =	vadd.f32 v27, v18;
	v22 =	vmul.f32 v32, v5;
	v19 =	vadd.f32 v29, v19;
	v24 =	vld [tilespmem:s5+$0x80]  }
0xcc: {  	v27 =	vmul.f32 v34, v5;
	v25 =	vmul.f32 v25, v5;
	v29 =	vld [tilespmem:s5+$0x90]  }
0xcd: {  	v34 =	vperm.xlane v18, v0;
	v32 =	vld [tilespmem:s5+$0xFFFFFFA0];
	v37 =	vperm.xlane v19, v0  }
0xce: {  	v28 =	vmul.f32 v28, v6;
	v35 =	vmul.f32 v35, v7;
	v38 =	vld [tilespmem:s5+$0x1A0]  }
0xcf: {  	v26 =	vmul.f32 v26, v6;
	v36 =	vmul.f32 v36, v7;
	v39 =	vld [tilespmem:s5+$0xFFFFFE60]  }
0xd0: {  	v18 =	vadd.f32 v34, v18;
	v20 =	vmul.f32 v20, v6;
	v23 =	vmul.f32 v23, v7;
	v40 =	vld [tilespmem:s5+$0x60]  }
0xd1: {  	v19 =	vadd.f32 v37, v19;
	v24 =	vmul.f32 v24, v6;
	v29 =	vmul.f32 v29, v7;
	v34 =	vld [tilespmem:s5+$0xFFFFFF80]  }
0xd2: {  	v28 =	vadd.f32 v35, v28;
	v26 =	vadd.f32 v36, v26;
	v35 =	vld [tilespmem:s5+$0xFFFFFF90];
	v32 =	vmul.f32 v32, v5  }
0xd3: {  	v20 =	vadd.f32 v23, v20;
	v23 =	vadd.f32 v29, v24;
	v24 =	vld [tilespmem:s5+$0x180];
	v29 =	vmul.f32 v38, v5  }
0xd4: {  	v21 =	vadd.f32 v21, v28;
	v22 =	vadd.f32 v22, v26;
	v26 =	vld [tilespmem:s5+$0x190];
	v28 =	vmul.f32 v39, v5  }
0xd5: {  	v20 =	vadd.f32 v27, v20;
	v23 =	vadd.f32 v25, v23;
	v25 =	vld [tilespmem:s5+$0xFFFFFE40];
	v27 =	vmul.f32 v40, v5  }
0xd6: {  	v21 =	vadd.f32 v30, v21;
	v18 =	vsel vm2, v18, v19;
	v22 =	vadd.f32 v31, v22;
	v30 =	vld [tilespmem:s5+$0xFFFFFE50]  }
0xd7: {  	v19 =	vadd.f32 v13, v20;
	v13 =	vperm.xlane v18, v1;
	v20 =	vadd.f32 v33, v23;
	v23 =	vld [tilespmem:s5+$0x40]  }
0xd8: {  	v36 =	vperm.xlane v22, v0;
	v33 =	vperm.xlane v21, v0;
	v31 =	vld [tilespmem:s5+$0x50]  }
0xd9: {  	v38 =	vperm.xlane v19, v0;
	v13 =	vadd.f32 v13, v18;
	v37 =	vld [tilespmem:s5+$0xFFFFFF60];
	v39 =	vperm.xlane v20, v0  }
0xda: {  	v34 =	vmul.f32 v34, v6;
	v35 =	vmul.f32 v35, v7;
	v33 =	vadd.f32 v33, v21;
	v40 =	vld [tilespmem:s5+$0x160]  }
0xdb: {  	v22 =	vadd.f32 v36, v22;
	v21 =	vmul.f32 v24, v6;
	v24 =	vmul.f32 v26, v7;
	v41 =	vld [tilespmem:s5+$0xFFFFFEE0]  }
0xdc: {  	v19 =	vadd.f32 v38, v19;
	v25 =	vmul.f32 v25, v6;
	v26 =	vmul.f32 v30, v7;
	v18 =	vld [tilespmem:s5+$0xE0]  }
0xdd: {  	v36 =	vadd.f32 v39, v20;
	v23 =	vmul.f32 v23, v6;
	v30 =	vmul.f32 v31, v7;
	v31 =	vld [tilespmem:s5+$0xFFFFFF40]  }
0xde: {  	v34 =	vadd.f32 v35, v34;
	v24 =	vadd.f32 v24, v21;
	v35 =	vld [tilespmem:s5+$0xFFFFFF50];
	v20 =	vmul.f32 v37, v5  }
0xdf: {  	v25 =	vadd.f32 v26, v25;
	v23 =	vadd.f32 v30, v23;
	v30 =	vld [tilespmem:s5+$0x140];
	v21 =	vmul.f32 v40, v5  }
0xe0: {  	v26 =	vadd.f32 v32, v34;
	v24 =	vadd.f32 v29, v24;
	v29 =	vsel vm2, v33, v22;
	v34 =	vld [tilespmem:s5+$0x150]  }
0xe1: {  	v32 =	vperm.xlane v29, v1;
	v25 =	vadd.f32 v28, v25;
	v27 =	vadd.f32 v27, v23;
	v22 =	vld [tilespmem:s5+$0xFFFFFEC0]  }
0xe2: {  	v33 =	vadd.f32 v15, v26;
	v37 =	vadd.f32 v16, v24;
	v15 =	vsel vm2, v19, v36;
	v23 =	vld [tilespmem:s5+$0xFFFFFED0]  }
0xe3: {  	v16 =	vperm.xlane v15, v1;
	v19 =	vadd.f32 v14, v25;
	v28 =	vadd.f32 v17, v27;
	v24 =	vld [tilespmem:s5+$0xC0]  }
.Ltmp2:
0xe4: {  	v14 =	vadd.f32 v32, v29;
	v17 =	vperm.xlane v33, v0;
	v27 =	vperm.xlane v37, v0;
	v25 =	vld [tilespmem:s5+$0xD0];
	(pc) =	sbr.rel @p0 .LBB2_3-.Ltmp2, $4  }
0xe5: {  	v15 =	vadd.f32 v16, v15;
	v36 =	vperm.xlane v19, v0;
	v26 =	vld [tilespmem:s5+$0xFFFFFFC0];
	v32 =	vperm.xlane v28, v0  }
0xe6: {  	v31 =	vmul.f32 v31, v6;
	v35 =	vmul.f32 v35, v7;
	v16 =	vadd.f32 v17, v33;
	v29 =	vld [tilespmem:s5+$0xFFFFFFD0]  }
0xe7: {  	v33 =	vmul.f32 v30, v6;
	v34 =	vmul.f32 v34, v7;
	v17 =	vadd.f32 v27, v37;
	v30 =	vld [tilespmem:s5+$0x1C0]  }
0xe8: {  	s7 =	sadd.s32 $0x40, s7;
	v35 =	vadd.f32 v35, v31;
	v27 =	vmul.f32 v41, v5;
	v19 =	vadd.f32 v36, v19;
	v31 =	vld [tilespmem:s5+$0x1D0]  }
0xe9: {  	v33 =	vadd.f32 v34, v33;
	v18 =	vmul.f32 v18, v5;
	v42 =	vld [tilespmem:s5+$0xFFFFFFE0];
	v28 =	vadd.f32 v32, v28  }
0xea: {  	v22 =	vmul.f32 v22, v6;
	v23 =	vmul.f32 v23, v7;
	v43 =	vld [tilespmem:s5+$0x1E0];
	v20 =	vadd.f32 v20, v35  }
0xeb: {  	v24 =	vmul.f32 v24, v6;
	v25 =	vmul.f32 v25, v7;
	v44 =	vld [tilespmem:s5+$0xFFFFFFF0];
	v21 =	vadd.f32 v21, v33  }
0xec: {  	v12 =	vadd.f32 v12, v20;
	v20 =	vmul.f32 v26, v6;
	v26 =	vmul.f32 v29, v7;
	v29 =	vld [tilespmem:s5+$0x1F0]  }
0xed: {  	v6 =	vmul.f32 v30, v6;
	v11 =	vadd.f32 v11, v21;
	v7 =	vmul.f32 v31, v7  }
0xee: {  	v21 =	vadd.f32 v23, v22;
	v22 =	vadd.f32 v25, v24;
	v23 =	vmul.f32 v42, v5  }
0xef: {  	v20 =	vadd.f32 v26, v20;
	v5 =	vmul.f32 v43, v5;
	v6 =	vadd.f32 v7, v6  }
0xf0: {  	v7 =	vadd.f32 v27, v21;
	v18 =	vadd.f32 v18, v22;
	v21 =	vmul.f32 v44, v4  }
0xf1: {  	v20 =	vadd.f32 v23, v20;
	v5 =	vadd.f32 v5, v6;
	v4 =	vmul.f32 v29, v4  }
0xf2: {  	v6 =	vadd.f32 v9, v7;
	v7 =	vadd.f32 v10, v18;
	v9 =	vperm.xlane v12, v0  }
0xf3: {  	v10 =	vadd.f32 v21, v20;
	v4 =	vadd.f32 v4, v5;
	v5 =	vperm.xlane v11, v0  }
0xf4: {  	v9 =	vadd.f32 v9, v12;
	v12 =	vperm.xlane v6, v0;
	v18 =	vperm.xlane v7, v0  }
0xf5: {  	v5 =	vadd.f32 v5, v11;
	v11 =	vperm.xlane v10, v0;
	v20 =	vperm.xlane v4, v0  }
0xf6: {  	v16 =	vsel vm2, v16, v17;
	v6 =	vadd.f32 v12, v6;
	v7 =	vadd.f32 v18, v7  }
0xf7: {  	v12 =	vsel vm2, v19, v28;
	v10 =	vadd.f32 v11, v10;
	v4 =	vadd.f32 v20, v4  }
0xf8: {  	v5 =	vsel vm2, v9, v5;
	v9 =	vperm.xlane v16, v1;
	v11 =	vperm.xlane v12, v1  }
0xf9: {  	v6 =	vsel vm2, v6, v7;
	v7 =	vperm.xlane v5, v1;
	v4 =	vsel vm2, v10, v4  }
0xfa: {  	v9 =	vadd.f32 v9, v16;
	v10 =	vperm.xlane v6, v1;
	v16 =	vperm.xlane v4, v1  }
0xfb: {  	v11 =	vadd.f32 v11, v12;
	v5 =	vadd.f32 v7, v5  }
0xfc: {  	v6 =	vadd.f32 v10, v6;
	v4 =	vadd.f32 v16, v4  }
0xfd: {  	v7 =	vsel vm0, v13, v14;
	v9 =	vsel vm0, v15, v9;
	v5 =	vsel vm0, v11, v5  }
0xfe: {  	v10 =	vperm.xlane v7, v2;
	v11 =	vperm.xlane v5, v2;
	v4 =	vsel vm0, v6, v4  }
0xff: {  	v6 =	vperm.xlane v9, v2;
	v12 =	vperm.xlane v4, v2  }
0x100: {  	v7 =	vadd.f32 v10, v7;
	v5 =	vadd.f32 v11, v5  }
0x101: {  	v6 =	vadd.f32 v6, v9;
	v4 =	vadd.f32 v12, v4;
	_ =	sdelay $0x1  }
0x102: {  	s6 =	sshra.s32 s6, $0x2;
	v6 =	vsel vm1, v7, v6;
	v4 =	vsel vm1, v5, v4  }
0x103: {  	v9 =	vld [tilespmem:s6+$0x15400];
	v5 =	vperm.xlane v6, v3;
	v7 =	vperm.xlane v4, v3;
	_ =	sdelay $0x1  }
0x104: {  	v5 =	vadd.f32 v5, v6;
	v4 =	vadd.f32 v7, v4;
	_ =	sdelay $0x1  }
0x105: {  	s5 =	sshllo.u32 s19, $0x2;
	v4 =	vsel vm3, v5, v4  }
0x106: {  	s7 =	smul.u32 $0x320, s5;
	v4 =	vadd.f32 v4, v9;
	_ =	sdelay $0x1  }
0x107: {  	s18 =	sshra.s32 s7, $0x2;
	[tilespmem:v8+s6+$0x0 ss:$0x1] =	vst.idx.msk $0xffff, v4  }
0x108: {  	[tilespmem:s31], [sflag:$0x5] =	stream.indirect.gather [hbm4b:s3+s11], $0x40, s18, s11, $0xb8;
	[tilespmem:$0x1BB48] =	vst v63  }
0x109: {  	s7 =	sadd.s32 $0x80, s18  }
0x10a: {  	[tilespmem:s0], [sflag:$0x5] =	stream.indirect.gather [hbm4b:s3+s13], $0x40, s7, s13, $0xb8;
	[tilespmem:$0x1BB48] =	vst v63  }
0x10b: {  	_ = 	snop  }
0x10c: {  	[tilespmem:s1], [sflag:$0x5] =	stream.indirect.gather [hbm4b:s4+s11], $0x1, s18, s11, $0xb8;
	[tilespmem:$0x1BB48] =	vst v63  }
0x10d: {  	_ = 	snop  }
0x10e: {  	[tilespmem:s9], [sflag:$0x5] =	stream.indirect.gather [hbm4b:s4+s13], $0x1, s7, s13, $0xb8;
	[tilespmem:$0x1BB48] =	vst v63  }
0x10f: {  	_ =	swait.ge [sflag:s12], $0x2000  }
0x110: {  	[sflag:s12] =	ssyncset.done $0x0  }
0x111: {  	[sflag:s12] =	ssyncadd.s32 $0xFFFFE000  }
0x112: {  	_ =	swait.ge [sflag:s12], $0x1200  }
0x113: {  	[sflag:s12] =	ssyncset.done $0x0  }
0x114: {  	[sflag:s12] =	ssyncadd.s32 $0xFFFFEE00  }
0x115: {  	_ =	swait.ge [sflag:s12], $0x80  }
0x116: {  	[sflag:s12] =	ssyncset.done $0x0  }
0x117: {  	[sflag:s12] =	ssyncadd.s32 $0xFFFFFF80  }
0x118: {  	_ =	swait.ge [sflag:s12], $0x48  }
0x119: {  	s25 =	sor.u32 $0x40, s25;
	[sflag:s12] =	ssyncset.done $0x0  }
0x11a: {  	s6 =	sand.u32 $0x3FFFFF40, s25;
	[sflag:s12] =	ssyncadd.s32 $0xFFFFFFB8  }
0x11b: {  	v6 =	vld [tilespmem:s6+$0x6400]  }
0x11c: {  	v7 =	vld [tilespmem:s6+$0x6410]  }
0x11d: {  	v5 =	vld [tilespmem:s6+$0x6420]  }
0x11e: {  	s25 =	simm.s32 $0xBA00;
	v4 =	vld [tilespmem:s6+$0x6430]  }
0x11f: {  	v8 =	vld [tilespmem:s25+$0xFFFFFE30]  }
0x120: {  	v9 =	vld [tilespmem:s25+$0x30]  }
0x121: {  	v10 =	vld [tilespmem:s25+$0xFFFFFF30]  }
0x122: {  	v11 =	vld [tilespmem:s25+$0x130]  }
0x123: {  	v12 =	vld [tilespmem:s25+$0xFFFFFEB0]  }
0x124: {  	v13 =	vld [tilespmem:s25+$0xB0]  }
0x125: {  	v14 =	vld [tilespmem:s25+$0xFFFFFFB0]  }
0x126: {  	v15 =	vld [tilespmem:s25+$0x1B0]  }
0x127: {  	v16 =	vld [tilespmem:s25+$0xFFFFFE70]  }
0x128: {  	v17 =	vld [tilespmem:s25+$0x70]  }
0x129: {  	v18 =	vld [tilespmem:s25+$0xFFFFFF70]  }
0x12a: {  	v19 =	vld [tilespmem:s25+$0x170]  }
0x12b: {  	v20 =	vld [tilespmem:s25+$0xFFFFFEF0]  }
0x12c: {  	v21 =	vld [tilespmem:s25+$0xF0]  }
0x12d: {  	v22 =	vld [tilespmem:s25+$0xFFFFFE20]  }
0x12e: {  	v23 =	vld [tilespmem:s25+$0x20]  }
0x12f: {  	v24 =	vld [tilespmem:s25+$0xFFFFFE00]  }
0x130: {  	v25 =	vld [tilespmem:s25+$0xFFFFFE10]  }
0x131: {  	v26 =	vld [tilespmem:s25+$0x0]  }
0x132: {  	v27 =	vld [tilespmem:s25+$0x10]  }
0x133: {  	v45 =	vld [tilespmem:s25+$0x120];
	v8 =	vmul.f32 v8, v4  }
0x134: {  	v46 =	vld [tilespmem:s25+$0xFFFFFEA0];
	v28 =	vmul.f32 v9, v4;
	v29 =	vmul.f32 v10, v4  }
0x135: {  	v47 =	vld [tilespmem:s25+$0x100];
	v30 =	vmul.f32 v11, v4;
	v31 =	vmul.f32 v12, v4  }
0x136: {  	v48 =	vld [tilespmem:s25+$0x110];
	v13 =	vmul.f32 v13, v4;
	v14 =	vmul.f32 v14, v4  }
0x137: {  	v49 =	vld [tilespmem:s25+$0xFFFFFFA0];
	v15 =	vmul.f32 v15, v4;
	v16 =	vmul.f32 v16, v4  }
0x138: {  	v51 =	vld [tilespmem:s25+$0xFFFFFF80];
	v9 =	vmul.f32 v24, v6;
	v11 =	vmul.f32 v25, v7  }
0x139: {  	v10 =	vld [tilespmem:s25+$0xFFFFFF20];
	v12 =	vmul.f32 v26, v6;
	v25 =	vmul.f32 v27, v7  }
0x13a: {  	v26 =	vld [tilespmem:s25+$0xFFFFFF00];
	v22 =	vmul.f32 v22, v5;
	v17 =	vmul.f32 v17, v4  }
0x13b: {  	v27 =	vld [tilespmem:s25+$0xFFFFFF10];
	v23 =	vmul.f32 v23, v5;
	v34 =	vmul.f32 v47, v6  }
0x13c: {  	v24 =	vld [tilespmem:s25+$0xA0];
	v35 =	vmul.f32 v48, v7;
	v32 =	vmul.f32 v49, v5;
	v9 =	vadd.f32 v11, v9  }
0x13d: {  	v38 =	vld [tilespmem:s25+$0xFFFFFE60];
	v33 =	vmul.f32 v51, v6;
	v25 =	vadd.f32 v25, v12;
	v12 =	vmul.f32 v18, v4  }
0x13e: {  	v52 =	vld [tilespmem:s25+$0xFFFFFF90];
	v11 =	vmul.f32 v19, v4;
	v18 =	vadd.f32 v22, v9;
	v9 =	vmul.f32 v20, v4  }
0x13f: {  	v19 =	vadd.f32 v23, v25;
	v22 =	vld [tilespmem:s25+$0xFFFFFE80];
	v25 =	vmul.f32 v46, v5;
	v20 =	vmul.f32 v10, v5  }
0x140: {  	v23 =	vld [tilespmem:s25+$0xFFFFFE90];
	v26 =	vmul.f32 v26, v6;
	v27 =	vmul.f32 v27, v7  }
0x141: {  	v10 =	vmul.f32 v21, v4;
	v21 =	vld [tilespmem:s25+$0x80];
	v24 =	vmul.f32 v24, v5;
	v8 =	vadd.f32 v8, v18  }
0x142: {  	v18 =	vadd.f32 v28, v19;
	v19 =	vmul.f32 v45, v5;
	v28 =	vld [tilespmem:s25+$0x90];
	v26 =	vadd.f32 v27, v26  }
0x143: {  	v60 =	vld [tilespmem:s25+$0x150];
	v27 =	vadd.f32 v35, v34;
	v34 =	vmul.f32 v52, v7;
	v50 =	vperm.xlane v8, v0  }
0x144: {  	v36 =	vperm.xlane v18, v0;
	v22 =	vmul.f32 v22, v6  }
0x145: {  	v37 =	vld [tilespmem:s25+$0x1A0];
	v23 =	vmul.f32 v23, v7;
	v20 =	vadd.f32 v20, v26;
	v19 =	vadd.f32 v19, v27  }
0x146: {  	v39 =	vld [tilespmem:s25+$0x60];
	v27 =	vmul.f32 v38, v5;
	v33 =	vadd.f32 v34, v33;
	v8 =	vadd.f32 v50, v8  }
0x147: {  	v26 =	vld [tilespmem:s25+$0x190];
	v21 =	vmul.f32 v21, v6;
	v18 =	vadd.f32 v36, v18;
	v28 =	vmul.f32 v28, v7  }
0x148: {  	v34 =	vmul.f32 v60, v7;
	v22 =	vadd.f32 v23, v22;
	v23 =	vld [tilespmem:s25+$0x180];
	v20 =	vadd.f32 v29, v20  }
0x149: {  	v19 =	vadd.f32 v30, v19;
	v29 =	vld [tilespmem:s25+$0xFFFFFE50];
	v18 =	vsel vm2, v8, v18;
	v21 =	vadd.f32 v28, v21  }
0x14a: {  	v30 =	vld [tilespmem:s25+$0x40];
	v8 =	vmov s21;
	v22 =	vadd.f32 v25, v22;
	v53 =	vperm.xlane v20, v0  }
0x14b: {  	v28 =	vmul.f32 v37, v5;
	v25 =	vmul.f32 v39, v5;
	v21 =	vadd.f32 v24, v21;
	v24 =	vld [tilespmem:s25+$0xFFFFFE40]  }
0x14c: {  	v54 =	vperm.xlane v19, v0;
	v22 =	vadd.f32 v31, v22;
	v31 =	vld [tilespmem:s25+$0x50];
	v35 =	vadd.f32 v53, v20  }
0x14d: {  	v55 =	vld [tilespmem:s25+$0xFFFFFF60];
	v20 =	vmul.f32 v23, v6;
	v23 =	vmul.f32 v26, v7;
	v21 =	vadd.f32 v13, v21  }
0x14e: {  	v40 =	vld [tilespmem:s25+$0x160];
	v19 =	vadd.f32 v54, v19;
	v13 =	vperm.xlane v18, v1;
	v56 =	vperm.xlane v22, v0  }
0x14f: {  	v41 =	vld [tilespmem:s25+$0xFFFFFEE0];
	v26 =	vmul.f32 v29, v7;
	v23 =	vadd.f32 v23, v20;
	v57 =	vperm.xlane v21, v0  }
0x150: {  	v59 =	vld [tilespmem:s25+$0xFFFFFF50];
	v13 =	vadd.f32 v13, v18;
	v29 =	vadd.f32 v56, v22;
	v24 =	vmul.f32 v24, v6  }
0x151: {  	v18 =	vld [tilespmem:s25+$0xE0];
	v22 =	vmul.f32 v30, v6;
	v30 =	vmul.f32 v31, v7;
	v23 =	vadd.f32 v28, v23  }
0x152: {  	v19 =	vsel vm2, v35, v19;
	v31 =	vld [tilespmem:s25+$0xFFFFFF40];
	v58 =	vadd.f32 v57, v21;
	v24 =	vadd.f32 v26, v24  }
0x153: {  	v20 =	vmul.f32 v55, v5;
	v22 =	vadd.f32 v30, v22;
	v30 =	vld [tilespmem:s25+$0x140];
	v26 =	vadd.f32 v32, v33  }
0x154: {  	v21 =	vmul.f32 v40, v5;
	v61 =	vadd.f32 v15, v23;
	v23 =	vld [tilespmem:s25+$0xFFFFFED0];
	v24 =	vadd.f32 v27, v24  }
0x155: {  	v15 =	vsel vm2, v29, v58;
	v29 =	vld [tilespmem:s25+$0xFFFFFFD0];
	v25 =	vadd.f32 v25, v22;
	v33 =	vadd.f32 v14, v26  }
0x156: {  	v22 =	vld [tilespmem:s25+$0xFFFFFEC0];
	v27 =	vperm.xlane v19, v1;
	v63 =	vperm.xlane v61, v0;
	v62 =	vadd.f32 v16, v24  }
0x157: {  	v26 =	vld [tilespmem:s25+$0xFFFFFFC0];
	v28 =	vadd.f32 v17, v25;
	v16 =	vperm.xlane v15, v1;
	v17 =	vperm.xlane v33, v0  }
0x158: {  	v24 =	vld [tilespmem:s25+$0xC0];
	v14 =	vadd.f32 v27, v19;
	v27 =	vmul.f32 v31, v6;
	v31 =	vmul.f32 v59, v7  }
0x159: {  	v25 =	vld [tilespmem:s25+$0xD0];
	v19 =	vperm.xlane v62, v0;
	v32 =	vperm.xlane v28, v0;
	v15 =	vadd.f32 v16, v15  }
0x15a: {  	v16 =	vadd.f32 v17, v33;
	v33 =	vmul.f32 v30, v6;
	v30 =	vld [tilespmem:s25+$0x1C0];
	v17 =	vadd.f32 v63, v61  }
0x15b: {  	s8 =	simm.s32 $0x40;
	s7 =	simm.s32 $0x0;
	s6 =	sshll.u32 s19, $0x2;
	v35 =	vadd.f32 v31, v27;
	v27 =	vmul.f32 v41, v5;
	v31 =	vld [tilespmem:s25+$0x1D0];
	v19 =	vadd.f32 v19, v62  }
.LBB2_5:
0x15c: {  	p0 =	sne.s32 s8, $0x300;
	v33 =	vadd.f32 v34, v33;
	v18 =	vmul.f32 v18, v5;
	v34 =	vld [tilespmem:s25+$0xFFFFFFE0];
	v28 =	vadd.f32 v32, v28  }
0x15d: {  	v22 =	vmul.f32 v22, v6;
	v23 =	vmul.f32 v23, v7;
	v20 =	vadd.f32 v20, v35;
	v32 =	vld [tilespmem:s25+$0x1E0]  }
0x15e: {  	v24 =	vmul.f32 v24, v6;
	v25 =	vmul.f32 v25, v7;
	v21 =	vadd.f32 v21, v33;
	v33 =	vld [tilespmem:s25+$0xFFFFFFF0]  }
0x15f: {  	v12 =	vadd.f32 v12, v20;
	v20 =	vmul.f32 v26, v6;
	v26 =	vmul.f32 v29, v7;
	v29 =	vld [tilespmem:s25+$0x1F0]  }
0x160: {  	v11 =	vadd.f32 v11, v21;
	v21 =	vmul.f32 v30, v6;
	v30 =	vmul.f32 v31, v7  }
0x161: {  	v22 =	vadd.f32 v23, v22;
	v23 =	vadd.f32 v25, v24;
	v24 =	vmul.f32 v34, v5  }
0x162: {  	v20 =	vadd.f32 v26, v20;
	v21 =	vadd.f32 v30, v21;
	v25 =	vmul.f32 v32, v5  }
0x163: {  	v22 =	vadd.f32 v27, v22;
	v18 =	vadd.f32 v18, v23;
	v23 =	vmul.f32 v33, v4  }
0x164: {  	v20 =	vadd.f32 v24, v20;
	v21 =	vadd.f32 v25, v21;
	v24 =	vmul.f32 v29, v4  }
0x165: {  	v9 =	vadd.f32 v9, v22;
	v10 =	vadd.f32 v10, v18;
	v18 =	vperm.xlane v12, v0  }
0x166: {  	v22 =	vperm.xlane v11, v0;
	v20 =	vadd.f32 v23, v20;
	v21 =	vadd.f32 v24, v21  }
0x167: {  	v12 =	vadd.f32 v18, v12;
	v18 =	vperm.xlane v9, v0;
	v23 =	vperm.xlane v10, v0  }
0x168: {  	v11 =	vadd.f32 v22, v11;
	v22 =	vperm.xlane v20, v0;
	v24 =	vperm.xlane v21, v0  }
0x169: {  	v16 =	vsel vm2, v16, v17;
	v9 =	vadd.f32 v18, v9;
	v10 =	vadd.f32 v23, v10  }
0x16a: {  	v17 =	vsel vm2, v19, v28;
	v18 =	vadd.f32 v22, v20;
	v19 =	vadd.f32 v24, v21  }
0x16b: {  	v11 =	vsel vm2, v12, v11;
	v12 =	vperm.xlane v16, v1;
	v20 =	vperm.xlane v17, v1  }
0x16c: {  	v9 =	vsel vm2, v9, v10;
	v10 =	vsel vm2, v18, v19;
	v18 =	vperm.xlane v11, v1  }
0x16d: {  	v12 =	vadd.f32 v12, v16;
	v16 =	vperm.xlane v9, v1;
	v19 =	vperm.xlane v10, v1  }
0x16e: {  	v17 =	vadd.f32 v20, v17;
	v11 =	vadd.f32 v18, v11  }
0x16f: {  	v13 =	vsel vm0, v13, v14;
	v9 =	vadd.f32 v16, v9;
	v10 =	vadd.f32 v19, v10  }
0x170: {  	v14 =	vperm.xlane v13, v2;
	v12 =	vsel vm0, v15, v12  }
0x171: {  	v11 =	vsel vm0, v17, v11;
	v9 =	vsel vm0, v9, v10;
	v10 =	vperm.xlane v12, v2  }
0x172: {  	v15 =	vperm.xlane v11, v2;
	v16 =	vperm.xlane v9, v2  }
0x173: {  	v13 =	vadd.f32 v14, v13;
	v10 =	vadd.f32 v10, v12  }
0x174: {  	v11 =	vadd.f32 v15, v11;
	v9 =	vadd.f32 v16, v9;
	_ =	sdelay $0x1  }
0x175: {  	s18 =	sshra.s32 s7, $0x2;
	s7 =	smov.u32 s8;
	v10 =	vsel vm1, v13, v10;
	v9 =	vsel vm1, v11, v9  }
0x176: {  	v11 =	vperm.xlane v10, v3;
	v12 =	vperm.xlane v9, v3;
	v13 =	vld [tilespmem:s18+$0x154D0];
	_ =	sdelay $0x1  }
0x177: {  	v10 =	vadd.f32 v11, v10;
	v9 =	vadd.f32 v12, v9;
	_ =	sdelay $0x1  }
0x178: {  	v9 =	vsel vm3, v10, v9  }
0x179: {  	v9 =	vadd.f32 v9, v13;
	_ =	sdelay $0x1  }
0x17a: {  	s25 =	sadd.s32 $0x400, s25;
	[tilespmem:v8+s18+$0x0 ss:$0x1] =	vst.idx.msk $0xffff, v9  }
0x17b: {  	v9 =	vld [tilespmem:s25+$0xFFFFFE30]  }
0x17c: {  	v10 =	vld [tilespmem:s25+$0x30]  }
0x17d: {  	v11 =	vld [tilespmem:s25+$0xFFFFFF30]  }
0x17e: {  	v12 =	vld [tilespmem:s25+$0x130]  }
0x17f: {  	v13 =	vld [tilespmem:s25+$0xFFFFFEB0]  }
0x180: {  	v14 =	vld [tilespmem:s25+$0xB0]  }
0x181: {  	v15 =	vld [tilespmem:s25+$0xFFFFFFB0]  }
0x182: {  	v16 =	vld [tilespmem:s25+$0x1B0]  }
0x183: {  	v17 =	vld [tilespmem:s25+$0xFFFFFE70]  }
0x184: {  	v18 =	vld [tilespmem:s25+$0x70]  }
0x185: {  	v19 =	vld [tilespmem:s25+$0xFFFFFF70]  }
0x186: {  	v20 =	vld [tilespmem:s25+$0x170]  }
0x187: {  	v21 =	vld [tilespmem:s25+$0xFFFFFEF0]  }
0x188: {  	v22 =	vld [tilespmem:s25+$0xF0]  }
0x189: {  	v23 =	vld [tilespmem:s25+$0xFFFFFE20]  }
0x18a: {  	v24 =	vld [tilespmem:s25+$0x20]  }
0x18b: {  	v25 =	vld [tilespmem:s25+$0xFFFFFE00]  }
0x18c: {  	v26 =	vld [tilespmem:s25+$0xFFFFFE10]  }
0x18d: {  	v27 =	vmul.f32 v9, v4;
	v9 =	vld [tilespmem:s25+$0x0]  }
0x18e: {  	v29 =	vmul.f32 v10, v4;
	v30 =	vmul.f32 v11, v4;
	v28 =	vld [tilespmem:s25+$0x10]  }
0x18f: {  	v31 =	vmul.f32 v12, v4;
	v13 =	vmul.f32 v13, v4;
	v10 =	vld [tilespmem:s25+$0xFFFFFF20]  }
0x190: {  	v33 =	vmul.f32 v14, v4;
	v15 =	vmul.f32 v15, v4;
	v32 =	vld [tilespmem:s25+$0x120]  }
0x191: {  	v16 =	vmul.f32 v16, v4;
	v14 =	vmul.f32 v17, v4;
	v34 =	vld [tilespmem:s25+$0xFFFFFEA0]  }
0x192: {  	v11 =	vmul.f32 v25, v6;
	v12 =	vmul.f32 v26, v7;
	v25 =	vld [tilespmem:s25+$0xA0]  }
0x193: {  	v9 =	vmul.f32 v9, v6;
	v26 =	vmul.f32 v28, v7;
	v28 =	vld [tilespmem:s25+$0xFFFFFF00]  }
0x194: {  	v17 =	vmul.f32 v18, v4;
	v23 =	vmul.f32 v23, v5;
	v35 =	vld [tilespmem:s25+$0xFFFFFF10]  }
0x195: {  	v24 =	vmul.f32 v24, v5;
	v18 =	vadd.f32 v12, v11;
	v9 =	vadd.f32 v26, v9;
	v26 =	vld [tilespmem:s25+$0x100]  }
0x196: {  	v12 =	vmul.f32 v19, v4;
	v11 =	vmul.f32 v20, v4;
	v36 =	vld [tilespmem:s25+$0x110]  }
0x197: {  	v18 =	vadd.f32 v23, v18;
	v19 =	vadd.f32 v24, v9;
	v20 =	vld [tilespmem:s25+$0xFFFFFE80];
	v9 =	vmul.f32 v21, v4  }
0x198: {  	v21 =	vmul.f32 v10, v5;
	v10 =	vmul.f32 v22, v4;
	v23 =	vld [tilespmem:s25+$0xFFFFFE90]  }
0x199: {  	v18 =	vadd.f32 v27, v18;
	v22 =	vmul.f32 v32, v5;
	v19 =	vadd.f32 v29, v19;
	v24 =	vld [tilespmem:s25+$0x80]  }
0x19a: {  	v27 =	vmul.f32 v34, v5;
	v25 =	vmul.f32 v25, v5;
	v29 =	vld [tilespmem:s25+$0x90]  }
0x19b: {  	v34 =	vperm.xlane v18, v0;
	v32 =	vld [tilespmem:s25+$0xFFFFFFA0];
	v37 =	vperm.xlane v19, v0  }
0x19c: {  	v28 =	vmul.f32 v28, v6;
	v35 =	vmul.f32 v35, v7;
	v38 =	vld [tilespmem:s25+$0x1A0]  }
0x19d: {  	v26 =	vmul.f32 v26, v6;
	v36 =	vmul.f32 v36, v7;
	v39 =	vld [tilespmem:s25+$0xFFFFFE60]  }
0x19e: {  	v18 =	vadd.f32 v34, v18;
	v20 =	vmul.f32 v20, v6;
	v23 =	vmul.f32 v23, v7;
	v40 =	vld [tilespmem:s25+$0x60]  }
0x19f: {  	v19 =	vadd.f32 v37, v19;
	v24 =	vmul.f32 v24, v6;
	v29 =	vmul.f32 v29, v7;
	v34 =	vld [tilespmem:s25+$0xFFFFFF80]  }
0x1a0: {  	v28 =	vadd.f32 v35, v28;
	v26 =	vadd.f32 v36, v26;
	v35 =	vld [tilespmem:s25+$0xFFFFFF90];
	v32 =	vmul.f32 v32, v5  }
0x1a1: {  	v20 =	vadd.f32 v23, v20;
	v23 =	vadd.f32 v29, v24;
	v24 =	vld [tilespmem:s25+$0x180];
	v29 =	vmul.f32 v38, v5  }
0x1a2: {  	v21 =	vadd.f32 v21, v28;
	v22 =	vadd.f32 v22, v26;
	v26 =	vld [tilespmem:s25+$0x190];
	v28 =	vmul.f32 v39, v5  }
0x1a3: {  	v20 =	vadd.f32 v27, v20;
	v23 =	vadd.f32 v25, v23;
	v25 =	vld [tilespmem:s25+$0xFFFFFE40];
	v27 =	vmul.f32 v40, v5  }
0x1a4: {  	v21 =	vadd.f32 v30, v21;
	v18 =	vsel vm2, v18, v19;
	v22 =	vadd.f32 v31, v22;
	v30 =	vld [tilespmem:s25+$0xFFFFFE50]  }
0x1a5: {  	v19 =	vadd.f32 v13, v20;
	v13 =	vperm.xlane v18, v1;
	v20 =	vadd.f32 v33, v23;
	v23 =	vld [tilespmem:s25+$0x40]  }
0x1a6: {  	v36 =	vperm.xlane v22, v0;
	v33 =	vperm.xlane v21, v0;
	v31 =	vld [tilespmem:s25+$0x50]  }
0x1a7: {  	v38 =	vperm.xlane v19, v0;
	v13 =	vadd.f32 v13, v18;
	v37 =	vld [tilespmem:s25+$0xFFFFFF60];
	v39 =	vperm.xlane v20, v0  }
0x1a8: {  	v34 =	vmul.f32 v34, v6;
	v35 =	vmul.f32 v35, v7;
	v33 =	vadd.f32 v33, v21;
	v40 =	vld [tilespmem:s25+$0x160]  }
0x1a9: {  	v22 =	vadd.f32 v36, v22;
	v21 =	vmul.f32 v24, v6;
	v24 =	vmul.f32 v26, v7;
	v41 =	vld [tilespmem:s25+$0xFFFFFEE0]  }
0x1aa: {  	v19 =	vadd.f32 v38, v19;
	v25 =	vmul.f32 v25, v6;
	v26 =	vmul.f32 v30, v7;
	v18 =	vld [tilespmem:s25+$0xE0]  }
0x1ab: {  	v36 =	vadd.f32 v39, v20;
	v23 =	vmul.f32 v23, v6;
	v30 =	vmul.f32 v31, v7;
	v31 =	vld [tilespmem:s25+$0xFFFFFF40]  }
0x1ac: {  	v34 =	vadd.f32 v35, v34;
	v24 =	vadd.f32 v24, v21;
	v35 =	vld [tilespmem:s25+$0xFFFFFF50];
	v20 =	vmul.f32 v37, v5  }
0x1ad: {  	v25 =	vadd.f32 v26, v25;
	v23 =	vadd.f32 v30, v23;
	v30 =	vld [tilespmem:s25+$0x140];
	v21 =	vmul.f32 v40, v5  }
0x1ae: {  	v26 =	vadd.f32 v32, v34;
	v24 =	vadd.f32 v29, v24;
	v29 =	vsel vm2, v33, v22;
	v34 =	vld [tilespmem:s25+$0x150]  }
0x1af: {  	v32 =	vperm.xlane v29, v1;
	v25 =	vadd.f32 v28, v25;
	v27 =	vadd.f32 v27, v23;
	v22 =	vld [tilespmem:s25+$0xFFFFFEC0]  }
0x1b0: {  	v33 =	vadd.f32 v15, v26;
	v37 =	vadd.f32 v16, v24;
	v15 =	vsel vm2, v19, v36;
	v23 =	vld [tilespmem:s25+$0xFFFFFED0]  }
0x1b1: {  	v16 =	vperm.xlane v15, v1;
	v19 =	vadd.f32 v14, v25;
	v28 =	vadd.f32 v17, v27;
	v24 =	vld [tilespmem:s25+$0xC0]  }
.Ltmp3:
0x1b2: {  	v14 =	vadd.f32 v32, v29;
	v17 =	vperm.xlane v33, v0;
	v27 =	vperm.xlane v37, v0;
	v25 =	vld [tilespmem:s25+$0xD0];
	(pc) =	sbr.rel @p0 .LBB2_5-.Ltmp3, $4  }
0x1b3: {  	v15 =	vadd.f32 v16, v15;
	v36 =	vperm.xlane v19, v0;
	v26 =	vld [tilespmem:s25+$0xFFFFFFC0];
	v32 =	vperm.xlane v28, v0  }
0x1b4: {  	v31 =	vmul.f32 v31, v6;
	v35 =	vmul.f32 v35, v7;
	v16 =	vadd.f32 v17, v33;
	v29 =	vld [tilespmem:s25+$0xFFFFFFD0]  }
0x1b5: {  	v33 =	vmul.f32 v30, v6;
	v34 =	vmul.f32 v34, v7;
	v17 =	vadd.f32 v27, v37;
	v30 =	vld [tilespmem:s25+$0x1C0]  }
0x1b6: {  	s8 =	sadd.s32 $0x40, s8;
	v35 =	vadd.f32 v35, v31;
	v27 =	vmul.f32 v41, v5;
	v19 =	vadd.f32 v36, v19;
	v31 =	vld [tilespmem:s25+$0x1D0]  }
0x1b7: {  	v33 =	vadd.f32 v34, v33;
	v18 =	vmul.f32 v18, v5;
	v42 =	vld [tilespmem:s25+$0xFFFFFFE0];
	v28 =	vadd.f32 v32, v28  }
0x1b8: {  	v22 =	vmul.f32 v22, v6;
	v23 =	vmul.f32 v23, v7;
	v43 =	vld [tilespmem:s25+$0x1E0];
	v20 =	vadd.f32 v20, v35  }
0x1b9: {  	v24 =	vmul.f32 v24, v6;
	v25 =	vmul.f32 v25, v7;
	v44 =	vld [tilespmem:s25+$0xFFFFFFF0];
	v21 =	vadd.f32 v21, v33  }
0x1ba: {  	v12 =	vadd.f32 v12, v20;
	v20 =	vmul.f32 v26, v6;
	v26 =	vmul.f32 v29, v7;
	v29 =	vld [tilespmem:s25+$0x1F0]  }
0x1bb: {  	v6 =	vmul.f32 v30, v6;
	v11 =	vadd.f32 v11, v21;
	v7 =	vmul.f32 v31, v7  }
0x1bc: {  	v21 =	vadd.f32 v23, v22;
	v22 =	vadd.f32 v25, v24;
	v23 =	vmul.f32 v42, v5  }
0x1bd: {  	v20 =	vadd.f32 v26, v20;
	v5 =	vmul.f32 v43, v5;
	v6 =	vadd.f32 v7, v6  }
0x1be: {  	v7 =	vadd.f32 v27, v21;
	v18 =	vadd.f32 v18, v22;
	v21 =	vmul.f32 v44, v4  }
0x1bf: {  	v20 =	vadd.f32 v23, v20;
	v5 =	vadd.f32 v5, v6;
	v4 =	vmul.f32 v29, v4  }
0x1c0: {  	v6 =	vadd.f32 v9, v7;
	v7 =	vadd.f32 v10, v18;
	v9 =	vperm.xlane v12, v0  }
0x1c1: {  	v10 =	vadd.f32 v21, v20;
	v4 =	vadd.f32 v4, v5;
	v5 =	vperm.xlane v11, v0  }
0x1c2: {  	v9 =	vadd.f32 v9, v12;
	v12 =	vperm.xlane v6, v0;
	v18 =	vperm.xlane v7, v0  }
0x1c3: {  	v5 =	vadd.f32 v5, v11;
	v11 =	vperm.xlane v10, v0;
	v20 =	vperm.xlane v4, v0  }
0x1c4: {  	v16 =	vsel vm2, v16, v17;
	v6 =	vadd.f32 v12, v6;
	v7 =	vadd.f32 v18, v7  }
0x1c5: {  	v12 =	vsel vm2, v19, v28;
	v10 =	vadd.f32 v11, v10;
	v4 =	vadd.f32 v20, v4  }
0x1c6: {  	v5 =	vsel vm2, v9, v5;
	v9 =	vperm.xlane v16, v1;
	v11 =	vperm.xlane v12, v1  }
0x1c7: {  	v6 =	vsel vm2, v6, v7;
	v7 =	vperm.xlane v5, v1;
	v4 =	vsel vm2, v10, v4  }
0x1c8: {  	v9 =	vadd.f32 v9, v16;
	v10 =	vperm.xlane v6, v1;
	v16 =	vperm.xlane v4, v1  }
0x1c9: {  	v11 =	vadd.f32 v11, v12;
	v5 =	vadd.f32 v7, v5  }
0x1ca: {  	v6 =	vadd.f32 v10, v6;
	v4 =	vadd.f32 v16, v4  }
0x1cb: {  	v7 =	vsel vm0, v13, v14;
	v9 =	vsel vm0, v15, v9;
	v5 =	vsel vm0, v11, v5  }
0x1cc: {  	v10 =	vperm.xlane v7, v2;
	v11 =	vperm.xlane v5, v2;
	v4 =	vsel vm0, v6, v4  }
0x1cd: {  	v6 =	vperm.xlane v9, v2;
	v12 =	vperm.xlane v4, v2  }
0x1ce: {  	v7 =	vadd.f32 v10, v7;
	v5 =	vadd.f32 v11, v5  }
0x1cf: {  	v6 =	vadd.f32 v6, v9;
	v4 =	vadd.f32 v12, v4;
	_ =	sdelay $0x1  }
0x1d0: {  	s7 =	sshra.s32 s7, $0x2;
	v6 =	vsel vm1, v7, v6;
	v4 =	vsel vm1, v5, v4  }
0x1d1: {  	v9 =	vld [tilespmem:s7+$0x154D0];
	v5 =	vperm.xlane v6, v3;
	v7 =	vperm.xlane v4, v3;
	_ =	sdelay $0x1  }
0x1d2: {  	v5 =	vadd.f32 v5, v6;
	v4 =	vadd.f32 v7, v4;
	_ =	sdelay $0x1  }
0x1d3: {  	v4 =	vsel vm3, v5, v4  }
0x1d4: {  	p0 =	seq.s32 s19, $0x1F;
	v4 =	vadd.f32 v4, v9  }
0x1d5: {  	s25 =	sshra.s32 @!p0 s23, $0x2  }
0x1d6: {  	s8 =	simm.s32 @!p0 $0x80;
	s18 =	simm.s32 @!p0 $0x8400;
	[tilespmem:v8+s7+$0x0 ss:$0x1] =	vst.idx.msk $0xffff, v4;
	s7 =	sadd.s32 @!p0 $0x320, s25  }
0x1d7: {  	[tilespmem:s18], [sflag:$0x2] =	stream.indirect.gather @!p0 [hbm4b:s3+s8], $0x40, s7, s8, $0xb8;
	[tilespmem:$0x1BB48] =	vst v63  }
0x1d8: {  	s2 =	simm.s32 @!p0 $0x48;
	s10 =	simm.s32 @!p0 $0xA400;
	s18 =	sadd.s32 @!p0 $0x3A0, s25  }
0x1d9: {  	[tilespmem:s10], [sflag:$0x2] =	stream.indirect.gather @!p0 [hbm4b:s3+s2], $0x40, s18, s2, $0xb8;
	[tilespmem:$0x1BB48] =	vst v63  }
0x1da: {  	s10 =	simm.s32 @!p0 $0x15400  }
0x1db: {  	[tilespmem:s10], [sflag:$0x2] =	stream.indirect.gather @!p0 [hbm4b:s4+s8], $0x1, s7, s8, $0xb8;
	[tilespmem:$0x1BB48] =	vst v63  }
0x1dc: {  	s7 =	simm.s32 @!p0 $0x15480  }
0x1dd: {  	[tilespmem:s7], [sflag:$0x2] =	stream.indirect.gather @!p0 [hbm4b:s4+s2], $0x1, s18, s2, $0xb8;
	[tilespmem:$0x1BB48] =	vst v63  }
0x1de: {  	_ =	swait.ge [sflag:s14], $0x2000  }
0x1df: {  	[sflag:s14] =	ssyncset.done $0x0  }
0x1e0: {  	[sflag:s14] =	ssyncadd.s32 $0xFFFFE000  }
0x1e1: {  	_ =	swait.ge [sflag:s14], $0x1200  }
0x1e2: {  	[sflag:s14] =	ssyncset.done $0x0  }
0x1e3: {  	[sflag:s14] =	ssyncadd.s32 $0xFFFFEE00  }
0x1e4: {  	_ =	swait.ge [sflag:s14], $0x80  }
0x1e5: {  	[sflag:s14] =	ssyncset.done $0x0  }
0x1e6: {  	[sflag:s14] =	ssyncadd.s32 $0xFFFFFF80  }
0x1e7: {  	s18 =	sshll.u32 s6, $0x6;
	_ =	swait.ge [sflag:s14], $0x48  }
0x1e8: {  	s2 =	sor.u32 $0x80, s18;
	[sflag:s14] =	ssyncset.done $0x0  }
0x1e9: {  	s2 =	sand.u32 $0x3FFFFFC0, s2;
	[sflag:s14] =	ssyncadd.s32 $0xFFFFFFB8  }
0x1ea: {  	v6 =	vld [tilespmem:s2+$0x6400]  }
0x1eb: {  	v7 =	vld [tilespmem:s2+$0x6410]  }
0x1ec: {  	v5 =	vld [tilespmem:s2+$0x6420]  }
0x1ed: {  	s6 =	simm.s32 $0xEE00;
	v4 =	vld [tilespmem:s2+$0x6430]  }
0x1ee: {  	v8 =	vld [tilespmem:s6+$0xFFFFFE30]  }
0x1ef: {  	v9 =	vld [tilespmem:s6+$0x30]  }
0x1f0: {  	v10 =	vld [tilespmem:s6+$0xFFFFFF30]  }
0x1f1: {  	v11 =	vld [tilespmem:s6+$0x130]  }
0x1f2: {  	v12 =	vld [tilespmem:s6+$0xFFFFFEB0]  }
0x1f3: {  	v13 =	vld [tilespmem:s6+$0xB0]  }
0x1f4: {  	v14 =	vld [tilespmem:s6+$0xFFFFFFB0]  }
0x1f5: {  	v15 =	vld [tilespmem:s6+$0x1B0]  }
0x1f6: {  	v16 =	vld [tilespmem:s6+$0xFFFFFE70]  }
0x1f7: {  	v17 =	vld [tilespmem:s6+$0x70]  }
0x1f8: {  	v18 =	vld [tilespmem:s6+$0xFFFFFF70]  }
0x1f9: {  	v19 =	vld [tilespmem:s6+$0x170]  }
0x1fa: {  	v20 =	vld [tilespmem:s6+$0xFFFFFEF0]  }
0x1fb: {  	v21 =	vld [tilespmem:s6+$0xF0]  }
0x1fc: {  	v22 =	vld [tilespmem:s6+$0xFFFFFE20]  }
0x1fd: {  	v23 =	vld [tilespmem:s6+$0x20]  }
0x1fe: {  	v24 =	vld [tilespmem:s6+$0xFFFFFE00]  }
0x1ff: {  	v25 =	vld [tilespmem:s6+$0xFFFFFE10]  }
0x200: {  	v26 =	vld [tilespmem:s6+$0x0]  }
0x201: {  	v27 =	vld [tilespmem:s6+$0x10];
	v8 =	vmul.f32 v8, v4  }
0x202: {  	v46 =	vld [tilespmem:s6+$0xFFFFFEA0];
	v28 =	vmul.f32 v9, v4;
	v29 =	vmul.f32 v10, v4  }
0x203: {  	v47 =	vld [tilespmem:s6+$0x100];
	v30 =	vmul.f32 v11, v4;
	v31 =	vmul.f32 v12, v4  }
0x204: {  	v48 =	vld [tilespmem:s6+$0x110];
	v13 =	vmul.f32 v13, v4;
	v14 =	vmul.f32 v14, v4  }
0x205: {  	v49 =	vld [tilespmem:s6+$0xFFFFFFA0];
	v15 =	vmul.f32 v15, v4;
	v16 =	vmul.f32 v16, v4  }
0x206: {  	v51 =	vld [tilespmem:s6+$0xFFFFFF80];
	v9 =	vmul.f32 v24, v6;
	v11 =	vmul.f32 v25, v7  }
0x207: {  	v10 =	vld [tilespmem:s6+$0xFFFFFF20];
	v12 =	vmul.f32 v26, v6;
	v25 =	vmul.f32 v27, v7  }
0x208: {  	v26 =	vld [tilespmem:s6+$0xFFFFFF00];
	v22 =	vmul.f32 v22, v5;
	v17 =	vmul.f32 v17, v4  }
0x209: {  	v27 =	vld [tilespmem:s6+$0xFFFFFF10];
	v23 =	vmul.f32 v23, v5;
	v34 =	vmul.f32 v47, v6  }
0x20a: {  	v24 =	vld [tilespmem:s6+$0xA0];
	v35 =	vmul.f32 v48, v7;
	v32 =	vmul.f32 v49, v5;
	v9 =	vadd.f32 v11, v9  }
0x20b: {  	v45 =	vld [tilespmem:s6+$0x120];
	v33 =	vmul.f32 v51, v6;
	v25 =	vadd.f32 v25, v12;
	v12 =	vmul.f32 v18, v4  }
0x20c: {  	v52 =	vld [tilespmem:s6+$0xFFFFFF90];
	v11 =	vmul.f32 v19, v4;
	v18 =	vadd.f32 v22, v9;
	v9 =	vmul.f32 v20, v4  }
0x20d: {  	v19 =	vadd.f32 v23, v25;
	v22 =	vld [tilespmem:s6+$0xFFFFFE80];
	v25 =	vmul.f32 v46, v5;
	v20 =	vmul.f32 v10, v5  }
0x20e: {  	v23 =	vld [tilespmem:s6+$0xFFFFFE90];
	v26 =	vmul.f32 v26, v6;
	v27 =	vmul.f32 v27, v7  }
0x20f: {  	v10 =	vmul.f32 v21, v4;
	v21 =	vld [tilespmem:s6+$0x80];
	v24 =	vmul.f32 v24, v5;
	v8 =	vadd.f32 v8, v18  }
0x210: {  	v18 =	vadd.f32 v28, v19;
	v19 =	vmul.f32 v45, v5;
	v28 =	vld [tilespmem:s6+$0x90];
	v26 =	vadd.f32 v27, v26  }
0x211: {  	v38 =	vld [tilespmem:s6+$0xFFFFFE60];
	v27 =	vadd.f32 v35, v34;
	v34 =	vmul.f32 v52, v7;
	v50 =	vperm.xlane v8, v0  }
0x212: {  	v37 =	vld [tilespmem:s6+$0x1A0];
	v36 =	vperm.xlane v18, v0;
	v22 =	vmul.f32 v22, v6  }
0x213: {  	v39 =	vld [tilespmem:s6+$0x60];
	v23 =	vmul.f32 v23, v7;
	v20 =	vadd.f32 v20, v26;
	v19 =	vadd.f32 v19, v27  }
0x214: {  	v26 =	vld [tilespmem:s6+$0x190];
	v33 =	vadd.f32 v34, v33;
	v8 =	vadd.f32 v50, v8;
	v21 =	vmul.f32 v21, v6  }
0x215: {  	v18 =	vadd.f32 v36, v18;
	v28 =	vmul.f32 v28, v7;
	v22 =	vadd.f32 v23, v22;
	v23 =	vld [tilespmem:s6+$0x180]  }
0x216: {  	v27 =	vmul.f32 v38, v5;
	v20 =	vadd.f32 v29, v20;
	v19 =	vadd.f32 v30, v19;
	v29 =	vld [tilespmem:s6+$0xFFFFFE50]  }
0x217: {  	v55 =	vld [tilespmem:s6+$0xFFFFFF60];
	v21 =	vadd.f32 v28, v21;
	v28 =	vmul.f32 v37, v5;
	v22 =	vadd.f32 v25, v22  }
0x218: {  	v30 =	vld [tilespmem:s6+$0x40];
	v18 =	vsel vm2, v8, v18;
	v53 =	vperm.xlane v20, v0;
	v54 =	vperm.xlane v19, v0  }
0x219: {  	v25 =	vmul.f32 v39, v5;
	v21 =	vadd.f32 v24, v21;
	v24 =	vld [tilespmem:s6+$0xFFFFFE40];
	v22 =	vadd.f32 v31, v22  }
0x21a: {  	v31 =	vld [tilespmem:s6+$0x50];
	v35 =	vadd.f32 v53, v20;
	v19 =	vadd.f32 v54, v19;
	v20 =	vmul.f32 v23, v6  }
0x21b: {  	v60 =	vld [tilespmem:s6+$0x150];
	v23 =	vmul.f32 v26, v7;
	v26 =	vmul.f32 v29, v7;
	v21 =	vadd.f32 v13, v21  }
0x21c: {  	v40 =	vld [tilespmem:s6+$0x160];
	v8 =	vmov s22;
	v13 =	vperm.xlane v18, v1;
	v56 =	vperm.xlane v22, v0  }
0x21d: {  	v41 =	vld [tilespmem:s6+$0xFFFFFEE0];
	v19 =	vsel vm2, v35, v19;
	v23 =	vadd.f32 v23, v20;
	v57 =	vperm.xlane v21, v0  }
0x21e: {  	v59 =	vld [tilespmem:s6+$0xFFFFFF50];
	v13 =	vadd.f32 v13, v18;
	v29 =	vadd.f32 v56, v22;
	v24 =	vmul.f32 v24, v6  }
0x21f: {  	v18 =	vld [tilespmem:s6+$0xE0];
	v22 =	vmul.f32 v30, v6;
	v30 =	vmul.f32 v31, v7;
	v23 =	vadd.f32 v28, v23  }
0x220: {  	v35 =	vmul.f32 v60, v7;
	v31 =	vld [tilespmem:s6+$0xFFFFFF40];
	v58 =	vadd.f32 v57, v21;
	v24 =	vadd.f32 v26, v24  }
0x221: {  	v20 =	vmul.f32 v55, v5;
	v22 =	vadd.f32 v30, v22;
	v30 =	vld [tilespmem:s6+$0x140];
	v26 =	vadd.f32 v32, v33  }
0x222: {  	v21 =	vmul.f32 v40, v5;
	v61 =	vadd.f32 v15, v23;
	v23 =	vld [tilespmem:s6+$0xFFFFFED0];
	v24 =	vadd.f32 v27, v24  }
0x223: {  	v15 =	vsel vm2, v29, v58;
	v29 =	vld [tilespmem:s6+$0xFFFFFFD0];
	v25 =	vadd.f32 v25, v22;
	v33 =	vadd.f32 v14, v26  }
0x224: {  	v22 =	vld [tilespmem:s6+$0xFFFFFEC0];
	v27 =	vperm.xlane v19, v1;
	v63 =	vperm.xlane v61, v0;
	v62 =	vadd.f32 v16, v24  }
0x225: {  	v26 =	vld [tilespmem:s6+$0xFFFFFFC0];
	v28 =	vadd.f32 v17, v25;
	v16 =	vperm.xlane v15, v1;
	v17 =	vperm.xlane v33, v0  }
0x226: {  	v24 =	vld [tilespmem:s6+$0xC0];
	v14 =	vadd.f32 v27, v19;
	v27 =	vmul.f32 v31, v6;
	v31 =	vmul.f32 v59, v7  }
0x227: {  	v25 =	vld [tilespmem:s6+$0xD0];
	v19 =	vperm.xlane v62, v0;
	v32 =	vperm.xlane v28, v0;
	v15 =	vadd.f32 v16, v15  }
0x228: {  	v16 =	vadd.f32 v17, v33;
	v33 =	vmul.f32 v30, v6;
	v30 =	vld [tilespmem:s6+$0x1C0];
	v17 =	vadd.f32 v63, v61  }
0x229: {  	s8 =	simm.s32 $0x40;
	s7 =	simm.s32 $0x0;
	v34 =	vadd.f32 v31, v27;
	v27 =	vmul.f32 v41, v5;
	v31 =	vld [tilespmem:s6+$0x1D0];
	v19 =	vadd.f32 v19, v62  }
.LBB2_7:
0x22a: {  	p1 =	sne.s32 s8, $0x300;
	v33 =	vadd.f32 v35, v33;
	v18 =	vmul.f32 v18, v5;
	v35 =	vld [tilespmem:s6+$0xFFFFFFE0];
	v28 =	vadd.f32 v32, v28  }
0x22b: {  	v22 =	vmul.f32 v22, v6;
	v23 =	vmul.f32 v23, v7;
	v20 =	vadd.f32 v20, v34;
	v32 =	vld [tilespmem:s6+$0x1E0]  }
0x22c: {  	v24 =	vmul.f32 v24, v6;
	v25 =	vmul.f32 v25, v7;
	v21 =	vadd.f32 v21, v33;
	v33 =	vld [tilespmem:s6+$0xFFFFFFF0]  }
0x22d: {  	v12 =	vadd.f32 v12, v20;
	v20 =	vmul.f32 v26, v6;
	v26 =	vmul.f32 v29, v7;
	v29 =	vld [tilespmem:s6+$0x1F0]  }
0x22e: {  	v11 =	vadd.f32 v11, v21;
	v21 =	vmul.f32 v30, v6;
	v30 =	vmul.f32 v31, v7  }
0x22f: {  	v22 =	vadd.f32 v23, v22;
	v23 =	vadd.f32 v25, v24;
	v24 =	vmul.f32 v35, v5  }
0x230: {  	v20 =	vadd.f32 v26, v20;
	v21 =	vadd.f32 v30, v21;
	v25 =	vmul.f32 v32, v5  }
0x231: {  	v22 =	vadd.f32 v27, v22;
	v18 =	vadd.f32 v18, v23;
	v23 =	vmul.f32 v33, v4  }
0x232: {  	v20 =	vadd.f32 v24, v20;
	v21 =	vadd.f32 v25, v21;
	v24 =	vmul.f32 v29, v4  }
0x233: {  	v9 =	vadd.f32 v9, v22;
	v10 =	vadd.f32 v10, v18;
	v18 =	vperm.xlane v12, v0  }
0x234: {  	v22 =	vperm.xlane v11, v0;
	v20 =	vadd.f32 v23, v20;
	v21 =	vadd.f32 v24, v21  }
0x235: {  	v12 =	vadd.f32 v18, v12;
	v18 =	vperm.xlane v9, v0;
	v23 =	vperm.xlane v10, v0  }
0x236: {  	v11 =	vadd.f32 v22, v11;
	v22 =	vperm.xlane v20, v0;
	v24 =	vperm.xlane v21, v0  }
0x237: {  	v16 =	vsel vm2, v16, v17;
	v9 =	vadd.f32 v18, v9;
	v10 =	vadd.f32 v23, v10  }
0x238: {  	v17 =	vsel vm2, v19, v28;
	v18 =	vadd.f32 v22, v20;
	v19 =	vadd.f32 v24, v21  }
0x239: {  	v11 =	vsel vm2, v12, v11;
	v12 =	vperm.xlane v16, v1;
	v20 =	vperm.xlane v17, v1  }
0x23a: {  	v9 =	vsel vm2, v9, v10;
	v10 =	vsel vm2, v18, v19;
	v18 =	vperm.xlane v11, v1  }
0x23b: {  	v12 =	vadd.f32 v12, v16;
	v16 =	vperm.xlane v9, v1;
	v19 =	vperm.xlane v10, v1  }
0x23c: {  	v17 =	vadd.f32 v20, v17;
	v11 =	vadd.f32 v18, v11  }
0x23d: {  	v13 =	vsel vm0, v13, v14;
	v9 =	vadd.f32 v16, v9;
	v10 =	vadd.f32 v19, v10  }
0x23e: {  	v14 =	vperm.xlane v13, v2;
	v12 =	vsel vm0, v15, v12  }
0x23f: {  	v11 =	vsel vm0, v17, v11;
	v9 =	vsel vm0, v9, v10;
	v10 =	vperm.xlane v12, v2  }
0x240: {  	v15 =	vperm.xlane v11, v2;
	v16 =	vperm.xlane v9, v2  }
0x241: {  	v13 =	vadd.f32 v14, v13;
	v10 =	vadd.f32 v10, v12  }
0x242: {  	v11 =	vadd.f32 v15, v11;
	v9 =	vadd.f32 v16, v9;
	_ =	sdelay $0x1  }
0x243: {  	s2 =	sshra.s32 s7, $0x2;
	s7 =	smov.u32 s8;
	v10 =	vsel vm1, v13, v10;
	v9 =	vsel vm1, v11, v9  }
0x244: {  	v11 =	vperm.xlane v10, v3;
	v12 =	vperm.xlane v9, v3;
	v13 =	vld [tilespmem:s2+$0x155A0];
	_ =	sdelay $0x1  }
0x245: {  	v10 =	vadd.f32 v11, v10;
	v9 =	vadd.f32 v12, v9;
	_ =	sdelay $0x1  }
0x246: {  	v9 =	vsel vm3, v10, v9  }
0x247: {  	v9 =	vadd.f32 v9, v13;
	_ =	sdelay $0x1  }
0x248: {  	s6 =	sadd.s32 $0x400, s6;
	[tilespmem:v8+s2+$0x0 ss:$0x1] =	vst.idx.msk $0xffff, v9  }
0x249: {  	v9 =	vld [tilespmem:s6+$0xFFFFFE30]  }
0x24a: {  	v10 =	vld [tilespmem:s6+$0x30]  }
0x24b: {  	v11 =	vld [tilespmem:s6+$0xFFFFFF30]  }
0x24c: {  	v12 =	vld [tilespmem:s6+$0x130]  }
0x24d: {  	v13 =	vld [tilespmem:s6+$0xFFFFFEB0]  }
0x24e: {  	v14 =	vld [tilespmem:s6+$0xB0]  }
0x24f: {  	v15 =	vld [tilespmem:s6+$0xFFFFFFB0]  }
0x250: {  	v16 =	vld [tilespmem:s6+$0x1B0]  }
0x251: {  	v17 =	vld [tilespmem:s6+$0xFFFFFE70]  }
0x252: {  	v18 =	vld [tilespmem:s6+$0x70]  }
0x253: {  	v19 =	vld [tilespmem:s6+$0xFFFFFF70]  }
0x254: {  	v20 =	vld [tilespmem:s6+$0x170]  }
0x255: {  	v21 =	vld [tilespmem:s6+$0xFFFFFEF0]  }
0x256: {  	v22 =	vld [tilespmem:s6+$0xF0]  }
0x257: {  	v23 =	vld [tilespmem:s6+$0xFFFFFE20]  }
0x258: {  	v24 =	vld [tilespmem:s6+$0x20]  }
0x259: {  	v25 =	vld [tilespmem:s6+$0xFFFFFE00]  }
0x25a: {  	v26 =	vld [tilespmem:s6+$0xFFFFFE10]  }
0x25b: {  	v27 =	vmul.f32 v9, v4;
	v9 =	vld [tilespmem:s6+$0x0]  }
0x25c: {  	v29 =	vmul.f32 v10, v4;
	v30 =	vmul.f32 v11, v4;
	v28 =	vld [tilespmem:s6+$0x10]  }
0x25d: {  	v31 =	vmul.f32 v12, v4;
	v13 =	vmul.f32 v13, v4;
	v10 =	vld [tilespmem:s6+$0xFFFFFF20]  }
0x25e: {  	v33 =	vmul.f32 v14, v4;
	v15 =	vmul.f32 v15, v4;
	v32 =	vld [tilespmem:s6+$0x120]  }
0x25f: {  	v16 =	vmul.f32 v16, v4;
	v14 =	vmul.f32 v17, v4;
	v34 =	vld [tilespmem:s6+$0xFFFFFEA0]  }
0x260: {  	v11 =	vmul.f32 v25, v6;
	v12 =	vmul.f32 v26, v7;
	v25 =	vld [tilespmem:s6+$0xA0]  }
0x261: {  	v9 =	vmul.f32 v9, v6;
	v26 =	vmul.f32 v28, v7;
	v28 =	vld [tilespmem:s6+$0xFFFFFF00]  }
0x262: {  	v17 =	vmul.f32 v18, v4;
	v23 =	vmul.f32 v23, v5;
	v35 =	vld [tilespmem:s6+$0xFFFFFF10]  }
0x263: {  	v24 =	vmul.f32 v24, v5;
	v18 =	vadd.f32 v12, v11;
	v9 =	vadd.f32 v26, v9;
	v26 =	vld [tilespmem:s6+$0x100]  }
0x264: {  	v12 =	vmul.f32 v19, v4;
	v11 =	vmul.f32 v20, v4;
	v36 =	vld [tilespmem:s6+$0x110]  }
0x265: {  	v18 =	vadd.f32 v23, v18;
	v19 =	vadd.f32 v24, v9;
	v20 =	vld [tilespmem:s6+$0xFFFFFE80];
	v9 =	vmul.f32 v21, v4  }
0x266: {  	v21 =	vmul.f32 v10, v5;
	v10 =	vmul.f32 v22, v4;
	v23 =	vld [tilespmem:s6+$0xFFFFFE90]  }
0x267: {  	v18 =	vadd.f32 v27, v18;
	v22 =	vmul.f32 v32, v5;
	v19 =	vadd.f32 v29, v19;
	v24 =	vld [tilespmem:s6+$0x80]  }
0x268: {  	v27 =	vmul.f32 v34, v5;
	v25 =	vmul.f32 v25, v5;
	v29 =	vld [tilespmem:s6+$0x90]  }
0x269: {  	v34 =	vperm.xlane v18, v0;
	v32 =	vld [tilespmem:s6+$0xFFFFFFA0];
	v37 =	vperm.xlane v19, v0  }
0x26a: {  	v28 =	vmul.f32 v28, v6;
	v35 =	vmul.f32 v35, v7;
	v38 =	vld [tilespmem:s6+$0x1A0]  }
0x26b: {  	v26 =	vmul.f32 v26, v6;
	v36 =	vmul.f32 v36, v7;
	v39 =	vld [tilespmem:s6+$0xFFFFFE60]  }
0x26c: {  	v18 =	vadd.f32 v34, v18;
	v20 =	vmul.f32 v20, v6;
	v23 =	vmul.f32 v23, v7;
	v40 =	vld [tilespmem:s6+$0x60]  }
0x26d: {  	v19 =	vadd.f32 v37, v19;
	v24 =	vmul.f32 v24, v6;
	v29 =	vmul.f32 v29, v7;
	v34 =	vld [tilespmem:s6+$0xFFFFFF80]  }
0x26e: {  	v28 =	vadd.f32 v35, v28;
	v26 =	vadd.f32 v36, v26;
	v35 =	vld [tilespmem:s6+$0xFFFFFF90];
	v32 =	vmul.f32 v32, v5  }
0x26f: {  	v20 =	vadd.f32 v23, v20;
	v23 =	vadd.f32 v29, v24;
	v24 =	vld [tilespmem:s6+$0x180];
	v29 =	vmul.f32 v38, v5  }
0x270: {  	v21 =	vadd.f32 v21, v28;
	v22 =	vadd.f32 v22, v26;
	v26 =	vld [tilespmem:s6+$0x190];
	v28 =	vmul.f32 v39, v5  }
0x271: {  	v20 =	vadd.f32 v27, v20;
	v23 =	vadd.f32 v25, v23;
	v25 =	vld [tilespmem:s6+$0xFFFFFE40];
	v27 =	vmul.f32 v40, v5  }
0x272: {  	v21 =	vadd.f32 v30, v21;
	v18 =	vsel vm2, v18, v19;
	v22 =	vadd.f32 v31, v22;
	v30 =	vld [tilespmem:s6+$0xFFFFFE50]  }
0x273: {  	v19 =	vadd.f32 v13, v20;
	v13 =	vperm.xlane v18, v1;
	v20 =	vadd.f32 v33, v23;
	v23 =	vld [tilespmem:s6+$0x40]  }
0x274: {  	v36 =	vperm.xlane v22, v0;
	v33 =	vperm.xlane v21, v0;
	v31 =	vld [tilespmem:s6+$0x50]  }
0x275: {  	v38 =	vperm.xlane v19, v0;
	v13 =	vadd.f32 v13, v18;
	v37 =	vld [tilespmem:s6+$0xFFFFFF60];
	v39 =	vperm.xlane v20, v0  }
0x276: {  	v34 =	vmul.f32 v34, v6;
	v35 =	vmul.f32 v35, v7;
	v33 =	vadd.f32 v33, v21;
	v40 =	vld [tilespmem:s6+$0x160]  }
0x277: {  	v22 =	vadd.f32 v36, v22;
	v21 =	vmul.f32 v24, v6;
	v24 =	vmul.f32 v26, v7;
	v41 =	vld [tilespmem:s6+$0xFFFFFEE0]  }
0x278: {  	v19 =	vadd.f32 v38, v19;
	v25 =	vmul.f32 v25, v6;
	v26 =	vmul.f32 v30, v7;
	v18 =	vld [tilespmem:s6+$0xE0]  }
0x279: {  	v36 =	vadd.f32 v39, v20;
	v23 =	vmul.f32 v23, v6;
	v30 =	vmul.f32 v31, v7;
	v31 =	vld [tilespmem:s6+$0xFFFFFF40]  }
0x27a: {  	v34 =	vadd.f32 v35, v34;
	v24 =	vadd.f32 v24, v21;
	v35 =	vld [tilespmem:s6+$0xFFFFFF50];
	v20 =	vmul.f32 v37, v5  }
0x27b: {  	v25 =	vadd.f32 v26, v25;
	v23 =	vadd.f32 v30, v23;
	v30 =	vld [tilespmem:s6+$0x140];
	v21 =	vmul.f32 v40, v5  }
0x27c: {  	v26 =	vadd.f32 v32, v34;
	v24 =	vadd.f32 v29, v24;
	v29 =	vsel vm2, v33, v22;
	v34 =	vld [tilespmem:s6+$0x150]  }
0x27d: {  	v32 =	vperm.xlane v29, v1;
	v25 =	vadd.f32 v28, v25;
	v27 =	vadd.f32 v27, v23;
	v22 =	vld [tilespmem:s6+$0xFFFFFEC0]  }
0x27e: {  	v33 =	vadd.f32 v15, v26;
	v37 =	vadd.f32 v16, v24;
	v15 =	vsel vm2, v19, v36;
	v23 =	vld [tilespmem:s6+$0xFFFFFED0]  }
0x27f: {  	v16 =	vperm.xlane v15, v1;
	v19 =	vadd.f32 v14, v25;
	v28 =	vadd.f32 v17, v27;
	v24 =	vld [tilespmem:s6+$0xC0]  }
.Ltmp4:
0x280: {  	v14 =	vadd.f32 v32, v29;
	v17 =	vperm.xlane v33, v0;
	v27 =	vperm.xlane v37, v0;
	v25 =	vld [tilespmem:s6+$0xD0];
	(pc) =	sbr.rel @p1 .LBB2_7-.Ltmp4, $4  }
0x281: {  	v15 =	vadd.f32 v16, v15;
	v36 =	vperm.xlane v19, v0;
	v26 =	vld [tilespmem:s6+$0xFFFFFFC0];
	v32 =	vperm.xlane v28, v0  }
0x282: {  	v31 =	vmul.f32 v31, v6;
	v38 =	vmul.f32 v35, v7;
	v16 =	vadd.f32 v17, v33;
	v29 =	vld [tilespmem:s6+$0xFFFFFFD0]  }
0x283: {  	v33 =	vmul.f32 v30, v6;
	v35 =	vmul.f32 v34, v7;
	v17 =	vadd.f32 v27, v37;
	v30 =	vld [tilespmem:s6+$0x1C0]  }
0x284: {  	s8 =	sadd.s32 $0x40, s8;
	v34 =	vadd.f32 v38, v31;
	v27 =	vmul.f32 v41, v5;
	v19 =	vadd.f32 v36, v19;
	v31 =	vld [tilespmem:s6+$0x1D0]  }
0x285: {  	v33 =	vadd.f32 v35, v33;
	v18 =	vmul.f32 v18, v5;
	v42 =	vld [tilespmem:s6+$0xFFFFFFE0];
	v28 =	vadd.f32 v32, v28  }
0x286: {  	v22 =	vmul.f32 v22, v6;
	v23 =	vmul.f32 v23, v7;
	v43 =	vld [tilespmem:s6+$0x1E0];
	v20 =	vadd.f32 v20, v34  }
0x287: {  	v24 =	vmul.f32 v24, v6;
	v25 =	vmul.f32 v25, v7;
	v44 =	vld [tilespmem:s6+$0xFFFFFFF0];
	v21 =	vadd.f32 v21, v33  }
0x288: {  	v12 =	vadd.f32 v12, v20;
	v20 =	vmul.f32 v26, v6;
	v26 =	vmul.f32 v29, v7;
	v29 =	vld [tilespmem:s6+$0x1F0]  }
0x289: {  	v6 =	vmul.f32 v30, v6;
	v11 =	vadd.f32 v11, v21;
	v7 =	vmul.f32 v31, v7  }
0x28a: {  	v21 =	vadd.f32 v23, v22;
	v22 =	vadd.f32 v25, v24;
	v23 =	vmul.f32 v42, v5  }
0x28b: {  	v20 =	vadd.f32 v26, v20;
	v5 =	vmul.f32 v43, v5;
	v6 =	vadd.f32 v7, v6  }
0x28c: {  	v7 =	vadd.f32 v27, v21;
	v18 =	vadd.f32 v18, v22;
	v21 =	vmul.f32 v44, v4  }
0x28d: {  	v20 =	vadd.f32 v23, v20;
	v5 =	vadd.f32 v5, v6;
	v4 =	vmul.f32 v29, v4  }
0x28e: {  	v6 =	vadd.f32 v9, v7;
	v7 =	vadd.f32 v10, v18;
	v9 =	vperm.xlane v12, v0  }
0x28f: {  	v10 =	vadd.f32 v21, v20;
	v4 =	vadd.f32 v4, v5;
	v5 =	vperm.xlane v11, v0  }
0x290: {  	v9 =	vadd.f32 v9, v12;
	v12 =	vperm.xlane v6, v0;
	v18 =	vperm.xlane v7, v0  }
0x291: {  	v5 =	vadd.f32 v5, v11;
	v11 =	vperm.xlane v10, v0;
	v20 =	vperm.xlane v4, v0  }
0x292: {  	v16 =	vsel vm2, v16, v17;
	v6 =	vadd.f32 v12, v6;
	v7 =	vadd.f32 v18, v7  }
0x293: {  	v12 =	vsel vm2, v19, v28;
	v10 =	vadd.f32 v11, v10;
	v4 =	vadd.f32 v20, v4  }
0x294: {  	v5 =	vsel vm2, v9, v5;
	v9 =	vperm.xlane v16, v1;
	v11 =	vperm.xlane v12, v1  }
0x295: {  	v6 =	vsel vm2, v6, v7;
	v7 =	vperm.xlane v5, v1;
	v4 =	vsel vm2, v10, v4  }
0x296: {  	v9 =	vadd.f32 v9, v16;
	v10 =	vperm.xlane v6, v1;
	v16 =	vperm.xlane v4, v1  }
0x297: {  	v11 =	vadd.f32 v11, v12;
	v5 =	vadd.f32 v7, v5  }
0x298: {  	v6 =	vadd.f32 v10, v6;
	v4 =	vadd.f32 v16, v4  }
0x299: {  	v7 =	vsel vm0, v13, v14;
	v9 =	vsel vm0, v15, v9;
	v5 =	vsel vm0, v11, v5  }
0x29a: {  	v10 =	vperm.xlane v7, v2;
	v11 =	vperm.xlane v5, v2;
	v4 =	vsel vm0, v6, v4  }
0x29b: {  	v6 =	vperm.xlane v9, v2;
	v12 =	vperm.xlane v4, v2  }
0x29c: {  	v7 =	vadd.f32 v10, v7;
	v5 =	vadd.f32 v11, v5  }
0x29d: {  	v6 =	vadd.f32 v6, v9;
	v4 =	vadd.f32 v12, v4;
	_ =	sdelay $0x1  }
0x29e: {  	s2 =	sshra.s32 s7, $0x2;
	v6 =	vsel vm1, v7, v6;
	v4 =	vsel vm1, v5, v4  }
0x29f: {  	v9 =	vld [tilespmem:s2+$0x155A0];
	v5 =	vperm.xlane v6, v3;
	v7 =	vperm.xlane v4, v3;
	_ =	sdelay $0x1  }
0x2a0: {  	v5 =	vadd.f32 v5, v6;
	v4 =	vadd.f32 v7, v4;
	_ =	sdelay $0x1  }
0x2a1: {  	v4 =	vsel vm3, v5, v4  }
0x2a2: {  	v4 =	vadd.f32 v4, v9;
	_ =	sdelay $0x1  }
0x2a3: {  	s7 =	simm.s32 @!p0 $0xB800;
	s6 =	simm.s32 @!p0 $0x80;
	[tilespmem:v8+s2+$0x0 ss:$0x1] =	vst.idx.msk $0xffff, v4;
	s2 =	sadd.s32 @!p0 $0x3E8, s25  }
0x2a4: {  	[tilespmem:s7], [sflag:$0x3] =	stream.indirect.gather @!p0 [hbm4b:s3+s6], $0x40, s2, s6, $0xb8;
	[tilespmem:$0x1BB48] =	vst v63  }
0x2a5: {  	s8 =	simm.s32 @!p0 $0x48;
	s10 =	simm.s32 @!p0 $0xD800;
	s7 =	sadd.s32 @!p0 $0x468, s25  }
0x2a6: {  	[tilespmem:s10], [sflag:$0x3] =	stream.indirect.gather @!p0 [hbm4b:s3+s8], $0x40, s7, s8, $0xb8;
	[tilespmem:$0x1BB48] =	vst v63  }
0x2a7: {  	s10 =	simm.s32 @!p0 $0x154D0  }
0x2a8: {  	[tilespmem:s10], [sflag:$0x3] =	stream.indirect.gather @!p0 [hbm4b:s4+s6], $0x1, s2, s6, $0xb8;
	[tilespmem:$0x1BB48] =	vst v63  }
0x2a9: {  	s2 =	simm.s32 @!p0 $0x15550  }
0x2aa: {  	[tilespmem:s2], [sflag:$0x3] =	stream.indirect.gather @!p0 [hbm4b:s4+s8], $0x1, s7, s8, $0xb8;
	[tilespmem:$0x1BB48] =	vst v63  }
0x2ab: {  	_ =	swait.ge [sflag:s15], $0x2000  }
0x2ac: {  	[sflag:s15] =	ssyncset.done $0x0  }
0x2ad: {  	[sflag:s15] =	ssyncadd.s32 $0xFFFFE000  }
0x2ae: {  	_ =	swait.ge [sflag:s15], $0x1200  }
0x2af: {  	[sflag:s15] =	ssyncset.done $0x0  }
0x2b0: {  	[sflag:s15] =	ssyncadd.s32 $0xFFFFEE00  }
0x2b1: {  	_ =	swait.ge [sflag:s15], $0x80  }
0x2b2: {  	[sflag:s15] =	ssyncset.done $0x0  }
0x2b3: {  	[sflag:s15] =	ssyncadd.s32 $0xFFFFFF80  }
0x2b4: {  	_ =	swait.ge [sflag:s15], $0x48  }
0x2b5: {  	s25 =	sshll.u32 s5, $0x6;
	[sflag:s15] =	ssyncset.done $0x0  }
0x2b6: {  	s2 =	sand.u32 $0x3FFFFFC0, s25;
	[sflag:s15] =	ssyncadd.s32 $0xFFFFFFB8  }
0x2b7: {  	v6 =	vld [tilespmem:s2+$0x6400]  }
0x2b8: {  	v7 =	vld [tilespmem:s2+$0x6410]  }
0x2b9: {  	v5 =	vld [tilespmem:s2+$0x6420]  }
0x2ba: {  	s5 =	simm.s32 $0x12200;
	v4 =	vld [tilespmem:s2+$0x6430]  }
0x2bb: {  	v8 =	vld [tilespmem:s5+$0xFFFFFE30]  }
0x2bc: {  	v9 =	vld [tilespmem:s5+$0x30]  }
0x2bd: {  	v10 =	vld [tilespmem:s5+$0xFFFFFF30]  }
0x2be: {  	v11 =	vld [tilespmem:s5+$0x130]  }
0x2bf: {  	v12 =	vld [tilespmem:s5+$0xFFFFFEB0]  }
0x2c0: {  	v13 =	vld [tilespmem:s5+$0xB0]  }
0x2c1: {  	v14 =	vld [tilespmem:s5+$0xFFFFFFB0]  }
0x2c2: {  	v15 =	vld [tilespmem:s5+$0x1B0]  }
0x2c3: {  	v16 =	vld [tilespmem:s5+$0xFFFFFE70]  }
0x2c4: {  	v17 =	vld [tilespmem:s5+$0x70]  }
0x2c5: {  	v18 =	vld [tilespmem:s5+$0xFFFFFF70]  }
0x2c6: {  	v19 =	vld [tilespmem:s5+$0x170]  }
0x2c7: {  	v20 =	vld [tilespmem:s5+$0xFFFFFEF0]  }
0x2c8: {  	v21 =	vld [tilespmem:s5+$0xF0]  }
0x2c9: {  	v22 =	vld [tilespmem:s5+$0xFFFFFE20]  }
0x2ca: {  	v23 =	vld [tilespmem:s5+$0x20]  }
0x2cb: {  	v24 =	vld [tilespmem:s5+$0xFFFFFE00]  }
0x2cc: {  	v25 =	vld [tilespmem:s5+$0xFFFFFE10]  }
0x2cd: {  	v26 =	vld [tilespmem:s5+$0x0]  }
0x2ce: {  	v27 =	vld [tilespmem:s5+$0x10];
	v8 =	vmul.f32 v8, v4  }
0x2cf: {  	v46 =	vld [tilespmem:s5+$0xFFFFFEA0];
	v28 =	vmul.f32 v9, v4;
	v29 =	vmul.f32 v10, v4  }
0x2d0: {  	v47 =	vld [tilespmem:s5+$0x100];
	v30 =	vmul.f32 v11, v4;
	v31 =	vmul.f32 v12, v4  }
0x2d1: {  	v48 =	vld [tilespmem:s5+$0x110];
	v13 =	vmul.f32 v13, v4;
	v14 =	vmul.f32 v14, v4  }
0x2d2: {  	v49 =	vld [tilespmem:s5+$0xFFFFFFA0];
	v15 =	vmul.f32 v15, v4;
	v16 =	vmul.f32 v16, v4  }
0x2d3: {  	v51 =	vld [tilespmem:s5+$0xFFFFFF80];
	v9 =	vmul.f32 v24, v6;
	v11 =	vmul.f32 v25, v7  }
0x2d4: {  	v10 =	vld [tilespmem:s5+$0xFFFFFF20];
	v12 =	vmul.f32 v26, v6;
	v25 =	vmul.f32 v27, v7  }
0x2d5: {  	v26 =	vld [tilespmem:s5+$0xFFFFFF00];
	v22 =	vmul.f32 v22, v5;
	v17 =	vmul.f32 v17, v4  }
0x2d6: {  	v27 =	vld [tilespmem:s5+$0xFFFFFF10];
	v23 =	vmul.f32 v23, v5;
	v34 =	vmul.f32 v47, v6  }
0x2d7: {  	v24 =	vld [tilespmem:s5+$0xA0];
	v35 =	vmul.f32 v48, v7;
	v32 =	vmul.f32 v49, v5;
	v9 =	vadd.f32 v11, v9  }
0x2d8: {  	v45 =	vld [tilespmem:s5+$0x120];
	v33 =	vmul.f32 v51, v6;
	v25 =	vadd.f32 v25, v12;
	v12 =	vmul.f32 v18, v4  }
0x2d9: {  	v52 =	vld [tilespmem:s5+$0xFFFFFF90];
	v11 =	vmul.f32 v19, v4;
	v18 =	vadd.f32 v22, v9;
	v9 =	vmul.f32 v20, v4  }
0x2da: {  	v19 =	vadd.f32 v23, v25;
	v22 =	vld [tilespmem:s5+$0xFFFFFE80];
	v25 =	vmul.f32 v46, v5;
	v20 =	vmul.f32 v10, v5  }
0x2db: {  	v23 =	vld [tilespmem:s5+$0xFFFFFE90];
	v26 =	vmul.f32 v26, v6;
	v27 =	vmul.f32 v27, v7  }
0x2dc: {  	v10 =	vmul.f32 v21, v4;
	v21 =	vld [tilespmem:s5+$0x80];
	v24 =	vmul.f32 v24, v5;
	v8 =	vadd.f32 v8, v18  }
0x2dd: {  	v18 =	vadd.f32 v28, v19;
	v19 =	vmul.f32 v45, v5;
	v28 =	vld [tilespmem:s5+$0x90];
	v26 =	vadd.f32 v27, v26  }
0x2de: {  	v38 =	vld [tilespmem:s5+$0xFFFFFE60];
	v27 =	vadd.f32 v35, v34;
	v34 =	vmul.f32 v52, v7;
	v50 =	vperm.xlane v8, v0  }
0x2df: {  	v37 =	vld [tilespmem:s5+$0x1A0];
	v36 =	vperm.xlane v18, v0;
	v22 =	vmul.f32 v22, v6  }
0x2e0: {  	v39 =	vld [tilespmem:s5+$0x60];
	v23 =	vmul.f32 v23, v7;
	v20 =	vadd.f32 v20, v26;
	v19 =	vadd.f32 v19, v27  }
0x2e1: {  	v26 =	vld [tilespmem:s5+$0x190];
	v33 =	vadd.f32 v34, v33;
	v8 =	vadd.f32 v50, v8;
	v21 =	vmul.f32 v21, v6  }
0x2e2: {  	v18 =	vadd.f32 v36, v18;
	v28 =	vmul.f32 v28, v7;
	v22 =	vadd.f32 v23, v22;
	v23 =	vld [tilespmem:s5+$0x180]  }
0x2e3: {  	v27 =	vmul.f32 v38, v5;
	v20 =	vadd.f32 v29, v20;
	v19 =	vadd.f32 v30, v19;
	v29 =	vld [tilespmem:s5+$0xFFFFFE50]  }
0x2e4: {  	v55 =	vld [tilespmem:s5+$0xFFFFFF60];
	v21 =	vadd.f32 v28, v21;
	v28 =	vmul.f32 v37, v5;
	v22 =	vadd.f32 v25, v22  }
0x2e5: {  	v30 =	vld [tilespmem:s5+$0x40];
	v18 =	vsel vm2, v8, v18;
	v53 =	vperm.xlane v20, v0;
	v54 =	vperm.xlane v19, v0  }
0x2e6: {  	v25 =	vmul.f32 v39, v5;
	v21 =	vadd.f32 v24, v21;
	v24 =	vld [tilespmem:s5+$0xFFFFFE40];
	v22 =	vadd.f32 v31, v22  }
0x2e7: {  	v31 =	vld [tilespmem:s5+$0x50];
	v35 =	vadd.f32 v53, v20;
	v19 =	vadd.f32 v54, v19;
	v20 =	vmul.f32 v23, v6  }
0x2e8: {  	v60 =	vld [tilespmem:s5+$0x150];
	v23 =	vmul.f32 v26, v7;
	v26 =	vmul.f32 v29, v7;
	v21 =	vadd.f32 v13, v21  }
0x2e9: {  	v40 =	vld [tilespmem:s5+$0x160];
	v8 =	vmov s16;
	v13 =	vperm.xlane v18, v1;
	v56 =	vperm.xlane v22, v0  }
0x2ea: {  	v41 =	vld [tilespmem:s5+$0xFFFFFEE0];
	v19 =	vsel vm2, v35, v19;
	v23 =	vadd.f32 v23, v20;
	v57 =	vperm.xlane v21, v0  }
0x2eb: {  	v59 =	vld [tilespmem:s5+$0xFFFFFF50];
	v13 =	vadd.f32 v13, v18;
	v29 =	vadd.f32 v56, v22;
	v24 =	vmul.f32 v24, v6  }
0x2ec: {  	v18 =	vld [tilespmem:s5+$0xE0];
	v22 =	vmul.f32 v30, v6;
	v30 =	vmul.f32 v31, v7;
	v23 =	vadd.f32 v28, v23  }
0x2ed: {  	v35 =	vmul.f32 v60, v7;
	v31 =	vld [tilespmem:s5+$0xFFFFFF40];
	v58 =	vadd.f32 v57, v21;
	v24 =	vadd.f32 v26, v24  }
0x2ee: {  	v20 =	vmul.f32 v55, v5;
	v22 =	vadd.f32 v30, v22;
	v30 =	vld [tilespmem:s5+$0x140];
	v26 =	vadd.f32 v32, v33  }
0x2ef: {  	v21 =	vmul.f32 v40, v5;
	v61 =	vadd.f32 v15, v23;
	v23 =	vld [tilespmem:s5+$0xFFFFFED0];
	v24 =	vadd.f32 v27, v24  }
0x2f0: {  	v15 =	vsel vm2, v29, v58;
	v29 =	vld [tilespmem:s5+$0xFFFFFFD0];
	v25 =	vadd.f32 v25, v22;
	v33 =	vadd.f32 v14, v26  }
0x2f1: {  	v22 =	vld [tilespmem:s5+$0xFFFFFEC0];
	v27 =	vperm.xlane v19, v1;
	v63 =	vperm.xlane v61, v0;
	v62 =	vadd.f32 v16, v24  }
0x2f2: {  	v26 =	vld [tilespmem:s5+$0xFFFFFFC0];
	v28 =	vadd.f32 v17, v25;
	v16 =	vperm.xlane v15, v1;
	v17 =	vperm.xlane v33, v0  }
0x2f3: {  	v24 =	vld [tilespmem:s5+$0xC0];
	v14 =	vadd.f32 v27, v19;
	v27 =	vmul.f32 v31, v6;
	v31 =	vmul.f32 v59, v7  }
0x2f4: {  	v25 =	vld [tilespmem:s5+$0xD0];
	v19 =	vperm.xlane v62, v0;
	v32 =	vperm.xlane v28, v0;
	v15 =	vadd.f32 v16, v15  }
0x2f5: {  	v16 =	vadd.f32 v17, v33;
	v33 =	vmul.f32 v30, v6;
	v30 =	vld [tilespmem:s5+$0x1C0];
	v17 =	vadd.f32 v63, v61  }
0x2f6: {  	s6 =	simm.s32 $0x0;
	s7 =	simm.s32 $0x40;
	v34 =	vadd.f32 v31, v27;
	v27 =	vmul.f32 v41, v5;
	v31 =	vld [tilespmem:s5+$0x1D0];
	v19 =	vadd.f32 v19, v62  }
.LBB2_9:
0x2f7: {  	p1 =	sne.s32 s7, $0x300;
	v33 =	vadd.f32 v35, v33;
	v18 =	vmul.f32 v18, v5;
	v35 =	vld [tilespmem:s5+$0xFFFFFFE0];
	v28 =	vadd.f32 v32, v28  }
0x2f8: {  	v22 =	vmul.f32 v22, v6;
	v23 =	vmul.f32 v23, v7;
	v20 =	vadd.f32 v20, v34;
	v32 =	vld [tilespmem:s5+$0x1E0]  }
0x2f9: {  	v24 =	vmul.f32 v24, v6;
	v25 =	vmul.f32 v25, v7;
	v21 =	vadd.f32 v21, v33;
	v33 =	vld [tilespmem:s5+$0xFFFFFFF0]  }
0x2fa: {  	v12 =	vadd.f32 v12, v20;
	v20 =	vmul.f32 v26, v6;
	v26 =	vmul.f32 v29, v7;
	v29 =	vld [tilespmem:s5+$0x1F0]  }
0x2fb: {  	v11 =	vadd.f32 v11, v21;
	v21 =	vmul.f32 v30, v6;
	v30 =	vmul.f32 v31, v7  }
0x2fc: {  	v22 =	vadd.f32 v23, v22;
	v23 =	vadd.f32 v25, v24;
	v24 =	vmul.f32 v35, v5  }
0x2fd: {  	v20 =	vadd.f32 v26, v20;
	v21 =	vadd.f32 v30, v21;
	v25 =	vmul.f32 v32, v5  }
0x2fe: {  	v22 =	vadd.f32 v27, v22;
	v18 =	vadd.f32 v18, v23;
	v23 =	vmul.f32 v33, v4  }
0x2ff: {  	v20 =	vadd.f32 v24, v20;
	v21 =	vadd.f32 v25, v21;
	v24 =	vmul.f32 v29, v4  }
0x300: {  	v9 =	vadd.f32 v9, v22;
	v10 =	vadd.f32 v10, v18;
	v18 =	vperm.xlane v12, v0  }
0x301: {  	v22 =	vperm.xlane v11, v0;
	v20 =	vadd.f32 v23, v20;
	v21 =	vadd.f32 v24, v21  }
0x302: {  	v12 =	vadd.f32 v18, v12;
	v18 =	vperm.xlane v9, v0;
	v23 =	vperm.xlane v10, v0  }
0x303: {  	v11 =	vadd.f32 v22, v11;
	v22 =	vperm.xlane v20, v0;
	v24 =	vperm.xlane v21, v0  }
0x304: {  	v16 =	vsel vm2, v16, v17;
	v9 =	vadd.f32 v18, v9;
	v10 =	vadd.f32 v23, v10  }
0x305: {  	v17 =	vsel vm2, v19, v28;
	v18 =	vadd.f32 v22, v20;
	v19 =	vadd.f32 v24, v21  }
0x306: {  	v11 =	vsel vm2, v12, v11;
	v12 =	vperm.xlane v16, v1;
	v20 =	vperm.xlane v17, v1  }
0x307: {  	v9 =	vsel vm2, v9, v10;
	v10 =	vsel vm2, v18, v19;
	v18 =	vperm.xlane v11, v1  }
0x308: {  	v12 =	vadd.f32 v12, v16;
	v16 =	vperm.xlane v9, v1;
	v19 =	vperm.xlane v10, v1  }
0x309: {  	v17 =	vadd.f32 v20, v17;
	v11 =	vadd.f32 v18, v11  }
0x30a: {  	v13 =	vsel vm0, v13, v14;
	v9 =	vadd.f32 v16, v9;
	v10 =	vadd.f32 v19, v10  }
0x30b: {  	v14 =	vperm.xlane v13, v2;
	v12 =	vsel vm0, v15, v12  }
0x30c: {  	v11 =	vsel vm0, v17, v11;
	v9 =	vsel vm0, v9, v10;
	v10 =	vperm.xlane v12, v2  }
0x30d: {  	v15 =	vperm.xlane v11, v2;
	v16 =	vperm.xlane v9, v2  }
0x30e: {  	v13 =	vadd.f32 v14, v13;
	v10 =	vadd.f32 v10, v12  }
0x30f: {  	v11 =	vadd.f32 v15, v11;
	v9 =	vadd.f32 v16, v9;
	_ =	sdelay $0x1  }
0x310: {  	s2 =	sshra.s32 s6, $0x2;
	s6 =	smov.u32 s7;
	v10 =	vsel vm1, v13, v10;
	v9 =	vsel vm1, v11, v9  }
0x311: {  	v11 =	vperm.xlane v10, v3;
	v12 =	vperm.xlane v9, v3;
	v13 =	vld [tilespmem:s2+$0x15670];
	_ =	sdelay $0x1  }
0x312: {  	v10 =	vadd.f32 v11, v10;
	v9 =	vadd.f32 v12, v9;
	_ =	sdelay $0x1  }
0x313: {  	v9 =	vsel vm3, v10, v9  }
0x314: {  	v9 =	vadd.f32 v9, v13;
	_ =	sdelay $0x1  }
0x315: {  	s5 =	sadd.s32 $0x400, s5;
	[tilespmem:v8+s2+$0x0 ss:$0x1] =	vst.idx.msk $0xffff, v9  }
0x316: {  	v9 =	vld [tilespmem:s5+$0xFFFFFE30]  }
0x317: {  	v10 =	vld [tilespmem:s5+$0x30]  }
0x318: {  	v11 =	vld [tilespmem:s5+$0xFFFFFF30]  }
0x319: {  	v12 =	vld [tilespmem:s5+$0x130]  }
0x31a: {  	v13 =	vld [tilespmem:s5+$0xFFFFFEB0]  }
0x31b: {  	v14 =	vld [tilespmem:s5+$0xB0]  }
0x31c: {  	v15 =	vld [tilespmem:s5+$0xFFFFFFB0]  }
0x31d: {  	v16 =	vld [tilespmem:s5+$0x1B0]  }
0x31e: {  	v17 =	vld [tilespmem:s5+$0xFFFFFE70]  }
0x31f: {  	v18 =	vld [tilespmem:s5+$0x70]  }
0x320: {  	v19 =	vld [tilespmem:s5+$0xFFFFFF70]  }
0x321: {  	v20 =	vld [tilespmem:s5+$0x170]  }
0x322: {  	v21 =	vld [tilespmem:s5+$0xFFFFFEF0]  }
0x323: {  	v22 =	vld [tilespmem:s5+$0xF0]  }
0x324: {  	v23 =	vld [tilespmem:s5+$0xFFFFFE20]  }
0x325: {  	v24 =	vld [tilespmem:s5+$0x20]  }
0x326: {  	v25 =	vld [tilespmem:s5+$0xFFFFFE00]  }
0x327: {  	v26 =	vld [tilespmem:s5+$0xFFFFFE10]  }
0x328: {  	v27 =	vmul.f32 v9, v4;
	v9 =	vld [tilespmem:s5+$0x0]  }
0x329: {  	v29 =	vmul.f32 v10, v4;
	v30 =	vmul.f32 v11, v4;
	v28 =	vld [tilespmem:s5+$0x10]  }
0x32a: {  	v31 =	vmul.f32 v12, v4;
	v13 =	vmul.f32 v13, v4;
	v10 =	vld [tilespmem:s5+$0xFFFFFF20]  }
0x32b: {  	v33 =	vmul.f32 v14, v4;
	v15 =	vmul.f32 v15, v4;
	v32 =	vld [tilespmem:s5+$0x120]  }
0x32c: {  	v16 =	vmul.f32 v16, v4;
	v14 =	vmul.f32 v17, v4;
	v34 =	vld [tilespmem:s5+$0xFFFFFEA0]  }
0x32d: {  	v11 =	vmul.f32 v25, v6;
	v12 =	vmul.f32 v26, v7;
	v25 =	vld [tilespmem:s5+$0xA0]  }
0x32e: {  	v9 =	vmul.f32 v9, v6;
	v26 =	vmul.f32 v28, v7;
	v28 =	vld [tilespmem:s5+$0xFFFFFF00]  }
0x32f: {  	v17 =	vmul.f32 v18, v4;
	v23 =	vmul.f32 v23, v5;
	v35 =	vld [tilespmem:s5+$0xFFFFFF10]  }
0x330: {  	v24 =	vmul.f32 v24, v5;
	v18 =	vadd.f32 v12, v11;
	v9 =	vadd.f32 v26, v9;
	v26 =	vld [tilespmem:s5+$0x100]  }
0x331: {  	v12 =	vmul.f32 v19, v4;
	v11 =	vmul.f32 v20, v4;
	v36 =	vld [tilespmem:s5+$0x110]  }
0x332: {  	v18 =	vadd.f32 v23, v18;
	v19 =	vadd.f32 v24, v9;
	v20 =	vld [tilespmem:s5+$0xFFFFFE80];
	v9 =	vmul.f32 v21, v4  }
0x333: {  	v21 =	vmul.f32 v10, v5;
	v10 =	vmul.f32 v22, v4;
	v23 =	vld [tilespmem:s5+$0xFFFFFE90]  }
0x334: {  	v18 =	vadd.f32 v27, v18;
	v22 =	vmul.f32 v32, v5;
	v19 =	vadd.f32 v29, v19;
	v24 =	vld [tilespmem:s5+$0x80]  }
0x335: {  	v27 =	vmul.f32 v34, v5;
	v25 =	vmul.f32 v25, v5;
	v29 =	vld [tilespmem:s5+$0x90]  }
0x336: {  	v34 =	vperm.xlane v18, v0;
	v32 =	vld [tilespmem:s5+$0xFFFFFFA0];
	v37 =	vperm.xlane v19, v0  }
0x337: {  	v28 =	vmul.f32 v28, v6;
	v35 =	vmul.f32 v35, v7;
	v38 =	vld [tilespmem:s5+$0x1A0]  }
0x338: {  	v26 =	vmul.f32 v26, v6;
	v36 =	vmul.f32 v36, v7;
	v39 =	vld [tilespmem:s5+$0xFFFFFE60]  }
0x339: {  	v18 =	vadd.f32 v34, v18;
	v20 =	vmul.f32 v20, v6;
	v23 =	vmul.f32 v23, v7;
	v40 =	vld [tilespmem:s5+$0x60]  }
0x33a: {  	v19 =	vadd.f32 v37, v19;
	v24 =	vmul.f32 v24, v6;
	v29 =	vmul.f32 v29, v7;
	v34 =	vld [tilespmem:s5+$0xFFFFFF80]  }
0x33b: {  	v28 =	vadd.f32 v35, v28;
	v26 =	vadd.f32 v36, v26;
	v35 =	vld [tilespmem:s5+$0xFFFFFF90];
	v32 =	vmul.f32 v32, v5  }
0x33c: {  	v20 =	vadd.f32 v23, v20;
	v23 =	vadd.f32 v29, v24;
	v24 =	vld [tilespmem:s5+$0x180];
	v29 =	vmul.f32 v38, v5  }
0x33d: {  	v21 =	vadd.f32 v21, v28;
	v22 =	vadd.f32 v22, v26;
	v26 =	vld [tilespmem:s5+$0x190];
	v28 =	vmul.f32 v39, v5  }
0x33e: {  	v20 =	vadd.f32 v27, v20;
	v23 =	vadd.f32 v25, v23;
	v25 =	vld [tilespmem:s5+$0xFFFFFE40];
	v27 =	vmul.f32 v40, v5  }
0x33f: {  	v21 =	vadd.f32 v30, v21;
	v18 =	vsel vm2, v18, v19;
	v22 =	vadd.f32 v31, v22;
	v30 =	vld [tilespmem:s5+$0xFFFFFE50]  }
0x340: {  	v19 =	vadd.f32 v13, v20;
	v13 =	vperm.xlane v18, v1;
	v20 =	vadd.f32 v33, v23;
	v23 =	vld [tilespmem:s5+$0x40]  }
0x341: {  	v36 =	vperm.xlane v22, v0;
	v33 =	vperm.xlane v21, v0;
	v31 =	vld [tilespmem:s5+$0x50]  }
0x342: {  	v38 =	vperm.xlane v19, v0;
	v13 =	vadd.f32 v13, v18;
	v37 =	vld [tilespmem:s5+$0xFFFFFF60];
	v39 =	vperm.xlane v20, v0  }
0x343: {  	v34 =	vmul.f32 v34, v6;
	v35 =	vmul.f32 v35, v7;
	v33 =	vadd.f32 v33, v21;
	v40 =	vld [tilespmem:s5+$0x160]  }
0x344: {  	v22 =	vadd.f32 v36, v22;
	v21 =	vmul.f32 v24, v6;
	v24 =	vmul.f32 v26, v7;
	v41 =	vld [tilespmem:s5+$0xFFFFFEE0]  }
0x345: {  	v19 =	vadd.f32 v38, v19;
	v25 =	vmul.f32 v25, v6;
	v26 =	vmul.f32 v30, v7;
	v18 =	vld [tilespmem:s5+$0xE0]  }
0x346: {  	v36 =	vadd.f32 v39, v20;
	v23 =	vmul.f32 v23, v6;
	v30 =	vmul.f32 v31, v7;
	v31 =	vld [tilespmem:s5+$0xFFFFFF40]  }
0x347: {  	v34 =	vadd.f32 v35, v34;
	v24 =	vadd.f32 v24, v21;
	v35 =	vld [tilespmem:s5+$0xFFFFFF50];
	v20 =	vmul.f32 v37, v5  }
0x348: {  	v25 =	vadd.f32 v26, v25;
	v23 =	vadd.f32 v30, v23;
	v30 =	vld [tilespmem:s5+$0x140];
	v21 =	vmul.f32 v40, v5  }
0x349: {  	v26 =	vadd.f32 v32, v34;
	v24 =	vadd.f32 v29, v24;
	v29 =	vsel vm2, v33, v22;
	v34 =	vld [tilespmem:s5+$0x150]  }
0x34a: {  	v32 =	vperm.xlane v29, v1;
	v25 =	vadd.f32 v28, v25;
	v27 =	vadd.f32 v27, v23;
	v22 =	vld [tilespmem:s5+$0xFFFFFEC0]  }
0x34b: {  	v33 =	vadd.f32 v15, v26;
	v37 =	vadd.f32 v16, v24;
	v15 =	vsel vm2, v19, v36;
	v23 =	vld [tilespmem:s5+$0xFFFFFED0]  }
0x34c: {  	v16 =	vperm.xlane v15, v1;
	v19 =	vadd.f32 v14, v25;
	v28 =	vadd.f32 v17, v27;
	v24 =	vld [tilespmem:s5+$0xC0]  }
.Ltmp5:
0x34d: {  	v14 =	vadd.f32 v32, v29;
	v17 =	vperm.xlane v33, v0;
	v27 =	vperm.xlane v37, v0;
	v25 =	vld [tilespmem:s5+$0xD0];
	(pc) =	sbr.rel @p1 .LBB2_9-.Ltmp5, $4  }
0x34e: {  	v15 =	vadd.f32 v16, v15;
	v36 =	vperm.xlane v19, v0;
	v26 =	vld [tilespmem:s5+$0xFFFFFFC0];
	v32 =	vperm.xlane v28, v0  }
0x34f: {  	v31 =	vmul.f32 v31, v6;
	v38 =	vmul.f32 v35, v7;
	v16 =	vadd.f32 v17, v33;
	v29 =	vld [tilespmem:s5+$0xFFFFFFD0]  }
0x350: {  	v33 =	vmul.f32 v30, v6;
	v35 =	vmul.f32 v34, v7;
	v17 =	vadd.f32 v27, v37;
	v30 =	vld [tilespmem:s5+$0x1C0]  }
0x351: {  	s7 =	sadd.s32 $0x40, s7;
	v34 =	vadd.f32 v38, v31;
	v27 =	vmul.f32 v41, v5;
	v19 =	vadd.f32 v36, v19;
	v31 =	vld [tilespmem:s5+$0x1D0]  }
0x352: {  	v33 =	vadd.f32 v35, v33;
	v61 =	vld [tilespmem:s5+$0xFFFFFFE0];
	v22 =	vmul.f32 v22, v6;
	v23 =	vmul.f32 v23, v7  }
0x353: {  	v28 =	vadd.f32 v32, v28;
	v62 =	vld [tilespmem:s5+$0x1E0];
	v24 =	vmul.f32 v24, v6;
	v25 =	vmul.f32 v25, v7  }
0x354: {  	v63 =	vld [tilespmem:s5+$0xFFFFFFF0];
	v20 =	vadd.f32 v20, v34;
	v34 =	vmul.f32 v26, v6;
	v21 =	vadd.f32 v21, v33  }
0x355: {  	v37 =	vld [tilespmem:s5+$0x1F0];
	v36 =	vmul.f32 v29, v7;
	v40 =	vadd.f32 v23, v22;
	v41 =	vadd.f32 v25, v24  }
0x356: {  	v12 =	vadd.f32 v12, v20;
	v38 =	vmul.f32 v30, v6;
	v39 =	vmul.f32 v31, v7  }
0x357: {  	v18 =	vmul.f32 v18, v5;
	v20 =	vadd.f32 v36, v34;
	v43 =	vadd.f32 v27, v40  }
0x358: {  	v42 =	vmul.f32 v61, v5;
	v5 =	vmul.f32 v62, v5;
	v6 =	vadd.f32 v39, v38  }
0x359: {  	v18 =	vadd.f32 v18, v41;
	v44 =	vmul.f32 v63, v4;
	v45 =	vadd.f32 v9, v43  }
0x35a: {  	v4 =	vmul.f32 v37, v4;
	v20 =	vadd.f32 v42, v20;
	v5 =	vadd.f32 v5, v6  }
0x35b: {  	v11 =	vadd.f32 v11, v21;
	v47 =	vperm.xlane v12, v0;
	v46 =	vadd.f32 v10, v18  }
0x35c: {  	v49 =	vperm.xlane v45, v0;
	v48 =	vadd.f32 v44, v20;
	v4 =	vadd.f32 v4, v5  }
0x35d: {  	v9 =	vadd.f32 v47, v12;
	v18 =	vperm.xlane v46, v0;
	v5 =	vperm.xlane v11, v0  }
0x35e: {  	v6 =	vadd.f32 v49, v45;
	v50 =	vperm.xlane v48, v0;
	v51 =	vperm.xlane v4, v0  }
0x35f: {  	v16 =	vsel vm2, v16, v17;
	v7 =	vadd.f32 v18, v46;
	v5 =	vadd.f32 v5, v11  }
0x360: {  	v52 =	vsel vm2, v19, v28;
	v10 =	vadd.f32 v50, v48;
	v4 =	vadd.f32 v51, v4  }
0x361: {  	v53 =	vperm.xlane v16, v1;
	v54 =	vperm.xlane v52, v1;
	v6 =	vsel vm2, v6, v7  }
0x362: {  	v56 =	vperm.xlane v6, v1;
	v5 =	vsel vm2, v9, v5;
	v4 =	vsel vm2, v10, v4  }
0x363: {  	v11 =	vadd.f32 v54, v52;
	v55 =	vperm.xlane v5, v1;
	v57 =	vperm.xlane v4, v1  }
0x364: {  	v9 =	vadd.f32 v53, v16;
	v6 =	vadd.f32 v56, v6  }
0x365: {  	v58 =	vsel vm0, v13, v14;
	v5 =	vadd.f32 v55, v5;
	v4 =	vadd.f32 v57, v4  }
0x366: {  	v59 =	vperm.xlane v58, v2;
	v9 =	vsel vm0, v15, v9  }
0x367: {  	v60 =	vperm.xlane v9, v2;
	v5 =	vsel vm0, v11, v5;
	v4 =	vsel vm0, v6, v4  }
0x368: {  	v11 =	vperm.xlane v5, v2;
	v61 =	vperm.xlane v4, v2  }
0x369: {  	v7 =	vadd.f32 v59, v58;
	v6 =	vadd.f32 v60, v9  }
0x36a: {  	v5 =	vadd.f32 v11, v5;
	v4 =	vadd.f32 v61, v4;
	_ =	sdelay $0x1  }
0x36b: {  	s2 =	sshra.s32 s6, $0x2;
	v6 =	vsel vm1, v7, v6;
	v4 =	vsel vm1, v5, v4  }
0x36c: {  	v63 =	vld [tilespmem:s2+$0x15670];
	v5 =	vperm.xlane v6, v3;
	v62 =	vperm.xlane v4, v3;
	_ =	sdelay $0x1  }
0x36d: {  	v5 =	vadd.f32 v5, v6;
	v4 =	vadd.f32 v62, v4  }
.Ltmp6:
0x36e: {  	_ = 	snop;
	(pc) =	sbr.rel @p0 .LBB2_12-.Ltmp6, $3  }
0x36f: {  	v4 =	vsel vm3, v5, v4  }
0x370: {  	v4 =	vadd.f32 v4, v63;
	_ =	sdelay $0x1  }
0x371: {  	[tilespmem:v8+s2+$0x0 ss:$0x1] =	vst.idx.msk $0xffff, v4  }
0x372: {  	s2 =	sshra.s32 s23, $0x2  }
0x373: {  	s5 =	sadd.s32 $0x4B0, s2  }
0x374: {  	[tilespmem:s24], [sflag:$0x4] =	stream.indirect.gather [hbm4b:s3+s11], $0x40, s5, s11, $0xb8;
	[tilespmem:$0x1BB48] =	vst v63  }
0x375: {  	s2 =	sadd.s32 $0x530, s2  }
0x376: {  	[tilespmem:s26], [sflag:$0x4] =	stream.indirect.gather [hbm4b:s3+s13], $0x40, s2, s13, $0xb8;
	[tilespmem:$0x1BB48] =	vst v63  }
.Ltmp7:
0x377: {  	_ = 	snop;
	(pc) =	sbr.rel .LBB2_2-.Ltmp7, $4  }
0x378: {  	s19 =	sadd.s32 $0x1, s19;
	s17 =	sadd.s32 $0x320, s17  }
0x379: {  	[tilespmem:s28], [sflag:$0x4] =	stream.indirect.gather [hbm4b:s4+s11], $0x1, s5, s11, $0xb8;
	[tilespmem:$0x1BB48] =	vst v63  }
0x37a: {  	s21 =	sadd.s32 $0x320, s21;
	s22 =	sadd.s32 $0x320, s22;
	s16 =	sadd.s32 $0x320, s16  }
0x37b: {  	[tilespmem:s29], [sflag:$0x4] =	stream.indirect.gather [hbm4b:s4+s13], $0x1, s2, s13, $0xb8;
	[tilespmem:$0x1BB48] =	vst v63  }
.LBB2_13:
0x37c: {  	_ =	sfence.sel $0x180000  }
0x37d: {  	[bflag:$0x0] =	sbarrier.arrive $0xFFFF  }
0x37e: {  	_ =	strace $0x90000047  }
0x37f: {  	s0 =	stileid.u32;
	[bflag:$0x2] =	sbarrier.arrive $0xFFFF  }
0x380: {  	p0 =	sne.s32 s0, $0x0;
	s0 =	rddreg [dreg:$0x2]  }
0x381: {  	s0 =	sadd.s32 @!p0 $0x100000, s0  }
0x382: {  	[sflag:s0] =	ssyncadd.tile.s32 @!p0 $0x1;
	_ =	shalt  }
.Lfunc_end2:
_tile_overlayer_lowered:
.L_overlay_start_2:
0x383: {  	(tag) =	ssettag $0x2  }
0x384: {  	s0 =	rddreg [dreg:$0x0];
	s2 =	stileid.u32  }
0x385: {  	s1 =	rddreg [dreg:$0x1];
	p0 =	sne.s32 s2, $0x0  }
0x386: {  	s3 =	rddreg [dreg:$0x2];
	[bflag:$0x3] =	sbarrier.arrive $0xFFFF;
	s2 =	simm.s32 @!p0 $0x1C06  }
0x387: {  	[timem:s3], [sflag:s2] =	dma.local @!p0 [hbm:s0], s1  }
0x388: {  	s0 =	simm.s32 @!p0 $0x6  }
0x389: {  	_ =	swait.ge @!p0 [sflag:s0], s1  }
0x38a: {  	s1 =	ssub.s32 @!p0 $0x0, s1;
	[sflag:s0] =	ssyncset.done @!p0 $0x0  }
0x38b: {  	[sflag:s0] =	ssyncadd.s32 @!p0 s1  }
0x38c: {  	[bflag:$0x3] =	sbarrier.arrive $0xFFFF  }
0x38d: {  	_ =	shalt  }

</sc_bundles>
